<compile_context>
chip_gen: v7x
topology: tpu7x:2x2x1
jax: 0.10.2.dev20260603
libtpu: 0.0.44.dev20260713+nightly
codegen_flags: <defaults>
</compile_context>

<pallas_src>
import functools

import jax
import jax.numpy as jnp
from jax import lax
from jax.experimental import pallas as pl
from jax.experimental.pallas import tpu as pltpu
from jax.experimental.pallas import tpu_sc as plsc

N = 10000
E = 320000
P = 100000
R = 8
D = 128
NC = 2
NS = 16
L = 16
NW = NC * NS
BINS = 81920
NB = 32
BROWS = 320
NP = NB * BROWS
EPT = E // NW
RECB = EPT + 8 * NB - 16

_MESH = dict(core_axis_name="c", subcore_axis_name="s")
_SC_PARAMS = pltpu.CompilerParams(needs_layout_passes=False)


def _count():
    K = 400

    @functools.partial(
        pl.kernel,
        out_type=jax.ShapeDtypeStruct((NW * BINS,), jnp.float32),
        mesh=plsc.VectorSubcoreMesh(**_MESH),
        compiler_params=_SC_PARAMS,
        scratch_types=[
            pltpu.VMEM((BINS,), jnp.float32),
            pltpu.VMEM((K,), jnp.int32),
            pltpu.VMEM((K,), jnp.int32),
            pltpu.SemaphoreType.DMA,
        ],
    )
    def body(dst_hbm, typ_hbm, hist_hbm, cnt, dstb, typb, rsem):
        c = lax.axis_index("c")
        s = lax.axis_index("s")
        wid = s * NC + c
        zeros16 = lax.broadcast(jnp.float32(0), (L,))
        ones16 = lax.broadcast(jnp.float32(1), (L,))

        def zero_body(i, carry):
            cnt[pl.ds(i * L, L)] = zeros16
            return carry
        lax.fori_loop(0, BINS // L, zero_body, 0)

        def p1(i, carry):
            eb = wid * EPT + i * K
            cps = (pltpu.make_async_copy(dst_hbm.at[pl.ds(eb, K)], dstb, rsem),
                   pltpu.make_async_copy(typ_hbm.at[pl.ds(eb, K)], typb, rsem))
            for cp in cps:
                cp.start()
            for cp in cps:
                cp.wait()

            def inner(v, carry2):
                idx = dstb[pl.ds(v * L, L)] * R + typb[pl.ds(v * L, L)]
                plsc.addupdate_scatter(cnt, [idx], ones16)
                return carry2
            lax.fori_loop(0, K // L, inner, 0)
            return carry
        lax.fori_loop(0, EPT // K, p1, 0)

        pltpu.sync_copy(cnt, hist_hbm.at[pl.ds(wid * BINS, BINS)])

    return body


def _tc_reduce_hist(hist):
    BB = 8

    def kern(h_ref, o_ref):
        o_ref[...] = jnp.sum(h_ref[...], axis=0)

    out = pl.pallas_call(
        kern,
        grid=(BINS // (BB * 128),),
        in_specs=[pl.BlockSpec((NW, BB, 128), lambda i: (0, i, 0))],
        out_specs=pl.BlockSpec((BB, 128), lambda i: (i, 0)),
        out_shape=jax.ShapeDtypeStruct((BINS // 128, 128), jnp.float32),
    )(hist.reshape(NW, BINS // 128, 128))
    return out.reshape(BINS)


def _bucketize():
    K = 400

    @functools.partial(
        pl.kernel,
        out_type=[
            jax.ShapeDtypeStruct((NW * RECB + K,), jnp.int32),
            jax.ShapeDtypeStruct((NW * RECB + K,), jnp.int32),
            jax.ShapeDtypeStruct((NW * RECB + K,), jnp.int32),
            jax.ShapeDtypeStruct((NW * NB,), jnp.int32),
        ],
        mesh=plsc.VectorSubcoreMesh(**_MESH),
        compiler_params=_SC_PARAMS,
        scratch_types=[
            pltpu.VMEM((BINS,), jnp.float32),
            pltpu.VMEM((RECB,), jnp.int32),
            pltpu.VMEM((RECB,), jnp.int32),
            pltpu.VMEM((RECB,), jnp.int32),
            pltpu.VMEM((NB + L,), jnp.int32),
            pltpu.VMEM((NB,), jnp.float32),
            pltpu.VMEM((K,), jnp.int32),
            pltpu.VMEM((K,), jnp.int32),
            pltpu.VMEM((K,), jnp.int32),
            pltpu.VMEM((K,), jnp.int32),
            pltpu.VMEM((K,), jnp.int32),
            pltpu.VMEM((K,), jnp.int32),
            pltpu.VMEM((K,), jnp.int32),
            pltpu.SMEM((NB,), jnp.int32),
            pltpu.SemaphoreType.DMA,
        ],
    )
    def body(src_hbm, typ_hbm, dst_hbm, cnt_hbm,
             recg_hbm, recl_hbm, reci_hbm, cnts_hbm,
             cntb, gblk, lblk, iblk, bcnt, bcntf, srcb, typb, dstb, bktb,
             gidxb, lrowb, ivib, offs, rsem):
        c = lax.axis_index("c")
        s = lax.axis_index("s")
        wid = s * NC + c
        zeros16 = lax.broadcast(jnp.float32(0), (L,))
        ones16 = lax.broadcast(jnp.float32(1), (L,))

        pltpu.sync_copy(cnt_hbm, cntb)
        for v in range(NB // L):
            bcntf[pl.ds(v * L, L)] = zeros16

        def p1(i, carry):
            eb = wid * EPT + i * K
            pltpu.sync_copy(dst_hbm.at[pl.ds(eb, K)], dstb)

            def inner(v, carry2):
                bv = dstb[pl.ds(v * L, L)] // BROWS
                plsc.addupdate_scatter(bcntf, [bv], ones16)
                return carry2
            lax.fori_loop(0, K // L, inner, 0)
            return carry
        lax.fori_loop(0, EPT // K, p1, 0)

        for v in range(NB // L):
            bcnt[pl.ds(v * L, L)] = bcntf[pl.ds(v * L, L)].astype(jnp.int32)
        pltpu.sync_copy(bcnt.at[pl.ds(0, NB)],
                        cnts_hbm.at[pl.ds(wid * NB, NB)])

        def cum(b, off):
            offs[b] = off
            n = plsc.load_gather(bcnt, [lax.broadcast(b, (L,))])[0]
            return off + ((n + 7) // 8) * 8
        lax.fori_loop(0, NB, cum, 0)

        def p3(i, carry):
            eb = wid * EPT + i * K
            cps = (pltpu.make_async_copy(src_hbm.at[pl.ds(eb, K)], srcb, rsem),
                   pltpu.make_async_copy(typ_hbm.at[pl.ds(eb, K)], typb, rsem),
                   pltpu.make_async_copy(dst_hbm.at[pl.ds(eb, K)], dstb, rsem))
            for cp in cps:
                cp.start()
            for cp in cps:
                cp.wait()

            def vect(v, carry2):
                sl = pl.ds(v * L, L)
                dv = dstb[sl]
                tv = typb[sl]
                bv = dv // BROWS
                bktb[sl] = bv
                lrowb[sl] = dv - bv * BROWS
                gidxb[sl] = tv * N + srcb[sl]
                cv = plsc.load_gather(cntb, [dv * R + tv])
                ivib[sl] = plsc.bitcast(1.0 / jnp.maximum(cv, 1.0), jnp.int32)
                return carry2
            lax.fori_loop(0, K // L, vect, 0)

            def place(b, carry2):
                def pv(v, off):
                    sl = pl.ds(v * L, L)
                    m = bktb[sl] == b
                    mi = m.astype(jnp.int32)
                    nm = jnp.sum(mi)

                    @pl.when(nm > 0)
                    def _():
                        pos = off + plsc.cumsum(mi) - mi
                        plsc.store_scatter(gblk, [pos], gidxb[sl], mask=m)
                        plsc.store_scatter(lblk, [pos], lrowb[sl], mask=m)
                        plsc.store_scatter(iblk, [pos], ivib[sl], mask=m)
                    return off + nm
                offs[b] = lax.fori_loop(0, K // L, pv, offs[b])
                return carry2
            lax.fori_loop(0, NB, place, 0)
            return carry
        lax.fori_loop(0, EPT // K, p3, 0)

        pltpu.sync_copy(gblk, recg_hbm.at[pl.ds(wid * RECB, RECB)])
        pltpu.sync_copy(lblk, recl_hbm.at[pl.ds(wid * RECB, RECB)])
        pltpu.sync_copy(iblk, reci_hbm.at[pl.ds(wid * RECB, RECB)])

    return body


def _aggregate():
    K = 80
    GSUB = 5

    @functools.partial(
        pl.kernel,
        out_type=jax.ShapeDtypeStruct((NP * D,), jnp.float32),
        mesh=plsc.VectorSubcoreMesh(**_MESH),
        compiler_params=_SC_PARAMS,
        scratch_types=[
            pltpu.VMEM((BROWS * D,), jnp.float32),
            pltpu.VMEM((NW * NB + L,), jnp.int32),
            pltpu.VMEM((K,), jnp.int32),
            pltpu.VMEM((K + L,), jnp.int32),
            pltpu.VMEM((K,), jnp.int32),
            pltpu.VMEM((K,), jnp.float32),
            pltpu.VMEM((K, D), jnp.float32),
            pltpu.SMEM((NW,), jnp.int32),
            pltpu.SemaphoreType.DMA,
            pltpu.SemaphoreType.DMA,
        ],
    )
    def body(z_hbm, recg_hbm, recl_hbm, reci_hbm, cnts_hbm, out_hbm,
             accf, cntsb, gidxb, lrowb, ivib, ivb, rows, offsB, gsem, rsem):
        c = lax.axis_index("c")
        s = lax.axis_index("s")
        wid = s * NC + c
        zeros16 = lax.broadcast(jnp.float32(0), (L,))
        iota = lax.iota(jnp.int32, L)

        def za(i, carry):
            accf[pl.ds(i * L, L)] = zeros16
            return carry
        lax.fori_loop(0, BROWS * D // L, za, 0)

        pltpu.sync_copy(cnts_hbm, cntsb.at[pl.ds(0, NW * NB)])

        def po(t, carry):
            def po2(bb, off):
                n = plsc.load_gather(
                    cntsb, [lax.broadcast(t * NB + bb, (L,))])[0]
                ne = ((n + 7) // 8) * 8
                return off + jnp.where(bb < wid, ne, 0)
            offsB[t] = lax.fori_loop(0, NB, po2, 0)
            return carry
        lax.fori_loop(0, NW, po, 0)

        def per_src(t, carry):
            n = plsc.load_gather(
                cntsb, [lax.broadcast(t * NB + wid, (L,))])[0]
            base = pl.multiple_of(t * RECB + offsB[t], 8)

            def chunk(i, carry2):
                cps = (
                    pltpu.make_async_copy(
                        recg_hbm.at[pl.ds(base + i * K, K)], gidxb, rsem),
                    pltpu.make_async_copy(
                        recl_hbm.at[pl.ds(base + i * K, K)],
                        lrowb.at[pl.ds(0, K)], rsem),
                    pltpu.make_async_copy(
                        reci_hbm.at[pl.ds(base + i * K, K)], ivib, rsem),
                )
                for cp in cps:
                    cp.start()
                for cp in cps:
                    cp.wait()
                nval = n - i * K

                def vect(v, carry3):
                    sl = pl.ds(v * L, L)
                    valid = (v * L + iota) < nval
                    gidxb[sl] = jnp.where(valid, gidxb[sl], 0)
                    lrowb[sl] = jnp.where(valid, lrowb[sl], 0)
                    iv = plsc.bitcast(ivib[sl], jnp.float32)
                    ivb[sl] = jnp.where(valid, iv, 0.0)
                    return carry3
                lax.fori_loop(0, K // L, vect, 0)

                gcps = tuple(
                    pltpu.make_async_copy(
                        z_hbm.at[gidxb.at[pl.ds(gsub * (K // GSUB), K // GSUB)]],
                        rows.at[pl.ds(gsub * (K // GSUB), K // GSUB)],
                        gsem)
                    for gsub in range(GSUB))
                for cp in gcps:
                    cp.start()
                for cp in gcps:
                    cp.wait()

                def upd(j, carry3):
                    iv = plsc.load_gather(ivb, [lax.broadcast(j, (L,))])
                    lbase = plsc.load_gather(
                        lrowb, [lax.broadcast(j, (L,))]) * D + iota
                    for q in range(D // L):
                        plsc.addupdate_scatter(
                            accf, [lbase + q * L],
                            rows[j, pl.ds(q * L, L)] * iv)
                    return carry3
                lax.fori_loop(0, K, upd, 0, unroll=2)
                return carry2
            lax.fori_loop(0, (n + K - 1) // K, chunk, 0)
            return carry
        lax.fori_loop(0, NW, per_src, 0)

        pltpu.sync_copy(
            accf, out_hbm.at[pl.ds(wid * BROWS * D, BROWS * D)])

    return body


def _decoder():
    K = 160
    NCHUNK = P // K

    @functools.partial(
        pl.kernel,
        out_type=jax.ShapeDtypeStruct((P * 4,), jnp.float32),
        mesh=plsc.VectorSubcoreMesh(**_MESH),
        compiler_params=_SC_PARAMS,
        scratch_types=[
            pltpu.VMEM((N * 4,), jnp.float32),
            pltpu.VMEM((N * 4,), jnp.float32),
            pltpu.VMEM((K,), jnp.int32),
            pltpu.VMEM((K,), jnp.int32),
            pltpu.VMEM((K * 4,), jnp.float32),
            pltpu.VMEM((L,), jnp.float32),
        ],
    )
    def body(ab4_hbm, srcp_hbm, dstp_hbm, bpad_hbm, out_hbm,
             a4, b4, srcb, dstb, outb, bvec):
        c = lax.axis_index("c")
        s = lax.axis_index("s")
        wid = s * NC + c
        pltpu.sync_copy(ab4_hbm.at[pl.ds(0, N * 4)], a4)
        pltpu.sync_copy(ab4_hbm.at[pl.ds(N * 4, N * 4)], b4)
        pltpu.sync_copy(bpad_hbm, bvec)
        bv = bvec[...]
        iota = lax.iota(jnp.int32, L)
        rep = lax.shift_right_logical(iota, 2)
        col = lax.bitwise_and(iota, lax.broadcast(jnp.int32(3), (L,)))

        def ch(t, carry):
            chunk = wid + t * NW

            @pl.when(chunk < NCHUNK)
            def _():
                base = chunk * K
                pltpu.sync_copy(srcp_hbm.at[pl.ds(base, K)], srcb)
                pltpu.sync_copy(dstp_hbm.at[pl.ds(base, K)], dstb)

                def v_(v, carry2):
                    pidx = v * 4 + rep
                    sn = plsc.load_gather(srcb, [pidx])
                    dn = plsc.load_gather(dstb, [pidx])
                    va = plsc.load_gather(a4, [sn * 4 + col])
                    vb = plsc.load_gather(b4, [dn * 4 + col])
                    outb[pl.ds(v * L, L)] = va + vb + bv
                    return carry2
                lax.fori_loop(0, K * 4 // L, v_, 0)
                pltpu.sync_copy(outb, out_hbm.at[pl.ds(base * 4, K * 4)])
            return carry
        lax.fori_loop(0, (NCHUNK + NW - 1) // NW, ch, 0)

    return body


def _tc_z(x, w):
    BN = 2000

    def kern(x_ref, w_ref, z_ref):
        z_ref[0] = jnp.dot(x_ref[...], w_ref[0],
                           preferred_element_type=jnp.float32)

    z = pl.pallas_call(
        kern,
        grid=(R, N // BN),
        in_specs=[
            pl.BlockSpec((BN, D), lambda r, i: (i, 0)),
            pl.BlockSpec((1, D, D), lambda r, i: (r, 0, 0)),
        ],
        out_specs=pl.BlockSpec((1, BN, D), lambda r, i: (r, i, 0)),
        out_shape=jax.ShapeDtypeStruct((R, N, D), jnp.float32),
    )(x, w)
    return z.reshape(R * N, D)


def _tc_combine(part, x, root, b, relu):
    BN = 2048

    def kern(p_ref, x_ref, r_ref, b_ref, o_ref):
        o = (p_ref[...] + b_ref[...]
             + jnp.dot(x_ref[...], r_ref[...],
                       preferred_element_type=jnp.float32))
        if relu:
            o = jnp.maximum(o, 0.0)
        o_ref[...] = o

    return pl.pallas_call(
        kern,
        grid=(NP // BN,),
        in_specs=[
            pl.BlockSpec((BN, D), lambda i: (i, 0)),
            pl.BlockSpec((BN, D), lambda i: (i, 0)),
            pl.BlockSpec((D, D), lambda i: (0, 0)),
            pl.BlockSpec((1, D), lambda i: (0, 0)),
        ],
        out_specs=pl.BlockSpec((BN, D), lambda i: (i, 0)),
        out_shape=jax.ShapeDtypeStruct((NP, D), jnp.float32),
    )(part, x, root, b)


def _tc_decprep(h, wdec_pad):
    BN = 2000

    def kern(h_ref, w_ref, o_ref):
        o_ref[0] = jnp.dot(h_ref[...], w_ref[0],
                           preferred_element_type=jnp.float32)

    return pl.pallas_call(
        kern,
        grid=(2, N // BN),
        in_specs=[
            pl.BlockSpec((BN, D), lambda g, i: (i, 0)),
            pl.BlockSpec((1, D, 4), lambda g, i: (g, 0, 0)),
        ],
        out_specs=pl.BlockSpec((1, BN, 4), lambda g, i: (g, i, 0)),
        out_shape=jax.ShapeDtypeStruct((2, N, 4), jnp.float32),
    )(h, wdec_pad)


def kernel(x, edge_index, edge_type, pairs, w1, root1, b1, w2, root2, b2,
           W_dec, b_dec):
    src = edge_index[0].astype(jnp.int32)
    dst = edge_index[1].astype(jnp.int32)
    typ = edge_type.astype(jnp.int32)

    hist = _count()(dst, typ)
    cnt = _tc_reduce_hist(hist)
    recg, recl, reci, cnts = _bucketize()(src, typ, dst, cnt)
    agg = _aggregate()

    z1 = _tc_z(x, w1)
    p1 = agg(z1, recg, recl, reci, cnts).reshape(NP, D)
    h1 = _tc_combine(p1, x, root1, b1.reshape(1, D), relu=True)[:N]

    z2 = _tc_z(h1, w2)
    p2 = agg(z2, recg, recl, reci, cnts).reshape(NP, D)
    h2 = _tc_combine(p2, h1, root2, b2.reshape(1, D), relu=False)[:N]

    wdp = jnp.pad(W_dec.reshape(2, D, 3), ((0, 0), (0, 0), (0, 1)))
    ab4 = _tc_decprep(h2, wdp).reshape(2 * N * 4)
    bpad = jnp.tile(jnp.pad(b_dec, (0, 1)), 4)
    psrc = pairs[:, 0].astype(jnp.int32)
    pdst = pairs[:, 1].astype(jnp.int32)
    out4 = _decoder()(ab4, psrc, pdst, bpad)
    return out4.reshape(P, 4)[:, :3]

# --- scband reference (transcript-rebuilt; emitter-appended) ---
"""Pipeline reference for scband-rgcnmodel-16372415332708 (READ-ONLY COPY).

The authoritative reference and input builder live on the scoring server;
editing this copy changes nothing except your own understanding.
"""

import jax, jax.numpy as jnp
import numpy as np


def rgcn_conv(x, edge_index, edge_type, weight, root, bias):
    # Faithful to PyG RGCNConv: per-relation mean aggregation of source features
    # over destination nodes, then per-relation linear transform, plus root
    # transform and bias.
    src = edge_index[0]
    dst = edge_index[1]
    N = x.shape[0]
    out = x @ root + bias
    msgs = x[src]  # gather [E, d]
    R = weight.shape[0]
    for r in range(R):
        mask = (edge_type == r).astype(x.dtype)
        summed = jax.ops.segment_sum(msgs * mask[:, None], dst, num_segments=N)
        cnt = jax.ops.segment_sum(mask, dst, num_segments=N)
        mean = summed / jnp.maximum(cnt, 1.0)[:, None]
        out = out + mean @ weight[r]
    return out


def setup_inputs(seed: int = 0):
    key = jax.random.key(seed)
    ks = jax.random.split(key, 12)
    N, E, P = 10000, 320000, 100000
    in_f, hid, out_f, R = 128, 128, 128, 8
    x = jax.random.normal(ks[0], (N, in_f), dtype=jnp.float32)
    edge_index = jax.random.randint(ks[1], (2, E), 0, N)
    edge_type = jax.random.randint(ks[2], (E,), 0, R)
    pairs = jax.random.randint(ks[3], (P, 2), 0, N)
    w1 = jax.random.normal(ks[4], (R, in_f, hid), dtype=jnp.float32) * 0.05
    root1 = jax.random.normal(ks[5], (in_f, hid), dtype=jnp.float32) * 0.05
    b1 = jnp.zeros((hid,), dtype=jnp.float32)
    w2 = jax.random.normal(ks[6], (R, hid, out_f), dtype=jnp.float32) * 0.05
    root2 = jax.random.normal(ks[7], (hid, out_f), dtype=jnp.float32) * 0.05
    b2 = jnp.zeros((out_f,), dtype=jnp.float32)
    W_dec = jax.random.normal(ks[8], (2 * out_f, 3), dtype=jnp.float32) * 0.05
    b_dec = jnp.zeros((3,), dtype=jnp.float32)
    return {"x": x, "edge_index": edge_index, "edge_type": edge_type, "pairs": pairs,
            "w1": w1, "root1": root1, "b1": b1,
            "w2": w2, "root2": root2, "b2": b2,
            "W_dec": W_dec, "b_dec": b_dec}


def reference(x, edge_index, edge_type, pairs, w1, root1, b1, w2, root2, b2, W_dec, b_dec):
    h = jax.nn.relu(rgcn_conv(x, edge_index, edge_type, w1, root1, b1))
    h = rgcn_conv(h, edge_index, edge_type, w2, root2, b2)
    src = pairs[:, 0]
    dst = pairs[:, 1]
    edge_feats = jnp.concatenate([h[src], h[dst]], axis=1)
    return edge_feats @ W_dec + b_dec

if __name__ == "__main__":
    import jax
    _d = setup_inputs()
    print(jax.jit(kernel)(*tuple(_d.values())))

</pallas_src>

<mosaic_0001>
#map = affine_map<(d0, d1) -> (0)>
module attributes {stable_mosaic.version = 14 : i64} {
  func.func @body(%arg0: i32, %arg1: i32, %arg2: memref<320000xi32, #tpu.memory_space<hbm>>, %arg3: memref<320000xi32, #tpu.memory_space<hbm>>, %arg4: memref<2621440xf32, #tpu.memory_space<hbm>>, %arg5: memref<81920xf32, #tpu.memory_space<vmem>>, %arg6: memref<400xi32, #tpu.memory_space<vmem>>, %arg7: memref<400xi32, #tpu.memory_space<vmem>>, %arg8: memref<!tpu.dma_semaphore, #tpu.memory_space<semaphore_mem>>) attributes {dimension_semantics = [#tpu.dimension_semantics<core_parallel>, #tpu.dimension_semantics<subcore_parallel>], iteration_bounds = array<i64: 2, 16>, scalar_prefetch = 0 : i64, scratch_operands = 4 : i64, tpu.core_type = #tpu.core_type<sc_vector_subcore>, window_params = [{transform_indices = #map}, {transform_indices = #map}, {transform_indices = #map}]} {
    %mul3A = arith.constant 2 : i32
    %mul3A_0 = arith.muli %arg1, %mul3A : i32
    %add3A = arith.addi %mul3A_0, %arg0 : i32
    %broadcast_in_dim3A = arith.constant 0.000000e+00 : f32
    %broadcast_in_dim3A_1 = vector.broadcast %broadcast_in_dim3A : f32 to vector<16xf32>
    %broadcast_in_dim3A_2 = arith.constant 1.000000e+00 : f32
    %broadcast_in_dim3A_3 = vector.broadcast %broadcast_in_dim3A_2 : f32 to vector<16xf32>
    %scan3A = arith.constant 0 : i32
    %scan3A_4 = arith.constant 0 : i32
    %scan3A_5 = arith.constant 5120 : i32
    %scan3A_6 = arith.addi %scan3A_4, %scan3A_5 : i32
    %scan3A_7 = arith.constant 1 : i32
    scf.for %scan3A_17 = %scan3A_4 to %scan3A_6 step %scan3A_7  : i32 {
      %mul3A_18 = arith.constant 16 : i32
      %mul3A_19 = arith.muli %scan3A_17, %mul3A_18 : i32
      %swap3A = arith.index_cast %mul3A_19 : i32 to index
      %swap3A_20 = tpu.vector_load %arg5[%swap3A] {strides = array<i32>} : memref<81920xf32, #tpu.memory_space<vmem>>, vector<16xf32>,
      tpu.vector_store %arg5[%swap3A], %broadcast_in_dim3A_1 {strides = array<i32>} : memref<81920xf32, #tpu.memory_space<vmem>>, vector<16xf32>,
    }
    %scan3A_8 = arith.constant 5120 : i32
    %scan3A_9 = arith.constant 0 : i32
    %scan3A_10 = arith.constant 0 : i32
    %scan3A_11 = arith.constant 25 : i32
    %scan3A_12 = arith.addi %scan3A_10, %scan3A_11 : i32
    %scan3A_13 = arith.constant 1 : i32
    scf.for %scan3A_17 = %scan3A_10 to %scan3A_12 step %scan3A_13  : i32 {
      %mul3A_18 = arith.constant 10000 : i32
      %mul3A_19 = arith.muli %add3A, %mul3A_18 : i32
      %mul3A_20 = arith.constant 400 : i32
      %mul3A_21 = arith.muli %scan3A_17, %mul3A_20 : i32
      %add3A_22 = arith.addi %mul3A_19, %mul3A_21 : i32
      %dma_start3A = tpu.memref_slice %arg2[%add3A_22] : memref<320000xi32, #tpu.memory_space<hbm>> -> memref<400xi32, #tpu.memory_space<hbm>>
      %dma_start3A_23 = tpu.memref_slice %arg2[%add3A_22] : memref<320000xi32, #tpu.memory_space<hbm>> -> memref<400xi32, #tpu.memory_space<hbm>>
      tpu.enqueue_dma source(%dma_start3A_23 : memref<400xi32, #tpu.memory_space<hbm>>) target(%arg6 : memref<400xi32, #tpu.memory_space<vmem>>) target_semaphore(%arg8 : memref<!tpu.dma_semaphore, #tpu.memory_space<semaphore_mem>>)
      %dma_start3A_24 = tpu.memref_slice %arg3[%add3A_22] : memref<320000xi32, #tpu.memory_space<hbm>> -> memref<400xi32, #tpu.memory_space<hbm>>
      %dma_start3A_25 = tpu.memref_slice %arg3[%add3A_22] : memref<320000xi32, #tpu.memory_space<hbm>> -> memref<400xi32, #tpu.memory_space<hbm>>
      tpu.enqueue_dma source(%dma_start3A_25 : memref<400xi32, #tpu.memory_space<hbm>>) target(%arg7 : memref<400xi32, #tpu.memory_space<vmem>>) target_semaphore(%arg8 : memref<!tpu.dma_semaphore, #tpu.memory_space<semaphore_mem>>)
      %dma_wait3A = tpu.memref_slice %arg2[%add3A_22] : memref<320000xi32, #tpu.memory_space<hbm>> -> memref<400xi32, #tpu.memory_space<hbm>>
      %dma_wait3A_26 = tpu.memref_slice %arg2[%add3A_22] : memref<320000xi32, #tpu.memory_space<hbm>> -> memref<400xi32, #tpu.memory_space<hbm>>
      tpu.wait_dma2 semaphore(%arg8 : memref<!tpu.dma_semaphore, #tpu.memory_space<semaphore_mem>>) src(%dma_wait3A_26 : memref<400xi32, #tpu.memory_space<hbm>>) dst(%arg6 : memref<400xi32, #tpu.memory_space<vmem>>)
      %dma_wait3A_27 = tpu.memref_slice %arg3[%add3A_22] : memref<320000xi32, #tpu.memory_space<hbm>> -> memref<400xi32, #tpu.memory_space<hbm>>
      %dma_wait3A_28 = tpu.memref_slice %arg3[%add3A_22] : memref<320000xi32, #tpu.memory_space<hbm>> -> memref<400xi32, #tpu.memory_space<hbm>>
      tpu.wait_dma2 semaphore(%arg8 : memref<!tpu.dma_semaphore, #tpu.memory_space<semaphore_mem>>) src(%dma_wait3A_28 : memref<400xi32, #tpu.memory_space<hbm>>) dst(%arg7 : memref<400xi32, #tpu.memory_space<vmem>>)
      %scan3A_29 = arith.constant 0 : i32
      %scan3A_30 = arith.constant 0 : i32
      %scan3A_31 = arith.constant 25 : i32
      %scan3A_32 = arith.addi %scan3A_30, %scan3A_31 : i32
      %scan3A_33 = arith.constant 1 : i32
      scf.for %scan3A_35 = %scan3A_30 to %scan3A_32 step %scan3A_33  : i32 {
        %mul3A_36 = arith.constant 16 : i32
        %mul3A_37 = arith.muli %scan3A_35, %mul3A_36 : i32
        %get3A = arith.index_cast %mul3A_37 : i32 to index
        %get3A_38 = tpu.vector_load %arg6[%get3A] {strides = array<i32>} : memref<400xi32, #tpu.memory_space<vmem>>, vector<16xi32>,
        %mul3A_39 = arith.constant 8 : i32
        %mul3A_40 = vector.broadcast %mul3A_39 : i32 to vector<16xi32>
        %mul3A_41 = arith.muli %get3A_38, %mul3A_40 : vector<16xi32>
        %mul3A_42 = arith.constant 16 : i32
        %mul3A_43 = arith.muli %scan3A_35, %mul3A_42 : i32
        %get3A_44 = arith.index_cast %mul3A_43 : i32 to index
        %get3A_45 = tpu.vector_load %arg7[%get3A_44] {strides = array<i32>} : memref<400xi32, #tpu.memory_space<vmem>>, vector<16xi32>,
        %add3A_46 = arith.addi %mul3A_41, %get3A_45 : vector<16xi32>
        tpu.vector_store_idx %arg5[%add3A_46], %broadcast_in_dim3A_3 {add = true} : memref<81920xf32, #tpu.memory_space<vmem>>[vector<16xi32>], vector<16xf32>,
      }
      %scan3A_34 = arith.constant 25 : i32
    }
    %scan3A_14 = arith.constant 25 : i32
    %mul3A_15 = arith.constant 81920 : i32
    %mul3A_16 = arith.muli %add3A, %mul3A_15 : i32
    "tpu.region"() ({
      %run_scoped3A = tpu.sem_alloc : memref<!tpu.dma_semaphore, #tpu.memory_space<semaphore_mem>>
      %dma_start3A = tpu.memref_slice %arg4[%mul3A_16] : memref<2621440xf32, #tpu.memory_space<hbm>> -> memref<81920xf32, #tpu.memory_space<hbm>>
      %dma_start3A_17 = tpu.memref_slice %arg4[%mul3A_16] : memref<2621440xf32, #tpu.memory_space<hbm>> -> memref<81920xf32, #tpu.memory_space<hbm>>
      tpu.enqueue_dma source(%arg5 : memref<81920xf32, #tpu.memory_space<vmem>>) target(%dma_start3A_17 : memref<81920xf32, #tpu.memory_space<hbm>>) target_semaphore(%run_scoped3A : memref<!tpu.dma_semaphore, #tpu.memory_space<semaphore_mem>>)
      %dma_wait3A = tpu.memref_slice %arg4[%mul3A_16] : memref<2621440xf32, #tpu.memory_space<hbm>> -> memref<81920xf32, #tpu.memory_space<hbm>>
      %dma_wait3A_18 = tpu.memref_slice %arg4[%mul3A_16] : memref<2621440xf32, #tpu.memory_space<hbm>> -> memref<81920xf32, #tpu.memory_space<hbm>>
      tpu.wait_dma2 semaphore(%run_scoped3A : memref<!tpu.dma_semaphore, #tpu.memory_space<semaphore_mem>>) src(%arg5 : memref<81920xf32, #tpu.memory_space<vmem>>) dst(%dma_wait3A_18 : memref<81920xf32, #tpu.memory_space<hbm>>)
      tpu.yield
    }) : () -> ()
    return
  }
}

#map = affine_map<(d0, d1) -> (0, 0)>
#map1 = affine_map<(d0, d1) -> (0)>
module attributes {stable_mosaic.version = 14 : i64} {
  func.func @body(%arg0: i32, %arg1: i32, %arg2: memref<80000x128xf32, #tpu.memory_space<hbm>>, %arg3: memref<328080xi32, #tpu.memory_space<hbm>>, %arg4: memref<328080xi32, #tpu.memory_space<hbm>>, %arg5: memref<328080xi32, #tpu.memory_space<hbm>>, %arg6: memref<1024xi32, #tpu.memory_space<hbm>>, %arg7: memref<1310720xf32, #tpu.memory_space<hbm>>, %arg8: memref<40960xf32, #tpu.memory_space<vmem>>, %arg9: memref<1040xi32, #tpu.memory_space<vmem>>, %arg10: memref<80xi32, #tpu.memory_space<vmem>>, %arg11: memref<96xi32, #tpu.memory_space<vmem>>, %arg12: memref<80xi32, #tpu.memory_space<vmem>>, %arg13: memref<80xf32, #tpu.memory_space<vmem>>, %arg14: memref<80x128xf32, #tpu.memory_space<vmem>>, %arg15: memref<32xi32, #tpu.memory_space<smem>>, %arg16: memref<!tpu.dma_semaphore, #tpu.memory_space<semaphore_mem>>, %arg17: memref<!tpu.dma_semaphore, #tpu.memory_space<semaphore_mem>>) attributes {dimension_semantics = [#tpu.dimension_semantics<core_parallel>, #tpu.dimension_semantics<subcore_parallel>], iteration_bounds = array<i64: 2, 16>, scalar_prefetch = 0 : i64, scratch_operands = 10 : i64, tpu.core_type = #tpu.core_type<sc_vector_subcore>, window_params = [{transform_indices = #map}, {transform_indices = #map1}, {transform_indices = #map1}, {transform_indices = #map1}, {transform_indices = #map1}, {transform_indices = #map1}]} {
    %mul3A = arith.constant 2 : i32
    %mul3A_0 = arith.muli %arg1, %mul3A : i32
    %add3A = arith.addi %mul3A_0, %arg0 : i32
    %broadcast_in_dim3A = arith.constant 0.000000e+00 : f32
    %broadcast_in_dim3A_1 = vector.broadcast %broadcast_in_dim3A : f32 to vector<16xf32>
    %iota3A = tpu.iota {dimensions = array<i32: 0>} : vector<16xi32>
    %scan3A = arith.constant 0 : i32
    %scan3A_2 = arith.constant 0 : i32
    %scan3A_3 = arith.constant 2560 : i32
    %scan3A_4 = arith.addi %scan3A_2, %scan3A_3 : i32
    %scan3A_5 = arith.constant 1 : i32
    scf.for %scan3A_23 = %scan3A_2 to %scan3A_4 step %scan3A_5  : i32 {
      %mul3A_24 = arith.constant 16 : i32
      %mul3A_25 = arith.muli %scan3A_23, %mul3A_24 : i32
      %swap3A = arith.index_cast %mul3A_25 : i32 to index
      %swap3A_26 = tpu.vector_load %arg8[%swap3A] {strides = array<i32>} : memref<40960xf32, #tpu.memory_space<vmem>>, vector<16xf32>,
      tpu.vector_store %arg8[%swap3A], %broadcast_in_dim3A_1 {strides = array<i32>} : memref<40960xf32, #tpu.memory_space<vmem>>, vector<16xf32>,
    }
    %scan3A_6 = arith.constant 2560 : i32
    "tpu.region"() ({
      %run_scoped3A = tpu.sem_alloc : memref<!tpu.dma_semaphore, #tpu.memory_space<semaphore_mem>>
      %dma_start3A = arith.constant 0 : i32
      %dma_start3A_23 = tpu.memref_slice %arg9[%dma_start3A] : memref<1040xi32, #tpu.memory_space<vmem>> -> memref<1024xi32, #tpu.memory_space<vmem>>
      %dma_start3A_24 = arith.constant 0 : i32
      %dma_start3A_25 = tpu.memref_slice %arg9[%dma_start3A_24] : memref<1040xi32, #tpu.memory_space<vmem>> -> memref<1024xi32, #tpu.memory_space<vmem>>
      tpu.enqueue_dma source(%arg6 : memref<1024xi32, #tpu.memory_space<hbm>>) target(%dma_start3A_25 : memref<1024xi32, #tpu.memory_space<vmem>>) target_semaphore(%run_scoped3A : memref<!tpu.dma_semaphore, #tpu.memory_space<semaphore_mem>>)
      %dma_wait3A = arith.constant 0 : i32
      %dma_wait3A_26 = tpu.memref_slice %arg9[%dma_wait3A] : memref<1040xi32, #tpu.memory_space<vmem>> -> memref<1024xi32, #tpu.memory_space<vmem>>
      %dma_wait3A_27 = arith.constant 0 : i32
      %dma_wait3A_28 = tpu.memref_slice %arg9[%dma_wait3A_27] : memref<1040xi32, #tpu.memory_space<vmem>> -> memref<1024xi32, #tpu.memory_space<vmem>>
      tpu.wait_dma2 semaphore(%run_scoped3A : memref<!tpu.dma_semaphore, #tpu.memory_space<semaphore_mem>>) src(%arg6 : memref<1024xi32, #tpu.memory_space<hbm>>) dst(%dma_wait3A_28 : memref<1024xi32, #tpu.memory_space<vmem>>)
      tpu.yield
    }) : () -> ()
    %scan3A_7 = arith.constant 0 : i32
    %scan3A_8 = arith.constant 0 : i32
    %scan3A_9 = arith.constant 32 : i32
    %scan3A_10 = arith.addi %scan3A_8, %scan3A_9 : i32
    %scan3A_11 = arith.constant 1 : i32
    scf.for %scan3A_23 = %scan3A_8 to %scan3A_10 step %scan3A_11  : i32 {
      %scan3A_24 = arith.constant 0 : i32
      %scan3A_25 = arith.constant 0 : i32
      %scan3A_26 = arith.constant 32 : i32
      %scan3A_27 = arith.addi %scan3A_25, %scan3A_26 : i32
      %scan3A_28 = arith.constant 1 : i32
      %scan3A_29 = scf.for %scan3A_32 = %scan3A_25 to %scan3A_27 step %scan3A_28 iter_args(%scan3A_33 = %scan3A_24) -> (i32)  : i32 {
        %mul3A_34 = arith.constant 32 : i32
        %mul3A_35 = arith.muli %scan3A_23, %mul3A_34 : i32
        %add3A_36 = arith.addi %mul3A_35, %scan3A_32 : i32
        %broadcast_in_dim3A_37 = vector.broadcast %add3A_36 : i32 to vector<16xi32>
        %gather3A = tpu.vector_load_idx %arg9[%broadcast_in_dim3A_37] : memref<1040xi32, #tpu.memory_space<vmem>>[vector<16xi32>], vector<16xi32>,
        %slice3A = vector.extract_strided_slice %gather3A {offsets = [0], sizes = [1], strides = [1]} : vector<16xi32> to vector<1xi32>
        %squeeze3A = vector.extract %slice3A[0] : i32 from vector<1xi32>
        %add3A_38 = arith.constant 7 : i32
        %add3A_39 = arith.addi %squeeze3A, %add3A_38 : i32
        %jit3A = arith.constant 8 : i32
        %div3A = arith.divsi %add3A_39, %jit3A : i32
        %sign3A = arith.constant 0 : i32
        %sign3A_40 = arith.cmpi sgt, %add3A_39, %sign3A : i32
        %sign3A_41 = arith.extui %sign3A_40 : i1 to i32
        %sign3A_42 = arith.constant 0 : i32
        %sign3A_43 = arith.cmpi slt, %add3A_39, %sign3A_42 : i32
        %sign3A_44 = arith.extui %sign3A_43 : i1 to i32
        %sign3A_45 = arith.subi %sign3A_41, %sign3A_44 : i32
        %sign3A_46 = arith.constant 0 : i32
        %sign3A_47 = arith.cmpi sgt, %jit3A, %sign3A_46 : i32
        %sign3A_48 = arith.extui %sign3A_47 : i1 to i32
        %sign3A_49 = arith.constant 0 : i32
        %sign3A_50 = arith.cmpi slt, %jit3A, %sign3A_49 : i32
        %sign3A_51 = arith.extui %sign3A_50 : i1 to i32
        %sign3A_52 = arith.subi %sign3A_48, %sign3A_51 : i32
        %ne3A = arith.cmpi ne, %sign3A_45, %sign3A_52 : i32
        %rem3A = arith.remsi %add3A_39, %jit3A : i32
        %ne3A_53 = arith.constant 0 : i32
        %ne3A_54 = arith.cmpi ne, %rem3A, %ne3A_53 : i32
        %and3A = arith.andi %ne3A, %ne3A_54 : i1
        %sub3A = arith.constant 1 : i32
        %sub3A_55 = arith.subi %div3A, %sub3A : i32
        %select_n3A = arith.select %and3A, %sub3A_55, %div3A : i32
        %mul3A_56 = arith.constant 8 : i32
        %mul3A_57 = arith.muli %select_n3A, %mul3A_56 : i32
        %lt3A = arith.cmpi slt, %scan3A_32, %add3A : i32
        %jit3A_58 = arith.constant 0 : i32
        %select_n3A_59 = arith.select %lt3A, %mul3A_57, %jit3A_58 : i32
        %add3A_60 = arith.addi %scan3A_33, %select_n3A_59 : i32
        scf.yield %add3A_60 : i32
      }
      %scan3A_30 = arith.constant 32 : i32
      %swap3A = arith.index_cast %scan3A_23 : i32 to index
      %swap3A_31 = memref.load %arg15[%swap3A] : memref<32xi32, #tpu.memory_space<smem>>
      memref.store %scan3A_29, %arg15[%swap3A] : memref<32xi32, #tpu.memory_space<smem>>
    }
    %scan3A_12 = arith.constant 32 : i32
    %scan3A_13 = arith.constant 0 : i32
    %scan3A_14 = arith.constant 0 : i32
    %scan3A_15 = arith.constant 32 : i32
    %scan3A_16 = arith.addi %scan3A_14, %scan3A_15 : i32
    %scan3A_17 = arith.constant 1 : i32
    scf.for %scan3A_23 = %scan3A_14 to %scan3A_16 step %scan3A_17  : i32 {
      %mul3A_24 = arith.constant 32 : i32
      %mul3A_25 = arith.muli %scan3A_23, %mul3A_24 : i32
      %add3A_26 = arith.addi %mul3A_25, %add3A : i32
      %broadcast_in_dim3A_27 = vector.broadcast %add3A_26 : i32 to vector<16xi32>
      %gather3A = tpu.vector_load_idx %arg9[%broadcast_in_dim3A_27] : memref<1040xi32, #tpu.memory_space<vmem>>[vector<16xi32>], vector<16xi32>,
      %slice3A = vector.extract_strided_slice %gather3A {offsets = [0], sizes = [1], strides = [1]} : vector<16xi32> to vector<1xi32>
      %squeeze3A = vector.extract %slice3A[0] : i32 from vector<1xi32>
      %mul3A_28 = arith.constant 10240 : i32
      %mul3A_29 = arith.muli %scan3A_23, %mul3A_28 : i32
      %get3A = arith.index_cast %scan3A_23 : i32 to index
      %get3A_30 = memref.load %arg15[%get3A] : memref<32xi32, #tpu.memory_space<smem>>
      %add3A_31 = arith.addi %mul3A_29, %get3A_30 : i32
      %multiple_of3A = tpu.assume_multiple %add3A_31, 8 : i32
      %add3A_32 = arith.constant 80 : i32
      %add3A_33 = arith.addi %squeeze3A, %add3A_32 : i32
      %sub3A = arith.constant 1 : i32
      %sub3A_34 = arith.subi %add3A_33, %sub3A : i32
      %jit3A = arith.constant 80 : i32
      %div3A = arith.divsi %sub3A_34, %jit3A : i32
      %sign3A = arith.constant 0 : i32
      %sign3A_35 = arith.cmpi sgt, %sub3A_34, %sign3A : i32
      %sign3A_36 = arith.extui %sign3A_35 : i1 to i32
      %sign3A_37 = arith.constant 0 : i32
      %sign3A_38 = arith.cmpi slt, %sub3A_34, %sign3A_37 : i32
      %sign3A_39 = arith.extui %sign3A_38 : i1 to i32
      %sign3A_40 = arith.subi %sign3A_36, %sign3A_39 : i32
      %sign3A_41 = arith.constant 0 : i32
      %sign3A_42 = arith.cmpi sgt, %jit3A, %sign3A_41 : i32
      %sign3A_43 = arith.extui %sign3A_42 : i1 to i32
      %sign3A_44 = arith.constant 0 : i32
      %sign3A_45 = arith.cmpi slt, %jit3A, %sign3A_44 : i32
      %sign3A_46 = arith.extui %sign3A_45 : i1 to i32
      %sign3A_47 = arith.subi %sign3A_43, %sign3A_46 : i32
      %ne3A = arith.cmpi ne, %sign3A_40, %sign3A_47 : i32
      %rem3A = arith.remsi %sub3A_34, %jit3A : i32
      %ne3A_48 = arith.constant 0 : i32
      %ne3A_49 = arith.cmpi ne, %rem3A, %ne3A_48 : i32
      %and3A = arith.andi %ne3A, %ne3A_49 : i1
      %sub3A_50 = arith.constant 1 : i32
      %sub3A_51 = arith.subi %div3A, %sub3A_50 : i32
      %select_n3A = arith.select %and3A, %sub3A_51, %div3A : i32
      %while3A = arith.constant 0 : i32
      %while3A_52 = arith.constant 0 : i32
      %while3A_53 = arith.subi %select_n3A, %while3A_52 : i32
      %while3A_54 = arith.addi %while3A_52, %while3A_53 : i32
      %while3A_55 = arith.constant 1 : i32
      %while3A_56 = arith.divsi %while3A_53, %while3A_55 : i32
      %while3A_57 = arith.muli %while3A_56, %while3A_55 : i32
      %while3A_58 = arith.addi %while3A_52, %while3A_57 : i32
      %while3A_59 = arith.constant 1 : i32
      scf.for %while3A_61 = %while3A_52 to %while3A_58 step %while3A_59  : i32 {
        %mul3A_62 = arith.constant 80 : i32
        %mul3A_63 = arith.muli %while3A_61, %mul3A_62 : i32
        %add3A_64 = arith.addi %multiple_of3A, %mul3A_63 : i32
        %mul3A_65 = arith.constant 80 : i32
        %mul3A_66 = arith.muli %while3A_61, %mul3A_65 : i32
        %add3A_67 = arith.addi %multiple_of3A, %mul3A_66 : i32
        %mul3A_68 = arith.constant 80 : i32
        %mul3A_69 = arith.muli %while3A_61, %mul3A_68 : i32
        %add3A_70 = arith.addi %multiple_of3A, %mul3A_69 : i32
        %dma_start3A = tpu.memref_slice %arg3[%add3A_64] : memref<328080xi32, #tpu.memory_space<hbm>> -> memref<80xi32, #tpu.memory_space<hbm>>
        %dma_start3A_71 = tpu.memref_slice %arg3[%add3A_64] : memref<328080xi32, #tpu.memory_space<hbm>> -> memref<80xi32, #tpu.memory_space<hbm>>
        tpu.enqueue_dma source(%dma_start3A_71 : memref<80xi32, #tpu.memory_space<hbm>>) target(%arg10 : memref<80xi32, #tpu.memory_space<vmem>>) target_semaphore(%arg17 : memref<!tpu.dma_semaphore, #tpu.memory_space<semaphore_mem>>)
        %dma_start3A_72 = arith.constant 0 : i32
        %dma_start3A_73 = tpu.memref_slice %arg11[%dma_start3A_72] : memref<96xi32, #tpu.memory_space<vmem>> -> memref<80xi32, #tpu.memory_space<vmem>>
        %dma_start3A_74 = tpu.memref_slice %arg4[%add3A_67] : memref<328080xi32, #tpu.memory_space<hbm>> -> memref<80xi32, #tpu.memory_space<hbm>>
        %dma_start3A_75 = arith.constant 0 : i32
        %dma_start3A_76 = tpu.memref_slice %arg11[%dma_start3A_75] : memref<96xi32, #tpu.memory_space<vmem>> -> memref<80xi32, #tpu.memory_space<vmem>>
        %dma_start3A_77 = tpu.memref_slice %arg4[%add3A_67] : memref<328080xi32, #tpu.memory_space<hbm>> -> memref<80xi32, #tpu.memory_space<hbm>>
        tpu.enqueue_dma source(%dma_start3A_77 : memref<80xi32, #tpu.memory_space<hbm>>) target(%dma_start3A_76 : memref<80xi32, #tpu.memory_space<vmem>>) target_semaphore(%arg17 : memref<!tpu.dma_semaphore, #tpu.memory_space<semaphore_mem>>)
        %dma_start3A_78 = tpu.memref_slice %arg5[%add3A_70] : memref<328080xi32, #tpu.memory_space<hbm>> -> memref<80xi32, #tpu.memory_space<hbm>>
        %dma_start3A_79 = tpu.memref_slice %arg5[%add3A_70] : memref<328080xi32, #tpu.memory_space<hbm>> -> memref<80xi32, #tpu.memory_space<hbm>>
        tpu.enqueue_dma source(%dma_start3A_79 : memref<80xi32, #tpu.memory_space<hbm>>) target(%arg12 : memref<80xi32, #tpu.memory_space<vmem>>) target_semaphore(%arg17 : memref<!tpu.dma_semaphore, #tpu.memory_space<semaphore_mem>>)
        %dma_wait3A = tpu.memref_slice %arg3[%add3A_64] : memref<328080xi32, #tpu.memory_space<hbm>> -> memref<80xi32, #tpu.memory_space<hbm>>
        %dma_wait3A_80 = tpu.memref_slice %arg3[%add3A_64] : memref<328080xi32, #tpu.memory_space<hbm>> -> memref<80xi32, #tpu.memory_space<hbm>>
        tpu.wait_dma2 semaphore(%arg17 : memref<!tpu.dma_semaphore, #tpu.memory_space<semaphore_mem>>) src(%dma_wait3A_80 : memref<80xi32, #tpu.memory_space<hbm>>) dst(%arg10 : memref<80xi32, #tpu.memory_space<vmem>>)
        %dma_wait3A_81 = arith.constant 0 : i32
        %dma_wait3A_82 = tpu.memref_slice %arg11[%dma_wait3A_81] : memref<96xi32, #tpu.memory_space<vmem>> -> memref<80xi32, #tpu.memory_space<vmem>>
        %dma_wait3A_83 = tpu.memref_slice %arg4[%add3A_67] : memref<328080xi32, #tpu.memory_space<hbm>> -> memref<80xi32, #tpu.memory_space<hbm>>
        %dma_wait3A_84 = arith.constant 0 : i32
        %dma_wait3A_85 = tpu.memref_slice %arg11[%dma_wait3A_84] : memref<96xi32, #tpu.memory_space<vmem>> -> memref<80xi32, #tpu.memory_space<vmem>>
        %dma_wait3A_86 = tpu.memref_slice %arg4[%add3A_67] : memref<328080xi32, #tpu.memory_space<hbm>> -> memref<80xi32, #tpu.memory_space<hbm>>
        tpu.wait_dma2 semaphore(%arg17 : memref<!tpu.dma_semaphore, #tpu.memory_space<semaphore_mem>>) src(%dma_wait3A_86 : memref<80xi32, #tpu.memory_space<hbm>>) dst(%dma_wait3A_85 : memref<80xi32, #tpu.memory_space<vmem>>)
        %dma_wait3A_87 = tpu.memref_slice %arg5[%add3A_70] : memref<328080xi32, #tpu.memory_space<hbm>> -> memref<80xi32, #tpu.memory_space<hbm>>
        %dma_wait3A_88 = tpu.memref_slice %arg5[%add3A_70] : memref<328080xi32, #tpu.memory_space<hbm>> -> memref<80xi32, #tpu.memory_space<hbm>>
        tpu.wait_dma2 semaphore(%arg17 : memref<!tpu.dma_semaphore, #tpu.memory_space<semaphore_mem>>) src(%dma_wait3A_88 : memref<80xi32, #tpu.memory_space<hbm>>) dst(%arg12 : memref<80xi32, #tpu.memory_space<vmem>>)
        %mul3A_89 = arith.constant 80 : i32
        %mul3A_90 = arith.muli %while3A_61, %mul3A_89 : i32
        %sub3A_91 = arith.subi %squeeze3A, %mul3A_90 : i32
        %scan3A_92 = arith.constant 0 : i32
        %scan3A_93 = arith.constant 0 : i32
        %scan3A_94 = arith.constant 5 : i32
        %scan3A_95 = arith.addi %scan3A_93, %scan3A_94 : i32
        %scan3A_96 = arith.constant 1 : i32
        scf.for %scan3A_184 = %scan3A_93 to %scan3A_95 step %scan3A_96  : i32 {
          %mul3A_185 = arith.constant 16 : i32
          %mul3A_186 = arith.muli %scan3A_184, %mul3A_185 : i32
          %mul3A_187 = arith.constant 16 : i32
          %mul3A_188 = arith.muli %scan3A_184, %mul3A_187 : i32
          %add3A_189 = vector.broadcast %mul3A_188 : i32 to vector<16xi32>
          %add3A_190 = arith.addi %add3A_189, %iota3A : vector<16xi32>
          %lt3A = vector.broadcast %sub3A_91 : i32 to vector<16xi32>
          %lt3A_191 = arith.cmpi slt, %add3A_190, %lt3A : vector<16xi32>
          %get3A_192 = arith.index_cast %mul3A_186 : i32 to index
          %get3A_193 = tpu.vector_load %arg10[%get3A_192] {strides = array<i32>} : memref<80xi32, #tpu.memory_space<vmem>>, vector<16xi32>,
          %jit3A_194 = arith.constant 0 : i32
          %broadcast_in_dim3A_195 = vector.broadcast %jit3A_194 : i32 to vector<16xi32>
          %select_n3A_196 = arith.select %lt3A_191, %get3A_193, %broadcast_in_dim3A_195 : vector<16xi1>, vector<16xi32>
          %swap3A = arith.index_cast %mul3A_186 : i32 to index
          %swap3A_197 = tpu.vector_load %arg10[%swap3A] {strides = array<i32>} : memref<80xi32, #tpu.memory_space<vmem>>, vector<16xi32>,
          tpu.vector_store %arg10[%swap3A], %select_n3A_196 {strides = array<i32>} : memref<80xi32, #tpu.memory_space<vmem>>, vector<16xi32>,
          %get3A_198 = arith.index_cast %mul3A_186 : i32 to index
          %get3A_199 = tpu.vector_load %arg11[%get3A_198] {strides = array<i32>} : memref<96xi32, #tpu.memory_space<vmem>>, vector<16xi32>,
          %jit3A_200 = arith.constant 0 : i32
          %broadcast_in_dim3A_201 = vector.broadcast %jit3A_200 : i32 to vector<16xi32>
          %select_n3A_202 = arith.select %lt3A_191, %get3A_199, %broadcast_in_dim3A_201 : vector<16xi1>, vector<16xi32>
          %swap3A_203 = arith.index_cast %mul3A_186 : i32 to index
          %swap3A_204 = tpu.vector_load %arg11[%swap3A_203] {strides = array<i32>} : memref<96xi32, #tpu.memory_space<vmem>>, vector<16xi32>,
          tpu.vector_store %arg11[%swap3A_203], %select_n3A_202 {strides = array<i32>} : memref<96xi32, #tpu.memory_space<vmem>>, vector<16xi32>,
          %get3A_205 = arith.index_cast %mul3A_186 : i32 to index
          %get3A_206 = tpu.vector_load %arg12[%get3A_205] {strides = array<i32>} : memref<80xi32, #tpu.memory_space<vmem>>, vector<16xi32>,
          %bitcast3A = vector.bitcast %get3A_206 : vector<16xi32> to vector<16xf32>
          %jit3A_207 = arith.constant 0.000000e+00 : f32
          %broadcast_in_dim3A_208 = vector.broadcast %jit3A_207 : f32 to vector<16xf32>
          %select_n3A_209 = arith.select %lt3A_191, %bitcast3A, %broadcast_in_dim3A_208 : vector<16xi1>, vector<16xf32>
          %swap3A_210 = arith.index_cast %mul3A_186 : i32 to index
          %swap3A_211 = tpu.vector_load %arg13[%swap3A_210] {strides = array<i32>} : memref<80xf32, #tpu.memory_space<vmem>>, vector<16xf32>,
          tpu.vector_store %arg13[%swap3A_210], %select_n3A_209 {strides = array<i32>} : memref<80xf32, #tpu.memory_space<vmem>>, vector<16xf32>,
        }
        %scan3A_97 = arith.constant 5 : i32
        %dma_start3A_98 = arith.constant 0 : i32
        %dma_start3A_99 = arith.constant 0 : i32
        %dma_start3A_100 = tpu.memref_slice %arg14[%dma_start3A_98, %dma_start3A_99] : memref<80x128xf32, #tpu.memory_space<vmem>> -> memref<16x128xf32, #tpu.memory_space<vmem>>
        %dma_start3A_101 = arith.constant 0 : i32
        %dma_start3A_102 = tpu.memref_slice %arg10[%dma_start3A_101] : memref<80xi32, #tpu.memory_space<vmem>> -> memref<16xi32, #tpu.memory_space<vmem>>
        %dma_start3A_103 = arith.constant 0 : i32
        %dma_start3A_104 = arith.constant 0 : i32
        %dma_start3A_105 = tpu.memref_slice %arg2[%dma_start3A_103, %dma_start3A_104] : memref<80000x128xf32, #tpu.memory_space<hbm>> -> memref<80000x128xf32, #tpu.memory_space<hbm>>
        tpu.enqueue_indirect_dma source(%dma_start3A_105 : memref<80000x128xf32, #tpu.memory_space<hbm>>) target(%dma_start3A_100 : memref<16x128xf32, #tpu.memory_space<vmem>>) offsets(%dma_start3A_102 : memref<16xi32, #tpu.memory_space<vmem>>) semaphore(%arg16 : memref<!tpu.dma_semaphore, #tpu.memory_space<semaphore_mem>>)
        %dma_start3A_106 = arith.constant 16 : i32
        %dma_start3A_107 = arith.constant 0 : i32
        %dma_start3A_108 = tpu.memref_slice %arg14[%dma_start3A_106, %dma_start3A_107] : memref<80x128xf32, #tpu.memory_space<vmem>> -> memref<16x128xf32, #tpu.memory_space<vmem>>
        %dma_start3A_109 = arith.constant 16 : i32
        %dma_start3A_110 = tpu.memref_slice %arg10[%dma_start3A_109] : memref<80xi32, #tpu.memory_space<vmem>> -> memref<16xi32, #tpu.memory_space<vmem>>
        %dma_start3A_111 = arith.constant 0 : i32
        %dma_start3A_112 = arith.constant 0 : i32
        %dma_start3A_113 = tpu.memref_slice %arg2[%dma_start3A_111, %dma_start3A_112] : memref<80000x128xf32, #tpu.memory_space<hbm>> -> memref<80000x128xf32, #tpu.memory_space<hbm>>
        tpu.enqueue_indirect_dma source(%dma_start3A_113 : memref<80000x128xf32, #tpu.memory_space<hbm>>) target(%dma_start3A_108 : memref<16x128xf32, #tpu.memory_space<vmem>>) offsets(%dma_start3A_110 : memref<16xi32, #tpu.memory_space<vmem>>) semaphore(%arg16 : memref<!tpu.dma_semaphore, #tpu.memory_space<semaphore_mem>>)
        %dma_start3A_114 = arith.constant 32 : i32
        %dma_start3A_115 = arith.constant 0 : i32
        %dma_start3A_116 = tpu.memref_slice %arg14[%dma_start3A_114, %dma_start3A_115] : memref<80x128xf32, #tpu.memory_space<vmem>> -> memref<16x128xf32, #tpu.memory_space<vmem>>
        %dma_start3A_117 = arith.constant 32 : i32
        %dma_start3A_118 = tpu.memref_slice %arg10[%dma_start3A_117] : memref<80xi32, #tpu.memory_space<vmem>> -> memref<16xi32, #tpu.memory_space<vmem>>
        %dma_start3A_119 = arith.constant 0 : i32
        %dma_start3A_120 = arith.constant 0 : i32
        %dma_start3A_121 = tpu.memref_slice %arg2[%dma_start3A_119, %dma_start3A_120] : memref<80000x128xf32, #tpu.memory_space<hbm>> -> memref<80000x128xf32, #tpu.memory_space<hbm>>
        tpu.enqueue_indirect_dma source(%dma_start3A_121 : memref<80000x128xf32, #tpu.memory_space<hbm>>) target(%dma_start3A_116 : memref<16x128xf32, #tpu.memory_space<vmem>>) offsets(%dma_start3A_118 : memref<16xi32, #tpu.memory_space<vmem>>) semaphore(%arg16 : memref<!tpu.dma_semaphore, #tpu.memory_space<semaphore_mem>>)
        %dma_start3A_122 = arith.constant 48 : i32
        %dma_start3A_123 = arith.constant 0 : i32
        %dma_start3A_124 = tpu.memref_slice %arg14[%dma_start3A_122, %dma_start3A_123] : memref<80x128xf32, #tpu.memory_space<vmem>> -> memref<16x128xf32, #tpu.memory_space<vmem>>
        %dma_start3A_125 = arith.constant 48 : i32
        %dma_start3A_126 = tpu.memref_slice %arg10[%dma_start3A_125] : memref<80xi32, #tpu.memory_space<vmem>> -> memref<16xi32, #tpu.memory_space<vmem>>
        %dma_start3A_127 = arith.constant 0 : i32
        %dma_start3A_128 = arith.constant 0 : i32
        %dma_start3A_129 = tpu.memref_slice %arg2[%dma_start3A_127, %dma_start3A_128] : memref<80000x128xf32, #tpu.memory_space<hbm>> -> memref<80000x128xf32, #tpu.memory_space<hbm>>
        tpu.enqueue_indirect_dma source(%dma_start3A_129 : memref<80000x128xf32, #tpu.memory_space<hbm>>) target(%dma_start3A_124 : memref<16x128xf32, #tpu.memory_space<vmem>>) offsets(%dma_start3A_126 : memref<16xi32, #tpu.memory_space<vmem>>) semaphore(%arg16 : memref<!tpu.dma_semaphore, #tpu.memory_space<semaphore_mem>>)
        %dma_start3A_130 = arith.constant 64 : i32
        %dma_start3A_131 = arith.constant 0 : i32
        %dma_start3A_132 = tpu.memref_slice %arg14[%dma_start3A_130, %dma_start3A_131] : memref<80x128xf32, #tpu.memory_space<vmem>> -> memref<16x128xf32, #tpu.memory_space<vmem>>
        %dma_start3A_133 = arith.constant 64 : i32
        %dma_start3A_134 = tpu.memref_slice %arg10[%dma_start3A_133] : memref<80xi32, #tpu.memory_space<vmem>> -> memref<16xi32, #tpu.memory_space<vmem>>
        %dma_start3A_135 = arith.constant 0 : i32
        %dma_start3A_136 = arith.constant 0 : i32
        %dma_start3A_137 = tpu.memref_slice %arg2[%dma_start3A_135, %dma_start3A_136] : memref<80000x128xf32, #tpu.memory_space<hbm>> -> memref<80000x128xf32, #tpu.memory_space<hbm>>
        tpu.enqueue_indirect_dma source(%dma_start3A_137 : memref<80000x128xf32, #tpu.memory_space<hbm>>) target(%dma_start3A_132 : memref<16x128xf32, #tpu.memory_space<vmem>>) offsets(%dma_start3A_134 : memref<16xi32, #tpu.memory_space<vmem>>) semaphore(%arg16 : memref<!tpu.dma_semaphore, #tpu.memory_space<semaphore_mem>>)
        %dma_wait3A_138 = arith.constant 0 : i32
        %dma_wait3A_139 = arith.constant 0 : i32
        %dma_wait3A_140 = tpu.memref_slice %arg14[%dma_wait3A_138, %dma_wait3A_139] : memref<80x128xf32, #tpu.memory_space<vmem>> -> memref<16x128xf32, #tpu.memory_space<vmem>>
        %dma_wait3A_141 = arith.constant 0 : i32
        %dma_wait3A_142 = tpu.memref_slice %arg10[%dma_wait3A_141] : memref<80xi32, #tpu.memory_space<vmem>> -> memref<16xi32, #tpu.memory_space<vmem>>
        %dma_wait3A_143 = arith.constant 0 : i32
        %dma_wait3A_144 = arith.constant 0 : i32
        %dma_wait3A_145 = tpu.memref_slice %arg2[%dma_wait3A_143, %dma_wait3A_144] : memref<80000x128xf32, #tpu.memory_space<hbm>> -> memref<80000x128xf32, #tpu.memory_space<hbm>>
        tpu.wait_indirect_dma semaphore(%arg16 : memref<!tpu.dma_semaphore, #tpu.memory_space<semaphore_mem>>) src(%dma_wait3A_145 : memref<80000x128xf32, #tpu.memory_space<hbm>>) dst(%dma_wait3A_140 : memref<16x128xf32, #tpu.memory_space<vmem>>)
        %dma_wait3A_146 = arith.constant 16 : i32
        %dma_wait3A_147 = arith.constant 0 : i32
        %dma_wait3A_148 = tpu.memref_slice %arg14[%dma_wait3A_146, %dma_wait3A_147] : memref<80x128xf32, #tpu.memory_space<vmem>> -> memref<16x128xf32, #tpu.memory_space<vmem>>
        %dma_wait3A_149 = arith.constant 16 : i32
        %dma_wait3A_150 = tpu.memref_slice %arg10[%dma_wait3A_149] : memref<80xi32, #tpu.memory_space<vmem>> -> memref<16xi32, #tpu.memory_space<vmem>>
        %dma_wait3A_151 = arith.constant 0 : i32
        %dma_wait3A_152 = arith.constant 0 : i32
        %dma_wait3A_153 = tpu.memref_slice %arg2[%dma_wait3A_151, %dma_wait3A_152] : memref<80000x128xf32, #tpu.memory_space<hbm>> -> memref<80000x128xf32, #tpu.memory_space<hbm>>
        tpu.wait_indirect_dma semaphore(%arg16 : memref<!tpu.dma_semaphore, #tpu.memory_space<semaphore_mem>>) src(%dma_wait3A_153 : memref<80000x128xf32, #tpu.memory_space<hbm>>) dst(%dma_wait3A_148 : memref<16x128xf32, #tpu.memory_space<vmem>>)
        %dma_wait3A_154 = arith.constant 32 : i32
        %dma_wait3A_155 = arith.constant 0 : i32
        %dma_wait3A_156 = tpu.memref_slice %arg14[%dma_wait3A_154, %dma_wait3A_155] : memref<80x128xf32, #tpu.memory_space<vmem>> -> memref<16x128xf32, #tpu.memory_space<vmem>>
        %dma_wait3A_157 = arith.constant 32 : i32
        %dma_wait3A_158 = tpu.memref_slice %arg10[%dma_wait3A_157] : memref<80xi32, #tpu.memory_space<vmem>> -> memref<16xi32, #tpu.memory_space<vmem>>
        %dma_wait3A_159 = arith.constant 0 : i32
        %dma_wait3A_160 = arith.constant 0 : i32
        %dma_wait3A_161 = tpu.memref_slice %arg2[%dma_wait3A_159, %dma_wait3A_160] : memref<80000x128xf32, #tpu.memory_space<hbm>> -> memref<80000x128xf32, #tpu.memory_space<hbm>>
        tpu.wait_indirect_dma semaphore(%arg16 : memref<!tpu.dma_semaphore, #tpu.memory_space<semaphore_mem>>) src(%dma_wait3A_161 : memref<80000x128xf32, #tpu.memory_space<hbm>>) dst(%dma_wait3A_156 : memref<16x128xf32, #tpu.memory_space<vmem>>)
        %dma_wait3A_162 = arith.constant 48 : i32
        %dma_wait3A_163 = arith.constant 0 : i32
        %dma_wait3A_164 = tpu.memref_slice %arg14[%dma_wait3A_162, %dma_wait3A_163] : memref<80x128xf32, #tpu.memory_space<vmem>> -> memref<16x128xf32, #tpu.memory_space<vmem>>
        %dma_wait3A_165 = arith.constant 48 : i32
        %dma_wait3A_166 = tpu.memref_slice %arg10[%dma_wait3A_165] : memref<80xi32, #tpu.memory_space<vmem>> -> memref<16xi32, #tpu.memory_space<vmem>>
        %dma_wait3A_167 = arith.constant 0 : i32
        %dma_wait3A_168 = arith.constant 0 : i32
        %dma_wait3A_169 = tpu.memref_slice %arg2[%dma_wait3A_167, %dma_wait3A_168] : memref<80000x128xf32, #tpu.memory_space<hbm>> -> memref<80000x128xf32, #tpu.memory_space<hbm>>
        tpu.wait_indirect_dma semaphore(%arg16 : memref<!tpu.dma_semaphore, #tpu.memory_space<semaphore_mem>>) src(%dma_wait3A_169 : memref<80000x128xf32, #tpu.memory_space<hbm>>) dst(%dma_wait3A_164 : memref<16x128xf32, #tpu.memory_space<vmem>>)
        %dma_wait3A_170 = arith.constant 64 : i32
        %dma_wait3A_171 = arith.constant 0 : i32
        %dma_wait3A_172 = tpu.memref_slice %arg14[%dma_wait3A_170, %dma_wait3A_171] : memref<80x128xf32, #tpu.memory_space<vmem>> -> memref<16x128xf32, #tpu.memory_space<vmem>>
        %dma_wait3A_173 = arith.constant 64 : i32
        %dma_wait3A_174 = tpu.memref_slice %arg10[%dma_wait3A_173] : memref<80xi32, #tpu.memory_space<vmem>> -> memref<16xi32, #tpu.memory_space<vmem>>
        %dma_wait3A_175 = arith.constant 0 : i32
        %dma_wait3A_176 = arith.constant 0 : i32
        %dma_wait3A_177 = tpu.memref_slice %arg2[%dma_wait3A_175, %dma_wait3A_176] : memref<80000x128xf32, #tpu.memory_space<hbm>> -> memref<80000x128xf32, #tpu.memory_space<hbm>>
        tpu.wait_indirect_dma semaphore(%arg16 : memref<!tpu.dma_semaphore, #tpu.memory_space<semaphore_mem>>) src(%dma_wait3A_177 : memref<80000x128xf32, #tpu.memory_space<hbm>>) dst(%dma_wait3A_172 : memref<16x128xf32, #tpu.memory_space<vmem>>)
        %scan3A_178 = arith.constant 0 : i32
        %scan3A_179 = arith.constant 0 : i32
        %scan3A_180 = arith.constant 80 : i32
        %scan3A_181 = arith.addi %scan3A_179, %scan3A_180 : i32
        %scan3A_182 = arith.constant 2 : i32
        scf.for %scan3A_184 = %scan3A_179 to %scan3A_181 step %scan3A_182  : i32 {
          %broadcast_in_dim3A_185 = vector.broadcast %scan3A_184 : i32 to vector<16xi32>
          %gather3A_186 = tpu.vector_load_idx %arg13[%broadcast_in_dim3A_185] : memref<80xf32, #tpu.memory_space<vmem>>[vector<16xi32>], vector<16xf32>,
          %broadcast_in_dim3A_187 = vector.broadcast %scan3A_184 : i32 to vector<16xi32>
          %gather3A_188 = tpu.vector_load_idx %arg11[%broadcast_in_dim3A_187] : memref<96xi32, #tpu.memory_space<vmem>>[vector<16xi32>], vector<16xi32>,
          %mul3A_189 = arith.constant 128 : i32
          %mul3A_190 = vector.broadcast %mul3A_189 : i32 to vector<16xi32>
          %mul3A_191 = arith.muli %gather3A_188, %mul3A_190 : vector<16xi32>
          %add3A_192 = arith.addi %mul3A_191, %iota3A : vector<16xi32>
          %add3A_193 = arith.constant 0 : i32
          %add3A_194 = vector.broadcast %add3A_193 : i32 to vector<16xi32>
          %add3A_195 = arith.addi %add3A_192, %add3A_194 : vector<16xi32>
          %get3A_196 = arith.index_cast %scan3A_184 : i32 to index
          %get3A_197 = arith.constant 0 : index
          %get3A_198 = tpu.vector_load %arg14[%get3A_196, %get3A_197] {strides = array<i32>} : memref<80x128xf32, #tpu.memory_space<vmem>>, vector<16xf32>,
          %mul3A_199 = arith.mulf %get3A_198, %gather3A_186 : vector<16xf32>
          tpu.vector_store_idx %arg8[%add3A_195], %mul3A_199 {add = true} : memref<40960xf32, #tpu.memory_space<vmem>>[vector<16xi32>], vector<16xf32>,
          %add3A_200 = arith.constant 16 : i32
          %add3A_201 = vector.broadcast %add3A_200 : i32 to vector<16xi32>
          %add3A_202 = arith.addi %add3A_192, %add3A_201 : vector<16xi32>
          %get3A_203 = arith.index_cast %scan3A_184 : i32 to index
          %get3A_204 = arith.constant 16 : index
          %get3A_205 = tpu.vector_load %arg14[%get3A_203, %get3A_204] {strides = array<i32>} : memref<80x128xf32, #tpu.memory_space<vmem>>, vector<16xf32>,
          %mul3A_206 = arith.mulf %get3A_205, %gather3A_186 : vector<16xf32>
          tpu.vector_store_idx %arg8[%add3A_202], %mul3A_206 {add = true} : memref<40960xf32, #tpu.memory_space<vmem>>[vector<16xi32>], vector<16xf32>,
          %add3A_207 = arith.constant 32 : i32
          %add3A_208 = vector.broadcast %add3A_207 : i32 to vector<16xi32>
          %add3A_209 = arith.addi %add3A_192, %add3A_208 : vector<16xi32>
          %get3A_210 = arith.index_cast %scan3A_184 : i32 to index
          %get3A_211 = arith.constant 32 : index
          %get3A_212 = tpu.vector_load %arg14[%get3A_210, %get3A_211] {strides = array<i32>} : memref<80x128xf32, #tpu.memory_space<vmem>>, vector<16xf32>,
          %mul3A_213 = arith.mulf %get3A_212, %gather3A_186 : vector<16xf32>
          tpu.vector_store_idx %arg8[%add3A_209], %mul3A_213 {add = true} : memref<40960xf32, #tpu.memory_space<vmem>>[vector<16xi32>], vector<16xf32>,
          %add3A_214 = arith.constant 48 : i32
          %add3A_215 = vector.broadcast %add3A_214 : i32 to vector<16xi32>
          %add3A_216 = arith.addi %add3A_192, %add3A_215 : vector<16xi32>
          %get3A_217 = arith.index_cast %scan3A_184 : i32 to index
          %get3A_218 = arith.constant 48 : index
          %get3A_219 = tpu.vector_load %arg14[%get3A_217, %get3A_218] {strides = array<i32>} : memref<80x128xf32, #tpu.memory_space<vmem>>, vector<16xf32>,
          %mul3A_220 = arith.mulf %get3A_219, %gather3A_186 : vector<16xf32>
          tpu.vector_store_idx %arg8[%add3A_216], %mul3A_220 {add = true} : memref<40960xf32, #tpu.memory_space<vmem>>[vector<16xi32>], vector<16xf32>,
          %add3A_221 = arith.constant 64 : i32
          %add3A_222 = vector.broadcast %add3A_221 : i32 to vector<16xi32>
          %add3A_223 = arith.addi %add3A_192, %add3A_222 : vector<16xi32>
          %get3A_224 = arith.index_cast %scan3A_184 : i32 to index
          %get3A_225 = arith.constant 64 : index
          %get3A_226 = tpu.vector_load %arg14[%get3A_224, %get3A_225] {strides = array<i32>} : memref<80x128xf32, #tpu.memory_space<vmem>>, vector<16xf32>,
          %mul3A_227 = arith.mulf %get3A_226, %gather3A_186 : vector<16xf32>
          tpu.vector_store_idx %arg8[%add3A_223], %mul3A_227 {add = true} : memref<40960xf32, #tpu.memory_space<vmem>>[vector<16xi32>], vector<16xf32>,
          %add3A_228 = arith.constant 80 : i32
          %add3A_229 = vector.broadcast %add3A_228 : i32 to vector<16xi32>
          %add3A_230 = arith.addi %add3A_192, %add3A_229 : vector<16xi32>
          %get3A_231 = arith.index_cast %scan3A_184 : i32 to index
          %get3A_232 = arith.constant 80 : index
          %get3A_233 = tpu.vector_load %arg14[%get3A_231, %get3A_232] {strides = array<i32>} : memref<80x128xf32, #tpu.memory_space<vmem>>, vector<16xf32>,
          %mul3A_234 = arith.mulf %get3A_233, %gather3A_186 : vector<16xf32>
          tpu.vector_store_idx %arg8[%add3A_230], %mul3A_234 {add = true} : memref<40960xf32, #tpu.memory_space<vmem>>[vector<16xi32>], vector<16xf32>,
          %add3A_235 = arith.constant 96 : i32
          %add3A_236 = vector.broadcast %add3A_235 : i32 to vector<16xi32>
          %add3A_237 = arith.addi %add3A_192, %add3A_236 : vector<16xi32>
          %get3A_238 = arith.index_cast %scan3A_184 : i32 to index
          %get3A_239 = arith.constant 96 : index
          %get3A_240 = tpu.vector_load %arg14[%get3A_238, %get3A_239] {strides = array<i32>} : memref<80x128xf32, #tpu.memory_space<vmem>>, vector<16xf32>,
          %mul3A_241 = arith.mulf %get3A_240, %gather3A_186 : vector<16xf32>
          tpu.vector_store_idx %arg8[%add3A_237], %mul3A_241 {add = true} : memref<40960xf32, #tpu.memory_space<vmem>>[vector<16xi32>], vector<16xf32>,
          %add3A_242 = arith.constant 112 : i32
          %add3A_243 = vector.broadcast %add3A_242 : i32 to vector<16xi32>
          %add3A_244 = arith.addi %add3A_192, %add3A_243 : vector<16xi32>
          %get3A_245 = arith.index_cast %scan3A_184 : i32 to index
          %get3A_246 = arith.constant 112 : index
          %get3A_247 = tpu.vector_load %arg14[%get3A_245, %get3A_246] {strides = array<i32>} : memref<80x128xf32, #tpu.memory_space<vmem>>, vector<16xf32>,
          %mul3A_248 = arith.mulf %get3A_247, %gather3A_186 : vector<16xf32>
          tpu.vector_store_idx %arg8[%add3A_244], %mul3A_248 {add = true} : memref<40960xf32, #tpu.memory_space<vmem>>[vector<16xi32>], vector<16xf32>,
          %scan3A_249 = arith.constant 1 : i32
          %scan3A_250 = arith.addi %scan3A_184, %scan3A_249 : i32
          %broadcast_in_dim3A_251 = vector.broadcast %scan3A_250 : i32 to vector<16xi32>
          %gather3A_252 = tpu.vector_load_idx %arg13[%broadcast_in_dim3A_251] : memref<80xf32, #tpu.memory_space<vmem>>[vector<16xi32>], vector<16xf32>,
          %broadcast_in_dim3A_253 = vector.broadcast %scan3A_250 : i32 to vector<16xi32>
          %gather3A_254 = tpu.vector_load_idx %arg11[%broadcast_in_dim3A_253] : memref<96xi32, #tpu.memory_space<vmem>>[vector<16xi32>], vector<16xi32>,
          %mul3A_255 = arith.constant 128 : i32
          %mul3A_256 = vector.broadcast %mul3A_255 : i32 to vector<16xi32>
          %mul3A_257 = arith.muli %gather3A_254, %mul3A_256 : vector<16xi32>
          %add3A_258 = arith.addi %mul3A_257, %iota3A : vector<16xi32>
          %add3A_259 = arith.constant 0 : i32
          %add3A_260 = vector.broadcast %add3A_259 : i32 to vector<16xi32>
          %add3A_261 = arith.addi %add3A_258, %add3A_260 : vector<16xi32>
          %get3A_262 = arith.index_cast %scan3A_250 : i32 to index
          %get3A_263 = arith.constant 0 : index
          %get3A_264 = tpu.vector_load %arg14[%get3A_262, %get3A_263] {strides = array<i32>} : memref<80x128xf32, #tpu.memory_space<vmem>>, vector<16xf32>,
          %mul3A_265 = arith.mulf %get3A_264, %gather3A_252 : vector<16xf32>
          tpu.vector_store_idx %arg8[%add3A_261], %mul3A_265 {add = true} : memref<40960xf32, #tpu.memory_space<vmem>>[vector<16xi32>], vector<16xf32>,
          %add3A_266 = arith.constant 16 : i32
          %add3A_267 = vector.broadcast %add3A_266 : i32 to vector<16xi32>
          %add3A_268 = arith.addi %add3A_258, %add3A_267 : vector<16xi32>
          %get3A_269 = arith.index_cast %scan3A_250 : i32 to index
          %get3A_270 = arith.constant 16 : index
          %get3A_271 = tpu.vector_load %arg14[%get3A_269, %get3A_270] {strides = array<i32>} : memref<80x128xf32, #tpu.memory_space<vmem>>, vector<16xf32>,
          %mul3A_272 = arith.mulf %get3A_271, %gather3A_252 : vector<16xf32>
          tpu.vector_store_idx %arg8[%add3A_268], %mul3A_272 {add = true} : memref<40960xf32, #tpu.memory_space<vmem>>[vector<16xi32>], vector<16xf32>,
          %add3A_273 = arith.constant 32 : i32
          %add3A_274 = vector.broadcast %add3A_273 : i32 to vector<16xi32>
          %add3A_275 = arith.addi %add3A_258, %add3A_274 : vector<16xi32>
          %get3A_276 = arith.index_cast %scan3A_250 : i32 to index
          %get3A_277 = arith.constant 32 : index
          %get3A_278 = tpu.vector_load %arg14[%get3A_276, %get3A_277] {strides = array<i32>} : memref<80x128xf32, #tpu.memory_space<vmem>>, vector<16xf32>,
          %mul3A_279 = arith.mulf %get3A_278, %gather3A_252 : vector<16xf32>
          tpu.vector_store_idx %arg8[%add3A_275], %mul3A_279 {add = true} : memref<40960xf32, #tpu.memory_space<vmem>>[vector<16xi32>], vector<16xf32>,
          %add3A_280 = arith.constant 48 : i32
          %add3A_281 = vector.broadcast %add3A_280 : i32 to vector<16xi32>
          %add3A_282 = arith.addi %add3A_258, %add3A_281 : vector<16xi32>
          %get3A_283 = arith.index_cast %scan3A_250 : i32 to index
          %get3A_284 = arith.constant 48 : index
          %get3A_285 = tpu.vector_load %arg14[%get3A_283, %get3A_284] {strides = array<i32>} : memref<80x128xf32, #tpu.memory_space<vmem>>, vector<16xf32>,
          %mul3A_286 = arith.mulf %get3A_285, %gather3A_252 : vector<16xf32>
          tpu.vector_store_idx %arg8[%add3A_282], %mul3A_286 {add = true} : memref<40960xf32, #tpu.memory_space<vmem>>[vector<16xi32>], vector<16xf32>,
          %add3A_287 = arith.constant 64 : i32
          %add3A_288 = vector.broadcast %add3A_287 : i32 to vector<16xi32>
          %add3A_289 = arith.addi %add3A_258, %add3A_288 : vector<16xi32>
          %get3A_290 = arith.index_cast %scan3A_250 : i32 to index
          %get3A_291 = arith.constant 64 : index
          %get3A_292 = tpu.vector_load %arg14[%get3A_290, %get3A_291] {strides = array<i32>} : memref<80x128xf32, #tpu.memory_space<vmem>>, vector<16xf32>,
          %mul3A_293 = arith.mulf %get3A_292, %gather3A_252 : vector<16xf32>
          tpu.vector_store_idx %arg8[%add3A_289], %mul3A_293 {add = true} : memref<40960xf32, #tpu.memory_space<vmem>>[vector<16xi32>], vector<16xf32>,
          %add3A_294 = arith.constant 80 : i32
          %add3A_295 = vector.broadcast %add3A_294 : i32 to vector<16xi32>
          %add3A_296 = arith.addi %add3A_258, %add3A_295 : vector<16xi32>
          %get3A_297 = arith.index_cast %scan3A_250 : i32 to index
          %get3A_298 = arith.constant 80 : index
          %get3A_299 = tpu.vector_load %arg14[%get3A_297, %get3A_298] {strides = array<i32>} : memref<80x128xf32, #tpu.memory_space<vmem>>, vector<16xf32>,
          %mul3A_300 = arith.mulf %get3A_299, %gather3A_252 : vector<16xf32>
          tpu.vector_store_idx %arg8[%add3A_296], %mul3A_300 {add = true} : memref<40960xf32, #tpu.memory_space<vmem>>[vector<16xi32>], vector<16xf32>,
          %add3A_301 = arith.constant 96 : i32
          %add3A_302 = vector.broadcast %add3A_301 : i32 to vector<16xi32>
          %add3A_303 = arith.addi %add3A_258, %add3A_302 : vector<16xi32>
          %get3A_304 = arith.index_cast %scan3A_250 : i32 to index
          %get3A_305 = arith.constant 96 : index
          %get3A_306 = tpu.vector_load %arg14[%get3A_304, %get3A_305] {strides = array<i32>} : memref<80x128xf32, #tpu.memory_space<vmem>>, vector<16xf32>,
          %mul3A_307 = arith.mulf %get3A_306, %gather3A_252 : vector<16xf32>
          tpu.vector_store_idx %arg8[%add3A_303], %mul3A_307 {add = true} : memref<40960xf32, #tpu.memory_space<vmem>>[vector<16xi32>], vector<16xf32>,
          %add3A_308 = arith.constant 112 : i32
          %add3A_309 = vector.broadcast %add3A_308 : i32 to vector<16xi32>
          %add3A_310 = arith.addi %add3A_258, %add3A_309 : vector<16xi32>
          %get3A_311 = arith.index_cast %scan3A_250 : i32 to index
          %get3A_312 = arith.constant 112 : index
          %get3A_313 = tpu.vector_load %arg14[%get3A_311, %get3A_312] {strides = array<i32>} : memref<80x128xf32, #tpu.memory_space<vmem>>, vector<16xf32>,
          %mul3A_314 = arith.mulf %get3A_313, %gather3A_252 : vector<16xf32>
          tpu.vector_store_idx %arg8[%add3A_310], %mul3A_314 {add = true} : memref<40960xf32, #tpu.memory_space<vmem>>[vector<16xi32>], vector<16xf32>,
        }
        %scan3A_183 = arith.constant 80 : i32
      }
      %while3A_60 = arith.constant 1 : i32
      scf.for %while3A_61 = %while3A_58 to %while3A_54 step %while3A_60  : i32 {
        %mul3A_62 = arith.constant 80 : i32
        %mul3A_63 = arith.muli %while3A_61, %mul3A_62 : i32
        %add3A_64 = arith.addi %multiple_of3A, %mul3A_63 : i32
        %mul3A_65 = arith.constant 80 : i32
        %mul3A_66 = arith.muli %while3A_61, %mul3A_65 : i32
        %add3A_67 = arith.addi %multiple_of3A, %mul3A_66 : i32
        %mul3A_68 = arith.constant 80 : i32
        %mul3A_69 = arith.muli %while3A_61, %mul3A_68 : i32
        %add3A_70 = arith.addi %multiple_of3A, %mul3A_69 : i32
        %dma_start3A = tpu.memref_slice %arg3[%add3A_64] : memref<328080xi32, #tpu.memory_space<hbm>> -> memref<80xi32, #tpu.memory_space<hbm>>
        %dma_start3A_71 = tpu.memref_slice %arg3[%add3A_64] : memref<328080xi32, #tpu.memory_space<hbm>> -> memref<80xi32, #tpu.memory_space<hbm>>
        tpu.enqueue_dma source(%dma_start3A_71 : memref<80xi32, #tpu.memory_space<hbm>>) target(%arg10 : memref<80xi32, #tpu.memory_space<vmem>>) target_semaphore(%arg17 : memref<!tpu.dma_semaphore, #tpu.memory_space<semaphore_mem>>)
        %dma_start3A_72 = arith.constant 0 : i32
        %dma_start3A_73 = tpu.memref_slice %arg11[%dma_start3A_72] : memref<96xi32, #tpu.memory_space<vmem>> -> memref<80xi32, #tpu.memory_space<vmem>>
        %dma_start3A_74 = tpu.memref_slice %arg4[%add3A_67] : memref<328080xi32, #tpu.memory_space<hbm>> -> memref<80xi32, #tpu.memory_space<hbm>>
        %dma_start3A_75 = arith.constant 0 : i32
        %dma_start3A_76 = tpu.memref_slice %arg11[%dma_start3A_75] : memref<96xi32, #tpu.memory_space<vmem>> -> memref<80xi32, #tpu.memory_space<vmem>>
        %dma_start3A_77 = tpu.memref_slice %arg4[%add3A_67] : memref<328080xi32, #tpu.memory_space<hbm>> -> memref<80xi32, #tpu.memory_space<hbm>>
        tpu.enqueue_dma source(%dma_start3A_77 : memref<80xi32, #tpu.memory_space<hbm>>) target(%dma_start3A_76 : memref<80xi32, #tpu.memory_space<vmem>>) target_semaphore(%arg17 : memref<!tpu.dma_semaphore, #tpu.memory_space<semaphore_mem>>)
        %dma_start3A_78 = tpu.memref_slice %arg5[%add3A_70] : memref<328080xi32, #tpu.memory_space<hbm>> -> memref<80xi32, #tpu.memory_space<hbm>>
        %dma_start3A_79 = tpu.memref_slice %arg5[%add3A_70] : memref<328080xi32, #tpu.memory_space<hbm>> -> memref<80xi32, #tpu.memory_space<hbm>>
        tpu.enqueue_dma source(%dma_start3A_79 : memref<80xi32, #tpu.memory_space<hbm>>) target(%arg12 : memref<80xi32, #tpu.memory_space<vmem>>) target_semaphore(%arg17 : memref<!tpu.dma_semaphore, #tpu.memory_space<semaphore_mem>>)
        %dma_wait3A = tpu.memref_slice %arg3[%add3A_64] : memref<328080xi32, #tpu.memory_space<hbm>> -> memref<80xi32, #tpu.memory_space<hbm>>
        %dma_wait3A_80 = tpu.memref_slice %arg3[%add3A_64] : memref<328080xi32, #tpu.memory_space<hbm>> -> memref<80xi32, #tpu.memory_space<hbm>>
        tpu.wait_dma2 semaphore(%arg17 : memref<!tpu.dma_semaphore, #tpu.memory_space<semaphore_mem>>) src(%dma_wait3A_80 : memref<80xi32, #tpu.memory_space<hbm>>) dst(%arg10 : memref<80xi32, #tpu.memory_space<vmem>>)
        %dma_wait3A_81 = arith.constant 0 : i32
        %dma_wait3A_82 = tpu.memref_slice %arg11[%dma_wait3A_81] : memref<96xi32, #tpu.memory_space<vmem>> -> memref<80xi32, #tpu.memory_space<vmem>>
        %dma_wait3A_83 = tpu.memref_slice %arg4[%add3A_67] : memref<328080xi32, #tpu.memory_space<hbm>> -> memref<80xi32, #tpu.memory_space<hbm>>
        %dma_wait3A_84 = arith.constant 0 : i32
        %dma_wait3A_85 = tpu.memref_slice %arg11[%dma_wait3A_84] : memref<96xi32, #tpu.memory_space<vmem>> -> memref<80xi32, #tpu.memory_space<vmem>>
        %dma_wait3A_86 = tpu.memref_slice %arg4[%add3A_67] : memref<328080xi32, #tpu.memory_space<hbm>> -> memref<80xi32, #tpu.memory_space<hbm>>
        tpu.wait_dma2 semaphore(%arg17 : memref<!tpu.dma_semaphore, #tpu.memory_space<semaphore_mem>>) src(%dma_wait3A_86 : memref<80xi32, #tpu.memory_space<hbm>>) dst(%dma_wait3A_85 : memref<80xi32, #tpu.memory_space<vmem>>)
        %dma_wait3A_87 = tpu.memref_slice %arg5[%add3A_70] : memref<328080xi32, #tpu.memory_space<hbm>> -> memref<80xi32, #tpu.memory_space<hbm>>
        %dma_wait3A_88 = tpu.memref_slice %arg5[%add3A_70] : memref<328080xi32, #tpu.memory_space<hbm>> -> memref<80xi32, #tpu.memory_space<hbm>>
        tpu.wait_dma2 semaphore(%arg17 : memref<!tpu.dma_semaphore, #tpu.memory_space<semaphore_mem>>) src(%dma_wait3A_88 : memref<80xi32, #tpu.memory_space<hbm>>) dst(%arg12 : memref<80xi32, #tpu.memory_space<vmem>>)
        %mul3A_89 = arith.constant 80 : i32
        %mul3A_90 = arith.muli %while3A_61, %mul3A_89 : i32
        %sub3A_91 = arith.subi %squeeze3A, %mul3A_90 : i32
        %scan3A_92 = arith.constant 0 : i32
        %scan3A_93 = arith.constant 0 : i32
        %scan3A_94 = arith.constant 5 : i32
        %scan3A_95 = arith.addi %scan3A_93, %scan3A_94 : i32
        %scan3A_96 = arith.constant 1 : i32
        scf.for %scan3A_184 = %scan3A_93 to %scan3A_95 step %scan3A_96  : i32 {
          %mul3A_185 = arith.constant 16 : i32
          %mul3A_186 = arith.muli %scan3A_184, %mul3A_185 : i32
          %mul3A_187 = arith.constant 16 : i32
          %mul3A_188 = arith.muli %scan3A_184, %mul3A_187 : i32
          %add3A_189 = vector.broadcast %mul3A_188 : i32 to vector<16xi32>
          %add3A_190 = arith.addi %add3A_189, %iota3A : vector<16xi32>
          %lt3A = vector.broadcast %sub3A_91 : i32 to vector<16xi32>
          %lt3A_191 = arith.cmpi slt, %add3A_190, %lt3A : vector<16xi32>
          %get3A_192 = arith.index_cast %mul3A_186 : i32 to index
          %get3A_193 = tpu.vector_load %arg10[%get3A_192] {strides = array<i32>} : memref<80xi32, #tpu.memory_space<vmem>>, vector<16xi32>,
          %jit3A_194 = arith.constant 0 : i32
          %broadcast_in_dim3A_195 = vector.broadcast %jit3A_194 : i32 to vector<16xi32>
          %select_n3A_196 = arith.select %lt3A_191, %get3A_193, %broadcast_in_dim3A_195 : vector<16xi1>, vector<16xi32>
          %swap3A = arith.index_cast %mul3A_186 : i32 to index
          %swap3A_197 = tpu.vector_load %arg10[%swap3A] {strides = array<i32>} : memref<80xi32, #tpu.memory_space<vmem>>, vector<16xi32>,
          tpu.vector_store %arg10[%swap3A], %select_n3A_196 {strides = array<i32>} : memref<80xi32, #tpu.memory_space<vmem>>, vector<16xi32>,
          %get3A_198 = arith.index_cast %mul3A_186 : i32 to index
          %get3A_199 = tpu.vector_load %arg11[%get3A_198] {strides = array<i32>} : memref<96xi32, #tpu.memory_space<vmem>>, vector<16xi32>,
          %jit3A_200 = arith.constant 0 : i32
          %broadcast_in_dim3A_201 = vector.broadcast %jit3A_200 : i32 to vector<16xi32>
          %select_n3A_202 = arith.select %lt3A_191, %get3A_199, %broadcast_in_dim3A_201 : vector<16xi1>, vector<16xi32>
          %swap3A_203 = arith.index_cast %mul3A_186 : i32 to index
          %swap3A_204 = tpu.vector_load %arg11[%swap3A_203] {strides = array<i32>} : memref<96xi32, #tpu.memory_space<vmem>>, vector<16xi32>,
          tpu.vector_store %arg11[%swap3A_203], %select_n3A_202 {strides = array<i32>} : memref<96xi32, #tpu.memory_space<vmem>>, vector<16xi32>,
          %get3A_205 = arith.index_cast %mul3A_186 : i32 to index
          %get3A_206 = tpu.vector_load %arg12[%get3A_205] {strides = array<i32>} : memref<80xi32, #tpu.memory_space<vmem>>, vector<16xi32>,
          %bitcast3A = vector.bitcast %get3A_206 : vector<16xi32> to vector<16xf32>
          %jit3A_207 = arith.constant 0.000000e+00 : f32
          %broadcast_in_dim3A_208 = vector.broadcast %jit3A_207 : f32 to vector<16xf32>
          %select_n3A_209 = arith.select %lt3A_191, %bitcast3A, %broadcast_in_dim3A_208 : vector<16xi1>, vector<16xf32>
          %swap3A_210 = arith.index_cast %mul3A_186 : i32 to index
          %swap3A_211 = tpu.vector_load %arg13[%swap3A_210] {strides = array<i32>} : memref<80xf32, #tpu.memory_space<vmem>>, vector<16xf32>,
          tpu.vector_store %arg13[%swap3A_210], %select_n3A_209 {strides = array<i32>} : memref<80xf32, #tpu.memory_space<vmem>>, vector<16xf32>,
        }
        %scan3A_97 = arith.constant 5 : i32
        %dma_start3A_98 = arith.constant 0 : i32
        %dma_start3A_99 = arith.constant 0 : i32
        %dma_start3A_100 = tpu.memref_slice %arg14[%dma_start3A_98, %dma_start3A_99] : memref<80x128xf32, #tpu.memory_space<vmem>> -> memref<16x128xf32, #tpu.memory_space<vmem>>
        %dma_start3A_101 = arith.constant 0 : i32
        %dma_start3A_102 = tpu.memref_slice %arg10[%dma_start3A_101] : memref<80xi32, #tpu.memory_space<vmem>> -> memref<16xi32, #tpu.memory_space<vmem>>
        %dma_start3A_103 = arith.constant 0 : i32
        %dma_start3A_104 = arith.constant 0 : i32
        %dma_start3A_105 = tpu.memref_slice %arg2[%dma_start3A_103, %dma_start3A_104] : memref<80000x128xf32, #tpu.memory_space<hbm>> -> memref<80000x128xf32, #tpu.memory_space<hbm>>
        tpu.enqueue_indirect_dma source(%dma_start3A_105 : memref<80000x128xf32, #tpu.memory_space<hbm>>) target(%dma_start3A_100 : memref<16x128xf32, #tpu.memory_space<vmem>>) offsets(%dma_start3A_102 : memref<16xi32, #tpu.memory_space<vmem>>) semaphore(%arg16 : memref<!tpu.dma_semaphore, #tpu.memory_space<semaphore_mem>>)
        %dma_start3A_106 = arith.constant 16 : i32
        %dma_start3A_107 = arith.constant 0 : i32
        %dma_start3A_108 = tpu.memref_slice %arg14[%dma_start3A_106, %dma_start3A_107] : memref<80x128xf32, #tpu.memory_space<vmem>> -> memref<16x128xf32, #tpu.memory_space<vmem>>
        %dma_start3A_109 = arith.constant 16 : i32
        %dma_start3A_110 = tpu.memref_slice %arg10[%dma_start3A_109] : memref<80xi32, #tpu.memory_space<vmem>> -> memref<16xi32, #tpu.memory_space<vmem>>
        %dma_start3A_111 = arith.constant 0 : i32
        %dma_start3A_112 = arith.constant 0 : i32
        %dma_start3A_113 = tpu.memref_slice %arg2[%dma_start3A_111, %dma_start3A_112] : memref<80000x128xf32, #tpu.memory_space<hbm>> -> memref<80000x128xf32, #tpu.memory_space<hbm>>
        tpu.enqueue_indirect_dma source(%dma_start3A_113 : memref<80000x128xf32, #tpu.memory_space<hbm>>) target(%dma_start3A_108 : memref<16x128xf32, #tpu.memory_space<vmem>>) offsets(%dma_start3A_110 : memref<16xi32, #tpu.memory_space<vmem>>) semaphore(%arg16 : memref<!tpu.dma_semaphore, #tpu.memory_space<semaphore_mem>>)
        %dma_start3A_114 = arith.constant 32 : i32
        %dma_start3A_115 = arith.constant 0 : i32
        %dma_start3A_116 = tpu.memref_slice %arg14[%dma_start3A_114, %dma_start3A_115] : memref<80x128xf32, #tpu.memory_space<vmem>> -> memref<16x128xf32, #tpu.memory_space<vmem>>
        %dma_start3A_117 = arith.constant 32 : i32
        %dma_start3A_118 = tpu.memref_slice %arg10[%dma_start3A_117] : memref<80xi32, #tpu.memory_space<vmem>> -> memref<16xi32, #tpu.memory_space<vmem>>
        %dma_start3A_119 = arith.constant 0 : i32
        %dma_start3A_120 = arith.constant 0 : i32
        %dma_start3A_121 = tpu.memref_slice %arg2[%dma_start3A_119, %dma_start3A_120] : memref<80000x128xf32, #tpu.memory_space<hbm>> -> memref<80000x128xf32, #tpu.memory_space<hbm>>
        tpu.enqueue_indirect_dma source(%dma_start3A_121 : memref<80000x128xf32, #tpu.memory_space<hbm>>) target(%dma_start3A_116 : memref<16x128xf32, #tpu.memory_space<vmem>>) offsets(%dma_start3A_118 : memref<16xi32, #tpu.memory_space<vmem>>) semaphore(%arg16 : memref<!tpu.dma_semaphore, #tpu.memory_space<semaphore_mem>>)
        %dma_start3A_122 = arith.constant 48 : i32
        %dma_start3A_123 = arith.constant 0 : i32
        %dma_start3A_124 = tpu.memref_slice %arg14[%dma_start3A_122, %dma_start3A_123] : memref<80x128xf32, #tpu.memory_space<vmem>> -> memref<16x128xf32, #tpu.memory_space<vmem>>
        %dma_start3A_125 = arith.constant 48 : i32
        %dma_start3A_126 = tpu.memref_slice %arg10[%dma_start3A_125] : memref<80xi32, #tpu.memory_space<vmem>> -> memref<16xi32, #tpu.memory_space<vmem>>
        %dma_start3A_127 = arith.constant 0 : i32
        %dma_start3A_128 = arith.constant 0 : i32
        %dma_start3A_129 = tpu.memref_slice %arg2[%dma_start3A_127, %dma_start3A_128] : memref<80000x128xf32, #tpu.memory_space<hbm>> -> memref<80000x128xf32, #tpu.memory_space<hbm>>
        tpu.enqueue_indirect_dma source(%dma_start3A_129 : memref<80000x128xf32, #tpu.memory_space<hbm>>) target(%dma_start3A_124 : memref<16x128xf32, #tpu.memory_space<vmem>>) offsets(%dma_start3A_126 : memref<16xi32, #tpu.memory_space<vmem>>) semaphore(%arg16 : memref<!tpu.dma_semaphore, #tpu.memory_space<semaphore_mem>>)
        %dma_start3A_130 = arith.constant 64 : i32
        %dma_start3A_131 = arith.constant 0 : i32
        %dma_start3A_132 = tpu.memref_slice %arg14[%dma_start3A_130, %dma_start3A_131] : memref<80x128xf32, #tpu.memory_space<vmem>> -> memref<16x128xf32, #tpu.memory_space<vmem>>
        %dma_start3A_133 = arith.constant 64 : i32
        %dma_start3A_134 = tpu.memref_slice %arg10[%dma_start3A_133] : memref<80xi32, #tpu.memory_space<vmem>> -> memref<16xi32, #tpu.memory_space<vmem>>
        %dma_start3A_135 = arith.constant 0 : i32
        %dma_start3A_136 = arith.constant 0 : i32
        %dma_start3A_137 = tpu.memref_slice %arg2[%dma_start3A_135, %dma_start3A_136] : memref<80000x128xf32, #tpu.memory_space<hbm>> -> memref<80000x128xf32, #tpu.memory_space<hbm>>
        tpu.enqueue_indirect_dma source(%dma_start3A_137 : memref<80000x128xf32, #tpu.memory_space<hbm>>) target(%dma_start3A_132 : memref<16x128xf32, #tpu.memory_space<vmem>>) offsets(%dma_start3A_134 : memref<16xi32, #tpu.memory_space<vmem>>) semaphore(%arg16 : memref<!tpu.dma_semaphore, #tpu.memory_space<semaphore_mem>>)
        %dma_wait3A_138 = arith.constant 0 : i32
        %dma_wait3A_139 = arith.constant 0 : i32
        %dma_wait3A_140 = tpu.memref_slice %arg14[%dma_wait3A_138, %dma_wait3A_139] : memref<80x128xf32, #tpu.memory_space<vmem>> -> memref<16x128xf32, #tpu.memory_space<vmem>>
        %dma_wait3A_141 = arith.constant 0 : i32
        %dma_wait3A_142 = tpu.memref_slice %arg10[%dma_wait3A_141] : memref<80xi32, #tpu.memory_space<vmem>> -> memref<16xi32, #tpu.memory_space<vmem>>
        %dma_wait3A_143 = arith.constant 0 : i32
        %dma_wait3A_144 = arith.constant 0 : i32
        %dma_wait3A_145 = tpu.memref_slice %arg2[%dma_wait3A_143, %dma_wait3A_144] : memref<80000x128xf32, #tpu.memory_space<hbm>> -> memref<80000x128xf32, #tpu.memory_space<hbm>>
        tpu.wait_indirect_dma semaphore(%arg16 : memref<!tpu.dma_semaphore, #tpu.memory_space<semaphore_mem>>) src(%dma_wait3A_145 : memref<80000x128xf32, #tpu.memory_space<hbm>>) dst(%dma_wait3A_140 : memref<16x128xf32, #tpu.memory_space<vmem>>)
        %dma_wait3A_146 = arith.constant 16 : i32
        %dma_wait3A_147 = arith.constant 0 : i32
        %dma_wait3A_148 = tpu.memref_slice %arg14[%dma_wait3A_146, %dma_wait3A_147] : memref<80x128xf32, #tpu.memory_space<vmem>> -> memref<16x128xf32, #tpu.memory_space<vmem>>
        %dma_wait3A_149 = arith.constant 16 : i32
        %dma_wait3A_150 = tpu.memref_slice %arg10[%dma_wait3A_149] : memref<80xi32, #tpu.memory_space<vmem>> -> memref<16xi32, #tpu.memory_space<vmem>>
        %dma_wait3A_151 = arith.constant 0 : i32
        %dma_wait3A_152 = arith.constant 0 : i32
        %dma_wait3A_153 = tpu.memref_slice %arg2[%dma_wait3A_151, %dma_wait3A_152] : memref<80000x128xf32, #tpu.memory_space<hbm>> -> memref<80000x128xf32, #tpu.memory_space<hbm>>
        tpu.wait_indirect_dma semaphore(%arg16 : memref<!tpu.dma_semaphore, #tpu.memory_space<semaphore_mem>>) src(%dma_wait3A_153 : memref<80000x128xf32, #tpu.memory_space<hbm>>) dst(%dma_wait3A_148 : memref<16x128xf32, #tpu.memory_space<vmem>>)
        %dma_wait3A_154 = arith.constant 32 : i32
        %dma_wait3A_155 = arith.constant 0 : i32
        %dma_wait3A_156 = tpu.memref_slice %arg14[%dma_wait3A_154, %dma_wait3A_155] : memref<80x128xf32, #tpu.memory_space<vmem>> -> memref<16x128xf32, #tpu.memory_space<vmem>>
        %dma_wait3A_157 = arith.constant 32 : i32
        %dma_wait3A_158 = tpu.memref_slice %arg10[%dma_wait3A_157] : memref<80xi32, #tpu.memory_space<vmem>> -> memref<16xi32, #tpu.memory_space<vmem>>
        %dma_wait3A_159 = arith.constant 0 : i32
        %dma_wait3A_160 = arith.constant 0 : i32
        %dma_wait3A_161 = tpu.memref_slice %arg2[%dma_wait3A_159, %dma_wait3A_160] : memref<80000x128xf32, #tpu.memory_space<hbm>> -> memref<80000x128xf32, #tpu.memory_space<hbm>>
        tpu.wait_indirect_dma semaphore(%arg16 : memref<!tpu.dma_semaphore, #tpu.memory_space<semaphore_mem>>) src(%dma_wait3A_161 : memref<80000x128xf32, #tpu.memory_space<hbm>>) dst(%dma_wait3A_156 : memref<16x128xf32, #tpu.memory_space<vmem>>)
        %dma_wait3A_162 = arith.constant 48 : i32
        %dma_wait3A_163 = arith.constant 0 : i32
        %dma_wait3A_164 = tpu.memref_slice %arg14[%dma_wait3A_162, %dma_wait3A_163] : memref<80x128xf32, #tpu.memory_space<vmem>> -> memref<16x128xf32, #tpu.memory_space<vmem>>
        %dma_wait3A_165 = arith.constant 48 : i32
        %dma_wait3A_166 = tpu.memref_slice %arg10[%dma_wait3A_165] : memref<80xi32, #tpu.memory_space<vmem>> -> memref<16xi32, #tpu.memory_space<vmem>>
        %dma_wait3A_167 = arith.constant 0 : i32
        %dma_wait3A_168 = arith.constant 0 : i32
        %dma_wait3A_169 = tpu.memref_slice %arg2[%dma_wait3A_167, %dma_wait3A_168] : memref<80000x128xf32, #tpu.memory_space<hbm>> -> memref<80000x128xf32, #tpu.memory_space<hbm>>
        tpu.wait_indirect_dma semaphore(%arg16 : memref<!tpu.dma_semaphore, #tpu.memory_space<semaphore_mem>>) src(%dma_wait3A_169 : memref<80000x128xf32, #tpu.memory_space<hbm>>) dst(%dma_wait3A_164 : memref<16x128xf32, #tpu.memory_space<vmem>>)
        %dma_wait3A_170 = arith.constant 64 : i32
        %dma_wait3A_171 = arith.constant 0 : i32
        %dma_wait3A_172 = tpu.memref_slice %arg14[%dma_wait3A_170, %dma_wait3A_171] : memref<80x128xf32, #tpu.memory_space<vmem>> -> memref<16x128xf32, #tpu.memory_space<vmem>>
        %dma_wait3A_173 = arith.constant 64 : i32
        %dma_wait3A_174 = tpu.memref_slice %arg10[%dma_wait3A_173] : memref<80xi32, #tpu.memory_space<vmem>> -> memref<16xi32, #tpu.memory_space<vmem>>
        %dma_wait3A_175 = arith.constant 0 : i32
        %dma_wait3A_176 = arith.constant 0 : i32
        %dma_wait3A_177 = tpu.memref_slice %arg2[%dma_wait3A_175, %dma_wait3A_176] : memref<80000x128xf32, #tpu.memory_space<hbm>> -> memref<80000x128xf32, #tpu.memory_space<hbm>>
        tpu.wait_indirect_dma semaphore(%arg16 : memref<!tpu.dma_semaphore, #tpu.memory_space<semaphore_mem>>) src(%dma_wait3A_177 : memref<80000x128xf32, #tpu.memory_space<hbm>>) dst(%dma_wait3A_172 : memref<16x128xf32, #tpu.memory_space<vmem>>)
        %scan3A_178 = arith.constant 0 : i32
        %scan3A_179 = arith.constant 0 : i32
        %scan3A_180 = arith.constant 80 : i32
        %scan3A_181 = arith.addi %scan3A_179, %scan3A_180 : i32
        %scan3A_182 = arith.constant 2 : i32
        scf.for %scan3A_184 = %scan3A_179 to %scan3A_181 step %scan3A_182  : i32 {
          %broadcast_in_dim3A_185 = vector.broadcast %scan3A_184 : i32 to vector<16xi32>
          %gather3A_186 = tpu.vector_load_idx %arg13[%broadcast_in_dim3A_185] : memref<80xf32, #tpu.memory_space<vmem>>[vector<16xi32>], vector<16xf32>,
          %broadcast_in_dim3A_187 = vector.broadcast %scan3A_184 : i32 to vector<16xi32>
          %gather3A_188 = tpu.vector_load_idx %arg11[%broadcast_in_dim3A_187] : memref<96xi32, #tpu.memory_space<vmem>>[vector<16xi32>], vector<16xi32>,
          %mul3A_189 = arith.constant 128 : i32
          %mul3A_190 = vector.broadcast %mul3A_189 : i32 to vector<16xi32>
          %mul3A_191 = arith.muli %gather3A_188, %mul3A_190 : vector<16xi32>
          %add3A_192 = arith.addi %mul3A_191, %iota3A : vector<16xi32>
          %add3A_193 = arith.constant 0 : i32
          %add3A_194 = vector.broadcast %add3A_193 : i32 to vector<16xi32>
          %add3A_195 = arith.addi %add3A_192, %add3A_194 : vector<16xi32>
          %get3A_196 = arith.index_cast %scan3A_184 : i32 to index
          %get3A_197 = arith.constant 0 : index
          %get3A_198 = tpu.vector_load %arg14[%get3A_196, %get3A_197] {strides = array<i32>} : memref<80x128xf32, #tpu.memory_space<vmem>>, vector<16xf32>,
          %mul3A_199 = arith.mulf %get3A_198, %gather3A_186 : vector<16xf32>
          tpu.vector_store_idx %arg8[%add3A_195], %mul3A_199 {add = true} : memref<40960xf32, #tpu.memory_space<vmem>>[vector<16xi32>], vector<16xf32>,
          %add3A_200 = arith.constant 16 : i32
          %add3A_201 = vector.broadcast %add3A_200 : i32 to vector<16xi32>
          %add3A_202 = arith.addi %add3A_192, %add3A_201 : vector<16xi32>
          %get3A_203 = arith.index_cast %scan3A_184 : i32 to index
          %get3A_204 = arith.constant 16 : index
          %get3A_205 = tpu.vector_load %arg14[%get3A_203, %get3A_204] {strides = array<i32>} : memref<80x128xf32, #tpu.memory_space<vmem>>, vector<16xf32>,
          %mul3A_206 = arith.mulf %get3A_205, %gather3A_186 : vector<16xf32>
          tpu.vector_store_idx %arg8[%add3A_202], %mul3A_206 {add = true} : memref<40960xf32, #tpu.memory_space<vmem>>[vector<16xi32>], vector<16xf32>,
          %add3A_207 = arith.constant 32 : i32
          %add3A_208 = vector.broadcast %add3A_207 : i32 to vector<16xi32>
          %add3A_209 = arith.addi %add3A_192, %add3A_208 : vector<16xi32>
          %get3A_210 = arith.index_cast %scan3A_184 : i32 to index
          %get3A_211 = arith.constant 32 : index
          %get3A_212 = tpu.vector_load %arg14[%get3A_210, %get3A_211] {strides = array<i32>} : memref<80x128xf32, #tpu.memory_space<vmem>>, vector<16xf32>,
          %mul3A_213 = arith.mulf %get3A_212, %gather3A_186 : vector<16xf32>
          tpu.vector_store_idx %arg8[%add3A_209], %mul3A_213 {add = true} : memref<40960xf32, #tpu.memory_space<vmem>>[vector<16xi32>], vector<16xf32>,
          %add3A_214 = arith.constant 48 : i32
          %add3A_215 = vector.broadcast %add3A_214 : i32 to vector<16xi32>
          %add3A_216 = arith.addi %add3A_192, %add3A_215 : vector<16xi32>
          %get3A_217 = arith.index_cast %scan3A_184 : i32 to index
          %get3A_218 = arith.constant 48 : index
          %get3A_219 = tpu.vector_load %arg14[%get3A_217, %get3A_218] {strides = array<i32>} : memref<80x128xf32, #tpu.memory_space<vmem>>, vector<16xf32>,
          %mul3A_220 = arith.mulf %get3A_219, %gather3A_186 : vector<16xf32>
          tpu.vector_store_idx %arg8[%add3A_216], %mul3A_220 {add = true} : memref<40960xf32, #tpu.memory_space<vmem>>[vector<16xi32>], vector<16xf32>,
          %add3A_221 = arith.constant 64 : i32
          %add3A_222 = vector.broadcast %add3A_221 : i32 to vector<16xi32>
          %add3A_223 = arith.addi %add3A_192, %add3A_222 : vector<16xi32>
          %get3A_224 = arith.index_cast %scan3A_184 : i32 to index
          %get3A_225 = arith.constant 64 : index
          %get3A_226 = tpu.vector_load %arg14[%get3A_224, %get3A_225] {strides = array<i32>} : memref<80x128xf32, #tpu.memory_space<vmem>>, vector<16xf32>,
          %mul3A_227 = arith.mulf %get3A_226, %gather3A_186 : vector<16xf32>
          tpu.vector_store_idx %arg8[%add3A_223], %mul3A_227 {add = true} : memref<40960xf32, #tpu.memory_space<vmem>>[vector<16xi32>], vector<16xf32>,
          %add3A_228 = arith.constant 80 : i32
          %add3A_229 = vector.broadcast %add3A_228 : i32 to vector<16xi32>
          %add3A_230 = arith.addi %add3A_192, %add3A_229 : vector<16xi32>
          %get3A_231 = arith.index_cast %scan3A_184 : i32 to index
          %get3A_232 = arith.constant 80 : index
          %get3A_233 = tpu.vector_load %arg14[%get3A_231, %get3A_232] {strides = array<i32>} : memref<80x128xf32, #tpu.memory_space<vmem>>, vector<16xf32>,
          %mul3A_234 = arith.mulf %get3A_233, %gather3A_186 : vector<16xf32>
          tpu.vector_store_idx %arg8[%add3A_230], %mul3A_234 {add = true} : memref<40960xf32, #tpu.memory_space<vmem>>[vector<16xi32>], vector<16xf32>,
          %add3A_235 = arith.constant 96 : i32
          %add3A_236 = vector.broadcast %add3A_235 : i32 to vector<16xi32>
          %add3A_237 = arith.addi %add3A_192, %add3A_236 : vector<16xi32>
          %get3A_238 = arith.index_cast %scan3A_184 : i32 to index
          %get3A_239 = arith.constant 96 : index
          %get3A_240 = tpu.vector_load %arg14[%get3A_238, %get3A_239] {strides = array<i32>} : memref<80x128xf32, #tpu.memory_space<vmem>>, vector<16xf32>,
          %mul3A_241 = arith.mulf %get3A_240, %gather3A_186 : vector<16xf32>
          tpu.vector_store_idx %arg8[%add3A_237], %mul3A_241 {add = true} : memref<40960xf32, #tpu.memory_space<vmem>>[vector<16xi32>], vector<16xf32>,
          %add3A_242 = arith.constant 112 : i32
          %add3A_243 = vector.broadcast %add3A_242 : i32 to vector<16xi32>
          %add3A_244 = arith.addi %add3A_192, %add3A_243 : vector<16xi32>
          %get3A_245 = arith.index_cast %scan3A_184 : i32 to index
          %get3A_246 = arith.constant 112 : index
          %get3A_247 = tpu.vector_load %arg14[%get3A_245, %get3A_246] {strides = array<i32>} : memref<80x128xf32, #tpu.memory_space<vmem>>, vector<16xf32>,
          %mul3A_248 = arith.mulf %get3A_247, %gather3A_186 : vector<16xf32>
          tpu.vector_store_idx %arg8[%add3A_244], %mul3A_248 {add = true} : memref<40960xf32, #tpu.memory_space<vmem>>[vector<16xi32>], vector<16xf32>,
          %scan3A_249 = arith.constant 1 : i32
          %scan3A_250 = arith.addi %scan3A_184, %scan3A_249 : i32
          %broadcast_in_dim3A_251 = vector.broadcast %scan3A_250 : i32 to vector<16xi32>
          %gather3A_252 = tpu.vector_load_idx %arg13[%broadcast_in_dim3A_251] : memref<80xf32, #tpu.memory_space<vmem>>[vector<16xi32>], vector<16xf32>,
          %broadcast_in_dim3A_253 = vector.broadcast %scan3A_250 : i32 to vector<16xi32>
          %gather3A_254 = tpu.vector_load_idx %arg11[%broadcast_in_dim3A_253] : memref<96xi32, #tpu.memory_space<vmem>>[vector<16xi32>], vector<16xi32>,
          %mul3A_255 = arith.constant 128 : i32
          %mul3A_256 = vector.broadcast %mul3A_255 : i32 to vector<16xi32>
          %mul3A_257 = arith.muli %gather3A_254, %mul3A_256 : vector<16xi32>
          %add3A_258 = arith.addi %mul3A_257, %iota3A : vector<16xi32>
          %add3A_259 = arith.constant 0 : i32
          %add3A_260 = vector.broadcast %add3A_259 : i32 to vector<16xi32>
          %add3A_261 = arith.addi %add3A_258, %add3A_260 : vector<16xi32>
          %get3A_262 = arith.index_cast %scan3A_250 : i32 to index
          %get3A_263 = arith.constant 0 : index
          %get3A_264 = tpu.vector_load %arg14[%get3A_262, %get3A_263] {strides = array<i32>} : memref<80x128xf32, #tpu.memory_space<vmem>>, vector<16xf32>,
          %mul3A_265 = arith.mulf %get3A_264, %gather3A_252 : vector<16xf32>
          tpu.vector_store_idx %arg8[%add3A_261], %mul3A_265 {add = true} : memref<40960xf32, #tpu.memory_space<vmem>>[vector<16xi32>], vector<16xf32>,
          %add3A_266 = arith.constant 16 : i32
          %add3A_267 = vector.broadcast %add3A_266 : i32 to vector<16xi32>
          %add3A_268 = arith.addi %add3A_258, %add3A_267 : vector<16xi32>
          %get3A_269 = arith.index_cast %scan3A_250 : i32 to index
          %get3A_270 = arith.constant 16 : index
          %get3A_271 = tpu.vector_load %arg14[%get3A_269, %get3A_270] {strides = array<i32>} : memref<80x128xf32, #tpu.memory_space<vmem>>, vector<16xf32>,
          %mul3A_272 = arith.mulf %get3A_271, %gather3A_252 : vector<16xf32>
          tpu.vector_store_idx %arg8[%add3A_268], %mul3A_272 {add = true} : memref<40960xf32, #tpu.memory_space<vmem>>[vector<16xi32>], vector<16xf32>,
          %add3A_273 = arith.constant 32 : i32
          %add3A_274 = vector.broadcast %add3A_273 : i32 to vector<16xi32>
          %add3A_275 = arith.addi %add3A_258, %add3A_274 : vector<16xi32>
          %get3A_276 = arith.index_cast %scan3A_250 : i32 to index
          %get3A_277 = arith.constant 32 : index
          %get3A_278 = tpu.vector_load %arg14[%get3A_276, %get3A_277] {strides = array<i32>} : memref<80x128xf32, #tpu.memory_space<vmem>>, vector<16xf32>,
          %mul3A_279 = arith.mulf %get3A_278, %gather3A_252 : vector<16xf32>
          tpu.vector_store_idx %arg8[%add3A_275], %mul3A_279 {add = true} : memref<40960xf32, #tpu.memory_space<vmem>>[vector<16xi32>], vector<16xf32>,
          %add3A_280 = arith.constant 48 : i32
          %add3A_281 = vector.broadcast %add3A_280 : i32 to vector<16xi32>
          %add3A_282 = arith.addi %add3A_258, %add3A_281 : vector<16xi32>
          %get3A_283 = arith.index_cast %scan3A_250 : i32 to index
          %get3A_284 = arith.constant 48 : index
          %get3A_285 = tpu.vector_load %arg14[%get3A_283, %get3A_284] {strides = array<i32>} : memref<80x128xf32, #tpu.memory_space<vmem>>, vector<16xf32>,
          %mul3A_286 = arith.mulf %get3A_285, %gather3A_252 : vector<16xf32>
          tpu.vector_store_idx %arg8[%add3A_282], %mul3A_286 {add = true} : memref<40960xf32, #tpu.memory_space<vmem>>[vector<16xi32>], vector<16xf32>,
          %add3A_287 = arith.constant 64 : i32
          %add3A_288 = vector.broadcast %add3A_287 : i32 to vector<16xi32>
          %add3A_289 = arith.addi %add3A_258, %add3A_288 : vector<16xi32>
          %get3A_290 = arith.index_cast %scan3A_250 : i32 to index
          %get3A_291 = arith.constant 64 : index
          %get3A_292 = tpu.vector_load %arg14[%get3A_290, %get3A_291] {strides = array<i32>} : memref<80x128xf32, #tpu.memory_space<vmem>>, vector<16xf32>,
          %mul3A_293 = arith.mulf %get3A_292, %gather3A_252 : vector<16xf32>
          tpu.vector_store_idx %arg8[%add3A_289], %mul3A_293 {add = true} : memref<40960xf32, #tpu.memory_space<vmem>>[vector<16xi32>], vector<16xf32>,
          %add3A_294 = arith.constant 80 : i32
          %add3A_295 = vector.broadcast %add3A_294 : i32 to vector<16xi32>
          %add3A_296 = arith.addi %add3A_258, %add3A_295 : vector<16xi32>
          %get3A_297 = arith.index_cast %scan3A_250 : i32 to index
          %get3A_298 = arith.constant 80 : index
          %get3A_299 = tpu.vector_load %arg14[%get3A_297, %get3A_298] {strides = array<i32>} : memref<80x128xf32, #tpu.memory_space<vmem>>, vector<16xf32>,
          %mul3A_300 = arith.mulf %get3A_299, %gather3A_252 : vector<16xf32>
          tpu.vector_store_idx %arg8[%add3A_296], %mul3A_300 {add = true} : memref<40960xf32, #tpu.memory_space<vmem>>[vector<16xi32>], vector<16xf32>,
          %add3A_301 = arith.constant 96 : i32
          %add3A_302 = vector.broadcast %add3A_301 : i32 to vector<16xi32>
          %add3A_303 = arith.addi %add3A_258, %add3A_302 : vector<16xi32>
          %get3A_304 = arith.index_cast %scan3A_250 : i32 to index
          %get3A_305 = arith.constant 96 : index
          %get3A_306 = tpu.vector_load %arg14[%get3A_304, %get3A_305] {strides = array<i32>} : memref<80x128xf32, #tpu.memory_space<vmem>>, vector<16xf32>,
          %mul3A_307 = arith.mulf %get3A_306, %gather3A_252 : vector<16xf32>
          tpu.vector_store_idx %arg8[%add3A_303], %mul3A_307 {add = true} : memref<40960xf32, #tpu.memory_space<vmem>>[vector<16xi32>], vector<16xf32>,
          %add3A_308 = arith.constant 112 : i32
          %add3A_309 = vector.broadcast %add3A_308 : i32 to vector<16xi32>
          %add3A_310 = arith.addi %add3A_258, %add3A_309 : vector<16xi32>
          %get3A_311 = arith.index_cast %scan3A_250 : i32 to index
          %get3A_312 = arith.constant 112 : index
          %get3A_313 = tpu.vector_load %arg14[%get3A_311, %get3A_312] {strides = array<i32>} : memref<80x128xf32, #tpu.memory_space<vmem>>, vector<16xf32>,
          %mul3A_314 = arith.mulf %get3A_313, %gather3A_252 : vector<16xf32>
          tpu.vector_store_idx %arg8[%add3A_310], %mul3A_314 {add = true} : memref<40960xf32, #tpu.memory_space<vmem>>[vector<16xi32>], vector<16xf32>,
        }
        %scan3A_183 = arith.constant 80 : i32
      }
    }
    %scan3A_18 = arith.constant 32 : i32
    %mul3A_19 = arith.constant 320 : i32
    %mul3A_20 = arith.muli %add3A, %mul3A_19 : i32
    %mul3A_21 = arith.constant 128 : i32
    %mul3A_22 = arith.muli %mul3A_20, %mul3A_21 : i32
    "tpu.region"() ({
      %run_scoped3A = tpu.sem_alloc : memref<!tpu.dma_semaphore, #tpu.memory_space<semaphore_mem>>
      %dma_start3A = tpu.memref_slice %arg7[%mul3A_22] : memref<1310720xf32, #tpu.memory_space<hbm>> -> memref<40960xf32, #tpu.memory_space<hbm>>
      %dma_start3A_23 = tpu.memref_slice %arg7[%mul3A_22] : memref<1310720xf32, #tpu.memory_space<hbm>> -> memref<40960xf32, #tpu.memory_space<hbm>>
      tpu.enqueue_dma source(%arg8 : memref<40960xf32, #tpu.memory_space<vmem>>) target(%dma_start3A_23 : memref<40960xf32, #tpu.memory_space<hbm>>) target_semaphore(%run_scoped3A : memref<!tpu.dma_semaphore, #tpu.memory_space<semaphore_mem>>)
      %dma_wait3A = tpu.memref_slice %arg7[%mul3A_22] : memref<1310720xf32, #tpu.memory_space<hbm>> -> memref<40960xf32, #tpu.memory_space<hbm>>
      %dma_wait3A_24 = tpu.memref_slice %arg7[%mul3A_22] : memref<1310720xf32, #tpu.memory_space<hbm>> -> memref<40960xf32, #tpu.memory_space<hbm>>
      tpu.wait_dma2 semaphore(%run_scoped3A : memref<!tpu.dma_semaphore, #tpu.memory_space<semaphore_mem>>) src(%arg8 : memref<40960xf32, #tpu.memory_space<vmem>>) dst(%dma_wait3A_24 : memref<40960xf32, #tpu.memory_space<hbm>>)
      tpu.yield
    }) : () -> ()
    return
  }
}

#map = affine_map<(d0, d1) -> (0, 0)>
#map1 = affine_map<(d0, d1) -> (0)>
module attributes {stable_mosaic.version = 14 : i64} {
  func.func @body(%arg0: i32, %arg1: i32, %arg2: memref<80000x128xf32, #tpu.memory_space<hbm>>, %arg3: memref<328080xi32, #tpu.memory_space<hbm>>, %arg4: memref<328080xi32, #tpu.memory_space<hbm>>, %arg5: memref<328080xi32, #tpu.memory_space<hbm>>, %arg6: memref<1024xi32, #tpu.memory_space<hbm>>, %arg7: memref<1310720xf32, #tpu.memory_space<hbm>>, %arg8: memref<40960xf32, #tpu.memory_space<vmem>>, %arg9: memref<1040xi32, #tpu.memory_space<vmem>>, %arg10: memref<80xi32, #tpu.memory_space<vmem>>, %arg11: memref<96xi32, #tpu.memory_space<vmem>>, %arg12: memref<80xi32, #tpu.memory_space<vmem>>, %arg13: memref<80xf32, #tpu.memory_space<vmem>>, %arg14: memref<80x128xf32, #tpu.memory_space<vmem>>, %arg15: memref<32xi32, #tpu.memory_space<smem>>, %arg16: memref<!tpu.dma_semaphore, #tpu.memory_space<semaphore_mem>>, %arg17: memref<!tpu.dma_semaphore, #tpu.memory_space<semaphore_mem>>) attributes {dimension_semantics = [#tpu.dimension_semantics<core_parallel>, #tpu.dimension_semantics<subcore_parallel>], iteration_bounds = array<i64: 2, 16>, scalar_prefetch = 0 : i64, scratch_operands = 10 : i64, tpu.core_type = #tpu.core_type<sc_vector_subcore>, window_params = [{transform_indices = #map}, {transform_indices = #map1}, {transform_indices = #map1}, {transform_indices = #map1}, {transform_indices = #map1}, {transform_indices = #map1}]} {
    %mul3A = arith.constant 2 : i32
    %mul3A_0 = arith.muli %arg1, %mul3A : i32
    %add3A = arith.addi %mul3A_0, %arg0 : i32
    %broadcast_in_dim3A = arith.constant 0.000000e+00 : f32
    %broadcast_in_dim3A_1 = vector.broadcast %broadcast_in_dim3A : f32 to vector<16xf32>
    %iota3A = tpu.iota {dimensions = array<i32: 0>} : vector<16xi32>
    %scan3A = arith.constant 0 : i32
    %scan3A_2 = arith.constant 0 : i32
    %scan3A_3 = arith.constant 2560 : i32
    %scan3A_4 = arith.addi %scan3A_2, %scan3A_3 : i32
    %scan3A_5 = arith.constant 1 : i32
    scf.for %scan3A_23 = %scan3A_2 to %scan3A_4 step %scan3A_5  : i32 {
      %mul3A_24 = arith.constant 16 : i32
      %mul3A_25 = arith.muli %scan3A_23, %mul3A_24 : i32
      %swap3A = arith.index_cast %mul3A_25 : i32 to index
      %swap3A_26 = tpu.vector_load %arg8[%swap3A] {strides = array<i32>} : memref<40960xf32, #tpu.memory_space<vmem>>, vector<16xf32>,
      tpu.vector_store %arg8[%swap3A], %broadcast_in_dim3A_1 {strides = array<i32>} : memref<40960xf32, #tpu.memory_space<vmem>>, vector<16xf32>,
    }
    %scan3A_6 = arith.constant 2560 : i32
    "tpu.region"() ({
      %run_scoped3A = tpu.sem_alloc : memref<!tpu.dma_semaphore, #tpu.memory_space<semaphore_mem>>
      %dma_start3A = arith.constant 0 : i32
      %dma_start3A_23 = tpu.memref_slice %arg9[%dma_start3A] : memref<1040xi32, #tpu.memory_space<vmem>> -> memref<1024xi32, #tpu.memory_space<vmem>>
      %dma_start3A_24 = arith.constant 0 : i32
      %dma_start3A_25 = tpu.memref_slice %arg9[%dma_start3A_24] : memref<1040xi32, #tpu.memory_space<vmem>> -> memref<1024xi32, #tpu.memory_space<vmem>>
      tpu.enqueue_dma source(%arg6 : memref<1024xi32, #tpu.memory_space<hbm>>) target(%dma_start3A_25 : memref<1024xi32, #tpu.memory_space<vmem>>) target_semaphore(%run_scoped3A : memref<!tpu.dma_semaphore, #tpu.memory_space<semaphore_mem>>)
      %dma_wait3A = arith.constant 0 : i32
      %dma_wait3A_26 = tpu.memref_slice %arg9[%dma_wait3A] : memref<1040xi32, #tpu.memory_space<vmem>> -> memref<1024xi32, #tpu.memory_space<vmem>>
      %dma_wait3A_27 = arith.constant 0 : i32
      %dma_wait3A_28 = tpu.memref_slice %arg9[%dma_wait3A_27] : memref<1040xi32, #tpu.memory_space<vmem>> -> memref<1024xi32, #tpu.memory_space<vmem>>
      tpu.wait_dma2 semaphore(%run_scoped3A : memref<!tpu.dma_semaphore, #tpu.memory_space<semaphore_mem>>) src(%arg6 : memref<1024xi32, #tpu.memory_space<hbm>>) dst(%dma_wait3A_28 : memref<1024xi32, #tpu.memory_space<vmem>>)
      tpu.yield
    }) : () -> ()
    %scan3A_7 = arith.constant 0 : i32
    %scan3A_8 = arith.constant 0 : i32
    %scan3A_9 = arith.constant 32 : i32
    %scan3A_10 = arith.addi %scan3A_8, %scan3A_9 : i32
    %scan3A_11 = arith.constant 1 : i32
    scf.for %scan3A_23 = %scan3A_8 to %scan3A_10 step %scan3A_11  : i32 {
      %scan3A_24 = arith.constant 0 : i32
      %scan3A_25 = arith.constant 0 : i32
      %scan3A_26 = arith.constant 32 : i32
      %scan3A_27 = arith.addi %scan3A_25, %scan3A_26 : i32
      %scan3A_28 = arith.constant 1 : i32
      %scan3A_29 = scf.for %scan3A_32 = %scan3A_25 to %scan3A_27 step %scan3A_28 iter_args(%scan3A_33 = %scan3A_24) -> (i32)  : i32 {
        %mul3A_34 = arith.constant 32 : i32
        %mul3A_35 = arith.muli %scan3A_23, %mul3A_34 : i32
        %add3A_36 = arith.addi %mul3A_35, %scan3A_32 : i32
        %broadcast_in_dim3A_37 = vector.broadcast %add3A_36 : i32 to vector<16xi32>
        %gather3A = tpu.vector_load_idx %arg9[%broadcast_in_dim3A_37] : memref<1040xi32, #tpu.memory_space<vmem>>[vector<16xi32>], vector<16xi32>,
        %slice3A = vector.extract_strided_slice %gather3A {offsets = [0], sizes = [1], strides = [1]} : vector<16xi32> to vector<1xi32>
        %squeeze3A = vector.extract %slice3A[0] : i32 from vector<1xi32>
        %add3A_38 = arith.constant 7 : i32
        %add3A_39 = arith.addi %squeeze3A, %add3A_38 : i32
        %jit3A = arith.constant 8 : i32
        %div3A = arith.divsi %add3A_39, %jit3A : i32
        %sign3A = arith.constant 0 : i32
        %sign3A_40 = arith.cmpi sgt, %add3A_39, %sign3A : i32
        %sign3A_41 = arith.extui %sign3A_40 : i1 to i32
        %sign3A_42 = arith.constant 0 : i32
        %sign3A_43 = arith.cmpi slt, %add3A_39, %sign3A_42 : i32
        %sign3A_44 = arith.extui %sign3A_43 : i1 to i32
        %sign3A_45 = arith.subi %sign3A_41, %sign3A_44 : i32
        %sign3A_46 = arith.constant 0 : i32
        %sign3A_47 = arith.cmpi sgt, %jit3A, %sign3A_46 : i32
        %sign3A_48 = arith.extui %sign3A_47 : i1 to i32
        %sign3A_49 = arith.constant 0 : i32
        %sign3A_50 = arith.cmpi slt, %jit3A, %sign3A_49 : i32
        %sign3A_51 = arith.extui %sign3A_50 : i1 to i32
        %sign3A_52 = arith.subi %sign3A_48, %sign3A_51 : i32
        %ne3A = arith.cmpi ne, %sign3A_45, %sign3A_52 : i32
        %rem3A = arith.remsi %add3A_39, %jit3A : i32
        %ne3A_53 = arith.constant 0 : i32
        %ne3A_54 = arith.cmpi ne, %rem3A, %ne3A_53 : i32
        %and3A = arith.andi %ne3A, %ne3A_54 : i1
        %sub3A = arith.constant 1 : i32
        %sub3A_55 = arith.subi %div3A, %sub3A : i32
        %select_n3A = arith.select %and3A, %sub3A_55, %div3A : i32
        %mul3A_56 = arith.constant 8 : i32
        %mul3A_57 = arith.muli %select_n3A, %mul3A_56 : i32
        %lt3A = arith.cmpi slt, %scan3A_32, %add3A : i32
        %jit3A_58 = arith.constant 0 : i32
        %select_n3A_59 = arith.select %lt3A, %mul3A_57, %jit3A_58 : i32
        %add3A_60 = arith.addi %scan3A_33, %select_n3A_59 : i32
        scf.yield %add3A_60 : i32
      }
      %scan3A_30 = arith.constant 32 : i32
      %swap3A = arith.index_cast %scan3A_23 : i32 to index
      %swap3A_31 = memref.load %arg15[%swap3A] : memref<32xi32, #tpu.memory_space<smem>>
      memref.store %scan3A_29, %arg15[%swap3A] : memref<32xi32, #tpu.memory_space<smem>>
    }
    %scan3A_12 = arith.constant 32 : i32
    %scan3A_13 = arith.constant 0 : i32
    %scan3A_14 = arith.constant 0 : i32
    %scan3A_15 = arith.constant 32 : i32
    %scan3A_16 = arith.addi %scan3A_14, %scan3A_15 : i32
    %scan3A_17 = arith.constant 1 : i32
    scf.for %scan3A_23 = %scan3A_14 to %scan3A_16 step %scan3A_17  : i32 {
      %mul3A_24 = arith.constant 32 : i32
      %mul3A_25 = arith.muli %scan3A_23, %mul3A_24 : i32
      %add3A_26 = arith.addi %mul3A_25, %add3A : i32
      %broadcast_in_dim3A_27 = vector.broadcast %add3A_26 : i32 to vector<16xi32>
      %gather3A = tpu.vector_load_idx %arg9[%broadcast_in_dim3A_27] : memref<1040xi32, #tpu.memory_space<vmem>>[vector<16xi32>], vector<16xi32>,
      %slice3A = vector.extract_strided_slice %gather3A {offsets = [0], sizes = [1], strides = [1]} : vector<16xi32> to vector<1xi32>
      %squeeze3A = vector.extract %slice3A[0] : i32 from vector<1xi32>
      %mul3A_28 = arith.constant 10240 : i32
      %mul3A_29 = arith.muli %scan3A_23, %mul3A_28 : i32
      %get3A = arith.index_cast %scan3A_23 : i32 to index
      %get3A_30 = memref.load %arg15[%get3A] : memref<32xi32, #tpu.memory_space<smem>>
      %add3A_31 = arith.addi %mul3A_29, %get3A_30 : i32
      %multiple_of3A = tpu.assume_multiple %add3A_31, 8 : i32
      %add3A_32 = arith.constant 80 : i32
      %add3A_33 = arith.addi %squeeze3A, %add3A_32 : i32
      %sub3A = arith.constant 1 : i32
      %sub3A_34 = arith.subi %add3A_33, %sub3A : i32
      %jit3A = arith.constant 80 : i32
      %div3A = arith.divsi %sub3A_34, %jit3A : i32
      %sign3A = arith.constant 0 : i32
      %sign3A_35 = arith.cmpi sgt, %sub3A_34, %sign3A : i32
      %sign3A_36 = arith.extui %sign3A_35 : i1 to i32
      %sign3A_37 = arith.constant 0 : i32
      %sign3A_38 = arith.cmpi slt, %sub3A_34, %sign3A_37 : i32
      %sign3A_39 = arith.extui %sign3A_38 : i1 to i32
      %sign3A_40 = arith.subi %sign3A_36, %sign3A_39 : i32
      %sign3A_41 = arith.constant 0 : i32
      %sign3A_42 = arith.cmpi sgt, %jit3A, %sign3A_41 : i32
      %sign3A_43 = arith.extui %sign3A_42 : i1 to i32
      %sign3A_44 = arith.constant 0 : i32
      %sign3A_45 = arith.cmpi slt, %jit3A, %sign3A_44 : i32
      %sign3A_46 = arith.extui %sign3A_45 : i1 to i32
      %sign3A_47 = arith.subi %sign3A_43, %sign3A_46 : i32
      %ne3A = arith.cmpi ne, %sign3A_40, %sign3A_47 : i32
      %rem3A = arith.remsi %sub3A_34, %jit3A : i32
      %ne3A_48 = arith.constant 0 : i32
      %ne3A_49 = arith.cmpi ne, %rem3A, %ne3A_48 : i32
      %and3A = arith.andi %ne3A, %ne3A_49 : i1
      %sub3A_50 = arith.constant 1 : i32
      %sub3A_51 = arith.subi %div3A, %sub3A_50 : i32
      %select_n3A = arith.select %and3A, %sub3A_51, %div3A : i32
      %while3A = arith.constant 0 : i32
      %while3A_52 = arith.constant 0 : i32
      %while3A_53 = arith.subi %select_n3A, %while3A_52 : i32
      %while3A_54 = arith.addi %while3A_52, %while3A_53 : i32
      %while3A_55 = arith.constant 1 : i32
      %while3A_56 = arith.divsi %while3A_53, %while3A_55 : i32
      %while3A_57 = arith.muli %while3A_56, %while3A_55 : i32
      %while3A_58 = arith.addi %while3A_52, %while3A_57 : i32
      %while3A_59 = arith.constant 1 : i32
      scf.for %while3A_61 = %while3A_52 to %while3A_58 step %while3A_59  : i32 {
        %mul3A_62 = arith.constant 80 : i32
        %mul3A_63 = arith.muli %while3A_61, %mul3A_62 : i32
        %add3A_64 = arith.addi %multiple_of3A, %mul3A_63 : i32
        %mul3A_65 = arith.constant 80 : i32
        %mul3A_66 = arith.muli %while3A_61, %mul3A_65 : i32
        %add3A_67 = arith.addi %multiple_of3A, %mul3A_66 : i32
        %mul3A_68 = arith.constant 80 : i32
        %mul3A_69 = arith.muli %while3A_61, %mul3A_68 : i32
        %add3A_70 = arith.addi %multiple_of3A, %mul3A_69 : i32
        %dma_start3A = tpu.memref_slice %arg3[%add3A_64] : memref<328080xi32, #tpu.memory_space<hbm>> -> memref<80xi32, #tpu.memory_space<hbm>>
        %dma_start3A_71 = tpu.memref_slice %arg3[%add3A_64] : memref<328080xi32, #tpu.memory_space<hbm>> -> memref<80xi32, #tpu.memory_space<hbm>>
        tpu.enqueue_dma source(%dma_start3A_71 : memref<80xi32, #tpu.memory_space<hbm>>) target(%arg10 : memref<80xi32, #tpu.memory_space<vmem>>) target_semaphore(%arg17 : memref<!tpu.dma_semaphore, #tpu.memory_space<semaphore_mem>>)
        %dma_start3A_72 = arith.constant 0 : i32
        %dma_start3A_73 = tpu.memref_slice %arg11[%dma_start3A_72] : memref<96xi32, #tpu.memory_space<vmem>> -> memref<80xi32, #tpu.memory_space<vmem>>
        %dma_start3A_74 = tpu.memref_slice %arg4[%add3A_67] : memref<328080xi32, #tpu.memory_space<hbm>> -> memref<80xi32, #tpu.memory_space<hbm>>
        %dma_start3A_75 = arith.constant 0 : i32
        %dma_start3A_76 = tpu.memref_slice %arg11[%dma_start3A_75] : memref<96xi32, #tpu.memory_space<vmem>> -> memref<80xi32, #tpu.memory_space<vmem>>
        %dma_start3A_77 = tpu.memref_slice %arg4[%add3A_67] : memref<328080xi32, #tpu.memory_space<hbm>> -> memref<80xi32, #tpu.memory_space<hbm>>
        tpu.enqueue_dma source(%dma_start3A_77 : memref<80xi32, #tpu.memory_space<hbm>>) target(%dma_start3A_76 : memref<80xi32, #tpu.memory_space<vmem>>) target_semaphore(%arg17 : memref<!tpu.dma_semaphore, #tpu.memory_space<semaphore_mem>>)
        %dma_start3A_78 = tpu.memref_slice %arg5[%add3A_70] : memref<328080xi32, #tpu.memory_space<hbm>> -> memref<80xi32, #tpu.memory_space<hbm>>
        %dma_start3A_79 = tpu.memref_slice %arg5[%add3A_70] : memref<328080xi32, #tpu.memory_space<hbm>> -> memref<80xi32, #tpu.memory_space<hbm>>
        tpu.enqueue_dma source(%dma_start3A_79 : memref<80xi32, #tpu.memory_space<hbm>>) target(%arg12 : memref<80xi32, #tpu.memory_space<vmem>>) target_semaphore(%arg17 : memref<!tpu.dma_semaphore, #tpu.memory_space<semaphore_mem>>)
        %dma_wait3A = tpu.memref_slice %arg3[%add3A_64] : memref<328080xi32, #tpu.memory_space<hbm>> -> memref<80xi32, #tpu.memory_space<hbm>>
        %dma_wait3A_80 = tpu.memref_slice %arg3[%add3A_64] : memref<328080xi32, #tpu.memory_space<hbm>> -> memref<80xi32, #tpu.memory_space<hbm>>
        tpu.wait_dma2 semaphore(%arg17 : memref<!tpu.dma_semaphore, #tpu.memory_space<semaphore_mem>>) src(%dma_wait3A_80 : memref<80xi32, #tpu.memory_space<hbm>>) dst(%arg10 : memref<80xi32, #tpu.memory_space<vmem>>)
        %dma_wait3A_81 = arith.constant 0 : i32
        %dma_wait3A_82 = tpu.memref_slice %arg11[%dma_wait3A_81] : memref<96xi32, #tpu.memory_space<vmem>> -> memref<80xi32, #tpu.memory_space<vmem>>
        %dma_wait3A_83 = tpu.memref_slice %arg4[%add3A_67] : memref<328080xi32, #tpu.memory_space<hbm>> -> memref<80xi32, #tpu.memory_space<hbm>>
        %dma_wait3A_84 = arith.constant 0 : i32
        %dma_wait3A_85 = tpu.memref_slice %arg11[%dma_wait3A_84] : memref<96xi32, #tpu.memory_space<vmem>> -> memref<80xi32, #tpu.memory_space<vmem>>
        %dma_wait3A_86 = tpu.memref_slice %arg4[%add3A_67] : memref<328080xi32, #tpu.memory_space<hbm>> -> memref<80xi32, #tpu.memory_space<hbm>>
        tpu.wait_dma2 semaphore(%arg17 : memref<!tpu.dma_semaphore, #tpu.memory_space<semaphore_mem>>) src(%dma_wait3A_86 : memref<80xi32, #tpu.memory_space<hbm>>) dst(%dma_wait3A_85 : memref<80xi32, #tpu.memory_space<vmem>>)
        %dma_wait3A_87 = tpu.memref_slice %arg5[%add3A_70] : memref<328080xi32, #tpu.memory_space<hbm>> -> memref<80xi32, #tpu.memory_space<hbm>>
        %dma_wait3A_88 = tpu.memref_slice %arg5[%add3A_70] : memref<328080xi32, #tpu.memory_space<hbm>> -> memref<80xi32, #tpu.memory_space<hbm>>
        tpu.wait_dma2 semaphore(%arg17 : memref<!tpu.dma_semaphore, #tpu.memory_space<semaphore_mem>>) src(%dma_wait3A_88 : memref<80xi32, #tpu.memory_space<hbm>>) dst(%arg12 : memref<80xi32, #tpu.memory_space<vmem>>)
        %mul3A_89 = arith.constant 80 : i32
        %mul3A_90 = arith.muli %while3A_61, %mul3A_89 : i32
        %sub3A_91 = arith.subi %squeeze3A, %mul3A_90 : i32
        %scan3A_92 = arith.constant 0 : i32
        %scan3A_93 = arith.constant 0 : i32
        %scan3A_94 = arith.constant 5 : i32
        %scan3A_95 = arith.addi %scan3A_93, %scan3A_94 : i32
        %scan3A_96 = arith.constant 1 : i32
        scf.for %scan3A_184 = %scan3A_93 to %scan3A_95 step %scan3A_96  : i32 {
          %mul3A_185 = arith.constant 16 : i32
          %mul3A_186 = arith.muli %scan3A_184, %mul3A_185 : i32
          %mul3A_187 = arith.constant 16 : i32
          %mul3A_188 = arith.muli %scan3A_184, %mul3A_187 : i32
          %add3A_189 = vector.broadcast %mul3A_188 : i32 to vector<16xi32>
          %add3A_190 = arith.addi %add3A_189, %iota3A : vector<16xi32>
          %lt3A = vector.broadcast %sub3A_91 : i32 to vector<16xi32>
          %lt3A_191 = arith.cmpi slt, %add3A_190, %lt3A : vector<16xi32>
          %get3A_192 = arith.index_cast %mul3A_186 : i32 to index
          %get3A_193 = tpu.vector_load %arg10[%get3A_192] {strides = array<i32>} : memref<80xi32, #tpu.memory_space<vmem>>, vector<16xi32>,
          %jit3A_194 = arith.constant 0 : i32
          %broadcast_in_dim3A_195 = vector.broadcast %jit3A_194 : i32 to vector<16xi32>
          %select_n3A_196 = arith.select %lt3A_191, %get3A_193, %broadcast_in_dim3A_195 : vector<16xi1>, vector<16xi32>
          %swap3A = arith.index_cast %mul3A_186 : i32 to index
          %swap3A_197 = tpu.vector_load %arg10[%swap3A] {strides = array<i32>} : memref<80xi32, #tpu.memory_space<vmem>>, vector<16xi32>,
          tpu.vector_store %arg10[%swap3A], %select_n3A_196 {strides = array<i32>} : memref<80xi32, #tpu.memory_space<vmem>>, vector<16xi32>,
          %get3A_198 = arith.index_cast %mul3A_186 : i32 to index
          %get3A_199 = tpu.vector_load %arg11[%get3A_198] {strides = array<i32>} : memref<96xi32, #tpu.memory_space<vmem>>, vector<16xi32>,
          %jit3A_200 = arith.constant 0 : i32
          %broadcast_in_dim3A_201 = vector.broadcast %jit3A_200 : i32 to vector<16xi32>
          %select_n3A_202 = arith.select %lt3A_191, %get3A_199, %broadcast_in_dim3A_201 : vector<16xi1>, vector<16xi32>
          %swap3A_203 = arith.index_cast %mul3A_186 : i32 to index
          %swap3A_204 = tpu.vector_load %arg11[%swap3A_203] {strides = array<i32>} : memref<96xi32, #tpu.memory_space<vmem>>, vector<16xi32>,
          tpu.vector_store %arg11[%swap3A_203], %select_n3A_202 {strides = array<i32>} : memref<96xi32, #tpu.memory_space<vmem>>, vector<16xi32>,
          %get3A_205 = arith.index_cast %mul3A_186 : i32 to index
          %get3A_206 = tpu.vector_load %arg12[%get3A_205] {strides = array<i32>} : memref<80xi32, #tpu.memory_space<vmem>>, vector<16xi32>,
          %bitcast3A = vector.bitcast %get3A_206 : vector<16xi32> to vector<16xf32>
          %jit3A_207 = arith.constant 0.000000e+00 : f32
          %broadcast_in_dim3A_208 = vector.broadcast %jit3A_207 : f32 to vector<16xf32>
          %select_n3A_209 = arith.select %lt3A_191, %bitcast3A, %broadcast_in_dim3A_208 : vector<16xi1>, vector<16xf32>
          %swap3A_210 = arith.index_cast %mul3A_186 : i32 to index
          %swap3A_211 = tpu.vector_load %arg13[%swap3A_210] {strides = array<i32>} : memref<80xf32, #tpu.memory_space<vmem>>, vector<16xf32>,
          tpu.vector_store %arg13[%swap3A_210], %select_n3A_209 {strides = array<i32>} : memref<80xf32, #tpu.memory_space<vmem>>, vector<16xf32>,
        }
        %scan3A_97 = arith.constant 5 : i32
        %dma_start3A_98 = arith.constant 0 : i32
        %dma_start3A_99 = arith.constant 0 : i32
        %dma_start3A_100 = tpu.memref_slice %arg14[%dma_start3A_98, %dma_start3A_99] : memref<80x128xf32, #tpu.memory_space<vmem>> -> memref<16x128xf32, #tpu.memory_space<vmem>>
        %dma_start3A_101 = arith.constant 0 : i32
        %dma_start3A_102 = tpu.memref_slice %arg10[%dma_start3A_101] : memref<80xi32, #tpu.memory_space<vmem>> -> memref<16xi32, #tpu.memory_space<vmem>>
        %dma_start3A_103 = arith.constant 0 : i32
        %dma_start3A_104 = arith.constant 0 : i32
        %dma_start3A_105 = tpu.memref_slice %arg2[%dma_start3A_103, %dma_start3A_104] : memref<80000x128xf32, #tpu.memory_space<hbm>> -> memref<80000x128xf32, #tpu.memory_space<hbm>>
        tpu.enqueue_indirect_dma source(%dma_start3A_105 : memref<80000x128xf32, #tpu.memory_space<hbm>>) target(%dma_start3A_100 : memref<16x128xf32, #tpu.memory_space<vmem>>) offsets(%dma_start3A_102 : memref<16xi32, #tpu.memory_space<vmem>>) semaphore(%arg16 : memref<!tpu.dma_semaphore, #tpu.memory_space<semaphore_mem>>)
        %dma_start3A_106 = arith.constant 16 : i32
        %dma_start3A_107 = arith.constant 0 : i32
        %dma_start3A_108 = tpu.memref_slice %arg14[%dma_start3A_106, %dma_start3A_107] : memref<80x128xf32, #tpu.memory_space<vmem>> -> memref<16x128xf32, #tpu.memory_space<vmem>>
        %dma_start3A_109 = arith.constant 16 : i32
        %dma_start3A_110 = tpu.memref_slice %arg10[%dma_start3A_109] : memref<80xi32, #tpu.memory_space<vmem>> -> memref<16xi32, #tpu.memory_space<vmem>>
        %dma_start3A_111 = arith.constant 0 : i32
        %dma_start3A_112 = arith.constant 0 : i32
        %dma_start3A_113 = tpu.memref_slice %arg2[%dma_start3A_111, %dma_start3A_112] : memref<80000x128xf32, #tpu.memory_space<hbm>> -> memref<80000x128xf32, #tpu.memory_space<hbm>>
        tpu.enqueue_indirect_dma source(%dma_start3A_113 : memref<80000x128xf32, #tpu.memory_space<hbm>>) target(%dma_start3A_108 : memref<16x128xf32, #tpu.memory_space<vmem>>) offsets(%dma_start3A_110 : memref<16xi32, #tpu.memory_space<vmem>>) semaphore(%arg16 : memref<!tpu.dma_semaphore, #tpu.memory_space<semaphore_mem>>)
        %dma_start3A_114 = arith.constant 32 : i32
        %dma_start3A_115 = arith.constant 0 : i32
        %dma_start3A_116 = tpu.memref_slice %arg14[%dma_start3A_114, %dma_start3A_115] : memref<80x128xf32, #tpu.memory_space<vmem>> -> memref<16x128xf32, #tpu.memory_space<vmem>>
        %dma_start3A_117 = arith.constant 32 : i32
        %dma_start3A_118 = tpu.memref_slice %arg10[%dma_start3A_117] : memref<80xi32, #tpu.memory_space<vmem>> -> memref<16xi32, #tpu.memory_space<vmem>>
        %dma_start3A_119 = arith.constant 0 : i32
        %dma_start3A_120 = arith.constant 0 : i32
        %dma_start3A_121 = tpu.memref_slice %arg2[%dma_start3A_119, %dma_start3A_120] : memref<80000x128xf32, #tpu.memory_space<hbm>> -> memref<80000x128xf32, #tpu.memory_space<hbm>>
        tpu.enqueue_indirect_dma source(%dma_start3A_121 : memref<80000x128xf32, #tpu.memory_space<hbm>>) target(%dma_start3A_116 : memref<16x128xf32, #tpu.memory_space<vmem>>) offsets(%dma_start3A_118 : memref<16xi32, #tpu.memory_space<vmem>>) semaphore(%arg16 : memref<!tpu.dma_semaphore, #tpu.memory_space<semaphore_mem>>)
        %dma_start3A_122 = arith.constant 48 : i32
        %dma_start3A_123 = arith.constant 0 : i32
        %dma_start3A_124 = tpu.memref_slice %arg14[%dma_start3A_122, %dma_start3A_123] : memref<80x128xf32, #tpu.memory_space<vmem>> -> memref<16x128xf32, #tpu.memory_space<vmem>>
        %dma_start3A_125 = arith.constant 48 : i32
        %dma_start3A_126 = tpu.memref_slice %arg10[%dma_start3A_125] : memref<80xi32, #tpu.memory_space<vmem>> -> memref<16xi32, #tpu.memory_space<vmem>>
        %dma_start3A_127 = arith.constant 0 : i32
        %dma_start3A_128 = arith.constant 0 : i32
        %dma_start3A_129 = tpu.memref_slice %arg2[%dma_start3A_127, %dma_start3A_128] : memref<80000x128xf32, #tpu.memory_space<hbm>> -> memref<80000x128xf32, #tpu.memory_space<hbm>>
        tpu.enqueue_indirect_dma source(%dma_start3A_129 : memref<80000x128xf32, #tpu.memory_space<hbm>>) target(%dma_start3A_124 : memref<16x128xf32, #tpu.memory_space<vmem>>) offsets(%dma_start3A_126 : memref<16xi32, #tpu.memory_space<vmem>>) semaphore(%arg16 : memref<!tpu.dma_semaphore, #tpu.memory_space<semaphore_mem>>)
        %dma_start3A_130 = arith.constant 64 : i32
        %dma_start3A_131 = arith.constant 0 : i32
        %dma_start3A_132 = tpu.memref_slice %arg14[%dma_start3A_130, %dma_start3A_131] : memref<80x128xf32, #tpu.memory_space<vmem>> -> memref<16x128xf32, #tpu.memory_space<vmem>>
        %dma_start3A_133 = arith.constant 64 : i32
        %dma_start3A_134 = tpu.memref_slice %arg10[%dma_start3A_133] : memref<80xi32, #tpu.memory_space<vmem>> -> memref<16xi32, #tpu.memory_space<vmem>>
        %dma_start3A_135 = arith.constant 0 : i32
        %dma_start3A_136 = arith.constant 0 : i32
        %dma_start3A_137 = tpu.memref_slice %arg2[%dma_start3A_135, %dma_start3A_136] : memref<80000x128xf32, #tpu.memory_space<hbm>> -> memref<80000x128xf32, #tpu.memory_space<hbm>>
        tpu.enqueue_indirect_dma source(%dma_start3A_137 : memref<80000x128xf32, #tpu.memory_space<hbm>>) target(%dma_start3A_132 : memref<16x128xf32, #tpu.memory_space<vmem>>) offsets(%dma_start3A_134 : memref<16xi32, #tpu.memory_space<vmem>>) semaphore(%arg16 : memref<!tpu.dma_semaphore, #tpu.memory_space<semaphore_mem>>)
        %dma_wait3A_138 = arith.constant 0 : i32
        %dma_wait3A_139 = arith.constant 0 : i32
        %dma_wait3A_140 = tpu.memref_slice %arg14[%dma_wait3A_138, %dma_wait3A_139] : memref<80x128xf32, #tpu.memory_space<vmem>> -> memref<16x128xf32, #tpu.memory_space<vmem>>
        %dma_wait3A_141 = arith.constant 0 : i32
        %dma_wait3A_142 = tpu.memref_slice %arg10[%dma_wait3A_141] : memref<80xi32, #tpu.memory_space<vmem>> -> memref<16xi32, #tpu.memory_space<vmem>>
        %dma_wait3A_143 = arith.constant 0 : i32
        %dma_wait3A_144 = arith.constant 0 : i32
        %dma_wait3A_145 = tpu.memref_slice %arg2[%dma_wait3A_143, %dma_wait3A_144] : memref<80000x128xf32, #tpu.memory_space<hbm>> -> memref<80000x128xf32, #tpu.memory_space<hbm>>
        tpu.wait_indirect_dma semaphore(%arg16 : memref<!tpu.dma_semaphore, #tpu.memory_space<semaphore_mem>>) src(%dma_wait3A_145 : memref<80000x128xf32, #tpu.memory_space<hbm>>) dst(%dma_wait3A_140 : memref<16x128xf32, #tpu.memory_space<vmem>>)
        %dma_wait3A_146 = arith.constant 16 : i32
        %dma_wait3A_147 = arith.constant 0 : i32
        %dma_wait3A_148 = tpu.memref_slice %arg14[%dma_wait3A_146, %dma_wait3A_147] : memref<80x128xf32, #tpu.memory_space<vmem>> -> memref<16x128xf32, #tpu.memory_space<vmem>>
        %dma_wait3A_149 = arith.constant 16 : i32
        %dma_wait3A_150 = tpu.memref_slice %arg10[%dma_wait3A_149] : memref<80xi32, #tpu.memory_space<vmem>> -> memref<16xi32, #tpu.memory_space<vmem>>
        %dma_wait3A_151 = arith.constant 0 : i32
        %dma_wait3A_152 = arith.constant 0 : i32
        %dma_wait3A_153 = tpu.memref_slice %arg2[%dma_wait3A_151, %dma_wait3A_152] : memref<80000x128xf32, #tpu.memory_space<hbm>> -> memref<80000x128xf32, #tpu.memory_space<hbm>>
        tpu.wait_indirect_dma semaphore(%arg16 : memref<!tpu.dma_semaphore, #tpu.memory_space<semaphore_mem>>) src(%dma_wait3A_153 : memref<80000x128xf32, #tpu.memory_space<hbm>>) dst(%dma_wait3A_148 : memref<16x128xf32, #tpu.memory_space<vmem>>)
        %dma_wait3A_154 = arith.constant 32 : i32
        %dma_wait3A_155 = arith.constant 0 : i32
        %dma_wait3A_156 = tpu.memref_slice %arg14[%dma_wait3A_154, %dma_wait3A_155] : memref<80x128xf32, #tpu.memory_space<vmem>> -> memref<16x128xf32, #tpu.memory_space<vmem>>
        %dma_wait3A_157 = arith.constant 32 : i32
        %dma_wait3A_158 = tpu.memref_slice %arg10[%dma_wait3A_157] : memref<80xi32, #tpu.memory_space<vmem>> -> memref<16xi32, #tpu.memory_space<vmem>>
        %dma_wait3A_159 = arith.constant 0 : i32
        %dma_wait3A_160 = arith.constant 0 : i32
        %dma_wait3A_161 = tpu.memref_slice %arg2[%dma_wait3A_159, %dma_wait3A_160] : memref<80000x128xf32, #tpu.memory_space<hbm>> -> memref<80000x128xf32, #tpu.memory_space<hbm>>
        tpu.wait_indirect_dma semaphore(%arg16 : memref<!tpu.dma_semaphore, #tpu.memory_space<semaphore_mem>>) src(%dma_wait3A_161 : memref<80000x128xf32, #tpu.memory_space<hbm>>) dst(%dma_wait3A_156 : memref<16x128xf32, #tpu.memory_space<vmem>>)
        %dma_wait3A_162 = arith.constant 48 : i32
        %dma_wait3A_163 = arith.constant 0 : i32
        %dma_wait3A_164 = tpu.memref_slice %arg14[%dma_wait3A_162, %dma_wait3A_163] : memref<80x128xf32, #tpu.memory_space<vmem>> -> memref<16x128xf32, #tpu.memory_space<vmem>>
        %dma_wait3A_165 = arith.constant 48 : i32
        %dma_wait3A_166 = tpu.memref_slice %arg10[%dma_wait3A_165] : memref<80xi32, #tpu.memory_space<vmem>> -> memref<16xi32, #tpu.memory_space<vmem>>
        %dma_wait3A_167 = arith.constant 0 : i32
        %dma_wait3A_168 = arith.constant 0 : i32
        %dma_wait3A_169 = tpu.memref_slice %arg2[%dma_wait3A_167, %dma_wait3A_168] : memref<80000x128xf32, #tpu.memory_space<hbm>> -> memref<80000x128xf32, #tpu.memory_space<hbm>>
        tpu.wait_indirect_dma semaphore(%arg16 : memref<!tpu.dma_semaphore, #tpu.memory_space<semaphore_mem>>) src(%dma_wait3A_169 : memref<80000x128xf32, #tpu.memory_space<hbm>>) dst(%dma_wait3A_164 : memref<16x128xf32, #tpu.memory_space<vmem>>)
        %dma_wait3A_170 = arith.constant 64 : i32
        %dma_wait3A_171 = arith.constant 0 : i32
        %dma_wait3A_172 = tpu.memref_slice %arg14[%dma_wait3A_170, %dma_wait3A_171] : memref<80x128xf32, #tpu.memory_space<vmem>> -> memref<16x128xf32, #tpu.memory_space<vmem>>
        %dma_wait3A_173 = arith.constant 64 : i32
        %dma_wait3A_174 = tpu.memref_slice %arg10[%dma_wait3A_173] : memref<80xi32, #tpu.memory_space<vmem>> -> memref<16xi32, #tpu.memory_space<vmem>>
        %dma_wait3A_175 = arith.constant 0 : i32
        %dma_wait3A_176 = arith.constant 0 : i32
        %dma_wait3A_177 = tpu.memref_slice %arg2[%dma_wait3A_175, %dma_wait3A_176] : memref<80000x128xf32, #tpu.memory_space<hbm>> -> memref<80000x128xf32, #tpu.memory_space<hbm>>
        tpu.wait_indirect_dma semaphore(%arg16 : memref<!tpu.dma_semaphore, #tpu.memory_space<semaphore_mem>>) src(%dma_wait3A_177 : memref<80000x128xf32, #tpu.memory_space<hbm>>) dst(%dma_wait3A_172 : memref<16x128xf32, #tpu.memory_space<vmem>>)
        %scan3A_178 = arith.constant 0 : i32
        %scan3A_179 = arith.constant 0 : i32
        %scan3A_180 = arith.constant 80 : i32
        %scan3A_181 = arith.addi %scan3A_179, %scan3A_180 : i32
        %scan3A_182 = arith.constant 2 : i32
        scf.for %scan3A_184 = %scan3A_179 to %scan3A_181 step %scan3A_182  : i32 {
          %broadcast_in_dim3A_185 = vector.broadcast %scan3A_184 : i32 to vector<16xi32>
          %gather3A_186 = tpu.vector_load_idx %arg13[%broadcast_in_dim3A_185] : memref<80xf32, #tpu.memory_space<vmem>>[vector<16xi32>], vector<16xf32>,
          %broadcast_in_dim3A_187 = vector.broadcast %scan3A_184 : i32 to vector<16xi32>
          %gather3A_188 = tpu.vector_load_idx %arg11[%broadcast_in_dim3A_187] : memref<96xi32, #tpu.memory_space<vmem>>[vector<16xi32>], vector<16xi32>,
          %mul3A_189 = arith.constant 128 : i32
          %mul3A_190 = vector.broadcast %mul3A_189 : i32 to vector<16xi32>
          %mul3A_191 = arith.muli %gather3A_188, %mul3A_190 : vector<16xi32>
          %add3A_192 = arith.addi %mul3A_191, %iota3A : vector<16xi32>
          %add3A_193 = arith.constant 0 : i32
          %add3A_194 = vector.broadcast %add3A_193 : i32 to vector<16xi32>
          %add3A_195 = arith.addi %add3A_192, %add3A_194 : vector<16xi32>
          %get3A_196 = arith.index_cast %scan3A_184 : i32 to index
          %get3A_197 = arith.constant 0 : index
          %get3A_198 = tpu.vector_load %arg14[%get3A_196, %get3A_197] {strides = array<i32>} : memref<80x128xf32, #tpu.memory_space<vmem>>, vector<16xf32>,
          %mul3A_199 = arith.mulf %get3A_198, %gather3A_186 : vector<16xf32>
          tpu.vector_store_idx %arg8[%add3A_195], %mul3A_199 {add = true} : memref<40960xf32, #tpu.memory_space<vmem>>[vector<16xi32>], vector<16xf32>,
          %add3A_200 = arith.constant 16 : i32
          %add3A_201 = vector.broadcast %add3A_200 : i32 to vector<16xi32>
          %add3A_202 = arith.addi %add3A_192, %add3A_201 : vector<16xi32>
          %get3A_203 = arith.index_cast %scan3A_184 : i32 to index
          %get3A_204 = arith.constant 16 : index
          %get3A_205 = tpu.vector_load %arg14[%get3A_203, %get3A_204] {strides = array<i32>} : memref<80x128xf32, #tpu.memory_space<vmem>>, vector<16xf32>,
          %mul3A_206 = arith.mulf %get3A_205, %gather3A_186 : vector<16xf32>
          tpu.vector_store_idx %arg8[%add3A_202], %mul3A_206 {add = true} : memref<40960xf32, #tpu.memory_space<vmem>>[vector<16xi32>], vector<16xf32>,
          %add3A_207 = arith.constant 32 : i32
          %add3A_208 = vector.broadcast %add3A_207 : i32 to vector<16xi32>
          %add3A_209 = arith.addi %add3A_192, %add3A_208 : vector<16xi32>
          %get3A_210 = arith.index_cast %scan3A_184 : i32 to index
          %get3A_211 = arith.constant 32 : index
          %get3A_212 = tpu.vector_load %arg14[%get3A_210, %get3A_211] {strides = array<i32>} : memref<80x128xf32, #tpu.memory_space<vmem>>, vector<16xf32>,
          %mul3A_213 = arith.mulf %get3A_212, %gather3A_186 : vector<16xf32>
          tpu.vector_store_idx %arg8[%add3A_209], %mul3A_213 {add = true} : memref<40960xf32, #tpu.memory_space<vmem>>[vector<16xi32>], vector<16xf32>,
          %add3A_214 = arith.constant 48 : i32
          %add3A_215 = vector.broadcast %add3A_214 : i32 to vector<16xi32>
          %add3A_216 = arith.addi %add3A_192, %add3A_215 : vector<16xi32>
          %get3A_217 = arith.index_cast %scan3A_184 : i32 to index
          %get3A_218 = arith.constant 48 : index
          %get3A_219 = tpu.vector_load %arg14[%get3A_217, %get3A_218] {strides = array<i32>} : memref<80x128xf32, #tpu.memory_space<vmem>>, vector<16xf32>,
          %mul3A_220 = arith.mulf %get3A_219, %gather3A_186 : vector<16xf32>
          tpu.vector_store_idx %arg8[%add3A_216], %mul3A_220 {add = true} : memref<40960xf32, #tpu.memory_space<vmem>>[vector<16xi32>], vector<16xf32>,
          %add3A_221 = arith.constant 64 : i32
          %add3A_222 = vector.broadcast %add3A_221 : i32 to vector<16xi32>
          %add3A_223 = arith.addi %add3A_192, %add3A_222 : vector<16xi32>
          %get3A_224 = arith.index_cast %scan3A_184 : i32 to index
          %get3A_225 = arith.constant 64 : index
          %get3A_226 = tpu.vector_load %arg14[%get3A_224, %get3A_225] {strides = array<i32>} : memref<80x128xf32, #tpu.memory_space<vmem>>, vector<16xf32>,
          %mul3A_227 = arith.mulf %get3A_226, %gather3A_186 : vector<16xf32>
          tpu.vector_store_idx %arg8[%add3A_223], %mul3A_227 {add = true} : memref<40960xf32, #tpu.memory_space<vmem>>[vector<16xi32>], vector<16xf32>,
          %add3A_228 = arith.constant 80 : i32
          %add3A_229 = vector.broadcast %add3A_228 : i32 to vector<16xi32>
          %add3A_230 = arith.addi %add3A_192, %add3A_229 : vector<16xi32>
          %get3A_231 = arith.index_cast %scan3A_184 : i32 to index
          %get3A_232 = arith.constant 80 : index
          %get3A_233 = tpu.vector_load %arg14[%get3A_231, %get3A_232] {strides = array<i32>} : memref<80x128xf32, #tpu.memory_space<vmem>>, vector<16xf32>,
          %mul3A_234 = arith.mulf %get3A_233, %gather3A_186 : vector<16xf32>
          tpu.vector_store_idx %arg8[%add3A_230], %mul3A_234 {add = true} : memref<40960xf32, #tpu.memory_space<vmem>>[vector<16xi32>], vector<16xf32>,
          %add3A_235 = arith.constant 96 : i32
          %add3A_236 = vector.broadcast %add3A_235 : i32 to vector<16xi32>
          %add3A_237 = arith.addi %add3A_192, %add3A_236 : vector<16xi32>
          %get3A_238 = arith.index_cast %scan3A_184 : i32 to index
          %get3A_239 = arith.constant 96 : index
          %get3A_240 = tpu.vector_load %arg14[%get3A_238, %get3A_239] {strides = array<i32>} : memref<80x128xf32, #tpu.memory_space<vmem>>, vector<16xf32>,
          %mul3A_241 = arith.mulf %get3A_240, %gather3A_186 : vector<16xf32>
          tpu.vector_store_idx %arg8[%add3A_237], %mul3A_241 {add = true} : memref<40960xf32, #tpu.memory_space<vmem>>[vector<16xi32>], vector<16xf32>,
          %add3A_242 = arith.constant 112 : i32
          %add3A_243 = vector.broadcast %add3A_242 : i32 to vector<16xi32>
          %add3A_244 = arith.addi %add3A_192, %add3A_243 : vector<16xi32>
          %get3A_245 = arith.index_cast %scan3A_184 : i32 to index
          %get3A_246 = arith.constant 112 : index
          %get3A_247 = tpu.vector_load %arg14[%get3A_245, %get3A_246] {strides = array<i32>} : memref<80x128xf32, #tpu.memory_space<vmem>>, vector<16xf32>,
          %mul3A_248 = arith.mulf %get3A_247, %gather3A_186 : vector<16xf32>
          tpu.vector_store_idx %arg8[%add3A_244], %mul3A_248 {add = true} : memref<40960xf32, #tpu.memory_space<vmem>>[vector<16xi32>], vector<16xf32>,
          %scan3A_249 = arith.constant 1 : i32
          %scan3A_250 = arith.addi %scan3A_184, %scan3A_249 : i32
          %broadcast_in_dim3A_251 = vector.broadcast %scan3A_250 : i32 to vector<16xi32>
          %gather3A_252 = tpu.vector_load_idx %arg13[%broadcast_in_dim3A_251] : memref<80xf32, #tpu.memory_space<vmem>>[vector<16xi32>], vector<16xf32>,
          %broadcast_in_dim3A_253 = vector.broadcast %scan3A_250 : i32 to vector<16xi32>
          %gather3A_254 = tpu.vector_load_idx %arg11[%broadcast_in_dim3A_253] : memref<96xi32, #tpu.memory_space<vmem>>[vector<16xi32>], vector<16xi32>,
          %mul3A_255 = arith.constant 128 : i32
          %mul3A_256 = vector.broadcast %mul3A_255 : i32 to vector<16xi32>
          %mul3A_257 = arith.muli %gather3A_254, %mul3A_256 : vector<16xi32>
          %add3A_258 = arith.addi %mul3A_257, %iota3A : vector<16xi32>
          %add3A_259 = arith.constant 0 : i32
          %add3A_260 = vector.broadcast %add3A_259 : i32 to vector<16xi32>
          %add3A_261 = arith.addi %add3A_258, %add3A_260 : vector<16xi32>
          %get3A_262 = arith.index_cast %scan3A_250 : i32 to index
          %get3A_263 = arith.constant 0 : index
          %get3A_264 = tpu.vector_load %arg14[%get3A_262, %get3A_263] {strides = array<i32>} : memref<80x128xf32, #tpu.memory_space<vmem>>, vector<16xf32>,
          %mul3A_265 = arith.mulf %get3A_264, %gather3A_252 : vector<16xf32>
          tpu.vector_store_idx %arg8[%add3A_261], %mul3A_265 {add = true} : memref<40960xf32, #tpu.memory_space<vmem>>[vector<16xi32>], vector<16xf32>,
          %add3A_266 = arith.constant 16 : i32
          %add3A_267 = vector.broadcast %add3A_266 : i32 to vector<16xi32>
          %add3A_268 = arith.addi %add3A_258, %add3A_267 : vector<16xi32>
          %get3A_269 = arith.index_cast %scan3A_250 : i32 to index
          %get3A_270 = arith.constant 16 : index
          %get3A_271 = tpu.vector_load %arg14[%get3A_269, %get3A_270] {strides = array<i32>} : memref<80x128xf32, #tpu.memory_space<vmem>>, vector<16xf32>,
          %mul3A_272 = arith.mulf %get3A_271, %gather3A_252 : vector<16xf32>
          tpu.vector_store_idx %arg8[%add3A_268], %mul3A_272 {add = true} : memref<40960xf32, #tpu.memory_space<vmem>>[vector<16xi32>], vector<16xf32>,
          %add3A_273 = arith.constant 32 : i32
          %add3A_274 = vector.broadcast %add3A_273 : i32 to vector<16xi32>
          %add3A_275 = arith.addi %add3A_258, %add3A_274 : vector<16xi32>
          %get3A_276 = arith.index_cast %scan3A_250 : i32 to index
          %get3A_277 = arith.constant 32 : index
          %get3A_278 = tpu.vector_load %arg14[%get3A_276, %get3A_277] {strides = array<i32>} : memref<80x128xf32, #tpu.memory_space<vmem>>, vector<16xf32>,
          %mul3A_279 = arith.mulf %get3A_278, %gather3A_252 : vector<16xf32>
          tpu.vector_store_idx %arg8[%add3A_275], %mul3A_279 {add = true} : memref<40960xf32, #tpu.memory_space<vmem>>[vector<16xi32>], vector<16xf32>,
          %add3A_280 = arith.constant 48 : i32
          %add3A_281 = vector.broadcast %add3A_280 : i32 to vector<16xi32>
          %add3A_282 = arith.addi %add3A_258, %add3A_281 : vector<16xi32>
          %get3A_283 = arith.index_cast %scan3A_250 : i32 to index
          %get3A_284 = arith.constant 48 : index
          %get3A_285 = tpu.vector_load %arg14[%get3A_283, %get3A_284] {strides = array<i32>} : memref<80x128xf32, #tpu.memory_space<vmem>>, vector<16xf32>,
          %mul3A_286 = arith.mulf %get3A_285, %gather3A_252 : vector<16xf32>
          tpu.vector_store_idx %arg8[%add3A_282], %mul3A_286 {add = true} : memref<40960xf32, #tpu.memory_space<vmem>>[vector<16xi32>], vector<16xf32>,
          %add3A_287 = arith.constant 64 : i32
          %add3A_288 = vector.broadcast %add3A_287 : i32 to vector<16xi32>
          %add3A_289 = arith.addi %add3A_258, %add3A_288 : vector<16xi32>
          %get3A_290 = arith.index_cast %scan3A_250 : i32 to index
          %get3A_291 = arith.constant 64 : index
          %get3A_292 = tpu.vector_load %arg14[%get3A_290, %get3A_291] {strides = array<i32>} : memref<80x128xf32, #tpu.memory_space<vmem>>, vector<16xf32>,
          %mul3A_293 = arith.mulf %get3A_292, %gather3A_252 : vector<16xf32>
          tpu.vector_store_idx %arg8[%add3A_289], %mul3A_293 {add = true} : memref<40960xf32, #tpu.memory_space<vmem>>[vector<16xi32>], vector<16xf32>,
          %add3A_294 = arith.constant 80 : i32
          %add3A_295 = vector.broadcast %add3A_294 : i32 to vector<16xi32>
          %add3A_296 = arith.addi %add3A_258, %add3A_295 : vector<16xi32>
          %get3A_297 = arith.index_cast %scan3A_250 : i32 to index
          %get3A_298 = arith.constant 80 : index
          %get3A_299 = tpu.vector_load %arg14[%get3A_297, %get3A_298] {strides = array<i32>} : memref<80x128xf32, #tpu.memory_space<vmem>>, vector<16xf32>,
          %mul3A_300 = arith.mulf %get3A_299, %gather3A_252 : vector<16xf32>
          tpu.vector_store_idx %arg8[%add3A_296], %mul3A_300 {add = true} : memref<40960xf32, #tpu.memory_space<vmem>>[vector<16xi32>], vector<16xf32>,
          %add3A_301 = arith.constant 96 : i32
          %add3A_302 = vector.broadcast %add3A_301 : i32 to vector<16xi32>
          %add3A_303 = arith.addi %add3A_258, %add3A_302 : vector<16xi32>
          %get3A_304 = arith.index_cast %scan3A_250 : i32 to index
          %get3A_305 = arith.constant 96 : index
          %get3A_306 = tpu.vector_load %arg14[%get3A_304, %get3A_305] {strides = array<i32>} : memref<80x128xf32, #tpu.memory_space<vmem>>, vector<16xf32>,
          %mul3A_307 = arith.mulf %get3A_306, %gather3A_252 : vector<16xf32>
          tpu.vector_store_idx %arg8[%add3A_303], %mul3A_307 {add = true} : memref<40960xf32, #tpu.memory_space<vmem>>[vector<16xi32>], vector<16xf32>,
          %add3A_308 = arith.constant 112 : i32
          %add3A_309 = vector.broadcast %add3A_308 : i32 to vector<16xi32>
          %add3A_310 = arith.addi %add3A_258, %add3A_309 : vector<16xi32>
          %get3A_311 = arith.index_cast %scan3A_250 : i32 to index
          %get3A_312 = arith.constant 112 : index
          %get3A_313 = tpu.vector_load %arg14[%get3A_311, %get3A_312] {strides = array<i32>} : memref<80x128xf32, #tpu.memory_space<vmem>>, vector<16xf32>,
          %mul3A_314 = arith.mulf %get3A_313, %gather3A_252 : vector<16xf32>
          tpu.vector_store_idx %arg8[%add3A_310], %mul3A_314 {add = true} : memref<40960xf32, #tpu.memory_space<vmem>>[vector<16xi32>], vector<16xf32>,
        }
        %scan3A_183 = arith.constant 80 : i32
      }
      %while3A_60 = arith.constant 1 : i32
      scf.for %while3A_61 = %while3A_58 to %while3A_54 step %while3A_60  : i32 {
        %mul3A_62 = arith.constant 80 : i32
        %mul3A_63 = arith.muli %while3A_61, %mul3A_62 : i32
        %add3A_64 = arith.addi %multiple_of3A, %mul3A_63 : i32
        %mul3A_65 = arith.constant 80 : i32
        %mul3A_66 = arith.muli %while3A_61, %mul3A_65 : i32
        %add3A_67 = arith.addi %multiple_of3A, %mul3A_66 : i32
        %mul3A_68 = arith.constant 80 : i32
        %mul3A_69 = arith.muli %while3A_61, %mul3A_68 : i32
        %add3A_70 = arith.addi %multiple_of3A, %mul3A_69 : i32
        %dma_start3A = tpu.memref_slice %arg3[%add3A_64] : memref<328080xi32, #tpu.memory_space<hbm>> -> memref<80xi32, #tpu.memory_space<hbm>>
        %dma_start3A_71 = tpu.memref_slice %arg3[%add3A_64] : memref<328080xi32, #tpu.memory_space<hbm>> -> memref<80xi32, #tpu.memory_space<hbm>>
        tpu.enqueue_dma source(%dma_start3A_71 : memref<80xi32, #tpu.memory_space<hbm>>) target(%arg10 : memref<80xi32, #tpu.memory_space<vmem>>) target_semaphore(%arg17 : memref<!tpu.dma_semaphore, #tpu.memory_space<semaphore_mem>>)
        %dma_start3A_72 = arith.constant 0 : i32
        %dma_start3A_73 = tpu.memref_slice %arg11[%dma_start3A_72] : memref<96xi32, #tpu.memory_space<vmem>> -> memref<80xi32, #tpu.memory_space<vmem>>
        %dma_start3A_74 = tpu.memref_slice %arg4[%add3A_67] : memref<328080xi32, #tpu.memory_space<hbm>> -> memref<80xi32, #tpu.memory_space<hbm>>
        %dma_start3A_75 = arith.constant 0 : i32
        %dma_start3A_76 = tpu.memref_slice %arg11[%dma_start3A_75] : memref<96xi32, #tpu.memory_space<vmem>> -> memref<80xi32, #tpu.memory_space<vmem>>
        %dma_start3A_77 = tpu.memref_slice %arg4[%add3A_67] : memref<328080xi32, #tpu.memory_space<hbm>> -> memref<80xi32, #tpu.memory_space<hbm>>
        tpu.enqueue_dma source(%dma_start3A_77 : memref<80xi32, #tpu.memory_space<hbm>>) target(%dma_start3A_76 : memref<80xi32, #tpu.memory_space<vmem>>) target_semaphore(%arg17 : memref<!tpu.dma_semaphore, #tpu.memory_space<semaphore_mem>>)
        %dma_start3A_78 = tpu.memref_slice %arg5[%add3A_70] : memref<328080xi32, #tpu.memory_space<hbm>> -> memref<80xi32, #tpu.memory_space<hbm>>
        %dma_start3A_79 = tpu.memref_slice %arg5[%add3A_70] : memref<328080xi32, #tpu.memory_space<hbm>> -> memref<80xi32, #tpu.memory_space<hbm>>
        tpu.enqueue_dma source(%dma_start3A_79 : memref<80xi32, #tpu.memory_space<hbm>>) target(%arg12 : memref<80xi32, #tpu.memory_space<vmem>>) target_semaphore(%arg17 : memref<!tpu.dma_semaphore, #tpu.memory_space<semaphore_mem>>)
        %dma_wait3A = tpu.memref_slice %arg3[%add3A_64] : memref<328080xi32, #tpu.memory_space<hbm>> -> memref<80xi32, #tpu.memory_space<hbm>>
        %dma_wait3A_80 = tpu.memref_slice %arg3[%add3A_64] : memref<328080xi32, #tpu.memory_space<hbm>> -> memref<80xi32, #tpu.memory_space<hbm>>
        tpu.wait_dma2 semaphore(%arg17 : memref<!tpu.dma_semaphore, #tpu.memory_space<semaphore_mem>>) src(%dma_wait3A_80 : memref<80xi32, #tpu.memory_space<hbm>>) dst(%arg10 : memref<80xi32, #tpu.memory_space<vmem>>)
        %dma_wait3A_81 = arith.constant 0 : i32
        %dma_wait3A_82 = tpu.memref_slice %arg11[%dma_wait3A_81] : memref<96xi32, #tpu.memory_space<vmem>> -> memref<80xi32, #tpu.memory_space<vmem>>
        %dma_wait3A_83 = tpu.memref_slice %arg4[%add3A_67] : memref<328080xi32, #tpu.memory_space<hbm>> -> memref<80xi32, #tpu.memory_space<hbm>>
        %dma_wait3A_84 = arith.constant 0 : i32
        %dma_wait3A_85 = tpu.memref_slice %arg11[%dma_wait3A_84] : memref<96xi32, #tpu.memory_space<vmem>> -> memref<80xi32, #tpu.memory_space<vmem>>
        %dma_wait3A_86 = tpu.memref_slice %arg4[%add3A_67] : memref<328080xi32, #tpu.memory_space<hbm>> -> memref<80xi32, #tpu.memory_space<hbm>>
        tpu.wait_dma2 semaphore(%arg17 : memref<!tpu.dma_semaphore, #tpu.memory_space<semaphore_mem>>) src(%dma_wait3A_86 : memref<80xi32, #tpu.memory_space<hbm>>) dst(%dma_wait3A_85 : memref<80xi32, #tpu.memory_space<vmem>>)
        %dma_wait3A_87 = tpu.memref_slice %arg5[%add3A_70] : memref<328080xi32, #tpu.memory_space<hbm>> -> memref<80xi32, #tpu.memory_space<hbm>>
        %dma_wait3A_88 = tpu.memref_slice %arg5[%add3A_70] : memref<328080xi32, #tpu.memory_space<hbm>> -> memref<80xi32, #tpu.memory_space<hbm>>
        tpu.wait_dma2 semaphore(%arg17 : memref<!tpu.dma_semaphore, #tpu.memory_space<semaphore_mem>>) src(%dma_wait3A_88 : memref<80xi32, #tpu.memory_space<hbm>>) dst(%arg12 : memref<80xi32, #tpu.memory_space<vmem>>)
        %mul3A_89 = arith.constant 80 : i32
        %mul3A_90 = arith.muli %while3A_61, %mul3A_89 : i32
        %sub3A_91 = arith.subi %squeeze3A, %mul3A_90 : i32
        %scan3A_92 = arith.constant 0 : i32
        %scan3A_93 = arith.constant 0 : i32
        %scan3A_94 = arith.constant 5 : i32
        %scan3A_95 = arith.addi %scan3A_93, %scan3A_94 : i32
        %scan3A_96 = arith.constant 1 : i32
        scf.for %scan3A_184 = %scan3A_93 to %scan3A_95 step %scan3A_96  : i32 {
          %mul3A_185 = arith.constant 16 : i32
          %mul3A_186 = arith.muli %scan3A_184, %mul3A_185 : i32
          %mul3A_187 = arith.constant 16 : i32
          %mul3A_188 = arith.muli %scan3A_184, %mul3A_187 : i32
          %add3A_189 = vector.broadcast %mul3A_188 : i32 to vector<16xi32>
          %add3A_190 = arith.addi %add3A_189, %iota3A : vector<16xi32>
          %lt3A = vector.broadcast %sub3A_91 : i32 to vector<16xi32>
          %lt3A_191 = arith.cmpi slt, %add3A_190, %lt3A : vector<16xi32>
          %get3A_192 = arith.index_cast %mul3A_186 : i32 to index
          %get3A_193 = tpu.vector_load %arg10[%get3A_192] {strides = array<i32>} : memref<80xi32, #tpu.memory_space<vmem>>, vector<16xi32>,
          %jit3A_194 = arith.constant 0 : i32
          %broadcast_in_dim3A_195 = vector.broadcast %jit3A_194 : i32 to vector<16xi32>
          %select_n3A_196 = arith.select %lt3A_191, %get3A_193, %broadcast_in_dim3A_195 : vector<16xi1>, vector<16xi32>
          %swap3A = arith.index_cast %mul3A_186 : i32 to index
          %swap3A_197 = tpu.vector_load %arg10[%swap3A] {strides = array<i32>} : memref<80xi32, #tpu.memory_space<vmem>>, vector<16xi32>,
          tpu.vector_store %arg10[%swap3A], %select_n3A_196 {strides = array<i32>} : memref<80xi32, #tpu.memory_space<vmem>>, vector<16xi32>,
          %get3A_198 = arith.index_cast %mul3A_186 : i32 to index
          %get3A_199 = tpu.vector_load %arg11[%get3A_198] {strides = array<i32>} : memref<96xi32, #tpu.memory_space<vmem>>, vector<16xi32>,
          %jit3A_200 = arith.constant 0 : i32
          %broadcast_in_dim3A_201 = vector.broadcast %jit3A_200 : i32 to vector<16xi32>
          %select_n3A_202 = arith.select %lt3A_191, %get3A_199, %broadcast_in_dim3A_201 : vector<16xi1>, vector<16xi32>
          %swap3A_203 = arith.index_cast %mul3A_186 : i32 to index
          %swap3A_204 = tpu.vector_load %arg11[%swap3A_203] {strides = array<i32>} : memref<96xi32, #tpu.memory_space<vmem>>, vector<16xi32>,
          tpu.vector_store %arg11[%swap3A_203], %select_n3A_202 {strides = array<i32>} : memref<96xi32, #tpu.memory_space<vmem>>, vector<16xi32>,
          %get3A_205 = arith.index_cast %mul3A_186 : i32 to index
          %get3A_206 = tpu.vector_load %arg12[%get3A_205] {strides = array<i32>} : memref<80xi32, #tpu.memory_space<vmem>>, vector<16xi32>,
          %bitcast3A = vector.bitcast %get3A_206 : vector<16xi32> to vector<16xf32>
          %jit3A_207 = arith.constant 0.000000e+00 : f32
          %broadcast_in_dim3A_208 = vector.broadcast %jit3A_207 : f32 to vector<16xf32>
          %select_n3A_209 = arith.select %lt3A_191, %bitcast3A, %broadcast_in_dim3A_208 : vector<16xi1>, vector<16xf32>
          %swap3A_210 = arith.index_cast %mul3A_186 : i32 to index
          %swap3A_211 = tpu.vector_load %arg13[%swap3A_210] {strides = array<i32>} : memref<80xf32, #tpu.memory_space<vmem>>, vector<16xf32>,
          tpu.vector_store %arg13[%swap3A_210], %select_n3A_209 {strides = array<i32>} : memref<80xf32, #tpu.memory_space<vmem>>, vector<16xf32>,
        }
        %scan3A_97 = arith.constant 5 : i32
        %dma_start3A_98 = arith.constant 0 : i32
        %dma_start3A_99 = arith.constant 0 : i32
        %dma_start3A_100 = tpu.memref_slice %arg14[%dma_start3A_98, %dma_start3A_99] : memref<80x128xf32, #tpu.memory_space<vmem>> -> memref<16x128xf32, #tpu.memory_space<vmem>>
        %dma_start3A_101 = arith.constant 0 : i32
        %dma_start3A_102 = tpu.memref_slice %arg10[%dma_start3A_101] : memref<80xi32, #tpu.memory_space<vmem>> -> memref<16xi32, #tpu.memory_space<vmem>>
        %dma_start3A_103 = arith.constant 0 : i32
        %dma_start3A_104 = arith.constant 0 : i32
        %dma_start3A_105 = tpu.memref_slice %arg2[%dma_start3A_103, %dma_start3A_104] : memref<80000x128xf32, #tpu.memory_space<hbm>> -> memref<80000x128xf32, #tpu.memory_space<hbm>>
        tpu.enqueue_indirect_dma source(%dma_start3A_105 : memref<80000x128xf32, #tpu.memory_space<hbm>>) target(%dma_start3A_100 : memref<16x128xf32, #tpu.memory_space<vmem>>) offsets(%dma_start3A_102 : memref<16xi32, #tpu.memory_space<vmem>>) semaphore(%arg16 : memref<!tpu.dma_semaphore, #tpu.memory_space<semaphore_mem>>)
        %dma_start3A_106 = arith.constant 16 : i32
        %dma_start3A_107 = arith.constant 0 : i32
        %dma_start3A_108 = tpu.memref_slice %arg14[%dma_start3A_106, %dma_start3A_107] : memref<80x128xf32, #tpu.memory_space<vmem>> -> memref<16x128xf32, #tpu.memory_space<vmem>>
        %dma_start3A_109 = arith.constant 16 : i32
        %dma_start3A_110 = tpu.memref_slice %arg10[%dma_start3A_109] : memref<80xi32, #tpu.memory_space<vmem>> -> memref<16xi32, #tpu.memory_space<vmem>>
        %dma_start3A_111 = arith.constant 0 : i32
        %dma_start3A_112 = arith.constant 0 : i32
        %dma_start3A_113 = tpu.memref_slice %arg2[%dma_start3A_111, %dma_start3A_112] : memref<80000x128xf32, #tpu.memory_space<hbm>> -> memref<80000x128xf32, #tpu.memory_space<hbm>>
        tpu.enqueue_indirect_dma source(%dma_start3A_113 : memref<80000x128xf32, #tpu.memory_space<hbm>>) target(%dma_start3A_108 : memref<16x128xf32, #tpu.memory_space<vmem>>) offsets(%dma_start3A_110 : memref<16xi32, #tpu.memory_space<vmem>>) semaphore(%arg16 : memref<!tpu.dma_semaphore, #tpu.memory_space<semaphore_mem>>)
        %dma_start3A_114 = arith.constant 32 : i32
        %dma_start3A_115 = arith.constant 0 : i32
        %dma_start3A_116 = tpu.memref_slice %arg14[%dma_start3A_114, %dma_start3A_115] : memref<80x128xf32, #tpu.memory_space<vmem>> -> memref<16x128xf32, #tpu.memory_space<vmem>>
        %dma_start3A_117 = arith.constant 32 : i32
        %dma_start3A_118 = tpu.memref_slice %arg10[%dma_start3A_117] : memref<80xi32, #tpu.memory_space<vmem>> -> memref<16xi32, #tpu.memory_space<vmem>>
        %dma_start3A_119 = arith.constant 0 : i32
        %dma_start3A_120 = arith.constant 0 : i32
        %dma_start3A_121 = tpu.memref_slice %arg2[%dma_start3A_119, %dma_start3A_120] : memref<80000x128xf32, #tpu.memory_space<hbm>> -> memref<80000x128xf32, #tpu.memory_space<hbm>>
        tpu.enqueue_indirect_dma source(%dma_start3A_121 : memref<80000x128xf32, #tpu.memory_space<hbm>>) target(%dma_start3A_116 : memref<16x128xf32, #tpu.memory_space<vmem>>) offsets(%dma_start3A_118 : memref<16xi32, #tpu.memory_space<vmem>>) semaphore(%arg16 : memref<!tpu.dma_semaphore, #tpu.memory_space<semaphore_mem>>)
        %dma_start3A_122 = arith.constant 48 : i32
        %dma_start3A_123 = arith.constant 0 : i32
        %dma_start3A_124 = tpu.memref_slice %arg14[%dma_start3A_122, %dma_start3A_123] : memref<80x128xf32, #tpu.memory_space<vmem>> -> memref<16x128xf32, #tpu.memory_space<vmem>>
        %dma_start3A_125 = arith.constant 48 : i32
        %dma_start3A_126 = tpu.memref_slice %arg10[%dma_start3A_125] : memref<80xi32, #tpu.memory_space<vmem>> -> memref<16xi32, #tpu.memory_space<vmem>>
        %dma_start3A_127 = arith.constant 0 : i32
        %dma_start3A_128 = arith.constant 0 : i32
        %dma_start3A_129 = tpu.memref_slice %arg2[%dma_start3A_127, %dma_start3A_128] : memref<80000x128xf32, #tpu.memory_space<hbm>> -> memref<80000x128xf32, #tpu.memory_space<hbm>>
        tpu.enqueue_indirect_dma source(%dma_start3A_129 : memref<80000x128xf32, #tpu.memory_space<hbm>>) target(%dma_start3A_124 : memref<16x128xf32, #tpu.memory_space<vmem>>) offsets(%dma_start3A_126 : memref<16xi32, #tpu.memory_space<vmem>>) semaphore(%arg16 : memref<!tpu.dma_semaphore, #tpu.memory_space<semaphore_mem>>)
        %dma_start3A_130 = arith.constant 64 : i32
        %dma_start3A_131 = arith.constant 0 : i32
        %dma_start3A_132 = tpu.memref_slice %arg14[%dma_start3A_130, %dma_start3A_131] : memref<80x128xf32, #tpu.memory_space<vmem>> -> memref<16x128xf32, #tpu.memory_space<vmem>>
        %dma_start3A_133 = arith.constant 64 : i32
        %dma_start3A_134 = tpu.memref_slice %arg10[%dma_start3A_133] : memref<80xi32, #tpu.memory_space<vmem>> -> memref<16xi32, #tpu.memory_space<vmem>>
        %dma_start3A_135 = arith.constant 0 : i32
        %dma_start3A_136 = arith.constant 0 : i32
        %dma_start3A_137 = tpu.memref_slice %arg2[%dma_start3A_135, %dma_start3A_136] : memref<80000x128xf32, #tpu.memory_space<hbm>> -> memref<80000x128xf32, #tpu.memory_space<hbm>>
        tpu.enqueue_indirect_dma source(%dma_start3A_137 : memref<80000x128xf32, #tpu.memory_space<hbm>>) target(%dma_start3A_132 : memref<16x128xf32, #tpu.memory_space<vmem>>) offsets(%dma_start3A_134 : memref<16xi32, #tpu.memory_space<vmem>>) semaphore(%arg16 : memref<!tpu.dma_semaphore, #tpu.memory_space<semaphore_mem>>)
        %dma_wait3A_138 = arith.constant 0 : i32
        %dma_wait3A_139 = arith.constant 0 : i32
        %dma_wait3A_140 = tpu.memref_slice %arg14[%dma_wait3A_138, %dma_wait3A_139] : memref<80x128xf32, #tpu.memory_space<vmem>> -> memref<16x128xf32, #tpu.memory_space<vmem>>
        %dma_wait3A_141 = arith.constant 0 : i32
        %dma_wait3A_142 = tpu.memref_slice %arg10[%dma_wait3A_141] : memref<80xi32, #tpu.memory_space<vmem>> -> memref<16xi32, #tpu.memory_space<vmem>>
        %dma_wait3A_143 = arith.constant 0 : i32
        %dma_wait3A_144 = arith.constant 0 : i32
        %dma_wait3A_145 = tpu.memref_slice %arg2[%dma_wait3A_143, %dma_wait3A_144] : memref<80000x128xf32, #tpu.memory_space<hbm>> -> memref<80000x128xf32, #tpu.memory_space<hbm>>
        tpu.wait_indirect_dma semaphore(%arg16 : memref<!tpu.dma_semaphore, #tpu.memory_space<semaphore_mem>>) src(%dma_wait3A_145 : memref<80000x128xf32, #tpu.memory_space<hbm>>) dst(%dma_wait3A_140 : memref<16x128xf32, #tpu.memory_space<vmem>>)
        %dma_wait3A_146 = arith.constant 16 : i32
        %dma_wait3A_147 = arith.constant 0 : i32
        %dma_wait3A_148 = tpu.memref_slice %arg14[%dma_wait3A_146, %dma_wait3A_147] : memref<80x128xf32, #tpu.memory_space<vmem>> -> memref<16x128xf32, #tpu.memory_space<vmem>>
        %dma_wait3A_149 = arith.constant 16 : i32
        %dma_wait3A_150 = tpu.memref_slice %arg10[%dma_wait3A_149] : memref<80xi32, #tpu.memory_space<vmem>> -> memref<16xi32, #tpu.memory_space<vmem>>
        %dma_wait3A_151 = arith.constant 0 : i32
        %dma_wait3A_152 = arith.constant 0 : i32
        %dma_wait3A_153 = tpu.memref_slice %arg2[%dma_wait3A_151, %dma_wait3A_152] : memref<80000x128xf32, #tpu.memory_space<hbm>> -> memref<80000x128xf32, #tpu.memory_space<hbm>>
        tpu.wait_indirect_dma semaphore(%arg16 : memref<!tpu.dma_semaphore, #tpu.memory_space<semaphore_mem>>) src(%dma_wait3A_153 : memref<80000x128xf32, #tpu.memory_space<hbm>>) dst(%dma_wait3A_148 : memref<16x128xf32, #tpu.memory_space<vmem>>)
        %dma_wait3A_154 = arith.constant 32 : i32
        %dma_wait3A_155 = arith.constant 0 : i32
        %dma_wait3A_156 = tpu.memref_slice %arg14[%dma_wait3A_154, %dma_wait3A_155] : memref<80x128xf32, #tpu.memory_space<vmem>> -> memref<16x128xf32, #tpu.memory_space<vmem>>
        %dma_wait3A_157 = arith.constant 32 : i32
        %dma_wait3A_158 = tpu.memref_slice %arg10[%dma_wait3A_157] : memref<80xi32, #tpu.memory_space<vmem>> -> memref<16xi32, #tpu.memory_space<vmem>>
        %dma_wait3A_159 = arith.constant 0 : i32
        %dma_wait3A_160 = arith.constant 0 : i32
        %dma_wait3A_161 = tpu.memref_slice %arg2[%dma_wait3A_159, %dma_wait3A_160] : memref<80000x128xf32, #tpu.memory_space<hbm>> -> memref<80000x128xf32, #tpu.memory_space<hbm>>
        tpu.wait_indirect_dma semaphore(%arg16 : memref<!tpu.dma_semaphore, #tpu.memory_space<semaphore_mem>>) src(%dma_wait3A_161 : memref<80000x128xf32, #tpu.memory_space<hbm>>) dst(%dma_wait3A_156 : memref<16x128xf32, #tpu.memory_space<vmem>>)
        %dma_wait3A_162 = arith.constant 48 : i32
        %dma_wait3A_163 = arith.constant 0 : i32
        %dma_wait3A_164 = tpu.memref_slice %arg14[%dma_wait3A_162, %dma_wait3A_163] : memref<80x128xf32, #tpu.memory_space<vmem>> -> memref<16x128xf32, #tpu.memory_space<vmem>>
        %dma_wait3A_165 = arith.constant 48 : i32
        %dma_wait3A_166 = tpu.memref_slice %arg10[%dma_wait3A_165] : memref<80xi32, #tpu.memory_space<vmem>> -> memref<16xi32, #tpu.memory_space<vmem>>
        %dma_wait3A_167 = arith.constant 0 : i32
        %dma_wait3A_168 = arith.constant 0 : i32
        %dma_wait3A_169 = tpu.memref_slice %arg2[%dma_wait3A_167, %dma_wait3A_168] : memref<80000x128xf32, #tpu.memory_space<hbm>> -> memref<80000x128xf32, #tpu.memory_space<hbm>>
        tpu.wait_indirect_dma semaphore(%arg16 : memref<!tpu.dma_semaphore, #tpu.memory_space<semaphore_mem>>) src(%dma_wait3A_169 : memref<80000x128xf32, #tpu.memory_space<hbm>>) dst(%dma_wait3A_164 : memref<16x128xf32, #tpu.memory_space<vmem>>)
        %dma_wait3A_170 = arith.constant 64 : i32
        %dma_wait3A_171 = arith.constant 0 : i32
        %dma_wait3A_172 = tpu.memref_slice %arg14[%dma_wait3A_170, %dma_wait3A_171] : memref<80x128xf32, #tpu.memory_space<vmem>> -> memref<16x128xf32, #tpu.memory_space<vmem>>
        %dma_wait3A_173 = arith.constant 64 : i32
        %dma_wait3A_174 = tpu.memref_slice %arg10[%dma_wait3A_173] : memref<80xi32, #tpu.memory_space<vmem>> -> memref<16xi32, #tpu.memory_space<vmem>>
        %dma_wait3A_175 = arith.constant 0 : i32
        %dma_wait3A_176 = arith.constant 0 : i32
        %dma_wait3A_177 = tpu.memref_slice %arg2[%dma_wait3A_175, %dma_wait3A_176] : memref<80000x128xf32, #tpu.memory_space<hbm>> -> memref<80000x128xf32, #tpu.memory_space<hbm>>
        tpu.wait_indirect_dma semaphore(%arg16 : memref<!tpu.dma_semaphore, #tpu.memory_space<semaphore_mem>>) src(%dma_wait3A_177 : memref<80000x128xf32, #tpu.memory_space<hbm>>) dst(%dma_wait3A_172 : memref<16x128xf32, #tpu.memory_space<vmem>>)
        %scan3A_178 = arith.constant 0 : i32
        %scan3A_179 = arith.constant 0 : i32
        %scan3A_180 = arith.constant 80 : i32
        %scan3A_181 = arith.addi %scan3A_179, %scan3A_180 : i32
        %scan3A_182 = arith.constant 2 : i32
        scf.for %scan3A_184 = %scan3A_179 to %scan3A_181 step %scan3A_182  : i32 {
          %broadcast_in_dim3A_185 = vector.broadcast %scan3A_184 : i32 to vector<16xi32>
          %gather3A_186 = tpu.vector_load_idx %arg13[%broadcast_in_dim3A_185] : memref<80xf32, #tpu.memory_space<vmem>>[vector<16xi32>], vector<16xf32>,
          %broadcast_in_dim3A_187 = vector.broadcast %scan3A_184 : i32 to vector<16xi32>
          %gather3A_188 = tpu.vector_load_idx %arg11[%broadcast_in_dim3A_187] : memref<96xi32, #tpu.memory_space<vmem>>[vector<16xi32>], vector<16xi32>,
          %mul3A_189 = arith.constant 128 : i32
          %mul3A_190 = vector.broadcast %mul3A_189 : i32 to vector<16xi32>
          %mul3A_191 = arith.muli %gather3A_188, %mul3A_190 : vector<16xi32>
          %add3A_192 = arith.addi %mul3A_191, %iota3A : vector<16xi32>
          %add3A_193 = arith.constant 0 : i32
          %add3A_194 = vector.broadcast %add3A_193 : i32 to vector<16xi32>
          %add3A_195 = arith.addi %add3A_192, %add3A_194 : vector<16xi32>
          %get3A_196 = arith.index_cast %scan3A_184 : i32 to index
          %get3A_197 = arith.constant 0 : index
          %get3A_198 = tpu.vector_load %arg14[%get3A_196, %get3A_197] {strides = array<i32>} : memref<80x128xf32, #tpu.memory_space<vmem>>, vector<16xf32>,
          %mul3A_199 = arith.mulf %get3A_198, %gather3A_186 : vector<16xf32>
          tpu.vector_store_idx %arg8[%add3A_195], %mul3A_199 {add = true} : memref<40960xf32, #tpu.memory_space<vmem>>[vector<16xi32>], vector<16xf32>,
          %add3A_200 = arith.constant 16 : i32
          %add3A_201 = vector.broadcast %add3A_200 : i32 to vector<16xi32>
          %add3A_202 = arith.addi %add3A_192, %add3A_201 : vector<16xi32>
          %get3A_203 = arith.index_cast %scan3A_184 : i32 to index
          %get3A_204 = arith.constant 16 : index
          %get3A_205 = tpu.vector_load %arg14[%get3A_203, %get3A_204] {strides = array<i32>} : memref<80x128xf32, #tpu.memory_space<vmem>>, vector<16xf32>,
          %mul3A_206 = arith.mulf %get3A_205, %gather3A_186 : vector<16xf32>
          tpu.vector_store_idx %arg8[%add3A_202], %mul3A_206 {add = true} : memref<40960xf32, #tpu.memory_space<vmem>>[vector<16xi32>], vector<16xf32>,
          %add3A_207 = arith.constant 32 : i32
          %add3A_208 = vector.broadcast %add3A_207 : i32 to vector<16xi32>
          %add3A_209 = arith.addi %add3A_192, %add3A_208 : vector<16xi32>
          %get3A_210 = arith.index_cast %scan3A_184 : i32 to index
          %get3A_211 = arith.constant 32 : index
          %get3A_212 = tpu.vector_load %arg14[%get3A_210, %get3A_211] {strides = array<i32>} : memref<80x128xf32, #tpu.memory_space<vmem>>, vector<16xf32>,
          %mul3A_213 = arith.mulf %get3A_212, %gather3A_186 : vector<16xf32>
          tpu.vector_store_idx %arg8[%add3A_209], %mul3A_213 {add = true} : memref<40960xf32, #tpu.memory_space<vmem>>[vector<16xi32>], vector<16xf32>,
          %add3A_214 = arith.constant 48 : i32
          %add3A_215 = vector.broadcast %add3A_214 : i32 to vector<16xi32>
          %add3A_216 = arith.addi %add3A_192, %add3A_215 : vector<16xi32>
          %get3A_217 = arith.index_cast %scan3A_184 : i32 to index
          %get3A_218 = arith.constant 48 : index
          %get3A_219 = tpu.vector_load %arg14[%get3A_217, %get3A_218] {strides = array<i32>} : memref<80x128xf32, #tpu.memory_space<vmem>>, vector<16xf32>,
          %mul3A_220 = arith.mulf %get3A_219, %gather3A_186 : vector<16xf32>
          tpu.vector_store_idx %arg8[%add3A_216], %mul3A_220 {add = true} : memref<40960xf32, #tpu.memory_space<vmem>>[vector<16xi32>], vector<16xf32>,
          %add3A_221 = arith.constant 64 : i32
          %add3A_222 = vector.broadcast %add3A_221 : i32 to vector<16xi32>
          %add3A_223 = arith.addi %add3A_192, %add3A_222 : vector<16xi32>
          %get3A_224 = arith.index_cast %scan3A_184 : i32 to index
          %get3A_225 = arith.constant 64 : index
          %get3A_226 = tpu.vector_load %arg14[%get3A_224, %get3A_225] {strides = array<i32>} : memref<80x128xf32, #tpu.memory_space<vmem>>, vector<16xf32>,
          %mul3A_227 = arith.mulf %get3A_226, %gather3A_186 : vector<16xf32>
          tpu.vector_store_idx %arg8[%add3A_223], %mul3A_227 {add = true} : memref<40960xf32, #tpu.memory_space<vmem>>[vector<16xi32>], vector<16xf32>,
          %add3A_228 = arith.constant 80 : i32
          %add3A_229 = vector.broadcast %add3A_228 : i32 to vector<16xi32>
          %add3A_230 = arith.addi %add3A_192, %add3A_229 : vector<16xi32>
          %get3A_231 = arith.index_cast %scan3A_184 : i32 to index
          %get3A_232 = arith.constant 80 : index
          %get3A_233 = tpu.vector_load %arg14[%get3A_231, %get3A_232] {strides = array<i32>} : memref<80x128xf32, #tpu.memory_space<vmem>>, vector<16xf32>,
          %mul3A_234 = arith.mulf %get3A_233, %gather3A_186 : vector<16xf32>
          tpu.vector_store_idx %arg8[%add3A_230], %mul3A_234 {add = true} : memref<40960xf32, #tpu.memory_space<vmem>>[vector<16xi32>], vector<16xf32>,
          %add3A_235 = arith.constant 96 : i32
          %add3A_236 = vector.broadcast %add3A_235 : i32 to vector<16xi32>
          %add3A_237 = arith.addi %add3A_192, %add3A_236 : vector<16xi32>
          %get3A_238 = arith.index_cast %scan3A_184 : i32 to index
          %get3A_239 = arith.constant 96 : index
          %get3A_240 = tpu.vector_load %arg14[%get3A_238, %get3A_239] {strides = array<i32>} : memref<80x128xf32, #tpu.memory_space<vmem>>, vector<16xf32>,
          %mul3A_241 = arith.mulf %get3A_240, %gather3A_186 : vector<16xf32>
          tpu.vector_store_idx %arg8[%add3A_237], %mul3A_241 {add = true} : memref<40960xf32, #tpu.memory_space<vmem>>[vector<16xi32>], vector<16xf32>,
          %add3A_242 = arith.constant 112 : i32
          %add3A_243 = vector.broadcast %add3A_242 : i32 to vector<16xi32>
          %add3A_244 = arith.addi %add3A_192, %add3A_243 : vector<16xi32>
          %get3A_245 = arith.index_cast %scan3A_184 : i32 to index
          %get3A_246 = arith.constant 112 : index
          %get3A_247 = tpu.vector_load %arg14[%get3A_245, %get3A_246] {strides = array<i32>} : memref<80x128xf32, #tpu.memory_space<vmem>>, vector<16xf32>,
          %mul3A_248 = arith.mulf %get3A_247, %gather3A_186 : vector<16xf32>
          tpu.vector_store_idx %arg8[%add3A_244], %mul3A_248 {add = true} : memref<40960xf32, #tpu.memory_space<vmem>>[vector<16xi32>], vector<16xf32>,
          %scan3A_249 = arith.constant 1 : i32
          %scan3A_250 = arith.addi %scan3A_184, %scan3A_249 : i32
          %broadcast_in_dim3A_251 = vector.broadcast %scan3A_250 : i32 to vector<16xi32>
          %gather3A_252 = tpu.vector_load_idx %arg13[%broadcast_in_dim3A_251] : memref<80xf32, #tpu.memory_space<vmem>>[vector<16xi32>], vector<16xf32>,
          %broadcast_in_dim3A_253 = vector.broadcast %scan3A_250 : i32 to vector<16xi32>
          %gather3A_254 = tpu.vector_load_idx %arg11[%broadcast_in_dim3A_253] : memref<96xi32, #tpu.memory_space<vmem>>[vector<16xi32>], vector<16xi32>,
          %mul3A_255 = arith.constant 128 : i32
          %mul3A_256 = vector.broadcast %mul3A_255 : i32 to vector<16xi32>
          %mul3A_257 = arith.muli %gather3A_254, %mul3A_256 : vector<16xi32>
          %add3A_258 = arith.addi %mul3A_257, %iota3A : vector<16xi32>
          %add3A_259 = arith.constant 0 : i32
          %add3A_260 = vector.broadcast %add3A_259 : i32 to vector<16xi32>
          %add3A_261 = arith.addi %add3A_258, %add3A_260 : vector<16xi32>
          %get3A_262 = arith.index_cast %scan3A_250 : i32 to index
          %get3A_263 = arith.constant 0 : index
          %get3A_264 = tpu.vector_load %arg14[%get3A_262, %get3A_263] {strides = array<i32>} : memref<80x128xf32, #tpu.memory_space<vmem>>, vector<16xf32>,
          %mul3A_265 = arith.mulf %get3A_264, %gather3A_252 : vector<16xf32>
          tpu.vector_store_idx %arg8[%add3A_261], %mul3A_265 {add = true} : memref<40960xf32, #tpu.memory_space<vmem>>[vector<16xi32>], vector<16xf32>,
          %add3A_266 = arith.constant 16 : i32
          %add3A_267 = vector.broadcast %add3A_266 : i32 to vector<16xi32>
          %add3A_268 = arith.addi %add3A_258, %add3A_267 : vector<16xi32>
          %get3A_269 = arith.index_cast %scan3A_250 : i32 to index
          %get3A_270 = arith.constant 16 : index
          %get3A_271 = tpu.vector_load %arg14[%get3A_269, %get3A_270] {strides = array<i32>} : memref<80x128xf32, #tpu.memory_space<vmem>>, vector<16xf32>,
          %mul3A_272 = arith.mulf %get3A_271, %gather3A_252 : vector<16xf32>
          tpu.vector_store_idx %arg8[%add3A_268], %mul3A_272 {add = true} : memref<40960xf32, #tpu.memory_space<vmem>>[vector<16xi32>], vector<16xf32>,
          %add3A_273 = arith.constant 32 : i32
          %add3A_274 = vector.broadcast %add3A_273 : i32 to vector<16xi32>
          %add3A_275 = arith.addi %add3A_258, %add3A_274 : vector<16xi32>
          %get3A_276 = arith.index_cast %scan3A_250 : i32 to index
          %get3A_277 = arith.constant 32 : index
          %get3A_278 = tpu.vector_load %arg14[%get3A_276, %get3A_277] {strides = array<i32>} : memref<80x128xf32, #tpu.memory_space<vmem>>, vector<16xf32>,
          %mul3A_279 = arith.mulf %get3A_278, %gather3A_252 : vector<16xf32>
          tpu.vector_store_idx %arg8[%add3A_275], %mul3A_279 {add = true} : memref<40960xf32, #tpu.memory_space<vmem>>[vector<16xi32>], vector<16xf32>,
          %add3A_280 = arith.constant 48 : i32
          %add3A_281 = vector.broadcast %add3A_280 : i32 to vector<16xi32>
          %add3A_282 = arith.addi %add3A_258, %add3A_281 : vector<16xi32>
          %get3A_283 = arith.index_cast %scan3A_250 : i32 to index
          %get3A_284 = arith.constant 48 : index
          %get3A_285 = tpu.vector_load %arg14[%get3A_283, %get3A_284] {strides = array<i32>} : memref<80x128xf32, #tpu.memory_space<vmem>>, vector<16xf32>,
          %mul3A_286 = arith.mulf %get3A_285, %gather3A_252 : vector<16xf32>
          tpu.vector_store_idx %arg8[%add3A_282], %mul3A_286 {add = true} : memref<40960xf32, #tpu.memory_space<vmem>>[vector<16xi32>], vector<16xf32>,
          %add3A_287 = arith.constant 64 : i32
          %add3A_288 = vector.broadcast %add3A_287 : i32 to vector<16xi32>
          %add3A_289 = arith.addi %add3A_258, %add3A_288 : vector<16xi32>
          %get3A_290 = arith.index_cast %scan3A_250 : i32 to index
          %get3A_291 = arith.constant 64 : index
          %get3A_292 = tpu.vector_load %arg14[%get3A_290, %get3A_291] {strides = array<i32>} : memref<80x128xf32, #tpu.memory_space<vmem>>, vector<16xf32>,
          %mul3A_293 = arith.mulf %get3A_292, %gather3A_252 : vector<16xf32>
          tpu.vector_store_idx %arg8[%add3A_289], %mul3A_293 {add = true} : memref<40960xf32, #tpu.memory_space<vmem>>[vector<16xi32>], vector<16xf32>,
          %add3A_294 = arith.constant 80 : i32
          %add3A_295 = vector.broadcast %add3A_294 : i32 to vector<16xi32>
          %add3A_296 = arith.addi %add3A_258, %add3A_295 : vector<16xi32>
          %get3A_297 = arith.index_cast %scan3A_250 : i32 to index
          %get3A_298 = arith.constant 80 : index
          %get3A_299 = tpu.vector_load %arg14[%get3A_297, %get3A_298] {strides = array<i32>} : memref<80x128xf32, #tpu.memory_space<vmem>>, vector<16xf32>,
          %mul3A_300 = arith.mulf %get3A_299, %gather3A_252 : vector<16xf32>
          tpu.vector_store_idx %arg8[%add3A_296], %mul3A_300 {add = true} : memref<40960xf32, #tpu.memory_space<vmem>>[vector<16xi32>], vector<16xf32>,
          %add3A_301 = arith.constant 96 : i32
          %add3A_302 = vector.broadcast %add3A_301 : i32 to vector<16xi32>
          %add3A_303 = arith.addi %add3A_258, %add3A_302 : vector<16xi32>
          %get3A_304 = arith.index_cast %scan3A_250 : i32 to index
          %get3A_305 = arith.constant 96 : index
          %get3A_306 = tpu.vector_load %arg14[%get3A_304, %get3A_305] {strides = array<i32>} : memref<80x128xf32, #tpu.memory_space<vmem>>, vector<16xf32>,
          %mul3A_307 = arith.mulf %get3A_306, %gather3A_252 : vector<16xf32>
          tpu.vector_store_idx %arg8[%add3A_303], %mul3A_307 {add = true} : memref<40960xf32, #tpu.memory_space<vmem>>[vector<16xi32>], vector<16xf32>,
          %add3A_308 = arith.constant 112 : i32
          %add3A_309 = vector.broadcast %add3A_308 : i32 to vector<16xi32>
          %add3A_310 = arith.addi %add3A_258, %add3A_309 : vector<16xi32>
          %get3A_311 = arith.index_cast %scan3A_250 : i32 to index
          %get3A_312 = arith.constant 112 : index
          %get3A_313 = tpu.vector_load %arg14[%get3A_311, %get3A_312] {strides = array<i32>} : memref<80x128xf32, #tpu.memory_space<vmem>>, vector<16xf32>,
          %mul3A_314 = arith.mulf %get3A_313, %gather3A_252 : vector<16xf32>
          tpu.vector_store_idx %arg8[%add3A_310], %mul3A_314 {add = true} : memref<40960xf32, #tpu.memory_space<vmem>>[vector<16xi32>], vector<16xf32>,
        }
        %scan3A_183 = arith.constant 80 : i32
      }
    }
    %scan3A_18 = arith.constant 32 : i32
    %mul3A_19 = arith.constant 320 : i32
    %mul3A_20 = arith.muli %add3A, %mul3A_19 : i32
    %mul3A_21 = arith.constant 128 : i32
    %mul3A_22 = arith.muli %mul3A_20, %mul3A_21 : i32
    "tpu.region"() ({
      %run_scoped3A = tpu.sem_alloc : memref<!tpu.dma_semaphore, #tpu.memory_space<semaphore_mem>>
      %dma_start3A = tpu.memref_slice %arg7[%mul3A_22] : memref<1310720xf32, #tpu.memory_space<hbm>> -> memref<40960xf32, #tpu.memory_space<hbm>>
      %dma_start3A_23 = tpu.memref_slice %arg7[%mul3A_22] : memref<1310720xf32, #tpu.memory_space<hbm>> -> memref<40960xf32, #tpu.memory_space<hbm>>
      tpu.enqueue_dma source(%arg8 : memref<40960xf32, #tpu.memory_space<vmem>>) target(%dma_start3A_23 : memref<40960xf32, #tpu.memory_space<hbm>>) target_semaphore(%run_scoped3A : memref<!tpu.dma_semaphore, #tpu.memory_space<semaphore_mem>>)
      %dma_wait3A = tpu.memref_slice %arg7[%mul3A_22] : memref<1310720xf32, #tpu.memory_space<hbm>> -> memref<40960xf32, #tpu.memory_space<hbm>>
      %dma_wait3A_24 = tpu.memref_slice %arg7[%mul3A_22] : memref<1310720xf32, #tpu.memory_space<hbm>> -> memref<40960xf32, #tpu.memory_space<hbm>>
      tpu.wait_dma2 semaphore(%run_scoped3A : memref<!tpu.dma_semaphore, #tpu.memory_space<semaphore_mem>>) src(%arg8 : memref<40960xf32, #tpu.memory_space<vmem>>) dst(%dma_wait3A_24 : memref<40960xf32, #tpu.memory_space<hbm>>)
      tpu.yield
    }) : () -> ()
    return
  }
}

#map = affine_map<(d0, d1) -> (0)>
module attributes {stable_mosaic.version = 14 : i64} {
  func.func @body(%arg0: i32, %arg1: i32, %arg2: memref<320000xi32, #tpu.memory_space<hbm>>, %arg3: memref<320000xi32, #tpu.memory_space<hbm>>, %arg4: memref<320000xi32, #tpu.memory_space<hbm>>, %arg5: memref<81920xf32, #tpu.memory_space<hbm>>, %arg6: memref<328080xi32, #tpu.memory_space<hbm>>, %arg7: memref<328080xi32, #tpu.memory_space<hbm>>, %arg8: memref<328080xi32, #tpu.memory_space<hbm>>, %arg9: memref<1024xi32, #tpu.memory_space<hbm>>, %arg10: memref<81920xf32, #tpu.memory_space<vmem>>, %arg11: memref<10240xi32, #tpu.memory_space<vmem>>, %arg12: memref<10240xi32, #tpu.memory_space<vmem>>, %arg13: memref<10240xi32, #tpu.memory_space<vmem>>, %arg14: memref<48xi32, #tpu.memory_space<vmem>>, %arg15: memref<32xf32, #tpu.memory_space<vmem>>, %arg16: memref<400xi32, #tpu.memory_space<vmem>>, %arg17: memref<400xi32, #tpu.memory_space<vmem>>, %arg18: memref<400xi32, #tpu.memory_space<vmem>>, %arg19: memref<400xi32, #tpu.memory_space<vmem>>, %arg20: memref<400xi32, #tpu.memory_space<vmem>>, %arg21: memref<400xi32, #tpu.memory_space<vmem>>, %arg22: memref<400xi32, #tpu.memory_space<vmem>>, %arg23: memref<32xi32, #tpu.memory_space<smem>>, %arg24: memref<!tpu.dma_semaphore, #tpu.memory_space<semaphore_mem>>) attributes {dimension_semantics = [#tpu.dimension_semantics<core_parallel>, #tpu.dimension_semantics<subcore_parallel>], iteration_bounds = array<i64: 2, 16>, scalar_prefetch = 0 : i64, scratch_operands = 15 : i64, tpu.core_type = #tpu.core_type<sc_vector_subcore>, window_params = [{transform_indices = #map}, {transform_indices = #map}, {transform_indices = #map}, {transform_indices = #map}, {transform_indices = #map}, {transform_indices = #map}, {transform_indices = #map}, {transform_indices = #map}]} {
    %mul3A = arith.constant 2 : i32
    %mul3A_0 = arith.muli %arg1, %mul3A : i32
    %add3A = arith.addi %mul3A_0, %arg0 : i32
    %broadcast_in_dim3A = arith.constant 0.000000e+00 : f32
    %broadcast_in_dim3A_1 = vector.broadcast %broadcast_in_dim3A : f32 to vector<16xf32>
    %broadcast_in_dim3A_2 = arith.constant 1.000000e+00 : f32
    %broadcast_in_dim3A_3 = vector.broadcast %broadcast_in_dim3A_2 : f32 to vector<16xf32>
    "tpu.region"() ({
      %run_scoped3A = tpu.sem_alloc : memref<!tpu.dma_semaphore, #tpu.memory_space<semaphore_mem>>
      tpu.enqueue_dma source(%arg5 : memref<81920xf32, #tpu.memory_space<hbm>>) target(%arg10 : memref<81920xf32, #tpu.memory_space<vmem>>) target_semaphore(%run_scoped3A : memref<!tpu.dma_semaphore, #tpu.memory_space<semaphore_mem>>)
      tpu.wait_dma2 semaphore(%run_scoped3A : memref<!tpu.dma_semaphore, #tpu.memory_space<semaphore_mem>>) src(%arg5 : memref<81920xf32, #tpu.memory_space<hbm>>) dst(%arg10 : memref<81920xf32, #tpu.memory_space<vmem>>)
      tpu.yield
    }) : () -> ()
    %swap3A = arith.constant 0 : index
    %swap3A_4 = tpu.vector_load %arg15[%swap3A] {strides = array<i32>} : memref<32xf32, #tpu.memory_space<vmem>>, vector<16xf32>,
    tpu.vector_store %arg15[%swap3A], %broadcast_in_dim3A_1 {strides = array<i32>} : memref<32xf32, #tpu.memory_space<vmem>>, vector<16xf32>,
    %swap3A_5 = arith.constant 16 : index
    %swap3A_6 = tpu.vector_load %arg15[%swap3A_5] {strides = array<i32>} : memref<32xf32, #tpu.memory_space<vmem>>, vector<16xf32>,
    tpu.vector_store %arg15[%swap3A_5], %broadcast_in_dim3A_1 {strides = array<i32>} : memref<32xf32, #tpu.memory_space<vmem>>, vector<16xf32>,
    %scan3A = arith.constant 0 : i32
    %scan3A_7 = arith.constant 0 : i32
    %scan3A_8 = arith.constant 25 : i32
    %scan3A_9 = arith.addi %scan3A_7, %scan3A_8 : i32
    %scan3A_10 = arith.constant 1 : i32
    scf.for %scan3A_41 = %scan3A_7 to %scan3A_9 step %scan3A_10  : i32 {
      %mul3A_42 = arith.constant 10000 : i32
      %mul3A_43 = arith.muli %add3A, %mul3A_42 : i32
      %mul3A_44 = arith.constant 400 : i32
      %mul3A_45 = arith.muli %scan3A_41, %mul3A_44 : i32
      %add3A_46 = arith.addi %mul3A_43, %mul3A_45 : i32
      "tpu.region"() ({
        %run_scoped3A = tpu.sem_alloc : memref<!tpu.dma_semaphore, #tpu.memory_space<semaphore_mem>>
        %dma_start3A = tpu.memref_slice %arg4[%add3A_46] : memref<320000xi32, #tpu.memory_space<hbm>> -> memref<400xi32, #tpu.memory_space<hbm>>
        %dma_start3A_53 = tpu.memref_slice %arg4[%add3A_46] : memref<320000xi32, #tpu.memory_space<hbm>> -> memref<400xi32, #tpu.memory_space<hbm>>
        tpu.enqueue_dma source(%dma_start3A_53 : memref<400xi32, #tpu.memory_space<hbm>>) target(%arg18 : memref<400xi32, #tpu.memory_space<vmem>>) target_semaphore(%run_scoped3A : memref<!tpu.dma_semaphore, #tpu.memory_space<semaphore_mem>>)
        %dma_wait3A = tpu.memref_slice %arg4[%add3A_46] : memref<320000xi32, #tpu.memory_space<hbm>> -> memref<400xi32, #tpu.memory_space<hbm>>
        %dma_wait3A_54 = tpu.memref_slice %arg4[%add3A_46] : memref<320000xi32, #tpu.memory_space<hbm>> -> memref<400xi32, #tpu.memory_space<hbm>>
        tpu.wait_dma2 semaphore(%run_scoped3A : memref<!tpu.dma_semaphore, #tpu.memory_space<semaphore_mem>>) src(%dma_wait3A_54 : memref<400xi32, #tpu.memory_space<hbm>>) dst(%arg18 : memref<400xi32, #tpu.memory_space<vmem>>)
        tpu.yield
      }) : () -> ()
      %scan3A_47 = arith.constant 0 : i32
      %scan3A_48 = arith.constant 0 : i32
      %scan3A_49 = arith.constant 25 : i32
      %scan3A_50 = arith.addi %scan3A_48, %scan3A_49 : i32
      %scan3A_51 = arith.constant 1 : i32
      scf.for %scan3A_53 = %scan3A_48 to %scan3A_50 step %scan3A_51  : i32 {
        %mul3A_54 = arith.constant 16 : i32
        %mul3A_55 = arith.muli %scan3A_53, %mul3A_54 : i32
        %get3A_56 = arith.index_cast %mul3A_55 : i32 to index
        %get3A_57 = tpu.vector_load %arg18[%get3A_56] {strides = array<i32>} : memref<400xi32, #tpu.memory_space<vmem>>, vector<16xi32>,
        %jit3A = arith.constant 320 : i32
        %div3A = vector.broadcast %jit3A : i32 to vector<16xi32>
        %div3A_58 = arith.divsi %get3A_57, %div3A : vector<16xi32>
        %sign3A = arith.constant 0 : i32
        %sign3A_59 = vector.broadcast %sign3A : i32 to vector<16xi32>
        %sign3A_60 = arith.cmpi sgt, %get3A_57, %sign3A_59 : vector<16xi32>
        %sign3A_61 = arith.extui %sign3A_60 : vector<16xi1> to vector<16xi32>
        %sign3A_62 = arith.constant 0 : i32
        %sign3A_63 = vector.broadcast %sign3A_62 : i32 to vector<16xi32>
        %sign3A_64 = arith.cmpi slt, %get3A_57, %sign3A_63 : vector<16xi32>
        %sign3A_65 = arith.extui %sign3A_64 : vector<16xi1> to vector<16xi32>
        %sign3A_66 = arith.subi %sign3A_61, %sign3A_65 : vector<16xi32>
        %sign3A_67 = arith.constant 0 : i32
        %sign3A_68 = arith.cmpi sgt, %jit3A, %sign3A_67 : i32
        %sign3A_69 = arith.extui %sign3A_68 : i1 to i32
        %sign3A_70 = arith.constant 0 : i32
        %sign3A_71 = arith.cmpi slt, %jit3A, %sign3A_70 : i32
        %sign3A_72 = arith.extui %sign3A_71 : i1 to i32
        %sign3A_73 = arith.subi %sign3A_69, %sign3A_72 : i32
        %ne3A = vector.broadcast %sign3A_73 : i32 to vector<16xi32>
        %ne3A_74 = arith.cmpi ne, %sign3A_66, %ne3A : vector<16xi32>
        %rem3A = vector.broadcast %jit3A : i32 to vector<16xi32>
        %rem3A_75 = arith.remsi %get3A_57, %rem3A : vector<16xi32>
        %ne3A_76 = arith.constant 0 : i32
        %ne3A_77 = vector.broadcast %ne3A_76 : i32 to vector<16xi32>
        %ne3A_78 = arith.cmpi ne, %rem3A_75, %ne3A_77 : vector<16xi32>
        %and3A = arith.andi %ne3A_74, %ne3A_78 : vector<16xi1>
        %sub3A = arith.constant 1 : i32
        %sub3A_79 = vector.broadcast %sub3A : i32 to vector<16xi32>
        %sub3A_80 = arith.subi %div3A_58, %sub3A_79 : vector<16xi32>
        %select_n3A = arith.select %and3A, %sub3A_80, %div3A_58 : vector<16xi1>, vector<16xi32>
        tpu.vector_store_idx %arg15[%select_n3A], %broadcast_in_dim3A_3 {add = true} : memref<32xf32, #tpu.memory_space<vmem>>[vector<16xi32>], vector<16xf32>,
      }
      %scan3A_52 = arith.constant 25 : i32
    }
    %scan3A_11 = arith.constant 25 : i32
    %get3A = arith.constant 0 : index
    %get3A_12 = tpu.vector_load %arg15[%get3A] {strides = array<i32>} : memref<32xf32, #tpu.memory_space<vmem>>, vector<16xf32>,
    %convert_element_type3A = arith.fptosi %get3A_12 : vector<16xf32> to vector<16xi32>
    %swap3A_13 = arith.constant 0 : index
    %swap3A_14 = tpu.vector_load %arg14[%swap3A_13] {strides = array<i32>} : memref<48xi32, #tpu.memory_space<vmem>>, vector<16xi32>,
    tpu.vector_store %arg14[%swap3A_13], %convert_element_type3A {strides = array<i32>} : memref<48xi32, #tpu.memory_space<vmem>>, vector<16xi32>,
    %get3A_15 = arith.constant 16 : index
    %get3A_16 = tpu.vector_load %arg15[%get3A_15] {strides = array<i32>} : memref<32xf32, #tpu.memory_space<vmem>>, vector<16xf32>,
    %convert_element_type3A_17 = arith.fptosi %get3A_16 : vector<16xf32> to vector<16xi32>
    %swap3A_18 = arith.constant 16 : index
    %swap3A_19 = tpu.vector_load %arg14[%swap3A_18] {strides = array<i32>} : memref<48xi32, #tpu.memory_space<vmem>>, vector<16xi32>,
    tpu.vector_store %arg14[%swap3A_18], %convert_element_type3A_17 {strides = array<i32>} : memref<48xi32, #tpu.memory_space<vmem>>, vector<16xi32>,
    %mul3A_20 = arith.constant 32 : i32
    %mul3A_21 = arith.muli %add3A, %mul3A_20 : i32
    "tpu.region"() ({
      %run_scoped3A = tpu.sem_alloc : memref<!tpu.dma_semaphore, #tpu.memory_space<semaphore_mem>>
      %dma_start3A = arith.constant 0 : i32
      %dma_start3A_41 = tpu.memref_slice %arg14[%dma_start3A] : memref<48xi32, #tpu.memory_space<vmem>> -> memref<32xi32, #tpu.memory_space<vmem>>
      %dma_start3A_42 = tpu.memref_slice %arg9[%mul3A_21] : memref<1024xi32, #tpu.memory_space<hbm>> -> memref<32xi32, #tpu.memory_space<hbm>>
      %dma_start3A_43 = tpu.memref_slice %arg9[%mul3A_21] : memref<1024xi32, #tpu.memory_space<hbm>> -> memref<32xi32, #tpu.memory_space<hbm>>
      %dma_start3A_44 = arith.constant 0 : i32
      %dma_start3A_45 = tpu.memref_slice %arg14[%dma_start3A_44] : memref<48xi32, #tpu.memory_space<vmem>> -> memref<32xi32, #tpu.memory_space<vmem>>
      tpu.enqueue_dma source(%dma_start3A_45 : memref<32xi32, #tpu.memory_space<vmem>>) target(%dma_start3A_43 : memref<32xi32, #tpu.memory_space<hbm>>) target_semaphore(%run_scoped3A : memref<!tpu.dma_semaphore, #tpu.memory_space<semaphore_mem>>)
      %dma_wait3A = arith.constant 0 : i32
      %dma_wait3A_46 = tpu.memref_slice %arg14[%dma_wait3A] : memref<48xi32, #tpu.memory_space<vmem>> -> memref<32xi32, #tpu.memory_space<vmem>>
      %dma_wait3A_47 = tpu.memref_slice %arg9[%mul3A_21] : memref<1024xi32, #tpu.memory_space<hbm>> -> memref<32xi32, #tpu.memory_space<hbm>>
      %dma_wait3A_48 = tpu.memref_slice %arg9[%mul3A_21] : memref<1024xi32, #tpu.memory_space<hbm>> -> memref<32xi32, #tpu.memory_space<hbm>>
      %dma_wait3A_49 = arith.constant 0 : i32
      %dma_wait3A_50 = tpu.memref_slice %arg14[%dma_wait3A_49] : memref<48xi32, #tpu.memory_space<vmem>> -> memref<32xi32, #tpu.memory_space<vmem>>
      tpu.wait_dma2 semaphore(%run_scoped3A : memref<!tpu.dma_semaphore, #tpu.memory_space<semaphore_mem>>) src(%dma_wait3A_50 : memref<32xi32, #tpu.memory_space<vmem>>) dst(%dma_wait3A_48 : memref<32xi32, #tpu.memory_space<hbm>>)
      tpu.yield
    }) : () -> ()
    %scan3A_22 = arith.constant 0 : i32
    %scan3A_23 = arith.constant 0 : i32
    %scan3A_24 = arith.constant 32 : i32
    %scan3A_25 = arith.addi %scan3A_23, %scan3A_24 : i32
    %scan3A_26 = arith.constant 1 : i32
    %scan3A_27 = scf.for %scan3A_41 = %scan3A_23 to %scan3A_25 step %scan3A_26 iter_args(%scan3A_42 = %scan3A_22) -> (i32)  : i32 {
      %swap3A_43 = arith.index_cast %scan3A_41 : i32 to index
      %swap3A_44 = memref.load %arg23[%swap3A_43] : memref<32xi32, #tpu.memory_space<smem>>
      memref.store %scan3A_42, %arg23[%swap3A_43] : memref<32xi32, #tpu.memory_space<smem>>
      %broadcast_in_dim3A_45 = vector.broadcast %scan3A_41 : i32 to vector<16xi32>
      %gather3A = tpu.vector_load_idx %arg14[%broadcast_in_dim3A_45] : memref<48xi32, #tpu.memory_space<vmem>>[vector<16xi32>], vector<16xi32>,
      %slice3A = vector.extract_strided_slice %gather3A {offsets = [0], sizes = [1], strides = [1]} : vector<16xi32> to vector<1xi32>
      %squeeze3A = vector.extract %slice3A[0] : i32 from vector<1xi32>
      %add3A_46 = arith.constant 7 : i32
      %add3A_47 = arith.addi %squeeze3A, %add3A_46 : i32
      %jit3A = arith.constant 8 : i32
      %div3A = arith.divsi %add3A_47, %jit3A : i32
      %sign3A = arith.constant 0 : i32
      %sign3A_48 = arith.cmpi sgt, %add3A_47, %sign3A : i32
      %sign3A_49 = arith.extui %sign3A_48 : i1 to i32
      %sign3A_50 = arith.constant 0 : i32
      %sign3A_51 = arith.cmpi slt, %add3A_47, %sign3A_50 : i32
      %sign3A_52 = arith.extui %sign3A_51 : i1 to i32
      %sign3A_53 = arith.subi %sign3A_49, %sign3A_52 : i32
      %sign3A_54 = arith.constant 0 : i32
      %sign3A_55 = arith.cmpi sgt, %jit3A, %sign3A_54 : i32
      %sign3A_56 = arith.extui %sign3A_55 : i1 to i32
      %sign3A_57 = arith.constant 0 : i32
      %sign3A_58 = arith.cmpi slt, %jit3A, %sign3A_57 : i32
      %sign3A_59 = arith.extui %sign3A_58 : i1 to i32
      %sign3A_60 = arith.subi %sign3A_56, %sign3A_59 : i32
      %ne3A = arith.cmpi ne, %sign3A_53, %sign3A_60 : i32
      %rem3A = arith.remsi %add3A_47, %jit3A : i32
      %ne3A_61 = arith.constant 0 : i32
      %ne3A_62 = arith.cmpi ne, %rem3A, %ne3A_61 : i32
      %and3A = arith.andi %ne3A, %ne3A_62 : i1
      %sub3A = arith.constant 1 : i32
      %sub3A_63 = arith.subi %div3A, %sub3A : i32
      %select_n3A = arith.select %and3A, %sub3A_63, %div3A : i32
      %mul3A_64 = arith.constant 8 : i32
      %mul3A_65 = arith.muli %select_n3A, %mul3A_64 : i32
      %add3A_66 = arith.addi %scan3A_42, %mul3A_65 : i32
      scf.yield %add3A_66 : i32
    }
    %scan3A_28 = arith.constant 32 : i32
    %scan3A_29 = arith.constant 0 : i32
    %scan3A_30 = arith.constant 0 : i32
    %scan3A_31 = arith.constant 25 : i32
    %scan3A_32 = arith.addi %scan3A_30, %scan3A_31 : i32
    %scan3A_33 = arith.constant 1 : i32
    scf.for %scan3A_41 = %scan3A_30 to %scan3A_32 step %scan3A_33  : i32 {
      %mul3A_42 = arith.constant 10000 : i32
      %mul3A_43 = arith.muli %add3A, %mul3A_42 : i32
      %mul3A_44 = arith.constant 400 : i32
      %mul3A_45 = arith.muli %scan3A_41, %mul3A_44 : i32
      %add3A_46 = arith.addi %mul3A_43, %mul3A_45 : i32
      %dma_start3A = tpu.memref_slice %arg2[%add3A_46] : memref<320000xi32, #tpu.memory_space<hbm>> -> memref<400xi32, #tpu.memory_space<hbm>>
      %dma_start3A_47 = tpu.memref_slice %arg2[%add3A_46] : memref<320000xi32, #tpu.memory_space<hbm>> -> memref<400xi32, #tpu.memory_space<hbm>>
      tpu.enqueue_dma source(%dma_start3A_47 : memref<400xi32, #tpu.memory_space<hbm>>) target(%arg16 : memref<400xi32, #tpu.memory_space<vmem>>) target_semaphore(%arg24 : memref<!tpu.dma_semaphore, #tpu.memory_space<semaphore_mem>>)
      %dma_start3A_48 = tpu.memref_slice %arg3[%add3A_46] : memref<320000xi32, #tpu.memory_space<hbm>> -> memref<400xi32, #tpu.memory_space<hbm>>
      %dma_start3A_49 = tpu.memref_slice %arg3[%add3A_46] : memref<320000xi32, #tpu.memory_space<hbm>> -> memref<400xi32, #tpu.memory_space<hbm>>
      tpu.enqueue_dma source(%dma_start3A_49 : memref<400xi32, #tpu.memory_space<hbm>>) target(%arg17 : memref<400xi32, #tpu.memory_space<vmem>>) target_semaphore(%arg24 : memref<!tpu.dma_semaphore, #tpu.memory_space<semaphore_mem>>)
      %dma_start3A_50 = tpu.memref_slice %arg4[%add3A_46] : memref<320000xi32, #tpu.memory_space<hbm>> -> memref<400xi32, #tpu.memory_space<hbm>>
      %dma_start3A_51 = tpu.memref_slice %arg4[%add3A_46] : memref<320000xi32, #tpu.memory_space<hbm>> -> memref<400xi32, #tpu.memory_space<hbm>>
      tpu.enqueue_dma source(%dma_start3A_51 : memref<400xi32, #tpu.memory_space<hbm>>) target(%arg18 : memref<400xi32, #tpu.memory_space<vmem>>) target_semaphore(%arg24 : memref<!tpu.dma_semaphore, #tpu.memory_space<semaphore_mem>>)
      %dma_wait3A = tpu.memref_slice %arg2[%add3A_46] : memref<320000xi32, #tpu.memory_space<hbm>> -> memref<400xi32, #tpu.memory_space<hbm>>
      %dma_wait3A_52 = tpu.memref_slice %arg2[%add3A_46] : memref<320000xi32, #tpu.memory_space<hbm>> -> memref<400xi32, #tpu.memory_space<hbm>>
      tpu.wait_dma2 semaphore(%arg24 : memref<!tpu.dma_semaphore, #tpu.memory_space<semaphore_mem>>) src(%dma_wait3A_52 : memref<400xi32, #tpu.memory_space<hbm>>) dst(%arg16 : memref<400xi32, #tpu.memory_space<vmem>>)
      %dma_wait3A_53 = tpu.memref_slice %arg3[%add3A_46] : memref<320000xi32, #tpu.memory_space<hbm>> -> memref<400xi32, #tpu.memory_space<hbm>>
      %dma_wait3A_54 = tpu.memref_slice %arg3[%add3A_46] : memref<320000xi32, #tpu.memory_space<hbm>> -> memref<400xi32, #tpu.memory_space<hbm>>
      tpu.wait_dma2 semaphore(%arg24 : memref<!tpu.dma_semaphore, #tpu.memory_space<semaphore_mem>>) src(%dma_wait3A_54 : memref<400xi32, #tpu.memory_space<hbm>>) dst(%arg17 : memref<400xi32, #tpu.memory_space<vmem>>)
      %dma_wait3A_55 = tpu.memref_slice %arg4[%add3A_46] : memref<320000xi32, #tpu.memory_space<hbm>> -> memref<400xi32, #tpu.memory_space<hbm>>
      %dma_wait3A_56 = tpu.memref_slice %arg4[%add3A_46] : memref<320000xi32, #tpu.memory_space<hbm>> -> memref<400xi32, #tpu.memory_space<hbm>>
      tpu.wait_dma2 semaphore(%arg24 : memref<!tpu.dma_semaphore, #tpu.memory_space<semaphore_mem>>) src(%dma_wait3A_56 : memref<400xi32, #tpu.memory_space<hbm>>) dst(%arg18 : memref<400xi32, #tpu.memory_space<vmem>>)
      %scan3A_57 = arith.constant 0 : i32
      %scan3A_58 = arith.constant 0 : i32
      %scan3A_59 = arith.constant 25 : i32
      %scan3A_60 = arith.addi %scan3A_58, %scan3A_59 : i32
      %scan3A_61 = arith.constant 1 : i32
      scf.for %scan3A_69 = %scan3A_58 to %scan3A_60 step %scan3A_61  : i32 {
        %mul3A_70 = arith.constant 16 : i32
        %mul3A_71 = arith.muli %scan3A_69, %mul3A_70 : i32
        %get3A_72 = arith.index_cast %mul3A_71 : i32 to index
        %get3A_73 = tpu.vector_load %arg18[%get3A_72] {strides = array<i32>} : memref<400xi32, #tpu.memory_space<vmem>>, vector<16xi32>,
        %get3A_74 = arith.index_cast %mul3A_71 : i32 to index
        %get3A_75 = tpu.vector_load %arg17[%get3A_74] {strides = array<i32>} : memref<400xi32, #tpu.memory_space<vmem>>, vector<16xi32>,
        %jit3A = arith.constant 320 : i32
        %div3A = vector.broadcast %jit3A : i32 to vector<16xi32>
        %div3A_76 = arith.divsi %get3A_73, %div3A : vector<16xi32>
        %sign3A = arith.constant 0 : i32
        %sign3A_77 = vector.broadcast %sign3A : i32 to vector<16xi32>
        %sign3A_78 = arith.cmpi sgt, %get3A_73, %sign3A_77 : vector<16xi32>
        %sign3A_79 = arith.extui %sign3A_78 : vector<16xi1> to vector<16xi32>
        %sign3A_80 = arith.constant 0 : i32
        %sign3A_81 = vector.broadcast %sign3A_80 : i32 to vector<16xi32>
        %sign3A_82 = arith.cmpi slt, %get3A_73, %sign3A_81 : vector<16xi32>
        %sign3A_83 = arith.extui %sign3A_82 : vector<16xi1> to vector<16xi32>
        %sign3A_84 = arith.subi %sign3A_79, %sign3A_83 : vector<16xi32>
        %sign3A_85 = arith.constant 0 : i32
        %sign3A_86 = arith.cmpi sgt, %jit3A, %sign3A_85 : i32
        %sign3A_87 = arith.extui %sign3A_86 : i1 to i32
        %sign3A_88 = arith.constant 0 : i32
        %sign3A_89 = arith.cmpi slt, %jit3A, %sign3A_88 : i32
        %sign3A_90 = arith.extui %sign3A_89 : i1 to i32
        %sign3A_91 = arith.subi %sign3A_87, %sign3A_90 : i32
        %ne3A = vector.broadcast %sign3A_91 : i32 to vector<16xi32>
        %ne3A_92 = arith.cmpi ne, %sign3A_84, %ne3A : vector<16xi32>
        %rem3A = vector.broadcast %jit3A : i32 to vector<16xi32>
        %rem3A_93 = arith.remsi %get3A_73, %rem3A : vector<16xi32>
        %ne3A_94 = arith.constant 0 : i32
        %ne3A_95 = vector.broadcast %ne3A_94 : i32 to vector<16xi32>
        %ne3A_96 = arith.cmpi ne, %rem3A_93, %ne3A_95 : vector<16xi32>
        %and3A = arith.andi %ne3A_92, %ne3A_96 : vector<16xi1>
        %sub3A = arith.constant 1 : i32
        %sub3A_97 = vector.broadcast %sub3A : i32 to vector<16xi32>
        %sub3A_98 = arith.subi %div3A_76, %sub3A_97 : vector<16xi32>
        %select_n3A = arith.select %and3A, %sub3A_98, %div3A_76 : vector<16xi1>, vector<16xi32>
        %swap3A_99 = arith.index_cast %mul3A_71 : i32 to index
        %swap3A_100 = tpu.vector_load %arg19[%swap3A_99] {strides = array<i32>} : memref<400xi32, #tpu.memory_space<vmem>>, vector<16xi32>,
        tpu.vector_store %arg19[%swap3A_99], %select_n3A {strides = array<i32>} : memref<400xi32, #tpu.memory_space<vmem>>, vector<16xi32>,
        %mul3A_101 = arith.constant 320 : i32
        %mul3A_102 = vector.broadcast %mul3A_101 : i32 to vector<16xi32>
        %mul3A_103 = arith.muli %select_n3A, %mul3A_102 : vector<16xi32>
        %sub3A_104 = arith.subi %get3A_73, %mul3A_103 : vector<16xi32>
        %swap3A_105 = arith.index_cast %mul3A_71 : i32 to index
        %swap3A_106 = tpu.vector_load %arg21[%swap3A_105] {strides = array<i32>} : memref<400xi32, #tpu.memory_space<vmem>>, vector<16xi32>,
        tpu.vector_store %arg21[%swap3A_105], %sub3A_104 {strides = array<i32>} : memref<400xi32, #tpu.memory_space<vmem>>, vector<16xi32>,
        %mul3A_107 = arith.constant 10000 : i32
        %mul3A_108 = vector.broadcast %mul3A_107 : i32 to vector<16xi32>
        %mul3A_109 = arith.muli %get3A_75, %mul3A_108 : vector<16xi32>
        %get3A_110 = arith.index_cast %mul3A_71 : i32 to index
        %get3A_111 = tpu.vector_load %arg16[%get3A_110] {strides = array<i32>} : memref<400xi32, #tpu.memory_space<vmem>>, vector<16xi32>,
        %add3A_112 = arith.addi %mul3A_109, %get3A_111 : vector<16xi32>
        %swap3A_113 = arith.index_cast %mul3A_71 : i32 to index
        %swap3A_114 = tpu.vector_load %arg20[%swap3A_113] {strides = array<i32>} : memref<400xi32, #tpu.memory_space<vmem>>, vector<16xi32>,
        tpu.vector_store %arg20[%swap3A_113], %add3A_112 {strides = array<i32>} : memref<400xi32, #tpu.memory_space<vmem>>, vector<16xi32>,
        %mul3A_115 = arith.constant 8 : i32
        %mul3A_116 = vector.broadcast %mul3A_115 : i32 to vector<16xi32>
        %mul3A_117 = arith.muli %get3A_73, %mul3A_116 : vector<16xi32>
        %add3A_118 = arith.addi %mul3A_117, %get3A_75 : vector<16xi32>
        %gather3A = tpu.vector_load_idx %arg10[%add3A_118] : memref<81920xf32, #tpu.memory_space<vmem>>[vector<16xi32>], vector<16xf32>,
        %max3A = arith.constant 1.000000e+00 : f32
        %max3A_119 = vector.broadcast %max3A : f32 to vector<16xf32>
        %max3A_120 = arith.maximumf %gather3A, %max3A_119 : vector<16xf32>
        %div3A_121 = arith.constant 1.000000e+00 : f32
        %div3A_122 = vector.broadcast %div3A_121 : f32 to vector<16xf32>
        %div3A_123 = arith.divf %div3A_122, %max3A_120 : vector<16xf32>
        %bitcast3A = vector.bitcast %div3A_123 : vector<16xf32> to vector<16xi32>
        %swap3A_124 = arith.index_cast %mul3A_71 : i32 to index
        %swap3A_125 = tpu.vector_load %arg22[%swap3A_124] {strides = array<i32>} : memref<400xi32, #tpu.memory_space<vmem>>, vector<16xi32>,
        tpu.vector_store %arg22[%swap3A_124], %bitcast3A {strides = array<i32>} : memref<400xi32, #tpu.memory_space<vmem>>, vector<16xi32>,
      }
      %scan3A_62 = arith.constant 25 : i32
      %scan3A_63 = arith.constant 0 : i32
      %scan3A_64 = arith.constant 0 : i32
      %scan3A_65 = arith.constant 32 : i32
      %scan3A_66 = arith.addi %scan3A_64, %scan3A_65 : i32
      %scan3A_67 = arith.constant 1 : i32
      scf.for %scan3A_69 = %scan3A_64 to %scan3A_66 step %scan3A_67  : i32 {
        %get3A_70 = arith.index_cast %scan3A_69 : i32 to index
        %get3A_71 = memref.load %arg23[%get3A_70] : memref<32xi32, #tpu.memory_space<smem>>
        %scan3A_72 = arith.constant 0 : i32
        %scan3A_73 = arith.constant 25 : i32
        %scan3A_74 = arith.addi %scan3A_72, %scan3A_73 : i32
        %scan3A_75 = arith.constant 1 : i32
        %scan3A_76 = scf.for %scan3A_80 = %scan3A_72 to %scan3A_74 step %scan3A_75 iter_args(%scan3A_81 = %get3A_71) -> (i32)  : i32 {
          %mul3A_82 = arith.constant 16 : i32
          %mul3A_83 = arith.muli %scan3A_80, %mul3A_82 : i32
          %get3A_84 = arith.index_cast %mul3A_83 : i32 to index
          %get3A_85 = tpu.vector_load %arg19[%get3A_84] {strides = array<i32>} : memref<400xi32, #tpu.memory_space<vmem>>, vector<16xi32>,
          %eq3A = vector.broadcast %scan3A_69 : i32 to vector<16xi32>
          %eq3A_86 = arith.cmpi eq, %get3A_85, %eq3A : vector<16xi32>
          %convert_element_type3A_87 = arith.extui %eq3A_86 : vector<16xi1> to vector<16xi32>
          %reduce_sum3A = arith.constant true
          %reduce_sum3A_88 = vector.broadcast %reduce_sum3A : i1 to vector<16xi1>
          %reduce_sum3A_89 = tpu.scan <sum>, %convert_element_type3A_87 masked %reduce_sum3A_88 : vector<16xi32>, vector<16xi1> -> vector<16xi32>
          %reduce_sum3A_90 = vector.extract %reduce_sum3A_89[15] : i32 from vector<16xi32>
          %gt3A = arith.constant 0 : i32
          %gt3A_91 = arith.cmpi sgt, %reduce_sum3A_90, %gt3A : i32
          %convert_element_type3A_92 = arith.extui %gt3A_91 : i1 to i32
          %cond3A = arith.constant 0 : i32
          %cond3A_93 = arith.cmpi ne, %convert_element_type3A_92, %cond3A : i32
          scf.if %cond3A_93 {
            %broadcast_in_dim3A_95 = arith.constant true
            %broadcast_in_dim3A_96 = vector.broadcast %broadcast_in_dim3A_95 : i1 to vector<16xi1>
            %masked_cumsum3A = tpu.scan <sum>, %convert_element_type3A_87 masked %broadcast_in_dim3A_96 : vector<16xi32>, vector<16xi1> -> vector<16xi32>
            %add3A_97 = vector.broadcast %scan3A_81 : i32 to vector<16xi32>
            %add3A_98 = arith.addi %add3A_97, %masked_cumsum3A : vector<16xi32>
            %sub3A = arith.subi %add3A_98, %convert_element_type3A_87 : vector<16xi32>
            %get3A_99 = arith.index_cast %mul3A_83 : i32 to index
            %get3A_100 = tpu.vector_load %arg20[%get3A_99] {strides = array<i32>} : memref<400xi32, #tpu.memory_space<vmem>>, vector<16xi32>,
            tpu.vector_store_idx %arg11[%sub3A], %get3A_100 masked %eq3A_86 : memref<10240xi32, #tpu.memory_space<vmem>>[vector<16xi32>], vector<16xi32>, vector<16xi1>
            %get3A_101 = arith.index_cast %mul3A_83 : i32 to index
            %get3A_102 = tpu.vector_load %arg21[%get3A_101] {strides = array<i32>} : memref<400xi32, #tpu.memory_space<vmem>>, vector<16xi32>,
            tpu.vector_store_idx %arg12[%sub3A], %get3A_102 masked %eq3A_86 : memref<10240xi32, #tpu.memory_space<vmem>>[vector<16xi32>], vector<16xi32>, vector<16xi1>
            %get3A_103 = arith.index_cast %mul3A_83 : i32 to index
            %get3A_104 = tpu.vector_load %arg22[%get3A_103] {strides = array<i32>} : memref<400xi32, #tpu.memory_space<vmem>>, vector<16xi32>,
            tpu.vector_store_idx %arg13[%sub3A], %get3A_104 masked %eq3A_86 : memref<10240xi32, #tpu.memory_space<vmem>>[vector<16xi32>], vector<16xi32>, vector<16xi1>
          } else {
          }
          %add3A_94 = arith.addi %scan3A_81, %reduce_sum3A_90 : i32
          scf.yield %add3A_94 : i32
        }
        %scan3A_77 = arith.constant 25 : i32
        %swap3A_78 = arith.index_cast %scan3A_69 : i32 to index
        %swap3A_79 = memref.load %arg23[%swap3A_78] : memref<32xi32, #tpu.memory_space<smem>>
        memref.store %scan3A_76, %arg23[%swap3A_78] : memref<32xi32, #tpu.memory_space<smem>>
      }
      %scan3A_68 = arith.constant 32 : i32
    }
    %scan3A_34 = arith.constant 25 : i32
    %mul3A_35 = arith.constant 10240 : i32
    %mul3A_36 = arith.muli %add3A, %mul3A_35 : i32
    "tpu.region"() ({
      %run_scoped3A = tpu.sem_alloc : memref<!tpu.dma_semaphore, #tpu.memory_space<semaphore_mem>>
      %dma_start3A = tpu.memref_slice %arg6[%mul3A_36] : memref<328080xi32, #tpu.memory_space<hbm>> -> memref<10240xi32, #tpu.memory_space<hbm>>
      %dma_start3A_41 = tpu.memref_slice %arg6[%mul3A_36] : memref<328080xi32, #tpu.memory_space<hbm>> -> memref<10240xi32, #tpu.memory_space<hbm>>
      tpu.enqueue_dma source(%arg11 : memref<10240xi32, #tpu.memory_space<vmem>>) target(%dma_start3A_41 : memref<10240xi32, #tpu.memory_space<hbm>>) target_semaphore(%run_scoped3A : memref<!tpu.dma_semaphore, #tpu.memory_space<semaphore_mem>>)
      %dma_wait3A = tpu.memref_slice %arg6[%mul3A_36] : memref<328080xi32, #tpu.memory_space<hbm>> -> memref<10240xi32, #tpu.memory_space<hbm>>
      %dma_wait3A_42 = tpu.memref_slice %arg6[%mul3A_36] : memref<328080xi32, #tpu.memory_space<hbm>> -> memref<10240xi32, #tpu.memory_space<hbm>>
      tpu.wait_dma2 semaphore(%run_scoped3A : memref<!tpu.dma_semaphore, #tpu.memory_space<semaphore_mem>>) src(%arg11 : memref<10240xi32, #tpu.memory_space<vmem>>) dst(%dma_wait3A_42 : memref<10240xi32, #tpu.memory_space<hbm>>)
      tpu.yield
    }) : () -> ()
    %mul3A_37 = arith.constant 10240 : i32
    %mul3A_38 = arith.muli %add3A, %mul3A_37 : i32
    "tpu.region"() ({
      %run_scoped3A = tpu.sem_alloc : memref<!tpu.dma_semaphore, #tpu.memory_space<semaphore_mem>>
      %dma_start3A = tpu.memref_slice %arg7[%mul3A_38] : memref<328080xi32, #tpu.memory_space<hbm>> -> memref<10240xi32, #tpu.memory_space<hbm>>
      %dma_start3A_41 = tpu.memref_slice %arg7[%mul3A_38] : memref<328080xi32, #tpu.memory_space<hbm>> -> memref<10240xi32, #tpu.memory_space<hbm>>
      tpu.enqueue_dma source(%arg12 : memref<10240xi32, #tpu.memory_space<vmem>>) target(%dma_start3A_41 : memref<10240xi32, #tpu.memory_space<hbm>>) target_semaphore(%run_scoped3A : memref<!tpu.dma_semaphore, #tpu.memory_space<semaphore_mem>>)
      %dma_wait3A = tpu.memref_slice %arg7[%mul3A_38] : memref<328080xi32, #tpu.memory_space<hbm>> -> memref<10240xi32, #tpu.memory_space<hbm>>
      %dma_wait3A_42 = tpu.memref_slice %arg7[%mul3A_38] : memref<328080xi32, #tpu.memory_space<hbm>> -> memref<10240xi32, #tpu.memory_space<hbm>>
      tpu.wait_dma2 semaphore(%run_scoped3A : memref<!tpu.dma_semaphore, #tpu.memory_space<semaphore_mem>>) src(%arg12 : memref<10240xi32, #tpu.memory_space<vmem>>) dst(%dma_wait3A_42 : memref<10240xi32, #tpu.memory_space<hbm>>)
      tpu.yield
    }) : () -> ()
    %mul3A_39 = arith.constant 10240 : i32
    %mul3A_40 = arith.muli %add3A, %mul3A_39 : i32
    "tpu.region"() ({
      %run_scoped3A = tpu.sem_alloc : memref<!tpu.dma_semaphore, #tpu.memory_space<semaphore_mem>>
      %dma_start3A = tpu.memref_slice %arg8[%mul3A_40] : memref<328080xi32, #tpu.memory_space<hbm>> -> memref<10240xi32, #tpu.memory_space<hbm>>
      %dma_start3A_41 = tpu.memref_slice %arg8[%mul3A_40] : memref<328080xi32, #tpu.memory_space<hbm>> -> memref<10240xi32, #tpu.memory_space<hbm>>
      tpu.enqueue_dma source(%arg13 : memref<10240xi32, #tpu.memory_space<vmem>>) target(%dma_start3A_41 : memref<10240xi32, #tpu.memory_space<hbm>>) target_semaphore(%run_scoped3A : memref<!tpu.dma_semaphore, #tpu.memory_space<semaphore_mem>>)
      %dma_wait3A = tpu.memref_slice %arg8[%mul3A_40] : memref<328080xi32, #tpu.memory_space<hbm>> -> memref<10240xi32, #tpu.memory_space<hbm>>
      %dma_wait3A_42 = tpu.memref_slice %arg8[%mul3A_40] : memref<328080xi32, #tpu.memory_space<hbm>> -> memref<10240xi32, #tpu.memory_space<hbm>>
      tpu.wait_dma2 semaphore(%run_scoped3A : memref<!tpu.dma_semaphore, #tpu.memory_space<semaphore_mem>>) src(%arg13 : memref<10240xi32, #tpu.memory_space<vmem>>) dst(%dma_wait3A_42 : memref<10240xi32, #tpu.memory_space<hbm>>)
      tpu.yield
    }) : () -> ()
    return
  }
}

#map = affine_map<(d0, d1) -> (0)>
module attributes {stable_mosaic.version = 14 : i64} {
  func.func @body(%arg0: i32, %arg1: i32, %arg2: memref<80000xf32, #tpu.memory_space<hbm>>, %arg3: memref<100000xi32, #tpu.memory_space<hbm>>, %arg4: memref<100000xi32, #tpu.memory_space<hbm>>, %arg5: memref<16xf32, #tpu.memory_space<hbm>>, %arg6: memref<400000xf32, #tpu.memory_space<hbm>>, %arg7: memref<40000xf32, #tpu.memory_space<vmem>>, %arg8: memref<40000xf32, #tpu.memory_space<vmem>>, %arg9: memref<160xi32, #tpu.memory_space<vmem>>, %arg10: memref<160xi32, #tpu.memory_space<vmem>>, %arg11: memref<640xf32, #tpu.memory_space<vmem>>, %arg12: memref<16xf32, #tpu.memory_space<vmem>>) attributes {dimension_semantics = [#tpu.dimension_semantics<core_parallel>, #tpu.dimension_semantics<subcore_parallel>], iteration_bounds = array<i64: 2, 16>, scalar_prefetch = 0 : i64, scratch_operands = 6 : i64, tpu.core_type = #tpu.core_type<sc_vector_subcore>, window_params = [{transform_indices = #map}, {transform_indices = #map}, {transform_indices = #map}, {transform_indices = #map}, {transform_indices = #map}]} {
    %mul3A = arith.constant 2 : i32
    %mul3A_0 = arith.muli %arg1, %mul3A : i32
    %add3A = arith.addi %mul3A_0, %arg0 : i32
    "tpu.region"() ({
      %run_scoped3A = tpu.sem_alloc : memref<!tpu.dma_semaphore, #tpu.memory_space<semaphore_mem>>
      %dma_start3A = arith.constant 0 : i32
      %dma_start3A_10 = tpu.memref_slice %arg2[%dma_start3A] : memref<80000xf32, #tpu.memory_space<hbm>> -> memref<40000xf32, #tpu.memory_space<hbm>>
      %dma_start3A_11 = arith.constant 0 : i32
      %dma_start3A_12 = tpu.memref_slice %arg2[%dma_start3A_11] : memref<80000xf32, #tpu.memory_space<hbm>> -> memref<40000xf32, #tpu.memory_space<hbm>>
      tpu.enqueue_dma source(%dma_start3A_12 : memref<40000xf32, #tpu.memory_space<hbm>>) target(%arg7 : memref<40000xf32, #tpu.memory_space<vmem>>) target_semaphore(%run_scoped3A : memref<!tpu.dma_semaphore, #tpu.memory_space<semaphore_mem>>)
      %dma_wait3A = arith.constant 0 : i32
      %dma_wait3A_13 = tpu.memref_slice %arg2[%dma_wait3A] : memref<80000xf32, #tpu.memory_space<hbm>> -> memref<40000xf32, #tpu.memory_space<hbm>>
      %dma_wait3A_14 = arith.constant 0 : i32
      %dma_wait3A_15 = tpu.memref_slice %arg2[%dma_wait3A_14] : memref<80000xf32, #tpu.memory_space<hbm>> -> memref<40000xf32, #tpu.memory_space<hbm>>
      tpu.wait_dma2 semaphore(%run_scoped3A : memref<!tpu.dma_semaphore, #tpu.memory_space<semaphore_mem>>) src(%dma_wait3A_15 : memref<40000xf32, #tpu.memory_space<hbm>>) dst(%arg7 : memref<40000xf32, #tpu.memory_space<vmem>>)
      tpu.yield
    }) : () -> ()
    "tpu.region"() ({
      %run_scoped3A = tpu.sem_alloc : memref<!tpu.dma_semaphore, #tpu.memory_space<semaphore_mem>>
      %dma_start3A = arith.constant 40000 : i32
      %dma_start3A_10 = tpu.memref_slice %arg2[%dma_start3A] : memref<80000xf32, #tpu.memory_space<hbm>> -> memref<40000xf32, #tpu.memory_space<hbm>>
      %dma_start3A_11 = arith.constant 40000 : i32
      %dma_start3A_12 = tpu.memref_slice %arg2[%dma_start3A_11] : memref<80000xf32, #tpu.memory_space<hbm>> -> memref<40000xf32, #tpu.memory_space<hbm>>
      tpu.enqueue_dma source(%dma_start3A_12 : memref<40000xf32, #tpu.memory_space<hbm>>) target(%arg8 : memref<40000xf32, #tpu.memory_space<vmem>>) target_semaphore(%run_scoped3A : memref<!tpu.dma_semaphore, #tpu.memory_space<semaphore_mem>>)
      %dma_wait3A = arith.constant 40000 : i32
      %dma_wait3A_13 = tpu.memref_slice %arg2[%dma_wait3A] : memref<80000xf32, #tpu.memory_space<hbm>> -> memref<40000xf32, #tpu.memory_space<hbm>>
      %dma_wait3A_14 = arith.constant 40000 : i32
      %dma_wait3A_15 = tpu.memref_slice %arg2[%dma_wait3A_14] : memref<80000xf32, #tpu.memory_space<hbm>> -> memref<40000xf32, #tpu.memory_space<hbm>>
      tpu.wait_dma2 semaphore(%run_scoped3A : memref<!tpu.dma_semaphore, #tpu.memory_space<semaphore_mem>>) src(%dma_wait3A_15 : memref<40000xf32, #tpu.memory_space<hbm>>) dst(%arg8 : memref<40000xf32, #tpu.memory_space<vmem>>)
      tpu.yield
    }) : () -> ()
    "tpu.region"() ({
      %run_scoped3A = tpu.sem_alloc : memref<!tpu.dma_semaphore, #tpu.memory_space<semaphore_mem>>
      tpu.enqueue_dma source(%arg5 : memref<16xf32, #tpu.memory_space<hbm>>) target(%arg12 : memref<16xf32, #tpu.memory_space<vmem>>) target_semaphore(%run_scoped3A : memref<!tpu.dma_semaphore, #tpu.memory_space<semaphore_mem>>)
      tpu.wait_dma2 semaphore(%run_scoped3A : memref<!tpu.dma_semaphore, #tpu.memory_space<semaphore_mem>>) src(%arg5 : memref<16xf32, #tpu.memory_space<hbm>>) dst(%arg12 : memref<16xf32, #tpu.memory_space<vmem>>)
      tpu.yield
    }) : () -> ()
    %get3A = arith.constant 0 : index
    %get3A_1 = tpu.vector_load %arg12[%get3A] {strides = array<i32>} : memref<16xf32, #tpu.memory_space<vmem>>, vector<16xf32>,
    %iota3A = tpu.iota {dimensions = array<i32: 0>} : vector<16xi32>
    %shift_right_logical3A = arith.constant 2 : i32
    %shift_right_logical3A_2 = vector.broadcast %shift_right_logical3A : i32 to vector<16xi32>
    %shift_right_logical3A_3 = arith.shrui %iota3A, %shift_right_logical3A_2 : vector<16xi32>
    %broadcast_in_dim3A = arith.constant 3 : i32
    %broadcast_in_dim3A_4 = vector.broadcast %broadcast_in_dim3A : i32 to vector<16xi32>
    %and3A = arith.andi %iota3A, %broadcast_in_dim3A_4 : vector<16xi32>
    %scan3A = arith.constant 0 : i32
    %scan3A_5 = arith.constant 0 : i32
    %scan3A_6 = arith.constant 20 : i32
    %scan3A_7 = arith.addi %scan3A_5, %scan3A_6 : i32
    %scan3A_8 = arith.constant 1 : i32
    scf.for %scan3A_10 = %scan3A_5 to %scan3A_7 step %scan3A_8  : i32 {
      %mul3A_11 = arith.constant 32 : i32
      %mul3A_12 = arith.muli %scan3A_10, %mul3A_11 : i32
      %add3A_13 = arith.addi %add3A, %mul3A_12 : i32
      %lt3A = arith.constant 625 : i32
      %lt3A_14 = arith.cmpi slt, %add3A_13, %lt3A : i32
      %convert_element_type3A = arith.extui %lt3A_14 : i1 to i32
      %cond3A = arith.constant 0 : i32
      %cond3A_15 = arith.cmpi ne, %convert_element_type3A, %cond3A : i32
      scf.if %cond3A_15 {
        %mul3A_16 = arith.constant 160 : i32
        %mul3A_17 = arith.muli %add3A_13, %mul3A_16 : i32
        "tpu.region"() ({
          %run_scoped3A = tpu.sem_alloc : memref<!tpu.dma_semaphore, #tpu.memory_space<semaphore_mem>>
          %dma_start3A = tpu.memref_slice %arg3[%mul3A_17] : memref<100000xi32, #tpu.memory_space<hbm>> -> memref<160xi32, #tpu.memory_space<hbm>>
          %dma_start3A_26 = tpu.memref_slice %arg3[%mul3A_17] : memref<100000xi32, #tpu.memory_space<hbm>> -> memref<160xi32, #tpu.memory_space<hbm>>
          tpu.enqueue_dma source(%dma_start3A_26 : memref<160xi32, #tpu.memory_space<hbm>>) target(%arg9 : memref<160xi32, #tpu.memory_space<vmem>>) target_semaphore(%run_scoped3A : memref<!tpu.dma_semaphore, #tpu.memory_space<semaphore_mem>>)
          %dma_wait3A = tpu.memref_slice %arg3[%mul3A_17] : memref<100000xi32, #tpu.memory_space<hbm>> -> memref<160xi32, #tpu.memory_space<hbm>>
          %dma_wait3A_27 = tpu.memref_slice %arg3[%mul3A_17] : memref<100000xi32, #tpu.memory_space<hbm>> -> memref<160xi32, #tpu.memory_space<hbm>>
          tpu.wait_dma2 semaphore(%run_scoped3A : memref<!tpu.dma_semaphore, #tpu.memory_space<semaphore_mem>>) src(%dma_wait3A_27 : memref<160xi32, #tpu.memory_space<hbm>>) dst(%arg9 : memref<160xi32, #tpu.memory_space<vmem>>)
          tpu.yield
        }) : () -> ()
        "tpu.region"() ({
          %run_scoped3A = tpu.sem_alloc : memref<!tpu.dma_semaphore, #tpu.memory_space<semaphore_mem>>
          %dma_start3A = tpu.memref_slice %arg4[%mul3A_17] : memref<100000xi32, #tpu.memory_space<hbm>> -> memref<160xi32, #tpu.memory_space<hbm>>
          %dma_start3A_26 = tpu.memref_slice %arg4[%mul3A_17] : memref<100000xi32, #tpu.memory_space<hbm>> -> memref<160xi32, #tpu.memory_space<hbm>>
          tpu.enqueue_dma source(%dma_start3A_26 : memref<160xi32, #tpu.memory_space<hbm>>) target(%arg10 : memref<160xi32, #tpu.memory_space<vmem>>) target_semaphore(%run_scoped3A : memref<!tpu.dma_semaphore, #tpu.memory_space<semaphore_mem>>)
          %dma_wait3A = tpu.memref_slice %arg4[%mul3A_17] : memref<100000xi32, #tpu.memory_space<hbm>> -> memref<160xi32, #tpu.memory_space<hbm>>
          %dma_wait3A_27 = tpu.memref_slice %arg4[%mul3A_17] : memref<100000xi32, #tpu.memory_space<hbm>> -> memref<160xi32, #tpu.memory_space<hbm>>
          tpu.wait_dma2 semaphore(%run_scoped3A : memref<!tpu.dma_semaphore, #tpu.memory_space<semaphore_mem>>) src(%dma_wait3A_27 : memref<160xi32, #tpu.memory_space<hbm>>) dst(%arg10 : memref<160xi32, #tpu.memory_space<vmem>>)
          tpu.yield
        }) : () -> ()
        %scan3A_18 = arith.constant 0 : i32
        %scan3A_19 = arith.constant 0 : i32
        %scan3A_20 = arith.constant 40 : i32
        %scan3A_21 = arith.addi %scan3A_19, %scan3A_20 : i32
        %scan3A_22 = arith.constant 1 : i32
        scf.for %scan3A_26 = %scan3A_19 to %scan3A_21 step %scan3A_22  : i32 {
          %mul3A_27 = arith.constant 4 : i32
          %mul3A_28 = arith.muli %scan3A_26, %mul3A_27 : i32
          %add3A_29 = vector.broadcast %mul3A_28 : i32 to vector<16xi32>
          %add3A_30 = arith.addi %add3A_29, %shift_right_logical3A_3 : vector<16xi32>
          %gather3A = tpu.vector_load_idx %arg9[%add3A_30] : memref<160xi32, #tpu.memory_space<vmem>>[vector<16xi32>], vector<16xi32>,
          %gather3A_31 = tpu.vector_load_idx %arg10[%add3A_30] : memref<160xi32, #tpu.memory_space<vmem>>[vector<16xi32>], vector<16xi32>,
          %mul3A_32 = arith.constant 4 : i32
          %mul3A_33 = vector.broadcast %mul3A_32 : i32 to vector<16xi32>
          %mul3A_34 = arith.muli %gather3A, %mul3A_33 : vector<16xi32>
          %add3A_35 = arith.addi %mul3A_34, %and3A : vector<16xi32>
          %gather3A_36 = tpu.vector_load_idx %arg7[%add3A_35] : memref<40000xf32, #tpu.memory_space<vmem>>[vector<16xi32>], vector<16xf32>,
          %mul3A_37 = arith.constant 4 : i32
          %mul3A_38 = vector.broadcast %mul3A_37 : i32 to vector<16xi32>
          %mul3A_39 = arith.muli %gather3A_31, %mul3A_38 : vector<16xi32>
          %add3A_40 = arith.addi %mul3A_39, %and3A : vector<16xi32>
          %gather3A_41 = tpu.vector_load_idx %arg8[%add3A_40] : memref<40000xf32, #tpu.memory_space<vmem>>[vector<16xi32>], vector<16xf32>,
          %add3A_42 = arith.addf %gather3A_36, %gather3A_41 : vector<16xf32>
          %add3A_43 = arith.addf %add3A_42, %get3A_1 : vector<16xf32>
          %mul3A_44 = arith.constant 16 : i32
          %mul3A_45 = arith.muli %scan3A_26, %mul3A_44 : i32
          %swap3A = arith.index_cast %mul3A_45 : i32 to index
          %swap3A_46 = tpu.vector_load %arg11[%swap3A] {strides = array<i32>} : memref<640xf32, #tpu.memory_space<vmem>>, vector<16xf32>,
          tpu.vector_store %arg11[%swap3A], %add3A_43 {strides = array<i32>} : memref<640xf32, #tpu.memory_space<vmem>>, vector<16xf32>,
        }
        %scan3A_23 = arith.constant 40 : i32
        %mul3A_24 = arith.constant 4 : i32
        %mul3A_25 = arith.muli %mul3A_17, %mul3A_24 : i32
        "tpu.region"() ({
          %run_scoped3A = tpu.sem_alloc : memref<!tpu.dma_semaphore, #tpu.memory_space<semaphore_mem>>
          %dma_start3A = tpu.memref_slice %arg6[%mul3A_25] : memref<400000xf32, #tpu.memory_space<hbm>> -> memref<640xf32, #tpu.memory_space<hbm>>
          %dma_start3A_26 = tpu.memref_slice %arg6[%mul3A_25] : memref<400000xf32, #tpu.memory_space<hbm>> -> memref<640xf32, #tpu.memory_space<hbm>>
          tpu.enqueue_dma source(%arg11 : memref<640xf32, #tpu.memory_space<vmem>>) target(%dma_start3A_26 : memref<640xf32, #tpu.memory_space<hbm>>) target_semaphore(%run_scoped3A : memref<!tpu.dma_semaphore, #tpu.memory_space<semaphore_mem>>)
          %dma_wait3A = tpu.memref_slice %arg6[%mul3A_25] : memref<400000xf32, #tpu.memory_space<hbm>> -> memref<640xf32, #tpu.memory_space<hbm>>
          %dma_wait3A_27 = tpu.memref_slice %arg6[%mul3A_25] : memref<400000xf32, #tpu.memory_space<hbm>> -> memref<640xf32, #tpu.memory_space<hbm>>
          tpu.wait_dma2 semaphore(%run_scoped3A : memref<!tpu.dma_semaphore, #tpu.memory_space<semaphore_mem>>) src(%arg11 : memref<640xf32, #tpu.memory_space<vmem>>) dst(%dma_wait3A_27 : memref<640xf32, #tpu.memory_space<hbm>>)
          tpu.yield
        }) : () -> ()
      } else {
      }
    }
    %scan3A_9 = arith.constant 20 : i32
    return
  }
}

module attributes {stable_mosaic.version = 14 : i64} {
  func.func @kern(%arg0: i32, %arg1: memref<2048x128xf32, #tpu.memory_space<vmem>>, %arg2: memref<2048x128xf32, #tpu.memory_space<vmem>>, %arg3: memref<128x128xf32, #tpu.memory_space<vmem>>, %arg4: memref<1x128xf32, #tpu.memory_space<vmem>>, %arg5: memref<2048x128xf32, #tpu.memory_space<vmem>>) attributes {dimension_semantics = [#tpu.dimension_semantics<arbitrary>], iteration_bounds = array<i64: 5>, scalar_prefetch = 0 : i64, scratch_operands = 0 : i64, tpu.core_type = #tpu.core_type<tc>, window_params = [{transform_indices = @transform_0, window_bounds = array<i64: 2048, 128>}, {transform_indices = @transform_1, window_bounds = array<i64: 2048, 128>}, {pipeline_mode = #tpu.pipeline_mode<synchronous>, transform_indices = @transform_2, window_bounds = array<i64: 128, 128>}, {pipeline_mode = #tpu.pipeline_mode<synchronous>, transform_indices = @transform_3, window_bounds = array<i64: 1, 128>}, {transform_indices = @transform_4, window_bounds = array<i64: 2048, 128>}]} {
    %get3A = arith.constant 0 : index
    %get3A_0 = arith.constant 0 : index
    %get3A_1 = vector.load %arg1[%get3A, %get3A_0] : memref<2048x128xf32, #tpu.memory_space<vmem>>, vector<2048x128xf32>
    %get3A_2 = arith.constant 0 : index
    %get3A_3 = arith.constant 0 : index
    %get3A_4 = vector.load %arg4[%get3A_2, %get3A_3] : memref<1x128xf32, #tpu.memory_space<vmem>>, vector<1x128xf32>
    %add3A = vector.broadcast %get3A_4 : vector<1x128xf32> to vector<2048x128xf32>
    %add3A_5 = arith.addf %get3A_1, %add3A : vector<2048x128xf32>
    %get3A_6 = arith.constant 0 : index
    %get3A_7 = arith.constant 0 : index
    %get3A_8 = vector.load %arg2[%get3A_6, %get3A_7] : memref<2048x128xf32, #tpu.memory_space<vmem>>, vector<2048x128xf32>
    %get3A_9 = arith.constant 0 : index
    %get3A_10 = arith.constant 0 : index
    %get3A_11 = vector.load %arg3[%get3A_9, %get3A_10] : memref<128x128xf32, #tpu.memory_space<vmem>>, vector<128x128xf32>
    %dot_general3A = arith.constant dense<0.000000e+00> : vector<2048x128xf32>
    %dot_general3A_12 = tpu.matmul %get3A_8, %get3A_11, %dot_general3A {dimension_numbers = #tpu.dot_dimension_numbers<[1], [0], [0], [1], [0, 0, 1, 1], [], []>, transpose_lhs_hint = false} : vector<2048x128xf32>, vector<128x128xf32>, vector<2048x128xf32> -> vector<2048x128xf32>
    %add3A_13 = arith.addf %add3A_5, %dot_general3A_12 : vector<2048x128xf32>
    %max3A = arith.constant 0.000000e+00 : f32
    %max3A_14 = vector.broadcast %max3A : f32 to vector<2048x128xf32>
    %max3A_15 = arith.maximumf %add3A_13, %max3A_14 : vector<2048x128xf32>
    %swap3A = arith.constant 0 : index
    %swap3A_16 = arith.constant 0 : index
    %swap3A_17 = vector.load %arg5[%swap3A, %swap3A_16] : memref<2048x128xf32, #tpu.memory_space<vmem>>, vector<2048x128xf32>
    tpu.vector_store %arg5[%swap3A, %swap3A_16], %max3A_15 {strides = array<i32>} : memref<2048x128xf32, #tpu.memory_space<vmem>>, vector<2048x128xf32>,
    return
  }
  func.func @transform_0(%arg0: i32) -> (i32, i32) {
    %c0_i32 = arith.constant 0 : i32
    %c0_i32_0 = arith.constant 0 : i32
    return %arg0, %c0_i32 : i32, i32
  }
  func.func @transform_1(%arg0: i32) -> (i32, i32) {
    %c0_i32 = arith.constant 0 : i32
    %c0_i32_0 = arith.constant 0 : i32
    return %arg0, %c0_i32 : i32, i32
  }
  func.func @transform_2(%arg0: i32) -> (i32, i32) {
    %c0_i32 = arith.constant 0 : i32
    %c0_i32_0 = arith.constant 0 : i32
    %c0_i32_1 = arith.constant 0 : i32
    return %c0_i32, %c0_i32_0 : i32, i32
  }
  func.func @transform_3(%arg0: i32) -> (i32, i32) {
    %c0_i32 = arith.constant 0 : i32
    %c0_i32_0 = arith.constant 0 : i32
    %c0_i32_1 = arith.constant 0 : i32
    return %c0_i32, %c0_i32_0 : i32, i32
  }
  func.func @transform_4(%arg0: i32) -> (i32, i32) {
    %c0_i32 = arith.constant 0 : i32
    %c0_i32_0 = arith.constant 0 : i32
    return %arg0, %c0_i32 : i32, i32
  }
}

module attributes {stable_mosaic.version = 14 : i64} {
  func.func @kern(%arg0: i32, %arg1: i32, %arg2: memref<2000x128xf32, #tpu.memory_space<vmem>>, %arg3: memref<1x128x128xf32, #tpu.memory_space<vmem>>, %arg4: memref<1x2000x128xf32, #tpu.memory_space<vmem>>) attributes {dimension_semantics = [#tpu.dimension_semantics<arbitrary>, #tpu.dimension_semantics<arbitrary>], iteration_bounds = array<i64: 8, 5>, scalar_prefetch = 0 : i64, scratch_operands = 0 : i64, tpu.core_type = #tpu.core_type<tc>, window_params = [{transform_indices = @transform_0, window_bounds = array<i64: 2000, 128>}, {transform_indices = @transform_1, window_bounds = array<i64: 1, 128, 128>}, {transform_indices = @transform_2, window_bounds = array<i64: 1, 2000, 128>}]} {
    %get3A = arith.constant 0 : index
    %get3A_0 = arith.constant 0 : index
    %get3A_1 = vector.load %arg2[%get3A, %get3A_0] : memref<2000x128xf32, #tpu.memory_space<vmem>>, vector<2000x128xf32>
    %get3A_2 = arith.constant 0 : index
    %get3A_3 = arith.constant 0 : index
    %get3A_4 = arith.constant 0 : index
    %get3A_5 = vector.load %arg3[%get3A_2, %get3A_3, %get3A_4] : memref<1x128x128xf32, #tpu.memory_space<vmem>>, vector<1x128x128xf32>
    %get3A_6 = vector.shape_cast %get3A_5 : vector<1x128x128xf32> to vector<128x128xf32>
    %dot_general3A = arith.constant dense<0.000000e+00> : vector<2000x128xf32>
    %dot_general3A_7 = tpu.matmul %get3A_1, %get3A_6, %dot_general3A {dimension_numbers = #tpu.dot_dimension_numbers<[1], [0], [0], [1], [0, 0, 1, 1], [], []>, transpose_lhs_hint = false} : vector<2000x128xf32>, vector<128x128xf32>, vector<2000x128xf32> -> vector<2000x128xf32>
    %swap3A = arith.constant 0 : index
    %swap3A_8 = arith.constant 0 : index
    %swap3A_9 = arith.constant 0 : index
    %swap3A_10 = vector.load %arg4[%swap3A, %swap3A_8, %swap3A_9] : memref<1x2000x128xf32, #tpu.memory_space<vmem>>, vector<1x2000x128xf32>
    %swap3A_11 = vector.shape_cast %swap3A_10 : vector<1x2000x128xf32> to vector<2000x128xf32>
    %swap3A_12 = vector.shape_cast %dot_general3A_7 : vector<2000x128xf32> to vector<1x2000x128xf32>
    tpu.vector_store %arg4[%swap3A, %swap3A_8, %swap3A_9], %swap3A_12 {strides = array<i32>} : memref<1x2000x128xf32, #tpu.memory_space<vmem>>, vector<1x2000x128xf32>,
    return
  }
  func.func @transform_0(%arg0: i32, %arg1: i32) -> (i32, i32) {
    %c0_i32 = arith.constant 0 : i32
    %c0_i32_0 = arith.constant 0 : i32
    return %arg1, %c0_i32 : i32, i32
  }
  func.func @transform_1(%arg0: i32, %arg1: i32) -> (i32, i32, i32) {
    %c0_i32 = arith.constant 0 : i32
    %c0_i32_0 = arith.constant 0 : i32
    %c0_i32_1 = arith.constant 0 : i32
    return %arg0, %c0_i32, %c0_i32_0 : i32, i32, i32
  }
  func.func @transform_2(%arg0: i32, %arg1: i32) -> (i32, i32, i32) {
    %c0_i32 = arith.constant 0 : i32
    %c0_i32_0 = arith.constant 0 : i32
    return %arg0, %arg1, %c0_i32 : i32, i32, i32
  }
}

module attributes {stable_mosaic.version = 14 : i64} {
  func.func @kern(%arg0: i32, %arg1: memref<32x8x128xf32, #tpu.memory_space<vmem>>, %arg2: memref<8x128xf32, #tpu.memory_space<vmem>>) attributes {dimension_semantics = [#tpu.dimension_semantics<arbitrary>], iteration_bounds = array<i64: 80>, scalar_prefetch = 0 : i64, scratch_operands = 0 : i64, tpu.core_type = #tpu.core_type<tc>, window_params = [{transform_indices = @transform_0, window_bounds = array<i64: 32, 8, 128>}, {transform_indices = @transform_1, window_bounds = array<i64: 8, 128>}]} {
    %get3A = arith.constant 0 : index
    %get3A_0 = arith.constant 0 : index
    %get3A_1 = arith.constant 0 : index
    %get3A_2 = vector.load %arg1[%get3A, %get3A_0, %get3A_1] : memref<32x8x128xf32, #tpu.memory_space<vmem>>, vector<32x8x128xf32>
    %reduce_sum3A = arith.constant dense<0.000000e+00> : vector<8x128xf32>
    %reduce_sum3A_3 = vector.multi_reduction <add>, %get3A_2, %reduce_sum3A [0] : vector<32x8x128xf32> to vector<8x128xf32>
    %swap3A = arith.constant 0 : index
    %swap3A_4 = arith.constant 0 : index
    %swap3A_5 = vector.load %arg2[%swap3A, %swap3A_4] : memref<8x128xf32, #tpu.memory_space<vmem>>, vector<8x128xf32>
    tpu.vector_store %arg2[%swap3A, %swap3A_4], %reduce_sum3A_3 {strides = array<i32>} : memref<8x128xf32, #tpu.memory_space<vmem>>, vector<8x128xf32>,
    return
  }
  func.func @transform_0(%arg0: i32) -> (i32, i32, i32) {
    %c0_i32 = arith.constant 0 : i32
    %c0_i32_0 = arith.constant 0 : i32
    %c0_i32_1 = arith.constant 0 : i32
    return %c0_i32, %arg0, %c0_i32_0 : i32, i32, i32
  }
  func.func @transform_1(%arg0: i32) -> (i32, i32) {
    %c0_i32 = arith.constant 0 : i32
    %c0_i32_0 = arith.constant 0 : i32
    return %arg0, %c0_i32 : i32, i32
  }
}

module attributes {stable_mosaic.version = 14 : i64} {
  func.func @kern(%arg0: i32, %arg1: memref<2048x128xf32, #tpu.memory_space<vmem>>, %arg2: memref<2048x128xf32, #tpu.memory_space<vmem>>, %arg3: memref<128x128xf32, #tpu.memory_space<vmem>>, %arg4: memref<1x128xf32, #tpu.memory_space<vmem>>, %arg5: memref<2048x128xf32, #tpu.memory_space<vmem>>) attributes {dimension_semantics = [#tpu.dimension_semantics<arbitrary>], iteration_bounds = array<i64: 5>, scalar_prefetch = 0 : i64, scratch_operands = 0 : i64, tpu.core_type = #tpu.core_type<tc>, window_params = [{transform_indices = @transform_0, window_bounds = array<i64: 2048, 128>}, {transform_indices = @transform_1, window_bounds = array<i64: 2048, 128>}, {pipeline_mode = #tpu.pipeline_mode<synchronous>, transform_indices = @transform_2, window_bounds = array<i64: 128, 128>}, {pipeline_mode = #tpu.pipeline_mode<synchronous>, transform_indices = @transform_3, window_bounds = array<i64: 1, 128>}, {transform_indices = @transform_4, window_bounds = array<i64: 2048, 128>}]} {
    %get3A = arith.constant 0 : index
    %get3A_0 = arith.constant 0 : index
    %get3A_1 = vector.load %arg1[%get3A, %get3A_0] : memref<2048x128xf32, #tpu.memory_space<vmem>>, vector<2048x128xf32>
    %get3A_2 = arith.constant 0 : index
    %get3A_3 = arith.constant 0 : index
    %get3A_4 = vector.load %arg4[%get3A_2, %get3A_3] : memref<1x128xf32, #tpu.memory_space<vmem>>, vector<1x128xf32>
    %add3A = vector.broadcast %get3A_4 : vector<1x128xf32> to vector<2048x128xf32>
    %add3A_5 = arith.addf %get3A_1, %add3A : vector<2048x128xf32>
    %get3A_6 = arith.constant 0 : index
    %get3A_7 = arith.constant 0 : index
    %get3A_8 = vector.load %arg2[%get3A_6, %get3A_7] : memref<2048x128xf32, #tpu.memory_space<vmem>>, vector<2048x128xf32>
    %get3A_9 = arith.constant 0 : index
    %get3A_10 = arith.constant 0 : index
    %get3A_11 = vector.load %arg3[%get3A_9, %get3A_10] : memref<128x128xf32, #tpu.memory_space<vmem>>, vector<128x128xf32>
    %dot_general3A = arith.constant dense<0.000000e+00> : vector<2048x128xf32>
    %dot_general3A_12 = tpu.matmul %get3A_8, %get3A_11, %dot_general3A {dimension_numbers = #tpu.dot_dimension_numbers<[1], [0], [0], [1], [0, 0, 1, 1], [], []>, transpose_lhs_hint = false} : vector<2048x128xf32>, vector<128x128xf32>, vector<2048x128xf32> -> vector<2048x128xf32>
    %add3A_13 = arith.addf %add3A_5, %dot_general3A_12 : vector<2048x128xf32>
    %swap3A = arith.constant 0 : index
    %swap3A_14 = arith.constant 0 : index
    %swap3A_15 = vector.load %arg5[%swap3A, %swap3A_14] : memref<2048x128xf32, #tpu.memory_space<vmem>>, vector<2048x128xf32>
    tpu.vector_store %arg5[%swap3A, %swap3A_14], %add3A_13 {strides = array<i32>} : memref<2048x128xf32, #tpu.memory_space<vmem>>, vector<2048x128xf32>,
    return
  }
  func.func @transform_0(%arg0: i32) -> (i32, i32) {
    %c0_i32 = arith.constant 0 : i32
    %c0_i32_0 = arith.constant 0 : i32
    return %arg0, %c0_i32 : i32, i32
  }
  func.func @transform_1(%arg0: i32) -> (i32, i32) {
    %c0_i32 = arith.constant 0 : i32
    %c0_i32_0 = arith.constant 0 : i32
    return %arg0, %c0_i32 : i32, i32
  }
  func.func @transform_2(%arg0: i32) -> (i32, i32) {
    %c0_i32 = arith.constant 0 : i32
    %c0_i32_0 = arith.constant 0 : i32
    %c0_i32_1 = arith.constant 0 : i32
    return %c0_i32, %c0_i32_0 : i32, i32
  }
  func.func @transform_3(%arg0: i32) -> (i32, i32) {
    %c0_i32 = arith.constant 0 : i32
    %c0_i32_0 = arith.constant 0 : i32
    %c0_i32_1 = arith.constant 0 : i32
    return %c0_i32, %c0_i32_0 : i32, i32
  }
  func.func @transform_4(%arg0: i32) -> (i32, i32) {
    %c0_i32 = arith.constant 0 : i32
    %c0_i32_0 = arith.constant 0 : i32
    return %arg0, %c0_i32 : i32, i32
  }
}

module attributes {stable_mosaic.version = 14 : i64} {
  func.func @kern(%arg0: i32, %arg1: i32, %arg2: memref<2000x128xf32, #tpu.memory_space<vmem>>, %arg3: memref<1x128x4xf32, #tpu.memory_space<vmem>>, %arg4: memref<1x2000x4xf32, #tpu.memory_space<vmem>>) attributes {dimension_semantics = [#tpu.dimension_semantics<arbitrary>, #tpu.dimension_semantics<arbitrary>], iteration_bounds = array<i64: 2, 5>, scalar_prefetch = 0 : i64, scratch_operands = 0 : i64, tpu.core_type = #tpu.core_type<tc>, window_params = [{transform_indices = @transform_0, window_bounds = array<i64: 2000, 128>}, {transform_indices = @transform_1, window_bounds = array<i64: 1, 128, 4>}, {transform_indices = @transform_2, window_bounds = array<i64: 1, 2000, 4>}]} {
    %get3A = arith.constant 0 : index
    %get3A_0 = arith.constant 0 : index
    %get3A_1 = vector.load %arg2[%get3A, %get3A_0] : memref<2000x128xf32, #tpu.memory_space<vmem>>, vector<2000x128xf32>
    %get3A_2 = arith.constant 0 : index
    %get3A_3 = arith.constant 0 : index
    %get3A_4 = arith.constant 0 : index
    %get3A_5 = vector.load %arg3[%get3A_2, %get3A_3, %get3A_4] : memref<1x128x4xf32, #tpu.memory_space<vmem>>, vector<1x128x4xf32>
    %get3A_6 = vector.shape_cast %get3A_5 : vector<1x128x4xf32> to vector<128x4xf32>
    %dot_general3A = arith.constant dense<0.000000e+00> : vector<2000x4xf32>
    %dot_general3A_7 = tpu.matmul %get3A_1, %get3A_6, %dot_general3A {dimension_numbers = #tpu.dot_dimension_numbers<[1], [0], [0], [1], [0, 0, 1, 1], [], []>, transpose_lhs_hint = false} : vector<2000x128xf32>, vector<128x4xf32>, vector<2000x4xf32> -> vector<2000x4xf32>
    %swap3A = arith.constant 0 : index
    %swap3A_8 = arith.constant 0 : index
    %swap3A_9 = arith.constant 0 : index
    %swap3A_10 = vector.load %arg4[%swap3A, %swap3A_8, %swap3A_9] : memref<1x2000x4xf32, #tpu.memory_space<vmem>>, vector<1x2000x4xf32>
    %swap3A_11 = vector.shape_cast %swap3A_10 : vector<1x2000x4xf32> to vector<2000x4xf32>
    %swap3A_12 = vector.shape_cast %dot_general3A_7 : vector<2000x4xf32> to vector<1x2000x4xf32>
    tpu.vector_store %arg4[%swap3A, %swap3A_8, %swap3A_9], %swap3A_12 {strides = array<i32>} : memref<1x2000x4xf32, #tpu.memory_space<vmem>>, vector<1x2000x4xf32>,
    return
  }
  func.func @transform_0(%arg0: i32, %arg1: i32) -> (i32, i32) {
    %c0_i32 = arith.constant 0 : i32
    %c0_i32_0 = arith.constant 0 : i32
    return %arg1, %c0_i32 : i32, i32
  }
  func.func @transform_1(%arg0: i32, %arg1: i32) -> (i32, i32, i32) {
    %c0_i32 = arith.constant 0 : i32
    %c0_i32_0 = arith.constant 0 : i32
    %c0_i32_1 = arith.constant 0 : i32
    return %arg0, %c0_i32, %c0_i32_0 : i32, i32, i32
  }
  func.func @transform_2(%arg0: i32, %arg1: i32) -> (i32, i32, i32) {
    %c0_i32 = arith.constant 0 : i32
    %c0_i32_0 = arith.constant 0 : i32
    return %arg0, %arg1, %c0_i32 : i32, i32, i32
  }
}

</mosaic_0001>

<sc_bundles>
// kernel: kernel.13.cloned.1.call-start
scs
__scs_entry_jumppad:
0x0: {  	(pc) =	sbr.rel $0x88, $3  }
0x1: {  	(tag) =	ssettag $0x0;
	lr =	simm.s32 $0x1  }
0x2: {  	[smem:$0x3F95] =	sst lr;
	_ =	strace $0xD0000000  }
0x3: {  	_ = 	snop  }
0x4: {  	_ = 	snop  }
0x5: {  	_ = 	snop  }
0x6: {  	_ = 	snop  }
0x7: {  	_ = 	snop  }
__scs_overlays_trampoline_lowered:
0x8: {  	[smem:$0x3FA4] =	sst s0  }
0x9: {  	[smem:$0x3FA5] =	sst s1  }
0xa: {  	[smem:$0x3FA6] =	sst s2  }
0xb: {  	[smem:$0x3FA7] =	sst s3  }
0xc: {  	[smem:$0x3FA8] =	sst s4  }
0xd: {  	[smem:$0x3FA9] =	sst s5  }
0xe: {  	[smem:$0x3FAA] =	sst s6  }
0xf: {  	[smem:$0x3FAB] =	sst s7  }
0x10: {  	[smem:$0x3FAC] =	sst s8  }
0x11: {  	[smem:$0x3FAD] =	sst s9;
	s0 =	simm.s32 @!p0 $0x0  }
0x12: {  	s1 =	sld [smem:$0x3F93];
	s0 =	simm.s32 @p0 $0x1  }
0x13: {  	[smem:$0x3FAE] =	sst s0;
	s0 =	simm.s32 @!p1 $0x0  }
0x14: {  	s2 =	sld [smem:$0x3F92];
	s0 =	simm.s32 @p1 $0x1  }
0x15: {  	[smem:$0x3FAF] =	sst s0;
	s0 =	simm.s32 @!p2 $0x0  }
0x16: {  	s3 =	sld [smem:$0x3FDB];
	s0 =	simm.s32 @p2 $0x1  }
0x17: {  	s4 =	simm.s32 $0x1BF5;
	[smem:$0x3FB1] =	sst s0  }
0x18: {  	s0 =	sld [smem:$0x3F94];
	_ =	swait.ge [sflag:s4], $0x0  }
0x19: {  	s7 =	sld [smem:$0x3F95]  }
0x1a: {  	s8 =	sadd.s32 $0xFFFFE003, lr  }
0x1b: {  	s9 =	sadd.s32 $0xFFFFFEF7, lr;
	s5 =	simm.s32 $0xFFFFFFFF;
	p2 =	slt.u32 s8, $0xFFFFF086  }
0x1c: {  	p1 =	slt.u32 s9, $0xF7A;
	s5 =	simm.s32 @!p2 $0x0  }
0x1d: {  	s5 =	simm.s32 @p1 $0x1;
	p0 =	seq.s32 s7, s2  }
0x1e: {  	s7 =	smul.u32 @!p0 $0xF7A, s2;
	p2 =	seq.s32 @!p0 s5, $0x0  }
0x1f: {  	s9 =	smul.u32 $0xF7A, s1;
	s8 =	simm.s32 @!p0 $0x1BF5;
	p2 =	por !p2, p0  }
0x20: {  	[sflag:s8] =	ssyncset.s32 @!p0 $0xFFFFF086;
	s6 =	sadd.s32 @!p0 s3, s7;
	s7 =	simm.s32 @!p0 $0x108  }
0x21: {  	s3 =	sadd.s32 s3, s9;
	s6 =	sadd.s32 @!p0 $0x88, s6;
	s7 =	simm.s32 @p2 $0x1082  }
0x22: {  	[simem:s7], [sflag:s8] =	dma.local @!p0 [hbm:s6], $0xF7A  }
0x23: {  	s9 =	sor.u32 $0xD0000000, s2;
	s6 =	simm.s32 $0x108;
	_ =	swait.ge @!p0 [sflag:s8], $0x0  }
0x24: {  	s3 =	sadd.s32 $0x88, s3;
	s6 =	simm.s32 @!p1 $0x1082;
	[sflag:s4] =	ssyncset.s32 $0xFFFFF086  }
0x25: {  	[simem:s6], [sflag:s4] =	dma.local [hbm:s3], $0xF7A  }
0x26: {  	[smem:$0x3F95] =	sst s1;
	(tag) =	ssettag s2;
	_ =	strace s9  }
0x27: {  	s1 =	sld [smem:$0x3FA5]  }
0x28: {  	s2 =	sld [smem:$0x3FA6]  }
0x29: {  	s4 =	sld [smem:$0x3FA8]  }
0x2a: {  	p0 =	seq.s32 s5, $0x0;
	s5 =	sld [smem:$0x3FA9]  }
0x2b: {  	s6 =	sld [smem:$0x3FAA]  }
0x2c: {  	s7 =	sld [smem:$0x3FAB]  }
0x2d: {  	s3 =	simm.s32 $0x108;
	s8 =	sld [smem:$0x3FAC]  }
0x2e: {  	s3 =	simm.s32 @!p0 $0x1082;
	s9 =	sld [smem:$0x3FAD]  }
0x2f: {  	lr =	sadd.s32 s0, s3;
	s0 =	sld [smem:$0x3FA4]  }
0x30: {  	s3 =	sld [smem:$0x3FA7]  }
0x31: {  	[smem:$0x3FB0] =	sst s10  }
0x32: {  	s10 =	sld [smem:$0x3FAE];
	_ =	sdelay $0x3  }
0x33: {  	p0 =	seq.s32 s10, $0x1;
	s10 =	sld [smem:$0x3FB0];
	_ =	sdelay $0x3  }
0x34: {  	[smem:$0x3FB0] =	sst s10  }
0x35: {  	s10 =	sld [smem:$0x3FAF];
	_ =	sdelay $0x3  }
0x36: {  	p1 =	seq.s32 s10, $0x1;
	s10 =	sld [smem:$0x3FB0];
	_ =	sdelay $0x3  }
0x37: {  	[smem:$0x3FB0] =	sst s10  }
0x38: {  	s10 =	sld [smem:$0x3FB1]  }
0x39: {  	_ = 	snop;
	(pc) =	sbr.ind lr, $3  }
0x3a: {  	_ = 	snop  }
0x3b: {  	_ = 	snop  }
0x3c: {  	p2 =	seq.s32 s10, $0x1;
	s10 =	sld [smem:$0x3FB0]  }
0x3d: {  	_ =	shalt  }
0x3e: {  	_ =	shalt  }
0x3f: {  	_ =	shalt  }
0x40: {  	_ =	shalt  }
0x41: {  	_ =	shalt  }
0x42: {  	_ =	shalt  }
0x43: {  	_ =	shalt  }
0x44: {  	_ =	shalt  }
0x45: {  	_ =	shalt  }
0x46: {  	_ =	shalt  }
0x47: {  	_ =	shalt  }
0x48: {  	_ =	shalt  }
0x49: {  	_ =	shalt  }
0x4a: {  	_ =	shalt  }
0x4b: {  	_ =	shalt  }
0x4c: {  	_ =	shalt  }
0x4d: {  	_ =	shalt  }
0x4e: {  	_ =	shalt  }
0x4f: {  	_ =	shalt  }
0x50: {  	_ =	shalt  }
0x51: {  	_ =	shalt  }
0x52: {  	_ =	shalt  }
0x53: {  	_ =	shalt  }
0x54: {  	_ =	shalt  }
0x55: {  	_ =	shalt  }
0x56: {  	_ =	shalt  }
0x57: {  	_ =	shalt  }
0x58: {  	_ =	shalt  }
0x59: {  	_ =	shalt  }
0x5a: {  	_ =	shalt  }
0x5b: {  	_ =	shalt  }
0x5c: {  	_ =	shalt  }
0x5d: {  	_ =	shalt  }
0x5e: {  	_ =	shalt  }
0x5f: {  	_ =	shalt  }
0x60: {  	_ =	shalt  }
0x61: {  	_ =	shalt  }
0x62: {  	_ =	shalt  }
0x63: {  	_ =	shalt  }
0x64: {  	_ =	shalt  }
0x65: {  	_ =	shalt  }
0x66: {  	_ =	shalt  }
0x67: {  	_ =	shalt  }
0x68: {  	_ =	shalt  }
0x69: {  	_ =	shalt  }
0x6a: {  	_ =	shalt  }
0x6b: {  	_ =	shalt  }
0x6c: {  	_ =	shalt  }
0x6d: {  	_ =	shalt  }
0x6e: {  	_ =	shalt  }
0x6f: {  	_ =	shalt  }
0x70: {  	_ =	shalt  }
0x71: {  	_ =	shalt  }
0x72: {  	_ =	shalt  }
0x73: {  	_ =	shalt  }
0x74: {  	_ =	shalt  }
0x75: {  	_ =	shalt  }
0x76: {  	_ =	shalt  }
0x77: {  	_ =	shalt  }
0x78: {  	_ =	shalt  }
0x79: {  	_ =	shalt  }
0x7a: {  	_ =	shalt  }
0x7b: {  	_ =	shalt  }
0x7c: {  	_ =	shalt  }
0x7d: {  	_ =	shalt  }
0x7e: {  	_ =	shalt  }
0x7f: {  	_ =	shalt  }
0x80: {  	_ =	shalt  }
0x81: {  	_ =	shalt  }
0x82: {  	_ =	shalt  }
0x83: {  	_ =	shalt  }
0x84: {  	_ =	shalt  }
0x85: {  	_ =	shalt  }
0x86: {  	_ =	shalt  }
0x87: {  	_ =	shalt  }
.Lfunc_end0:
.L_simem_size_0:
called_computation_lowered:
.L_overlay_start_0:
0x88: {  	s2 =	sld [smem:$0x3FD9]  }
0x89: {  	s3 =	sld [smem:$0x3FFE];
	_ =	sdelay $0x1  }
0x8a: {  	s1 =	srdreg.scid  }
0x8b: {  	s0 =	sand.u32 $0x1, s1  }
0x8c: {  	s17 =	sshll.u32 s0, $0xA;
	s2 =	sadd.s32 s3, s2  }
0x8d: {  	s2 =	sadd.s32 s2, s17  }
0x8e: {  	[smem:$0x3FBC] =	sst s2  }
0x8f: {  	_ = 	snop  }
0x90: {  	s2 =	sld [smem:$0x3FC7];
	(tm) =	ssettm $0x1  }
0x91: {  	s18 =	sld [smem:$0x3FFB];
	_ =	sdelay $0x3  }
0x92: {  	_ =	strace s18  }
0x93: {  	s3 =	sld [smem:$0x3FFC];
	_ =	sdelay $0x3  }
0x94: {  	_ =	strace s3  }
0x95: {  	s3 =	sld [smem:$0x3FFD];
	_ =	sdelay $0x3  }
0x96: {  	_ =	strace s3  }
0x97: {  	_ =	strace $0x8FFFFFFF  }
0x98: {  	s19 =	sld [smem:$0x3FDB];
	_ =	sdelay $0x1  }
0x99: {  	s4 =	simm.s32 $_scs_section_size  }
0x9a: {  	s5 =	simm.s32 $_size__tile_overlayer_lowered;
	s6 =	simm.s32 $_tile_overlayer_lowered  }
0x9b: {  	s22 =	simm.s32 $0x1BFF;
	s21 =	sshll.u32 s6, $0x1;
	s3 =	sadd.s32 s4, s19  }
0x9c: {  	s7 =	simm.s32 $0x0;
	s20 =	sshll.u32 s5, $0x1;
	s5 =	sadd.s32 s21, s3  }
0x9d: {  	[timem:s7], [sflag:s22] =	dma.local [hbm:s5], s20  }
0x9e: {  	_ =	swait.ge [sflag:s22], s20  }
0x9f: {  	s4 =	ssub.s32 $0x0, s20;
	[sflag:s22] =	ssyncset.done $0x0  }
0xa0: {  	[sflag:s22] =	ssyncadd.s32 s4;
	_ =	sdelay $0x1  }
0xa1: {  	s23 =	simm.s32 $0x1B8B  }
0xa2: {  	_ =	swait.ge [sflag:s23], $0x1  }
0xa3: {  	[sflag:s23] =	ssyncset.done $0x0  }
0xa4: {  	s25 =	simm.s32 $0x1B8E;
	s24 =	sld [smem:$0x3FFE];
	[sflag:s23] =	ssyncadd.s32 $0xFFFFFFFF  }
0xa5: {  	s26 =	simm.s32 $execute0_lowered;
	[smem:$0x3FD2] =	sst s25  }
0xa6: {  	s5 =	sshll.u32 s26, $0x1;
	_ =	strace $0x80000046;
	[dreg:$0x1] =	wrdreg $0xFFFFFFFF  }
0xa7: {  	s28 =	simm.s32 $_size_execute0_lowered;
	s3 =	sadd.s32 s3, s5;
	[dreg:$0x0] =	wrdreg $0x0  }
0xa8: {  	s5 =	sshll.u32 s28, $0x1;
	[dreg:$0x2] =	wrdreg s3  }
0xa9: {  	[dreg:$0x3] =	wrdreg s5  }
0xaa: {  	[dreg:$0x4] =	wrdreg $0xC0  }
0xab: {  	_ =	task [dreg:s7], $0x5FFFF  }
0xac: {  	[dreg:$0x1] =	wrdreg $0xFFFFFFFF  }
0xad: {  	[dreg:$0x0] =	wrdreg $0x60  }
0xae: {  	[dreg:$0x2] =	wrdreg s24  }
0xaf: {  	[dreg:$0x3] =	wrdreg s2  }
0xb0: {  	[dreg:$0x4] =	wrdreg $0x9  }
0xb1: {  	_ =	task.clear_ibuf [dreg:s7], $0x5FFFF;
	_ =	strace $0x90000046  }
0xb2: {  	s29 =	simm.s32 $0x9;
	_ =	strace $0x80000048  }
0xb3: {  	_ =	swait.ge [sflag:s29], $0x1  }
0xb4: {  	[sflag:s29] =	ssyncadd.s32 $0xFFFFFFFF  }
0xb5: {  	_ =	strace $0x90000048  }
0xb6: {  	_ =	sfence  }
0xb7: {  	s30 =	sld [smem:$0x0];
	_ =	sdelay $0x2  }
0xb8: {  	s31 =	sshll.u32 s1, $0xD;
	s1 =	sshrl.u32 s1, $0x2  }
0xb9: {  	s3 =	sand.u32 $0x4000, s31;
	s1 =	sadd.s32 s1, s30  }
0xba: {  	s0 =	sor.u32 s3, s0;
	s1 =	sshll.u32 s1, $0x11  }
0xbb: {  	s0 =	sor.u32 s1, s0  }
0xbc: {  	s0 =	sadd.s32 $0x8F2B, s0  }
0xbd: {  	[sflag:s0] =	ssyncadd.remote.s32 $0x1  }
0xbe: {  	_ =	sfence.sel $0xFFFF  }
0xbf: {  	[dreg:$0x0] =	wrdreg $0xFFFFFFFF;
	(pc) =	sbr.abs _section_cstart, $3  }
0xc0: {  	[dreg:$0x1] =	wrdreg $0xFFFFFFFF  }
0xc1: {  	_ =	task.clear_ibuf [dreg:s7], $0x2FFFF;
	_ =	strace $0x9FFFFFFF  }
0xc2: {  	(tm) =	ssettm $0x7FFFFFFF  }
0xc3: {  	_ =	shalt  }
tec
execute0_lowered:
.L_overlay_start_1:
0x0: {  	(tag) =	ssettag $0x1  }
0x1: {  	s5 =	rddreg [dreg:$0x0];
	s1 =	srdreg.scid  }
0x2: {  	s0 =	stileid.u32;
	s2 =	rddreg [dreg:$0x1]  }
0x3: {  	s3 =	simm.s32 $0x0;
	s9 =	simm.s32 $0x14200;
	s10 =	simm.s32 $0x1  }
0x4: {  	s11 =	simm.s32 $0x2;
	s4 =	sand.u32 $0x1, s1;
	s6 =	sshll.u32 s0, $0x1  }
0x5: {  	s12 =	simm.s32 $0x0;
	s1 =	rddreg [dreg:$0x2];
	s6 =	sor.u32 s4, s6  }
0x6: {  	[smem:$0x7FF] =	sst s3;
	s8 =	ssub.s32 $0x2, s4;
	s7 =	smul.u32 $0x2800, s6  }
0x7: {  	_ =	strace $0x80000047;
	s4 =	sadd.s32 $0x2800, s5;
	s31 =	sshrl.u32 s8, $0x1  }
0x8: {  	s8 =	ssub.s32 s8, s31;
	s7 =	sadd.s32 s7, s5;
	s5 =	smul.u32 $0x2710, s6  }
0x9: {  	v0 =	vimm.f32 $0.0e+00;
	v1 =	vimm.f32 $1.000000000e+00;
	s6 =	sadd.s32 $0x16400, s7;
	s7 =	smax.u32 s8, $0x1;
	s8 =	simm.s32 $0x14000  }
.LBB2_1:
0xa: {  	s13 =	simm.s32 $0x40;
	s14 =	simm.s32 $0x0  }
.LBB2_2:
0xb: {  	p0 =	sne.s32 s13, $0x4FFC0;
	[tilespmem:s14+$0x0] =	vst v0;
	s14 =	smov.u32 s13;
	s13 =	sadd.s32 $0x40, s13  }
.Ltmp0:
0xc: {  	(pc) =	sbr.rel @p0 .LBB2_2-.Ltmp0, $2  }
0xd: {  	_ =	sdelay $0x2  }
0xe: {  	s14 =	sshra.s32 s14, $0x2  }
0xf: {  	[tilespmem:s14+$0x0] =	vst v0;
	s13 =	simm.s32 $0x0;
	s14 =	simm.s32 $0x0  }
.LBB2_4:
0x10: {  	s15 =	smul.u32 $0x190, s14;
	_ =	sdelay $0x1  }
0x11: {  	s15 =	sadd.s32 s5, s15  }
0x12: {  	s15 =	sshrl.u32 s15, $0x3  }
0x13: {  	s16 =	sadd.s32 s4, s15  }
0x14: {  	[tilespmem:s8], [sflag:$0x1] =	stream.linear.gather [hbm4b:s16+s13], $0x190, $0x38;
	[tilespmem:$0x14400] =	vst v63  }
0x15: {  	s15 =	sadd.s32 s2, s15  }
0x16: {  	[tilespmem:s9], [sflag:$0x1] =	stream.linear.gather [hbm4b:s15+s13], $0x190, $0x38;
	[tilespmem:$0x14400] =	vst v63  }
0x17: {  	_ =	swait.ge [sflag:s10], $0x190  }
0x18: {  	[sflag:s10] =	ssyncset.done $0x0  }
0x19: {  	[sflag:s10] =	ssyncadd.s32 $0xFFFFFE70  }
0x1a: {  	_ =	swait.ge [sflag:s10], $0x190  }
0x1b: {  	[sflag:s10] =	ssyncset.done $0x0  }
0x1c: {  	s16 =	simm.s32 $0x0;
	s15 =	simm.s32 $0x40;
	[sflag:s10] =	ssyncadd.s32 $0xFFFFFE70  }
.LBB2_5:
0x1d: {  	p0 =	sne.s32 s15, $0x600;
	v2 =	vld [tilespmem:s16+$0x14000]  }
0x1e: {  	v3 =	vld [tilespmem:s16+$0x14200];
	_ =	sdelay $0x3  }
0x1f: {  	v2 =	vshll.u32 v2, $0x3  }
0x20: {  	v2 =	vadd.s32 v3, v2  }
.Ltmp1:
0x21: {  	(pc) =	sbr.rel @p0 .LBB2_5-.Ltmp1, $2  }
0x22: {  	_ =	sdelay $0x2  }
0x23: {  	s16 =	sshra.s32 s15, $0x2;
	s15 =	sadd.s32 $0x40, s15;
	[tilespmem:v2+s3+$0x0] =	vst.idx.add.f32.msk $0xffff, v1  }
0x24: {  	v2 =	vld [tilespmem:s16+$0x14000]  }
0x25: {  	v3 =	vld [tilespmem:s16+$0x14200];
	_ =	sdelay $0x3  }
0x26: {  	s14 =	sadd.s32 $0x1, s14;
	v2 =	vshll.u32 v2, $0x3  }
0x27: {  	p0 =	sne.s32 s14, $0x19;
	v2 =	vadd.s32 v3, v2  }
.Ltmp2:
0x28: {  	_ = 	snop;
	(pc) =	sbr.rel @p0 .LBB2_4-.Ltmp2, $2  }
0x29: {  	_ =	sdelay $0x2  }
0x2a: {  	[tilespmem:v2+s3+$0x0] =	vst.idx.add.f32.msk $0xffff, v1  }
0x2b: {  	s12 =	sadd.s32 $0x1, s12  }
0x2c: {  	p0 =	sne.s32 s12, s7  }
.Ltmp3:
0x2d: {  	_ = 	snop;
	(pc) =	sbr.rel @p0 .LBB2_1-.Ltmp3, $4  }
0x2e: {  	[hbm4b:s6+s3] =	stream.linear.scatter [tilespmem:s3], [sflag:$0x2], $0x14000, $0x38;
	[tilespmem:$0x14400] =	vst v63  }
0x2f: {  	_ =	swait.ge [sflag:s11], $0x14000  }
0x30: {  	[sflag:s11] =	ssyncset.done $0x0  }
0x31: {  	[sflag:s11] =	ssyncadd.s32 $0xFFFEC000  }
0x32: {  	_ =	sfence.sel $0x180000  }
0x33: {  	[bflag:$0x0] =	sbarrier.arrive $0xFFFF  }
0x34: {  	p0 =	sne.s32 s0, $0x0;
	_ =	strace $0x90000047  }
0x35: {  	s0 =	sadd.s32 @!p0 $0x100000, s1;
	[bflag:$0x2] =	sbarrier.arrive $0xFFFF  }
0x36: {  	[sflag:s0] =	ssyncadd.tile.s32 @!p0 $0x1;
	_ =	shalt  }
.Lfunc_end2:
_tile_overlayer_lowered:
.L_overlay_start_2:
0x37: {  	(tag) =	ssettag $0x2  }
0x38: {  	s0 =	rddreg [dreg:$0x0];
	s2 =	stileid.u32  }
0x39: {  	s1 =	rddreg [dreg:$0x1];
	p0 =	sne.s32 s2, $0x0  }
0x3a: {  	s3 =	rddreg [dreg:$0x2];
	[bflag:$0x3] =	sbarrier.arrive $0xFFFF;
	s2 =	simm.s32 @!p0 $0x1C02  }
0x3b: {  	[timem:s3], [sflag:s2] =	dma.local @!p0 [hbm:s0], s1  }
0x3c: {  	s0 =	simm.s32 @!p0 $0x2  }
0x3d: {  	_ =	swait.ge @!p0 [sflag:s0], s1  }
0x3e: {  	s1 =	ssub.s32 @!p0 $0x0, s1;
	[sflag:s0] =	ssyncset.done @!p0 $0x0  }
0x3f: {  	[sflag:s0] =	ssyncadd.s32 @!p0 s1  }
0x40: {  	[bflag:$0x3] =	sbarrier.arrive $0xFFFF  }
0x41: {  	_ =	shalt  }

// kernel: kernel.16.cloned.1.call-start
scs
__scs_entry_jumppad:
0x0: {  	(pc) =	sbr.rel $0x88, $3  }
0x1: {  	(tag) =	ssettag $0x0;
	lr =	simm.s32 $0x1  }
0x2: {  	[smem:$0x3F95] =	sst lr;
	_ =	strace $0xD0000000  }
0x3: {  	_ = 	snop  }
0x4: {  	_ = 	snop  }
0x5: {  	_ = 	snop  }
0x6: {  	_ = 	snop  }
0x7: {  	_ = 	snop  }
__scs_overlays_trampoline_lowered:
0x8: {  	[smem:$0x3FA4] =	sst s0  }
0x9: {  	[smem:$0x3FA5] =	sst s1  }
0xa: {  	[smem:$0x3FA6] =	sst s2  }
0xb: {  	[smem:$0x3FA7] =	sst s3  }
0xc: {  	[smem:$0x3FA8] =	sst s4  }
0xd: {  	[smem:$0x3FA9] =	sst s5  }
0xe: {  	[smem:$0x3FAA] =	sst s6  }
0xf: {  	[smem:$0x3FAB] =	sst s7  }
0x10: {  	[smem:$0x3FAC] =	sst s8  }
0x11: {  	[smem:$0x3FAD] =	sst s9;
	s0 =	simm.s32 @!p0 $0x0  }
0x12: {  	s1 =	sld [smem:$0x3F93];
	s0 =	simm.s32 @p0 $0x1  }
0x13: {  	[smem:$0x3FAE] =	sst s0;
	s0 =	simm.s32 @!p1 $0x0  }
0x14: {  	s2 =	sld [smem:$0x3F92];
	s0 =	simm.s32 @p1 $0x1  }
0x15: {  	[smem:$0x3FAF] =	sst s0;
	s0 =	simm.s32 @!p2 $0x0  }
0x16: {  	s3 =	sld [smem:$0x3FDB];
	s0 =	simm.s32 @p2 $0x1  }
0x17: {  	s4 =	simm.s32 $0x1BF5;
	[smem:$0x3FB1] =	sst s0  }
0x18: {  	s0 =	sld [smem:$0x3F94];
	_ =	swait.ge [sflag:s4], $0x0  }
0x19: {  	s7 =	sld [smem:$0x3F95]  }
0x1a: {  	s8 =	sadd.s32 $0xFFFFE003, lr  }
0x1b: {  	s9 =	sadd.s32 $0xFFFFFEF7, lr;
	s5 =	simm.s32 $0xFFFFFFFF;
	p2 =	slt.u32 s8, $0xFFFFF086  }
0x1c: {  	p1 =	slt.u32 s9, $0xF7A;
	s5 =	simm.s32 @!p2 $0x0  }
0x1d: {  	s5 =	simm.s32 @p1 $0x1;
	p0 =	seq.s32 s7, s2  }
0x1e: {  	s7 =	smul.u32 @!p0 $0xF7A, s2;
	p2 =	seq.s32 @!p0 s5, $0x0  }
0x1f: {  	s9 =	smul.u32 $0xF7A, s1;
	s8 =	simm.s32 @!p0 $0x1BF5;
	p2 =	por !p2, p0  }
0x20: {  	[sflag:s8] =	ssyncset.s32 @!p0 $0xFFFFF086;
	s6 =	sadd.s32 @!p0 s3, s7;
	s7 =	simm.s32 @!p0 $0x108  }
0x21: {  	s3 =	sadd.s32 s3, s9;
	s6 =	sadd.s32 @!p0 $0x88, s6;
	s7 =	simm.s32 @p2 $0x1082  }
0x22: {  	[simem:s7], [sflag:s8] =	dma.local @!p0 [hbm:s6], $0xF7A  }
0x23: {  	s9 =	sor.u32 $0xD0000000, s2;
	s6 =	simm.s32 $0x108;
	_ =	swait.ge @!p0 [sflag:s8], $0x0  }
0x24: {  	s3 =	sadd.s32 $0x88, s3;
	s6 =	simm.s32 @!p1 $0x1082;
	[sflag:s4] =	ssyncset.s32 $0xFFFFF086  }
0x25: {  	[simem:s6], [sflag:s4] =	dma.local [hbm:s3], $0xF7A  }
0x26: {  	[smem:$0x3F95] =	sst s1;
	(tag) =	ssettag s2;
	_ =	strace s9  }
0x27: {  	s1 =	sld [smem:$0x3FA5]  }
0x28: {  	s2 =	sld [smem:$0x3FA6]  }
0x29: {  	s4 =	sld [smem:$0x3FA8]  }
0x2a: {  	p0 =	seq.s32 s5, $0x0;
	s5 =	sld [smem:$0x3FA9]  }
0x2b: {  	s6 =	sld [smem:$0x3FAA]  }
0x2c: {  	s7 =	sld [smem:$0x3FAB]  }
0x2d: {  	s3 =	simm.s32 $0x108;
	s8 =	sld [smem:$0x3FAC]  }
0x2e: {  	s3 =	simm.s32 @!p0 $0x1082;
	s9 =	sld [smem:$0x3FAD]  }
0x2f: {  	lr =	sadd.s32 s0, s3;
	s0 =	sld [smem:$0x3FA4]  }
0x30: {  	s3 =	sld [smem:$0x3FA7]  }
0x31: {  	[smem:$0x3FB0] =	sst s10  }
0x32: {  	s10 =	sld [smem:$0x3FAE];
	_ =	sdelay $0x3  }
0x33: {  	p0 =	seq.s32 s10, $0x1;
	s10 =	sld [smem:$0x3FB0];
	_ =	sdelay $0x3  }
0x34: {  	[smem:$0x3FB0] =	sst s10  }
0x35: {  	s10 =	sld [smem:$0x3FAF];
	_ =	sdelay $0x3  }
0x36: {  	p1 =	seq.s32 s10, $0x1;
	s10 =	sld [smem:$0x3FB0];
	_ =	sdelay $0x3  }
0x37: {  	[smem:$0x3FB0] =	sst s10  }
0x38: {  	s10 =	sld [smem:$0x3FB1]  }
0x39: {  	_ = 	snop;
	(pc) =	sbr.ind lr, $3  }
0x3a: {  	_ = 	snop  }
0x3b: {  	_ = 	snop  }
0x3c: {  	p2 =	seq.s32 s10, $0x1;
	s10 =	sld [smem:$0x3FB0]  }
0x3d: {  	_ =	shalt  }
0x3e: {  	_ =	shalt  }
0x3f: {  	_ =	shalt  }
0x40: {  	_ =	shalt  }
0x41: {  	_ =	shalt  }
0x42: {  	_ =	shalt  }
0x43: {  	_ =	shalt  }
0x44: {  	_ =	shalt  }
0x45: {  	_ =	shalt  }
0x46: {  	_ =	shalt  }
0x47: {  	_ =	shalt  }
0x48: {  	_ =	shalt  }
0x49: {  	_ =	shalt  }
0x4a: {  	_ =	shalt  }
0x4b: {  	_ =	shalt  }
0x4c: {  	_ =	shalt  }
0x4d: {  	_ =	shalt  }
0x4e: {  	_ =	shalt  }
0x4f: {  	_ =	shalt  }
0x50: {  	_ =	shalt  }
0x51: {  	_ =	shalt  }
0x52: {  	_ =	shalt  }
0x53: {  	_ =	shalt  }
0x54: {  	_ =	shalt  }
0x55: {  	_ =	shalt  }
0x56: {  	_ =	shalt  }
0x57: {  	_ =	shalt  }
0x58: {  	_ =	shalt  }
0x59: {  	_ =	shalt  }
0x5a: {  	_ =	shalt  }
0x5b: {  	_ =	shalt  }
0x5c: {  	_ =	shalt  }
0x5d: {  	_ =	shalt  }
0x5e: {  	_ =	shalt  }
0x5f: {  	_ =	shalt  }
0x60: {  	_ =	shalt  }
0x61: {  	_ =	shalt  }
0x62: {  	_ =	shalt  }
0x63: {  	_ =	shalt  }
0x64: {  	_ =	shalt  }
0x65: {  	_ =	shalt  }
0x66: {  	_ =	shalt  }
0x67: {  	_ =	shalt  }
0x68: {  	_ =	shalt  }
0x69: {  	_ =	shalt  }
0x6a: {  	_ =	shalt  }
0x6b: {  	_ =	shalt  }
0x6c: {  	_ =	shalt  }
0x6d: {  	_ =	shalt  }
0x6e: {  	_ =	shalt  }
0x6f: {  	_ =	shalt  }
0x70: {  	_ =	shalt  }
0x71: {  	_ =	shalt  }
0x72: {  	_ =	shalt  }
0x73: {  	_ =	shalt  }
0x74: {  	_ =	shalt  }
0x75: {  	_ =	shalt  }
0x76: {  	_ =	shalt  }
0x77: {  	_ =	shalt  }
0x78: {  	_ =	shalt  }
0x79: {  	_ =	shalt  }
0x7a: {  	_ =	shalt  }
0x7b: {  	_ =	shalt  }
0x7c: {  	_ =	shalt  }
0x7d: {  	_ =	shalt  }
0x7e: {  	_ =	shalt  }
0x7f: {  	_ =	shalt  }
0x80: {  	_ =	shalt  }
0x81: {  	_ =	shalt  }
0x82: {  	_ =	shalt  }
0x83: {  	_ =	shalt  }
0x84: {  	_ =	shalt  }
0x85: {  	_ =	shalt  }
0x86: {  	_ =	shalt  }
0x87: {  	_ =	shalt  }
.Lfunc_end0:
.L_simem_size_0:
called_computation.1_lowered:
.L_overlay_start_0:
0x88: {  	s2 =	sld [smem:$0x3FD9]  }
0x89: {  	s3 =	sld [smem:$0x3FFE];
	_ =	sdelay $0x1  }
0x8a: {  	s1 =	srdreg.scid  }
0x8b: {  	s0 =	sand.u32 $0x1, s1  }
0x8c: {  	s17 =	sshll.u32 s0, $0xA;
	s2 =	sadd.s32 s3, s2  }
0x8d: {  	s2 =	sadd.s32 s2, s17  }
0x8e: {  	[smem:$0x3FBC] =	sst s2  }
0x8f: {  	_ = 	snop  }
0x90: {  	s2 =	sld [smem:$0x3FC7]  }
0x91: {  	s18 =	sld [smem:$0x3FD0];
	(tm) =	ssettm $0x1  }
0x92: {  	s4 =	sld [smem:$0x3FFB];
	_ =	sdelay $0x3  }
0x93: {  	_ =	strace s4  }
0x94: {  	s4 =	sld [smem:$0x3FFC];
	_ =	sdelay $0x3  }
0x95: {  	_ =	strace s4  }
0x96: {  	s4 =	sld [smem:$0x3FFD];
	_ =	sdelay $0x3  }
0x97: {  	_ =	strace s4  }
0x98: {  	_ =	strace $0x8FFFFFFF  }
0x99: {  	s19 =	sld [smem:$0x3FDB];
	_ =	sdelay $0x1  }
0x9a: {  	s5 =	simm.s32 $_scs_section_size  }
0x9b: {  	s6 =	simm.s32 $_size__tile_overlayer_lowered;
	s7 =	simm.s32 $_tile_overlayer_lowered  }
0x9c: {  	s22 =	simm.s32 $0x1BFF;
	s21 =	sshll.u32 s7, $0x1;
	s4 =	sadd.s32 s5, s19  }
0x9d: {  	s8 =	simm.s32 $0x0;
	s20 =	sshll.u32 s6, $0x1;
	s6 =	sadd.s32 s21, s4  }
0x9e: {  	[timem:s8], [sflag:s22] =	dma.local [hbm:s6], s20  }
0x9f: {  	_ =	swait.ge [sflag:s22], s20  }
0xa0: {  	s5 =	ssub.s32 $0x0, s20;
	[sflag:s22] =	ssyncset.done $0x0  }
0xa1: {  	[sflag:s22] =	ssyncadd.s32 s5;
	_ =	sdelay $0x1  }
0xa2: {  	s23 =	simm.s32 $0x1B8B  }
0xa3: {  	_ =	swait.ge [sflag:s23], $0x1  }
0xa4: {  	[sflag:s23] =	ssyncset.done $0x0  }
0xa5: {  	s25 =	simm.s32 $0x1B8E;
	s24 =	sld [smem:$0x3FFE];
	[sflag:s23] =	ssyncadd.s32 $0xFFFFFFFF  }
0xa6: {  	s26 =	simm.s32 $execute0_lowered;
	[smem:$0x3FD2] =	sst s25  }
0xa7: {  	s6 =	sshll.u32 s26, $0x1;
	_ =	strace $0x80000049;
	[dreg:$0x1] =	wrdreg $0xFFFFFFFF  }
0xa8: {  	s28 =	simm.s32 $_size_execute0_lowered;
	s4 =	sadd.s32 s4, s6;
	[dreg:$0x0] =	wrdreg $0x0  }
0xa9: {  	s6 =	sshll.u32 s28, $0x1;
	[dreg:$0x2] =	wrdreg s4  }
0xaa: {  	[dreg:$0x3] =	wrdreg s6  }
0xab: {  	[dreg:$0x4] =	wrdreg $0xC0  }
0xac: {  	_ =	task [dreg:s8], $0x5FFFF  }
0xad: {  	[dreg:$0x1] =	wrdreg $0xFFFFFFFF  }
0xae: {  	[dreg:$0x0] =	wrdreg $0x60  }
0xaf: {  	[dreg:$0x2] =	wrdreg s24  }
0xb0: {  	[dreg:$0x3] =	wrdreg s2  }
0xb1: {  	[dreg:$0x4] =	wrdreg s18  }
0xb2: {  	[dreg:$0x5] =	wrdreg $0x9  }
0xb3: {  	_ =	task.clear_ibuf [dreg:s8], $0x6FFFF;
	_ =	strace $0x90000049  }
0xb4: {  	s29 =	simm.s32 $0x9;
	_ =	strace $0x8000004B  }
0xb5: {  	_ =	swait.ge [sflag:s29], $0x1  }
0xb6: {  	[sflag:s29] =	ssyncadd.s32 $0xFFFFFFFF  }
0xb7: {  	_ =	strace $0x9000004B  }
0xb8: {  	_ =	sfence  }
0xb9: {  	s30 =	sld [smem:$0x0];
	_ =	sdelay $0x2  }
0xba: {  	s31 =	sshll.u32 s1, $0xD;
	s1 =	sshrl.u32 s1, $0x2  }
0xbb: {  	s3 =	sand.u32 $0x4000, s31;
	s1 =	sadd.s32 s1, s30  }
0xbc: {  	s0 =	sor.u32 s3, s0;
	s1 =	sshll.u32 s1, $0x11  }
0xbd: {  	s0 =	sor.u32 s1, s0  }
0xbe: {  	s0 =	sadd.s32 $0x8F2B, s0  }
0xbf: {  	[sflag:s0] =	ssyncadd.remote.s32 $0x1  }
0xc0: {  	_ =	sfence.sel $0xFFFF  }
0xc1: {  	[dreg:$0x0] =	wrdreg $0xFFFFFFFF;
	(pc) =	sbr.abs _section_cstart, $3  }
0xc2: {  	[dreg:$0x1] =	wrdreg $0xFFFFFFFF  }
0xc3: {  	_ =	task.clear_ibuf [dreg:s8], $0x2FFFF;
	_ =	strace $0x9FFFFFFF  }
0xc4: {  	(tm) =	ssettm $0x7FFFFFFF  }
0xc5: {  	_ =	shalt  }
tec
execute0_lowered:
.L_overlay_start_1:
0x0: {  	(tag) =	ssettag $0x1  }
0x1: {  	s0 =	rddreg [dreg:$0x0]  }
0x2: {  	s1 =	rddreg [dreg:$0x2];
	s5 =	simm.s32 $0x0  }
0x3: {  	s2 =	srdreg.scid;
	s3 =	stileid.u32;
	s31 =	simm.s32 $0x1B880  }
0x4: {  	[smem:$0x7FF] =	sst s5;
	s2 =	sand.u32 $0x1, s2;
	s3 =	sshll.u32 s3, $0x1  }
0x5: {  	s4 =	sadd.s32 $0xC600, s0;
	s15 =	sadd.s32 $0x2800, s0;
	s6 =	sadd.s32 $0x16400, s0  }
0x6: {  	_ =	strace $0x8000004A;
	[dreg:$0x9] =	wrdreg s4;
	s3 =	sor.u32 s2, s3  }
0x7: {  	v1 =	vimm.s32 $0xECA86420;
	v0 =	vimm.f32 $0.0e+00;
	s2 =	ssub.s32 $0x2, s2;
	[dreg:$0xb] =	wrdreg s6;
	s24 =	smul.u32 $0x500, s3  }
0x8: {  	vm0 =	vcmask $0xB08;
	vm1 =	vcmask $0x1310;
	vm2 =	vcmask $0x1B18;
	[dreg:$0x8] =	wrdreg s31;
	s7 =	sshrl.u32 s2, $0x1;
	s16 =	smul.u32 $0x2710, s3  }
0x9: {  	vm3 =	vcmask $0x300;
	vm4 =	vcmask $0x2320;
	vm5 =	vcmask $0x2B28;
	[dreg:$0xa] =	wrdreg s15;
	s25 =	sshll.u32 s3, $0x2;
	s2 =	ssub.s32 s2, s7  }
0xa: {  	vm6 =	vcmask $0x3330;
	v2 =	vlaneseq.u32;
	vm7 =	vcmask $0x3B38;
	s8 =	sadd.s32 s24, s0;
	s26 =	sadd.s32 s1, s24;
	[dreg:$0xc] =	wrdreg s16  }
0xb: {  	vm8 =	vmmov $0xff;
	vm9 =	vcmask $0x704;
	vm11 =	vcmask $0xF0C;
	s0 =	sadd.s32 s25, s0;
	s30 =	smax.u32 s2, $0x1;
	[dreg:$0xe] =	wrdreg s26  }
0xc: {  	vm12 =	vcmask $0x1714;
	vm13 =	vcmask $0x1F1C;
	vm14 =	vcmask $0x2724;
	s0 =	sadd.s32 $0x2D000, s0;
	[dreg:$0x11] =	wrdreg s30  }
0xd: {  	vm15 =	vcmask $0x2F2C;
	v5 =	vimm.s32 $0x0;
	v1 =	vunpack.c.l.s4.s8 v1;
	s28 =	sadd.s32 $0x18C00, s8;
	[dreg:$0xd] =	wrdreg s0  }
0xe: {  	vm10 =	vcmask $0x3734;
	v3 =	vimm.s32 $0x0;
	v5 =	vsel vm8, $0xFFFFFFFF, v5;
	s29 =	sadd.s32 $0x22E00, s8;
	[dreg:$0xf] =	wrdreg s28  }
0xf: {  	v4 =	vimm.f32 $1.000000000e+00;
	v2 =	vmul.u32 $0x2, v2;
	[tilespmem:$0x1FFF0] =	vst v5;
	v1 =	vunpack.c.0.s8.s32 v1;
	s2 =	simm.s32 $0x2;
	s1 =	simm.s32 $0x0;
	[dreg:$0x10] =	wrdreg s29  }
.LBB2_1:
0x10: {  	[dreg:$0x12] =	wrdreg s1  }
0x11: {  	s0 =	rddreg [dreg:$0xb]  }
0x12: {  	[tilespmem:s5], [sflag:$0x2] =	stream.linear.gather [hbm4b:s0+s5], $0x14000, $0x38;
	[tilespmem:$0x1C700] =	vst v63  }
0x13: {  	_ =	swait.ge [sflag:s2], $0x14000  }
0x14: {  	[sflag:s2] =	ssyncset.done $0x0  }
0x15: {  	[sflag:s2] =	ssyncadd.s32 $0xFFFEC000  }
0x16: {  	[tilespmem:$0x1B880] =	vst v0  }
0x17: {  	s0 =	simm.s32 $0x0;
	[tilespmem:$0x1B890] =	vst v0  }
.LBB2_2:
0x18: {  	s1 =	smul.u32 $0x190, s0;
	_ =	sdelay $0x1  }
0x19: {  	s1 =	sadd.s32 s16, s1  }
0x1a: {  	s1 =	sshrl.u32 s1, $0x3  }
0x1b: {  	s23 =	simm.s32 $0x0;
	s3 =	simm.s32 $0x1BD00;
	s1 =	sadd.s32 s15, s1  }
0x1c: {  	[tilespmem:s3], [sflag:$0x2] =	stream.linear.gather [hbm4b:s1+s23], $0x190, $0x38;
	[tilespmem:$0x1C700] =	vst v63  }
0x1d: {  	_ =	swait.ge [sflag:s2], $0x190  }
0x1e: {  	[sflag:s2] =	ssyncset.done $0x0  }
0x1f: {  	[sflag:s2] =	ssyncadd.s32 $0xFFFFFE70  }
.LBB2_3:
0x20: {  	s1 =	sshra.s32 s23, $0x2  }
0x21: {  	v5 =	vld [tilespmem:s1+$0x1BD00];
	_ =	sdelay $0x4  }
0x22: {  	(v2sf) =	vpush v5, $0xD;
	_ =	sdelay $0x1  }
0x23: {  	(v2sf) =	vpush v5, $0xC;
	_ =	sdelay $0x1  }
0x24: {  	(v2sf) =	vpush v5, $0xE;
	_ =	sdelay $0x1  }
0x25: {  	(v2sf) =	vpush v5, $0xF;
	_ =	sdelay $0x1  }
0x26: {  	(v2sf) =	vpush v5, $0x9;
	_ =	sdelay $0x1  }
0x27: {  	(v2sf) =	vpush v5, $0x8;
	_ =	sdelay $0x1  }
0x28: {  	(v2sf) =	vpush v5, $0xA  }
0x29: {  	(v2sf) =	vpush v5, $0xB;
	_ =	sdelay $0x1  }
0x2a: {  	(v2sf) =	vpush v5, $0x0;
	s24 =	spop (v2sf)  }
0x2b: {  	s2 =	smulhi.u32 $0x66666667, s24;
	s1 =	sshra.s32 s24, $0x1F  }
0x2c: {  	(v2sf) =	vpush v5, $0x1;
	s3 =	spop (v2sf);
	s4 =	smul.u32 $0x66666667, s1  }
0x2d: {  	s6 =	smulhi.u32 $0x66666667, s3;
	s25 =	sshra.s32 s3, $0x1F  }
0x2e: {  	(v2sf) =	vpush v5, $0x2;
	s26 =	spop (v2sf);
	s8 =	smul.u32 $0x66666667, s25  }
0x2f: {  	(v2sf) =	vpush v5, $0x3;
	s9 =	smulhi.u32 $0x66666667, s26;
	s3 =	sshra.s32 s26, $0x1F  }
0x30: {  	(v2sf) =	vpush v5, $0x4;
	s28 =	spop (v2sf);
	s11 =	smul.u32 $0x66666667, s3  }
0x31: {  	(v2sf) =	vpush v5, $0x5;
	s12 =	smulhi.u32 $0x66666667, s28;
	s1 =	sshra.s32 s28, $0x1F  }
0x32: {  	(v2sf) =	vpush v5, $0x6;
	s10 =	spop (v2sf);
	s14 =	smul.u32 $0x66666667, s1  }
0x33: {  	(v2sf) =	vpush v5, $0x7;
	s17 =	smulhi.u32 $0x66666667, s10;
	s30 =	sshra.s32 s10, $0x1F  }
0x34: {  	s29 =	spop (v2sf);
	s19 =	smul.u32 $0x66666667, s30  }
0x35: {  	s8 =	sadd.s32 s8, s6;
	s21 =	smulhi.u32 $0x66666667, s29;
	s3 =	sshra.s32 s29, $0x1F  }
0x36: {  	s13 =	spop (v2sf);
	s6 =	sadd.s32 s11, s9;
	s24 =	smul.u32 $0x66666667, s3  }
0x37: {  	s31 =	spop (v2sf);
	s26 =	smulhi.u32 $0x66666667, s13;
	s5 =	sshra.s32 s13, $0x1F  }
0x38: {  	s3 =	sadd.s32 s4, s2;
	s2 =	sadd.s32 s14, s12;
	s28 =	smul.u32 $0x66666667, s5  }
0x39: {  	s18 =	spop (v2sf);
	s30 =	smulhi.u32 $0x66666667, s31;
	s10 =	sshra.s32 s31, $0x1F  }
0x3a: {  	s5 =	sshrl.u32 s8, $0x1F;
	s12 =	sadd.s32 s19, s17;
	s4 =	smul.u32 $0x66666667, s10  }
0x3b: {  	s20 =	spop (v2sf);
	s31 =	smulhi.u32 $0x66666667, s18;
	s7 =	sshra.s32 s18, $0x1F  }
0x3c: {  	s18 =	sshrl.u32 s3, $0x1F;
	s19 =	sadd.s32 s24, s21;
	s7 =	smul.u32 $0x66666667, s7  }
0x3d: {  	s22 =	spop (v2sf);
	s11 =	smulhi.u32 $0x66666667, s20;
	s10 =	sshra.s32 s20, $0x1F  }
0x3e: {  	s3 =	sshra.s32 s3, $0x7;
	s25 =	spop (v2sf);
	s14 =	smul.u32 $0x66666667, s10  }
0x3f: {  	s17 =	smulhi.u32 $0x66666667, s22;
	s10 =	sshra.s32 s22, $0x1F;
	s13 =	spop (v2sf)  }
0x40: {  	s9 =	sadd.s32 s4, s30;
	s21 =	smul.u32 $0x66666667, s10;
	s29 =	spop (v2sf)  }
0x41: {  	s24 =	smulhi.u32 $0x66666667, s25;
	s25 =	sshra.s32 s25, $0x1F;
	s1 =	spop (v2sf)  }
0x42: {  	v7 =	vmov s5;
	s10 =	sadd.s32 s28, s26;
	s4 =	smul.u32 $0x66666667, s25;
	s28 =	spop (v2sf)  }
0x43: {  	s20 =	sshrl.u32 s6, $0x1F;
	v7 =	vsel vm0, s18, v7;
	s26 =	smulhi.u32 $0x66666667, s28;
	s25 =	sshra.s32 s28, $0x1F  }
0x44: {  	s22 =	sshrl.u32 s2, $0x1F;
	v7 =	vsel vm1, s20, v7;
	s20 =	sshra.s32 s12, $0x7;
	s30 =	smul.u32 $0x66666667, s25  }
0x45: {  	s7 =	sadd.s32 s7, s31;
	s31 =	smulhi.u32 $0x66666667, s13;
	s13 =	sshra.s32 s13, $0x1F  }
0x46: {  	s14 =	sadd.s32 s14, s11;
	s13 =	smul.u32 $0x66666667, s13;
	s11 =	sadd.s32 s30, s26  }
0x47: {  	s17 =	sadd.s32 s21, s17;
	s4 =	sadd.s32 s4, s24;
	s30 =	sshra.s32 s11, $0x1F  }
0x48: {  	s13 =	sadd.s32 s13, s31;
	s31 =	sshra.s32 s7, $0x7;
	s5 =	smulhi.u32 $0x66666667, s29;
	v6 =	vmov s30  }
0x49: {  	s25 =	sshrl.u32 s19, $0x1F;
	s30 =	sshrl.u32 s7, $0x1F;
	s7 =	sshra.s32 s7, $0x1F;
	v6 =	vsel vm3, s31, v6  }
0x4a: {  	s28 =	sshrl.u32 s12, $0x1F;
	v9 =	vmov s25;
	s31 =	sshra.s32 s29, $0x1F;
	s29 =	sshra.s32 s14, $0x7;
	v6 =	vsel vm9, s7, v6  }
0x4b: {  	s24 =	sshrl.u32 s14, $0x1F;
	s26 =	sshrl.u32 s10, $0x1F;
	v9 =	vsel vm0, s28, v9;
	s14 =	sshra.s32 s14, $0x1F;
	v6 =	vsel vm0, s29, v6  }
0x4c: {  	s2 =	sshra.s32 s2, $0x7;
	v7 =	vsel vm2, s22, v7;
	s21 =	sshrl.u32 s9, $0x1F;
	s22 =	sshra.s32 s17, $0x7;
	v9 =	vsel vm1, s26, v9;
	v6 =	vsel vm11, s14, v6  }
0x4d: {  	s25 =	sshra.s32 s17, $0x1F;
	v9 =	vsel vm2, s21, v9;
	v8 =	vmov s30;
	s30 =	sshrl.u32 s17, $0x1F;
	s18 =	smul.u32 $0x66666667, s31;
	v6 =	vsel vm1, s22, v6  }
0x4e: {  	v7 =	vcombine.low v9, v7;
	s17 =	sshra.s32 s8, $0x7;
	v8 =	vnsel vm3, $0x0, v8;
	s31 =	smulhi.u32 $0x66666667, s1;
	s29 =	sshra.s32 s4, $0x7;
	v6 =	vsel vm12, s25, v6  }
0x4f: {  	s1 =	sshra.s32 s1, $0x1F;
	v62 =	vmov s17;
	v8 =	vsel vm0, s24, v8;
	s24 =	sshrl.u32 s4, $0x1F;
	s4 =	sshra.s32 s4, $0x1F;
	v6 =	vsel vm2, s29, v6  }
0x50: {  	v9 =	vsel vm0, s3, v62;
	v8 =	vsel vm1, s30, v8;
	s5 =	sadd.s32 s18, s5;
	s14 =	sshra.s32 s13, $0x7;
	s18 =	sshra.s32 s19, $0x7;
	v6 =	vsel vm13, s4, v6  }
0x51: {  	s28 =	sshrl.u32 s13, $0x1F;
	s1 =	smul.u32 $0x66666667, s1;
	s19 =	sshra.s32 s13, $0x1F;
	v8 =	vsel vm2, s24, v8;
	v10 =	vmov s18;
	v6 =	vsel vm4, s14, v6  }
0x52: {  	s30 =	sshrl.u32 s5, $0x1F;
	s21 =	sshra.s32 s5, $0x7;
	s22 =	sshra.s32 s6, $0x7;
	v8 =	vsel vm4, s28, v8;
	v10 =	vsel vm0, s20, v10;
	v6 =	vsel vm14, s19, v6  }
0x53: {  	s1 =	sadd.s32 s1, s31;
	s24 =	sshra.s32 s10, $0x7;
	s25 =	sshra.s32 s5, $0x1F;
	v9 =	vsel vm1, s22, v9;
	v8 =	vsel vm5, s30, v8;
	v6 =	vsel vm5, s21, v6  }
0x54: {  	s26 =	sshra.s32 s9, $0x7;
	s31 =	sshrl.u32 s1, $0x1F;
	s28 =	sshra.s32 s1, $0x7;
	v10 =	vsel vm1, s24, v10;
	v9 =	vsel vm2, s2, v9;
	v6 =	vsel vm15, s25, v6  }
0x55: {  	s1 =	sshra.s32 s1, $0x1F;
	s29 =	sshrl.u32 s11, $0x1F;
	v8 =	vsel vm6, s31, v8;
	v10 =	vsel vm2, s26, v10;
	v6 =	vsel vm6, s28, v6  }
0x56: {  	s30 =	sshra.s32 s11, $0x7;
	v9 =	vcombine.low v10, v9;
	v8 =	vsel vm7, s29, v8;
	v6 =	vsel vm10, s1, v6  }
0x57: {  	v7 =	vperm.xlane v7, v1;
	v8 =	vperm.xlane v8, v2;
	v6 =	vsel vm7, s30, v6  }
0x58: {  	v9 =	vperm.xlane v9, v1;
	v6 =	vperm.xlane v6, v2;
	_ =	sdelay $0x1  }
0x59: {  	v7 =	vsel vm8, v8, v7;
	v6 =	vsel vm8, v6, v9  }
0x5a: {  	v6 =	vadd.s32 v7, v6  }
0x5b: {  	v7 =	vmul.u32 $0xFFFFFEC0, v6  }
0x5c: {  	v63 =	vsub.s32 $0x0, v5  }
0x5d: {  	vm9 =	vlt.s32 v5, $0x1;
	vm10 =	vne.s32 v7, v63  }
0x5e: {  	vm9 =	vmand vm9, vm10  }
0x5f: {  	v5 =	vsel vm9, $0xFFFFFFFF, v3  }
0x60: {  	p0 =	sne.s32 s23, $0x600;
	v5 =	vadd.s32 v5, v6  }
.Ltmp0:
0x61: {  	_ = 	snop;
	(pc) =	sbr.rel @p0 .LBB2_3-.Ltmp0, $3  }
0x62: {  	_ =	sdelay $0x1  }
0x63: {  	s31 =	rddreg [dreg:$0x8]  }
0x64: {  	s23 =	sadd.s32 $0x40, s23;
	vm10 =	vcmask $0x3734;
	vm9 =	vcmask $0x704;
	[tilespmem:v5+s31+$0x0] =	vst.idx.add.f32.msk $0xffff, v4  }
0x65: {  	s0 =	sadd.s32 $0x1, s0  }
0x66: {  	p0 =	sne.s32 s0, $0x19  }
.Ltmp1:
0x67: {  	_ = 	snop;
	(pc) =	sbr.rel @p0 .LBB2_2-.Ltmp1, $2  }
0x68: {  	_ =	sdelay $0x2  }
0x69: {  	s2 =	simm.s32 $0x2  }
0x6a: {  	v5 =	vld [tilespmem:$0x1B880]  }
0x6b: {  	v6 =	vld [tilespmem:$0x1B890];
	_ =	sdelay $0x3  }
0x6c: {  	v5 =	vtrunc.f32 v5  }
0x6d: {  	v6 =	vtrunc.f32 v6;
	v5 =	vcvt.f32.s32 v5  }
0x6e: {  	v6 =	vcvt.f32.s32 v6  }
0x6f: {  	s8 =	simm.s32 $0x0;
	[tilespmem:$0x1B800] =	vst v5  }
0x70: {  	s0 =	rddreg [dreg:$0xd];
	s7 =	simm.s32 $0x1B800;
	[tilespmem:$0x1B810] =	vst v6;
	v5 =	vmov s8  }
0x71: {  	[hbm4b:s0+s8] =	stream.linear.scatter [tilespmem:s7], [sflag:$0x2], $0x20, $0x38;
	[tilespmem:$0x1C700] =	vst v63  }
0x72: {  	_ =	swait.ge [sflag:s2], $0x20  }
0x73: {  	[sflag:s2] =	ssyncset.done $0x0  }
0x74: {  	[sflag:s2] =	ssyncadd.s32 $0xFFFFFFE0  }
0x75: {  	v5 =	vld.idx.msk [tilespmem:v5+s7+$0x0], $0xffff;
	_ =	sdelay $0x4  }
0x76: {  	(v2sf) =	vpush v5, $0x0  }
0x77: {  	s26 =	simm.s32 $0x1  }
0x78: {  	v5 =	vmov s26;
	_ =	sdelay $0x1  }
0x79: {  	s28 =	simm.s32 $0x2  }
0x7a: {  	v6 =	vmov s28;
	_ =	sdelay $0x1  }
0x7b: {  	v5 =	vld.idx.msk [tilespmem:v5+s7+$0x0], $0xffff;
	_ =	sdelay $0x2  }
0x7c: {  	v6 =	vld.idx.msk [tilespmem:v6+s7+$0x0], $0xffff;
	_ =	sdelay $0x1  }
0x7d: {  	(v2sf) =	vpush v5, $0x0;
	_ =	sdelay $0x2  }
0x7e: {  	s29 =	simm.s32 $0x3;
	s30 =	spop (v2sf);
	(v2sf) =	vpush v6, $0x0  }
0x7f: {  	v7 =	vmov s29;
	_ =	sdelay $0x3  }
0x80: {  	s31 =	simm.s32 $0x4  }
0x81: {  	s3 =	simm.s32 $0x5;
	s1 =	simm.s32 $0x0;
	v6 =	vld.idx.msk [tilespmem:v7+s7+$0x0], $0xffff;
	s2 =	sadd.s32 $0x7, s30  }
0x82: {  	s0 =	simm.s32 $0x0;
	v5 =	vmov s31;
	s4 =	sshra.s32 s2, $0x1F;
	s6 =	sand.u32 $0x7, s2  }
.LBB2_6:
0x83: {  	p0 =	sne.s32 s3, $0x1F  }
0x84: {  	p1 =	slt.s32 s2, $0x1;
	p2 =	sne.s32 s6, $0x0;
	s4 =	sshrl.u32 s4, $0x1D  }
0x85: {  	s6 =	simm.s32 $0x1;
	[smem:s1] =	sst s0;
	p1 =	por !p1, !p2  }
.Ltmp2:
0x86: {  	s2 =	sadd.s32 s4, s2;
	(v2sf) =	vpush v6, $0x0;
	p1 =	por !p1, !p1;
	(pc) =	sbr.rel @p0 .LBB2_6-.Ltmp2, $4  }
0x87: {  	s5 =	sshrl.u32 s2, $0x3;
	v6 =	vld.idx.msk [tilespmem:v5+s7+$0x0], $0xffff;
	s4 =	spop (v2sf);
	s6 =	simm.s32 @!p1 $0x0  }
0x88: {  	s2 =	sadd.s32 $0x7, s4;
	s5 =	ssub.s32 s5, s6  }
0x89: {  	s1 =	sadd.s32 $0x1, s1;
	v5 =	vmov s3;
	s4 =	sshra.s32 s2, $0x1F;
	s5 =	sshll.u32 s5, $0x3  }
0x8a: {  	s3 =	sadd.s32 $0x1, s3;
	s6 =	sand.u32 $0x7, s2;
	s0 =	sadd.s32 s0, s5  }
0x8b: {  	_ = 	snop  }
0x8c: {  	(v2sf) =	vpush v6, $0x0;
	_ =	sdelay $0x1  }
0x8d: {  	p0 =	slt.s32 s2, $0x1;
	p1 =	sne.s32 s6, $0x0  }
0x8e: {  	s3 =	sshrl.u32 s4, $0x1D;
	s17 =	spop (v2sf);
	s4 =	simm.s32 $0x1  }
0x8f: {  	s19 =	sadd.s32 $0x1, s1;
	p0 =	por !p0, !p1;
	s14 =	sadd.s32 s3, s2  }
0x90: {  	v5 =	vld.idx.msk [tilespmem:v5+s7+$0x0], $0xffff;
	s3 =	sadd.s32 $0x7, s17;
	p0 =	por !p0, !p0;
	s2 =	sshrl.u32 s14, $0x3  }
0x91: {  	s18 =	sshra.s32 s3, $0x1F;
	s5 =	sand.u32 $0x7, s3;
	s4 =	simm.s32 @!p0 $0x0  }
0x92: {  	p1 =	slt.s32 s3, $0x1;
	p2 =	sne.s32 s5, $0x0;
	s2 =	ssub.s32 s2, s4  }
0x93: {  	s4 =	sshrl.u32 s18, $0x1D;
	p0 =	por !p1, !p2;
	s2 =	sshll.u32 s2, $0x3  }
0x94: {  	s21 =	sadd.s32 s4, s3;
	p0 =	por !p0, !p0;
	s4 =	simm.s32 $0x1  }
0x95: {  	(v2sf) =	vpush v5, $0x0;
	s20 =	sadd.s32 s0, s2;
	s2 =	sshrl.u32 s21, $0x3;
	s4 =	simm.s32 @!p0 $0x0  }
0x96: {  	[smem:s1] =	sst s0;
	s1 =	sadd.s32 $0x1, s19;
	s2 =	ssub.s32 s2, s4  }
0x97: {  	s5 =	simm.s32 $0x1;
	s2 =	sshll.u32 s2, $0x3;
	s22 =	spop (v2sf)  }
0x98: {  	[smem:s19] =	sst s20;
	s0 =	sadd.s32 s20, s2;
	s3 =	sadd.s32 $0x7, s22  }
0x99: {  	s23 =	sshra.s32 s3, $0x1F;
	s24 =	sand.u32 $0x7, s3;
	p3 =	slt.s32 s3, $0x1  }
0x9a: {  	p4 =	sne.s32 s24, $0x0;
	s25 =	sshrl.u32 s23, $0x1D;
	s26 =	spop (v2sf)  }
0x9b: {  	p0 =	por !p3, !p4;
	s2 =	sadd.s32 s25, s3;
	s4 =	sadd.s32 $0x7, s26  }
0x9c: {  	p0 =	por !p0, !p0;
	s2 =	sshrl.u32 s2, $0x3;
	s28 =	sand.u32 $0x7, s4  }
0x9d: {  	s29 =	sshra.s32 s4, $0x1F;
	p6 =	slt.s32 s4, $0x1;
	p5 =	sne.s32 s28, $0x0  }
0x9e: {  	s5 =	simm.s32 @!p0 $0x0;
	s3 =	sshrl.u32 s29, $0x1D;
	p0 =	por !p6, !p5  }
0x9f: {  	s3 =	sadd.s32 s3, s4;
	s4 =	simm.s32 $0x1;
	p0 =	por !p0, !p0  }
0xa0: {  	s2 =	ssub.s32 s2, s5;
	s3 =	sshrl.u32 s3, $0x3;
	s4 =	simm.s32 @!p0 $0x0  }
0xa1: {  	[smem:s1] =	sst s0;
	s2 =	sshll.u32 s2, $0x3;
	s3 =	ssub.s32 s3, s4  }
0xa2: {  	s1 =	sadd.s32 $0x1, s1;
	s0 =	sadd.s32 s0, s2;
	s30 =	sshll.u32 s3, $0x3  }
0xa3: {  	[smem:s1] =	sst s0;
	s1 =	sadd.s32 $0x1, s1;
	s0 =	sadd.s32 s0, s30  }
0xa4: {  	s31 =	spop (v2sf);
	[smem:s1] =	sst s0  }
.LBB2_8:
0xa5: {  	s0 =	smul.u32 $0x190, s8;
	_ =	sdelay $0x1  }
0xa6: {  	s0 =	sadd.s32 s16, s0  }
0xa7: {  	s1 =	rddreg [dreg:$0x9];
	s3 =	simm.s32 $0x0;
	s0 =	sshrl.u32 s0, $0x3  }
0xa8: {  	s2 =	simm.s32 $0x1B900;
	s13 =	rddreg [dreg:$0x1];
	s1 =	sadd.s32 s1, s0  }
0xa9: {  	[tilespmem:s2], [sflag:$0x1] =	stream.linear.gather [hbm4b:s1+s3], $0x190, $0x38;
	[tilespmem:$0x1C700] =	vst v63  }
0xaa: {  	[dreg:$0x13] =	wrdreg s8;
	s14 =	simm.s32 $0x1BB00;
	s1 =	sadd.s32 s13, s0  }
0xab: {  	[tilespmem:s14], [sflag:$0x1] =	stream.linear.gather [hbm4b:s1+s3], $0x190, $0x38;
	[tilespmem:$0x1C700] =	vst v63  }
0xac: {  	s17 =	simm.s32 $0x1;
	s16 =	simm.s32 $0x1BD00;
	s0 =	sadd.s32 s15, s0  }
0xad: {  	[tilespmem:s16], [sflag:$0x1] =	stream.linear.gather [hbm4b:s0+s3], $0x190, $0x38;
	[tilespmem:$0x1C700] =	vst v63  }
0xae: {  	_ =	swait.ge [sflag:s17], $0x190  }
0xaf: {  	[sflag:s17] =	ssyncset.done $0x0  }
0xb0: {  	[sflag:s17] =	ssyncadd.s32 $0xFFFFFE70  }
0xb1: {  	_ =	swait.ge [sflag:s17], $0x190  }
0xb2: {  	[sflag:s17] =	ssyncset.done $0x0  }
0xb3: {  	[sflag:s17] =	ssyncadd.s32 $0xFFFFFE70  }
0xb4: {  	_ =	swait.ge [sflag:s17], $0x190  }
0xb5: {  	[sflag:s17] =	ssyncset.done $0x0  }
0xb6: {  	s24 =	simm.s32 $0x0;
	[sflag:s17] =	ssyncadd.s32 $0xFFFFFE70  }
0xb7: {  	v6 =	vld [tilespmem:s24+$0x1BD00];
	_ =	sdelay $0x4  }
0xb8: {  	(v2sf) =	vpush v6, $0x2  }
0xb9: {  	(v2sf) =	vpush v6, $0x1;
	_ =	sdelay $0x2  }
0xba: {  	(v2sf) =	vpush v6, $0x6  }
0xbb: {  	(v2sf) =	vpush v6, $0x0  }
0xbc: {  	(v2sf) =	vpush v6, $0x7;
	_ =	sdelay $0x2  }
0xbd: {  	(v2sf) =	vpush v6, $0x3;
	_ =	sdelay $0x2  }
0xbe: {  	(v2sf) =	vpush v6, $0x4  }
0xbf: {  	(v2sf) =	vpush v6, $0xC  }
0xc0: {  	(v2sf) =	vpush v6, $0xE  }
0xc1: {  	(v2sf) =	vpush v6, $0xF;
	s18 =	spop (v2sf)  }
0xc2: {  	s19 =	spop (v2sf);
	s2 =	smulhi.u32 $0x66666667, s18  }
0xc3: {  	(v2sf) =	vpush v6, $0x8;
	s0 =	sshra.s32 s18, $0x1F;
	s4 =	smulhi.u32 $0x66666667, s19  }
0xc4: {  	s1 =	sshra.s32 s19, $0x1F;
	s18 =	smul.u32 $0x66666667, s0  }
0xc5: {  	s20 =	spop (v2sf);
	s7 =	smul.u32 $0x66666667, s1  }
0xc6: {  	s5 =	spop (v2sf);
	s6 =	smulhi.u32 $0x66666667, s20  }
0xc7: {  	(v2sf) =	vpush v6, $0xD;
	s21 =	spop (v2sf);
	s26 =	sshra.s32 s5, $0x1F;
	s5 =	smulhi.u32 $0x66666667, s5  }
0xc8: {  	(v2sf) =	vpush v6, $0x9;
	s9 =	smulhi.u32 $0x66666667, s21;
	s1 =	sshra.s32 s21, $0x1F  }
0xc9: {  	s3 =	sshra.s32 s20, $0x1F;
	s10 =	smul.u32 $0x66666667, s1  }
0xca: {  	s22 =	spop (v2sf);
	s1 =	smul.u32 $0x66666667, s3  }
0xcb: {  	(v2sf) =	vpush v6, $0x5;
	s12 =	smulhi.u32 $0x66666667, s22  }
0xcc: {  	s8 =	sshra.s32 s22, $0x1F;
	s22 =	smul.u32 $0x66666667, s26  }
0xcd: {  	(v2sf) =	vpush v6, $0xB;
	s11 =	spop (v2sf);
	s17 =	smul.u32 $0x66666667, s8  }
0xce: {  	s23 =	sshra.s32 s11, $0x1F;
	s14 =	spop (v2sf);
	s11 =	smulhi.u32 $0x66666667, s11  }
0xcf: {  	s18 =	sadd.s32 s18, s2;
	(v2sf) =	vpush v6, $0xA;
	s13 =	smul.u32 $0x66666667, s23;
	s25 =	spop (v2sf)  }
0xd0: {  	s4 =	sadd.s32 s7, s4;
	s19 =	spop (v2sf);
	s20 =	smulhi.u32 $0x66666667, s25  }
0xd1: {  	s0 =	sadd.s32 s10, s9;
	s31 =	sshra.s32 s25, $0x1F;
	s28 =	smulhi.u32 $0x66666667, s19  }
0xd2: {  	s5 =	sadd.s32 s22, s5;
	s21 =	spop (v2sf);
	s30 =	smul.u32 $0x66666667, s31  }
0xd3: {  	s12 =	sadd.s32 s17, s12;
	s19 =	sshra.s32 s19, $0x1F;
	s31 =	smulhi.u32 $0x66666667, s21  }
0xd4: {  	s25 =	simm.s32 $0x10;
	s13 =	sadd.s32 s13, s11;
	s15 =	smul.u32 $0x66666667, s19  }
0xd5: {  	s11 =	sshrl.u32 s12, $0x1F;
	s10 =	sshra.s32 s21, $0x1F;
	s19 =	smulhi.u32 $0x66666667, s14  }
0xd6: {  	s8 =	spop (v2sf);
	s14 =	sshra.s32 s14, $0x1F;
	s9 =	smul.u32 $0x66666667, s10  }
0xd7: {  	s20 =	sadd.s32 s30, s20;
	s30 =	sshra.s32 s4, $0x7;
	s29 =	spop (v2sf)  }
0xd8: {  	s22 =	sadd.s32 s15, s28;
	s3 =	sshra.s32 s29, $0x1F;
	s26 =	smulhi.u32 $0x66666667, s29  }
0xd9: {  	v5 =	vld [tilespmem:s25+$0x1BD00];
	s10 =	sshra.s32 s20, $0x7;
	s9 =	sadd.s32 s9, s31;
	s7 =	smul.u32 $0x66666667, s3  }
0xda: {  	s29 =	sshra.s32 s4, $0x1F;
	s3 =	sshrl.u32 s4, $0x1F;
	s16 =	spop (v2sf)  }
0xdb: {  	s4 =	sshrl.u32 s18, $0x1F;
	s7 =	sadd.s32 s7, s26;
	s17 =	smulhi.u32 $0x66666667, s16  }
0xdc: {  	s23 =	sshra.s32 s16, $0x1F;
	s21 =	spop (v2sf);
	s16 =	smul.u32 $0x66666667, s14  }
0xdd: {  	s14 =	sadd.s32 s1, s6;
	s6 =	sshrl.u32 s20, $0x1F;
	s2 =	smul.u32 $0x66666667, s23  }
0xde: {  	(v2sf) =	vpush v5, $0x2;
	s1 =	sshra.s32 s22, $0x7;
	s28 =	spop (v2sf);
	s26 =	smulhi.u32 $0x66666667, s21  }
0xdf: {  	(v2sf) =	vpush v5, $0x1;
	s23 =	sshra.s32 s0, $0x1F;
	s31 =	sshra.s32 s21, $0x1F;
	s15 =	smulhi.u32 $0x66666667, s28  }
0xe0: {  	(v2sf) =	vpush v5, $0x6;
	s28 =	sshra.s32 s28, $0x1F;
	v7 =	vmov s23;
	s23 =	sshra.s32 s8, $0x1F;
	s8 =	smulhi.u32 $0x66666667, s8  }
0xe1: {  	(v2sf) =	vpush v5, $0x0;
	s28 =	smul.u32 $0x66666667, s28;
	s2 =	sadd.s32 s2, s17;
	s17 =	sadd.s32 s16, s19  }
0xe2: {  	(v2sf) =	vpush v5, $0x7;
	s19 =	smul.u32 $0x66666667, s31;
	s31 =	sshra.s32 s12, $0x1F;
	s12 =	sshra.s32 s12, $0x7  }
0xe3: {  	(v2sf) =	vpush v5, $0x3;
	s16 =	sshra.s32 s5, $0x1F;
	s21 =	sadd.s32 s28, s15;
	s15 =	sshra.s32 s5, $0x7  }
0xe4: {  	(v2sf) =	vpush v5, $0x4;
	s28 =	sshra.s32 s18, $0x7;
	s19 =	sadd.s32 s19, s26;
	s5 =	sshrl.u32 s5, $0x1F;
	v7 =	vsel vm3, s15, v7  }
0xe5: {  	(v2sf) =	vpush v5, $0xC;
	s18 =	sshra.s32 s18, $0x1F;
	s26 =	sshra.s32 s13, $0x7;
	v8 =	vmov s5;
	s5 =	sshra.s32 s21, $0x7;
	v7 =	vsel vm9, s16, v7  }
0xe6: {  	(v2sf) =	vpush v5, $0xE;
	s15 =	sshra.s32 s13, $0x1F;
	s13 =	sshrl.u32 s13, $0x1F;
	s16 =	sshrl.u32 s9, $0x1F;
	v7 =	vsel vm0, s30, v7  }
0xe7: {  	(v2sf) =	vpush v5, $0xF;
	v8 =	vnsel vm3, $0x0, v8;
	s30 =	sshra.s32 s9, $0x7;
	s9 =	sshrl.u32 s22, $0x1F;
	s22 =	sshrl.u32 s7, $0x1F;
	v7 =	vsel vm11, s29, v7  }
0xe8: {  	s7 =	sshra.s32 s7, $0x7;
	v8 =	vsel vm0, s3, v8;
	s29 =	simm.s32 $0x80;
	v9 =	vmov s30;
	s30 =	sshra.s32 s14, $0x7;
	v7 =	vsel vm1, s28, v7  }
0xe9: {  	v10 =	vmov s16;
	s28 =	sshrl.u32 s21, $0x1F;
	s21 =	sshra.s32 s2, $0x7;
	v9 =	vsel vm0, s7, v9;
	s7 =	sshrl.u32 s14, $0x1F;
	v7 =	vsel vm12, s18, v7  }
0xea: {  	v8 =	vsel vm1, s4, v8;
	v10 =	vsel vm0, s22, v10;
	s14 =	sshra.s32 s14, $0x1F;
	s18 =	smul.u32 $0x66666667, s23;
	s23 =	sshra.s32 s17, $0x7;
	v7 =	vsel vm2, s12, v7  }
0xeb: {  	v8 =	vsel vm2, s11, v8;
	v10 =	vsel vm1, s28, v10;
	s12 =	sshrl.u32 s2, $0x1F;
	s2 =	sshra.s32 s2, $0x1F;
	v7 =	vsel vm13, s31, v7;
	s31 =	sshrl.u32 s17, $0x1F  }
0xec: {  	v8 =	vsel vm4, s13, v8;
	v9 =	vsel vm1, s5, v9;
	s17 =	sshra.s32 s0, $0x7;
	s0 =	sshrl.u32 s0, $0x1F;
	v7 =	vsel vm4, s26, v7;
	s26 =	sadd.s32 s18, s8  }
0xed: {  	v11 =	vmov s23;
	v8 =	vsel vm5, s12, v8;
	s18 =	spop (v2sf);
	v7 =	vsel vm14, s15, v7;
	s15 =	sshra.s32 s19, $0x7;
	s16 =	sshra.s32 s26, $0x7  }
0xee: {  	(v2sf) =	vpush v5, $0x8;
	v12 =	vmov s31;
	v8 =	vsel vm6, s7, v8;
	s19 =	sshrl.u32 s19, $0x1F;
	s20 =	smulhi.u32 $0x66666667, s18;
	s22 =	spop (v2sf)  }
0xef: {  	s4 =	sshrl.u32 s26, $0x1F;
	(v2sf) =	vpush v5, $0xD;
	v8 =	vsel vm7, s0, v8;
	v7 =	vsel vm5, s21, v7;
	s23 =	smulhi.u32 $0x66666667, s22;
	s5 =	sshra.s32 s22, $0x1F  }
0xf0: {  	s3 =	sshra.s32 s18, $0x1F;
	v11 =	vsel vm0, s16, v11;
	s26 =	spop (v2sf);
	v9 =	vsel vm2, s15, v9;
	v10 =	vsel vm2, s19, v10;
	s5 =	smul.u32 $0x66666667, s5  }
0xf1: {  	v12 =	vsel vm0, s4, v12;
	s8 =	spop (v2sf);
	v11 =	vsel vm1, s10, v11;
	v7 =	vsel vm15, s2, v7;
	s13 =	sshra.s32 s26, $0x1F;
	s26 =	smulhi.u32 $0x66666667, s26  }
0xf2: {  	v12 =	vsel vm1, s6, v12;
	s11 =	sshra.s32 s8, $0x1F;
	s12 =	spop (v2sf);
	v11 =	vsel vm2, s1, v11;
	v7 =	vsel vm6, s30, v7;
	s30 =	smul.u32 $0x66666667, s13  }
0xf3: {  	v63 =	vperm.xlane v8, v2;
	v12 =	vsel vm2, s9, v12;
	s15 =	smulhi.u32 $0x66666667, s12;
	s19 =	spop (v2sf);
	v9 =	vcombine.low v9, v11;
	s22 =	sadd.s32 s5, s23  }
0xf4: {  	v8 =	vshll.u32 v6, $0x3;
	v7 =	vsel vm10, s14, v7;
	v10 =	vcombine.low v10, v12;
	s4 =	sshra.s32 s12, $0x1F;
	s1 =	sshra.s32 s19, $0x1F;
	s21 =	spop (v2sf)  }
0xf5: {  	vm15 =	vmmov vm11;
	v7 =	vsel vm7, s17, v7;
	s0 =	sshrl.u32 s22, $0x1F;
	s31 =	smul.u32 $0x66666667, s4;
	s2 =	sshra.s32 s22, $0x1F;
	v9 =	vperm.xlane v9, v1  }
0xf6: {  	(v2sf) =	vpush v5, $0x9;
	s18 =	smulhi.u32 $0x66666667, s19;
	s23 =	sshra.s32 s21, $0x1F;
	s6 =	spop (v2sf);
	v11 =	vperm.xlane v7, v2;
	v10 =	vperm.xlane v10, v1  }
0xf7: {  	vm11 =	vmmov vm9;
	v7 =	vshll.u32 v5, $0x3;
	(v2sf) =	vpush v5, $0x5;
	s13 =	spop (v2sf);
	s28 =	sadd.s32 s31, s15;
	s9 =	smul.u32 $0x66666667, s23  }
0xf8: {  	(v2sf) =	vpush v5, $0xB;
	s4 =	sshra.s32 s13, $0x1F;
	v9 =	vsel vm8, v11, v9;
	s10 =	sshra.s32 s28, $0x1F;
	s14 =	spop (v2sf);
	v10 =	vsel vm8, v63, v10  }
.LBB2_9:
0xf9: {  	_ = 	snop  }
0xfa: {  	s1 =	smul.u32 $0x66666667, s1  }
0xfb: {  	[dreg:$0x5] =	wrdreg s26;
	s26 =	smul.u32 $0x66666667, s3  }
0xfc: {  	s16 =	smulhi.u32 $0x66666667, s13  }
0xfd: {  	s5 =	sshra.s32 s6, $0x1F;
	v9 =	vadd.s32 v10, v9;
	s11 =	smul.u32 $0x66666667, s11  }
0xfe: {  	s19 =	smov.u32 s24;
	s31 =	sshra.s32 s14, $0x1F;
	s14 =	smulhi.u32 $0x66666667, s14;
	v11 =	vmul.u32 $0xFFFFFEC0, v9  }
0xff: {  	s7 =	smov.u32 s25;
	s17 =	sshra.s32 s22, $0x7;
	v12 =	vsub.s32 $0x0, v6;
	s24 =	smul.u32 $0x66666667, s4;
	v10 =	vld [tilespmem:s19+$0x1BB00]  }
0x100: {  	vm9 =	vlt.s32 v6, $0x1;
	s25 =	smulhi.u32 $0x66666667, s8;
	s8 =	smov.u32 s0;
	s0 =	sshra.s32 s29, $0x2;
	vm10 =	vne.s32 v11, v12  }
0x101: {  	p0 =	sne.s32 s29, $0x600;
	s29 =	sadd.s32 $0x40, s29;
	[dreg:$0x4] =	wrdreg s5;
	v11 =	vld [tilespmem:s19+$0x1B900];
	vm9 =	vmand vm9, vm10  }
0x102: {  	[dreg:$0x7] =	wrdreg s7;
	s31 =	smul.u32 $0x66666667, s31;
	s23 =	sadd.s32 s1, s18;
	v60 =	vsel vm9, $0xFFFFFFFF, v3  }
0x103: {  	s7 =	sadd.s32 s26, s20;
	s13 =	sadd.s32 s11, s25;
	v9 =	vadd.s32 v60, v9;
	s5 =	spop (v2sf)  }
0x104: {  	s16 =	sadd.s32 s24, s16;
	s12 =	sshrl.u32 s7, $0x1F;
	v61 =	vmul.u32 $0x2710, v10;
	v10 =	vadd.s32 v10, v8;
	s22 =	spop (v2sf);
	(v2sf) =	vpush v5, $0xA  }
0x105: {  	s26 =	sshrl.u32 s23, $0x1F;
	s11 =	sshrl.u32 s16, $0x1F;
	s25 =	sadd.s32 s31, s14;
	[tilespmem:s19+$0x1BF00] =	vst v9;
	v9 =	vmul.u32 $0xFFFFFEC0, v9  }
0x106: {  	s14 =	sshra.s32 s13, $0x1F;
	s31 =	simm.s32 $0x0;
	[dreg:$0x6] =	wrdreg s26;
	v11 =	vadd.s32 v61, v11  }
0x107: {  	v8 =	vmov v7;
	v7 =	vmov s10;
	s10 =	sshra.s32 s23, $0x1F;
	v9 =	vadd.s32 v6, v9;
	[tilespmem:s19+$0x1C100] =	vst v11;
	s15 =	sshra.s32 s5, $0x1F;
	s5 =	smulhi.u32 $0x66666667, s5  }
0x108: {  	s23 =	sshra.s32 s23, $0x7;
	v6 =	vmov v5;
	v5 =	vld [tilespmem:s0+$0x1BD00];
	[tilespmem:s19+$0x1C300] =	vst v9;
	s3 =	sshra.s32 s22, $0x1F;
	s24 =	smul.u32 $0x66666667, s15  }
0x109: {  	s18 =	spop (v2sf);
	s15 =	sshra.s32 s13, $0x7;
	v9 =	vld.idx.msk [tilespmem:v10+s31+$0x0], $0xffff;
	s31 =	smulhi.u32 $0x66666667, s21  }
0x10a: {  	s20 =	sshra.s32 s18, $0x1F;
	s26 =	spop (v2sf);
	v7 =	vsel vm3, s15, v7;
	s15 =	sshrl.u32 s25, $0x1F  }
0x10b: {  	s1 =	smul.u32 $0x66666667, s20;
	s4 =	sshra.s32 s26, $0x1F;
	s20 =	smov.u32 s30;
	v7 =	vsel vm11, s14, v7  }
0x10c: {  	s30 =	sshra.s32 s7, $0x7;
	s14 =	smulhi.u32 $0x66666667, s6;
	s6 =	spop (v2sf);
	v10 =	vsel vm0, s17, v7  }
0x10d: {  	s7 =	sshra.s32 s7, $0x1F;
	s5 =	sadd.s32 s24, s5;
	s21 =	smulhi.u32 $0x66666667, s6;
	(v2sf) =	vpush v5, $0x2;
	v10 =	vsel vm15, s2, v10  }
0x10e: {  	s24 =	sshrl.u32 s5, $0x1F;
	s17 =	sadd.s32 s9, s31;
	s9 =	smulhi.u32 $0x66666667, s26;
	v10 =	vsel vm1, s30, v10  }
0x10f: {  	s5 =	sshra.s32 s5, $0x7;
	s4 =	smul.u32 $0x66666667, s4;
	s2 =	sshra.s32 s16, $0x7;
	(v2sf) =	vpush v5, $0x1;
	v10 =	vsel vm12, s7, v10  }
0x110: {  	v11 =	vmov s5;
	s5 =	smulhi.u32 $0x66666667, s18;
	s16 =	sshra.s32 s6, $0x1F;
	s6 =	sshra.s32 s25, $0x7;
	v10 =	vsel vm2, s23, v10  }
0x111: {  	s25 =	smov.u32 s0;
	s31 =	sshra.s32 s17, $0x7;
	v9 =	vmax.f32 v9, $1.000000000e+00;
	(v2sf) =	vpush v5, $0x6;
	s23 =	rddreg [dreg:$0x6];
	v10 =	vsel vm13, s10, v10  }
0x112: {  	s0 =	sshra.s32 s17, $0x1F;
	(erf) = vrcp.f32 v9;
	s10 =	smul.u32 $0x66666667, s16;
	v9 =	vsel vm4, s31, v10;
	v10 =	vmov s24;
	s24 =	rddreg [dreg:$0x7]  }
0x113: {  	s9 =	sadd.s32 s4, s9;
	s31 =	rddreg [dreg:$0x4];
	s26 =	spop (v2sf);
	(v2sf) =	vpush v5, $0x0  }
0x114: {  	s1 =	sadd.s32 s1, s5;
	v9 =	vsel vm14, s0, v9;
	s0 =	smul.u32 $0x66666667, s31;
	s31 =	rddreg [dreg:$0x5];
	(v2sf) =	vpush v5, $0x7  }
0x115: {  	s10 =	sadd.s32 s10, s21;
	s18 =	smulhi.u32 $0x66666667, s26;
	s7 =	sshra.s32 s26, $0x1F  }
0x116: {  	s21 =	sshrl.u32 s10, $0x1F;
	s26 =	sshrl.u32 s1, $0x1F;
	(v2sf) =	vpush v5, $0x3;
	s5 =	smul.u32 $0x66666667, s7  }
0x117: {  	s1 =	sshra.s32 s1, $0x7;
	s7 =	sshrl.u32 s13, $0x1F;
	s13 =	smulhi.u32 $0x66666667, s22;
	(v2sf) =	vpush v5, $0x4  }
0x118: {  	s16 =	sadd.s32 s0, s14;
	s0 =	sshra.s32 s28, $0x7;
	v11 =	vsel vm0, s1, v11;
	s1 =	smul.u32 $0x66666667, s3;
	(v2sf) =	vpush v5, $0xC  }
0x119: {  	v10 =	vsel vm0, s26, v10;
	s26 =	sshrl.u32 s17, $0x1F;
	s3 =	sshra.s32 s16, $0x7;
	s22 =	sshrl.u32 s28, $0x1F;
	(v2sf) =	vpush v5, $0xE  }
0x11a: {  	v62 =	vmov s7;
	s7 =	sshra.s32 s9, $0x7;
	s18 =	sadd.s32 s5, s18;
	s1 =	sadd.s32 s1, s13;
	(v2sf) =	vpush v5, $0xF  }
0x11b: {  	v14 =	vpop (erf);
	v12 =	vnsel vm3, $0x0, v62;
	s13 =	sshrl.u32 s9, $0x1F;
	s9 =	sshra.s32 s9, $0x1F;
	s5 =	sshrl.u32 s18, $0x1F  }
0x11c: {  	vm9 =	vcmask $0x2F2C;
	[tilespmem:s19+$0x1C500] =	vst v14;
	v12 =	vsel vm0, s8, v12;
	s4 =	sshra.s32 s18, $0x7;
	s8 =	sadd.s32 s20, s31;
	s19 =	spop (v2sf)  }
0x11d: {  	v13 =	vmov s3;
	v9 =	vsel vm5, s7, v9;
	v12 =	vsel vm1, s12, v12;
	s12 =	sshrl.u32 s16, $0x1F;
	s14 =	sshra.s32 s8, $0x7;
	s16 =	sshra.s32 s10, $0x7  }
0x11e: {  	v9 =	vsel vm9, s9, v9;
	vm9 =	vcmask $0x3734;
	s17 =	sshrl.u32 s8, $0x1F;
	s20 =	smulhi.u32 $0x66666667, s19;
	v12 =	vsel vm2, s23, v12;
	s23 =	spop (v2sf)  }
0x11f: {  	v10 =	vsel vm1, s5, v10;
	v11 =	vsel vm1, s4, v11;
	s18 =	sshra.s32 s8, $0x1F;
	v12 =	vsel vm4, s26, v12;
	s26 =	smulhi.u32 $0x66666667, s23;
	s3 =	sshra.s32 s23, $0x1F  }
0x120: {  	v11 =	vsel vm2, s16, v11;
	v9 =	vsel vm6, s14, v9;
	s31 =	spop (v2sf);
	v12 =	vsel vm5, s13, v12;
	s13 =	sshra.s32 s1, $0x7;
	s5 =	smul.u32 $0x66666667, s3  }
0x121: {  	v63 =	vmov s12;
	v9 =	vsel vm9, s18, v9;
	s1 =	sshrl.u32 s1, $0x1F;
	s3 =	sshra.s32 s19, $0x1F;
	s16 =	sshra.s32 s31, $0x1F;
	v12 =	vsel vm6, s17, v12  }
0x122: {  	v13 =	vsel vm0, s13, v13;
	v14 =	vsel vm0, s1, v63;
	s30 =	smul.u32 $0x66666667, s16;
	v12 =	vsel vm7, s22, v12;
	s22 =	sadd.s32 s5, s26;
	s8 =	spop (v2sf)  }
0x123: {  	v9 =	vsel vm7, s0, v9;
	v13 =	vsel vm1, s2, v13;
	v14 =	vsel vm1, s11, v14;
	s26 =	smulhi.u32 $0x66666667, s31;
	s0 =	sshrl.u32 s22, $0x1F;
	s13 =	spop (v2sf)  }
0x124: {  	v10 =	vsel vm2, s21, v10;
	v13 =	vsel vm2, s6, v13;
	v14 =	vsel vm2, s15, v14;
	s2 =	sshra.s32 s22, $0x1F;
	s11 =	sshra.s32 s8, $0x1F;
	s17 =	smulhi.u32 $0x66666667, s13  }
.Ltmp3:
0x125: {  	(v2sf) =	vpush v5, $0x8;
	v11 =	vcombine.low v11, v13;
	v10 =	vcombine.low v10, v14;
	s19 =	spop (v2sf);
	s31 =	sshra.s32 s13, $0x1F;
	(pc) =	sbr.rel @p0 .LBB2_9-.Ltmp3, $4  }
0x126: {  	(v2sf) =	vpush v5, $0xD;
	v9 =	vperm.xlane v9, v2;
	v12 =	vperm.xlane v12, v2;
	s1 =	sshra.s32 s19, $0x1F;
	s21 =	spop (v2sf);
	s5 =	smul.u32 $0x66666667, s31  }
0x127: {  	(v2sf) =	vpush v5, $0x9;
	v11 =	vperm.xlane v11, v1;
	v10 =	vperm.xlane v10, v1;
	s18 =	smulhi.u32 $0x66666667, s19;
	s23 =	sshra.s32 s21, $0x1F;
	s6 =	spop (v2sf)  }
0x128: {  	v7 =	vshll.u32 v5, $0x3;
	(v2sf) =	vpush v5, $0x5;
	s13 =	spop (v2sf);
	s28 =	sadd.s32 s5, s17;
	s9 =	smul.u32 $0x66666667, s23  }
0x129: {  	v9 =	vsel vm8, v9, v11;
	v10 =	vsel vm8, v12, v10;
	(v2sf) =	vpush v5, $0xB;
	s4 =	sshra.s32 s13, $0x1F;
	s10 =	sshra.s32 s28, $0x1F;
	s14 =	spop (v2sf)  }
0x12a: {  	s1 =	smul.u32 $0x66666667, s1  }
0x12b: {  	s3 =	smul.u32 $0x66666667, s3  }
0x12c: {  	s5 =	smulhi.u32 $0x66666667, s13  }
0x12d: {  	s31 =	smul.u32 $0x66666667, s11  }
0x12e: {  	s16 =	smulhi.u32 $0x66666667, s14  }
0x12f: {  	s4 =	smul.u32 $0x66666667, s4  }
0x130: {  	(v2sf) =	vpush v5, $0xA;
	s8 =	smulhi.u32 $0x66666667, s8  }
0x131: {  	s15 =	sshra.s32 s6, $0x1F;
	s17 =	sshra.s32 s14, $0x1F;
	s6 =	smulhi.u32 $0x66666667, s6  }
0x132: {  	s29 =	smul.u32 $0x66666667, s17  }
0x133: {  	s19 =	sshra.s32 s22, $0x7;
	s15 =	smul.u32 $0x66666667, s15;
	s18 =	sadd.s32 s1, s18  }
0x134: {  	s20 =	sadd.s32 s3, s20;
	s13 =	sadd.s32 s31, s8;
	s8 =	sadd.s32 s4, s5  }
0x135: {  	s1 =	sshrl.u32 s20, $0x1F;
	s3 =	sadd.s32 s29, s16;
	s16 =	smulhi.u32 $0x66666667, s21  }
0x136: {  	v9 =	vadd.s32 v10, v9;
	s17 =	sshrl.u32 s18, $0x1F;
	s29 =	sshra.s32 s13, $0x7;
	s6 =	sadd.s32 s15, s6  }
0x137: {  	v11 =	vmul.u32 $0xFFFFFEC0, v9;
	s15 =	sshrl.u32 s6, $0x1F;
	s5 =	sadd.s32 s9, s16;
	s9 =	sshra.s32 s20, $0x7  }
0x138: {  	v13 =	vsub.s32 $0x0, v6;
	s16 =	sshra.s32 s18, $0x1F;
	s18 =	sshra.s32 s18, $0x7;
	s7 =	spop (v2sf)  }
0x139: {  	vm9 =	vlt.s32 v6, $0x1;
	vm10 =	vne.s32 v11, v13;
	s11 =	spop (v2sf);
	s31 =	sshra.s32 s7, $0x1F;
	s7 =	smulhi.u32 $0x66666667, s7  }
0x13a: {  	v42 =	vld [tilespmem:s24+$0x1BB00];
	v12 =	vmov s10;
	vm9 =	vmand vm9, vm10;
	s20 =	sshra.s32 s20, $0x1F;
	s22 =	spop (v2sf);
	s14 =	smul.u32 $0x66666667, s31  }
0x13b: {  	v12 =	vsel vm3, s29, v12;
	v44 =	vsel vm9, $0xFFFFFFFF, v3;
	s12 =	sshra.s32 s22, $0x1F;
	s21 =	spop (v2sf);
	s29 =	smulhi.u32 $0x66666667, s22  }
0x13c: {  	v9 =	vadd.s32 v44, v9;
	s23 =	smul.u32 $0x66666667, s12;
	s12 =	sshra.s32 s11, $0x1F;
	s4 =	sadd.s32 s14, s7  }
0x13d: {  	v43 =	vld [tilespmem:s24+$0x1B900];
	v47 =	vmul.u32 $0xFFFFFEC0, v9;
	s31 =	sshra.s32 s21, $0x1F;
	s10 =	smulhi.u32 $0x66666667, s21;
	s21 =	sshra.s32 s13, $0x1F  }
0x13e: {  	s13 =	sshrl.u32 s13, $0x1F;
	v12 =	vsel vm11, s21, v12;
	s7 =	smul.u32 $0x66666667, s31;
	s31 =	spop (v2sf)  }
0x13f: {  	v45 =	vmul.u32 $0x2710, v42;
	v6 =	vadd.s32 v6, v47;
	s11 =	smulhi.u32 $0x66666667, s11;
	v12 =	vsel vm0, s19, v12;
	s14 =	sadd.s32 s23, s29;
	s21 =	spop (v2sf)  }
0x140: {  	v8 =	vadd.s32 v42, v8;
	[tilespmem:s24+$0x1C300] =	vst v6;
	v6 =	vmov s13;
	s23 =	sshrl.u32 s4, $0x1F;
	s13 =	smulhi.u32 $0x66666667, s31;
	s4 =	sshra.s32 s4, $0x7;
	v46 =	vsel vm15, s2, v12  }
0x141: {  	s29 =	sshra.s32 s31, $0x1F;
	s31 =	sshra.s32 s5, $0x7;
	s2 =	sadd.s32 s7, s10;
	v10 =	vsel vm1, s9, v46  }
0x142: {  	v48 =	vadd.s32 v45, v43;
	s22 =	smulhi.u32 $0x66666667, s21;
	s7 =	sshra.s32 s21, $0x1F;
	s19 =	sshrl.u32 s14, $0x1F;
	v49 =	vsel vm12, s20, v10  }
0x143: {  	[tilespmem:s24+$0x1BF00] =	vst v9;
	v6 =	vnsel vm3, $0x0, v6;
	v50 =	vmov s4;
	s21 =	sshra.s32 s14, $0x7;
	s4 =	sadd.s32 s30, s26;
	s7 =	smul.u32 $0x66666667, s7;
	v9 =	vsel vm2, s18, v49  }
0x144: {  	[tilespmem:s24+$0x1C100] =	vst v48;
	v6 =	vsel vm0, s0, v6;
	v51 =	vmov s23;
	s30 =	sshra.s32 s6, $0x7;
	s20 =	smul.u32 $0x66666667, s29;
	v9 =	vsel vm13, s16, v9;
	s16 =	simm.s32 $0x0  }
0x145: {  	v54 =	vmov s15;
	v6 =	vsel vm1, s1, v6;
	v11 =	vsel vm0, s19, v51;
	s29 =	sshrl.u32 s5, $0x1F;
	s7 =	sadd.s32 s7, s22;
	s22 =	smul.u32 $0x66666667, s12;
	v8 =	vld.idx.msk [tilespmem:v8+s16+$0x0], $0xffff  }
0x146: {  	v52 =	vmov s30;
	v10 =	vsel vm0, s21, v50;
	v6 =	vsel vm2, s17, v6;
	s18 =	sshra.s32 s5, $0x1F;
	s23 =	sshrl.u32 s7, $0x1F;
	s10 =	sshra.s32 s7, $0x7  }
0x147: {  	v6 =	vsel vm4, s29, v6;
	s12 =	sadd.s32 s20, s13;
	v9 =	vsel vm4, s31, v9;
	v11 =	vsel vm1, s23, v11;
	s31 =	sadd.s32 s22, s11;
	s11 =	sshrl.u32 s2, $0x1F  }
0x148: {  	s13 =	sshra.s32 s2, $0x7;
	v10 =	vsel vm1, s10, v10;
	s17 =	sshra.s32 s12, $0x7;
	v9 =	vsel vm14, s18, v9;
	v6 =	vsel vm5, s11, v6;
	s14 =	sshra.s32 s31, $0x7  }
0x149: {  	s18 =	sshrl.u32 s12, $0x1F;
	v10 =	vsel vm2, s17, v10;
	s1 =	sshrl.u32 s31, $0x1F;
	v9 =	vsel vm5, s13, v9;
	v53 =	vsel vm0, s14, v52  }
0x14a: {  	s30 =	sshrl.u32 s4, $0x1F;
	v11 =	vsel vm2, s18, v11;
	v12 =	vsel vm0, s1, v54;
	v8 =	vmax.f32 v8, $1.000000000e+00  }
0x14b: {  	s20 =	sshrl.u32 s8, $0x1F;
	s2 =	sshra.s32 s2, $0x1F;
	vm0 =	vcmask $0x2F2C;
	v6 =	vsel vm6, s30, v6;
	(erf) = vrcp.f32 v8  }
0x14c: {  	s19 =	sshra.s32 s8, $0x7;
	s22 =	sshra.s32 s4, $0x7;
	s31 =	sshrl.u32 s28, $0x1F;
	v9 =	vsel vm0, s2, v9;
	v12 =	vsel vm1, s20, v12;
	vm0 =	vcmask $0x3734  }
0x14d: {  	s26 =	sshra.s32 s4, $0x1F;
	s21 =	sshra.s32 s3, $0x7;
	s23 =	sshrl.u32 s3, $0x1F;
	v6 =	vsel vm7, s31, v6;
	v9 =	vsel vm6, s22, v9;
	v8 =	vsel vm1, s19, v53  }
0x14e: {  	s29 =	sshra.s32 s28, $0x7;
	v12 =	vsel vm2, s23, v12;
	v9 =	vsel vm0, s26, v9;
	v8 =	vsel vm2, s21, v8  }
0x14f: {  	v55 =	vcombine.low v11, v12;
	v9 =	vsel vm7, s29, v9;
	v8 =	vcombine.low v10, v8  }
0x150: {  	v6 =	vperm.xlane v6, v2;
	v9 =	vperm.xlane v9, v2  }
0x151: {  	v10 =	vperm.xlane v55, v1;
	v8 =	vperm.xlane v8, v1;
	_ =	sdelay $0x1  }
0x152: {  	v6 =	vsel vm8, v6, v10;
	v8 =	vsel vm8, v9, v8  }
0x153: {  	v6 =	vadd.s32 v6, v8;
	v56 =	vpop (erf)  }
0x154: {  	v58 =	vmul.u32 $0xFFFFFEC0, v6;
	[tilespmem:s24+$0x1C500] =	vst v56  }
0x155: {  	v59 =	vsub.s32 $0x0, v5;
	v57 =	vld [tilespmem:s25+$0x1BB00]  }
0x156: {  	vm9 =	vlt.s32 v5, $0x1;
	vm10 =	vne.s32 v58, v59  }
0x157: {  	vm9 =	vmand vm9, vm10  }
0x158: {  	v60 =	vld [tilespmem:s25+$0x1B900];
	v61 =	vsel vm9, $0xFFFFFFFF, v3  }
0x159: {  	v6 =	vadd.s32 v61, v6  }
0x15a: {  	v63 =	vmul.u32 $0xFFFFFEC0, v6;
	v7 =	vadd.s32 v57, v7  }
0x15b: {  	v62 =	vmul.u32 $0x2710, v57  }
0x15c: {  	[tilespmem:s25+$0x1BF00] =	vst v6;
	v5 =	vadd.s32 v5, v63  }
0x15d: {  	[tilespmem:s25+$0x1C300] =	vst v5;
	v6 =	vadd.s32 v62, v60  }
0x15e: {  	[tilespmem:s25+$0x1C100] =	vst v6  }
0x15f: {  	v5 =	vld.idx.msk [tilespmem:v7+s16+$0x0], $0xffff;
	_ =	sdelay $0x4  }
0x160: {  	v5 =	vmax.f32 v5, $1.000000000e+00  }
0x161: {  	(erf) = vrcp.f32 v5;
	_ =	sdelay $0x8  }
0x162: {  	s8 =	rddreg [dreg:$0x13];
	v5 =	vpop (erf)  }
0x163: {  	vm11 =	vmmov vm15;
	s5 =	simm.s32 $0x0;
	s16 =	rddreg [dreg:$0xc];
	[tilespmem:s25+$0x1C500] =	vst v5  }
.LBB2_11:
0x164: {  	s0 =	simm.s32 $0x0  }
0x165: {  	v6 =	vld [tilespmem:s0+$0x1BF00];
	_ =	sdelay $0x3  }
0x166: {  	v5 =	vmov s5  }
0x167: {  	vm9 =	veq.s32 v6, v5  }
0x168: {  	v7 =	vsel vm9, $0x1, v3  }
0x169: {  	(xrf0) =	vadd.scan.msk.s32 $0xffff, v7;
	_ =	sdelay $0x5  }
0x16a: {  	v7, _, _ =	vpop (xrf0)  }
0x16b: {  	(v2sf) =	vpush v7, $0xF;
	_ =	sdelay $0xe  }
0x16c: {  	s31 =	spop (v2sf)  }
0x16d: {  	s1 =	sld [smem:s5+$0x0];
	p1 =	slt.s32 s31, $0x1  }
0x16e: {  	vm9 =	veq.s32 @!p1 v6, v5;
	v6 =	vimm.s32 @!p1 $0x0  }
0x16f: {  	v6 =	vsel @!p1 vm9, $0xFFFFFFFF, v6  }
0x170: {  	s3 =	simm.s32 @!p1 $0x0;
	v6 =	vadd.s32 @!p1 s1, v6  }
0x171: {  	v6 =	vadd.s32 @!p1 v7, v6;
	v7 =	vld @!p1 [tilespmem:s3+$0x1C100];
	_ =	sdelay $0x3  }
0x172: {  	s2 =	simm.s32 @!p1 $0x14000  }
0x173: {  	[tilespmem:v6+s2+$0x0] =	vst.idx.msk @!p1 vm9, v7  }
0x174: {  	v7 =	vld @!p1 [tilespmem:s3+$0x1C300];
	_ =	sdelay $0x3  }
0x175: {  	s2 =	simm.s32 @!p1 $0x16800  }
0x176: {  	[tilespmem:v6+s2+$0x0] =	vst.idx.msk @!p1 vm9, v7  }
0x177: {  	v7 =	vld @!p1 [tilespmem:s3+$0x1C500];
	_ =	sdelay $0x2  }
0x178: {  	s6 =	simm.s32 $0x80;
	s0 =	sadd.s32 s1, s31  }
0x179: {  	s1 =	simm.s32 @!p1 $0x19000;
	s2 =	simm.s32 $0x40;
	s3 =	smov.u32 s0  }
.LBB2_12:
0x17a: {  	s4 =	sshra.s32 s2, $0x2;
	[tilespmem:v6+s1+$0x0] =	vst.idx.msk @!p1 vm9, v7;
	s1 =	smov.u32 s6;
	s6 =	sadd.s32 $0x40, s6  }
0x17b: {  	p0 =	sne.s32 s6, $0x640;
	v6 =	vld [tilespmem:s4+$0x1BF00];
	_ =	sdelay $0x4  }
0x17c: {  	vm9 =	veq.s32 v6, v5  }
0x17d: {  	v7 =	vsel vm9, $0x1, v3  }
0x17e: {  	(xrf0) =	vadd.scan.msk.s32 $0xffff, v7;
	_ =	sdelay $0x5  }
0x17f: {  	v7, _, _ =	vpop (xrf0)  }
0x180: {  	(v2sf) =	vpush v7, $0xF;
	_ =	sdelay $0xe  }
0x181: {  	s4 =	spop (v2sf)  }
0x182: {  	p1 =	slt.s32 s4, $0x1;
	s0 =	sadd.s32 s0, s4  }
0x183: {  	vm9 =	veq.s32 @!p1 v6, v5;
	v6 =	vimm.s32 @!p1 $0x0  }
0x184: {  	v6 =	vsel @!p1 vm9, $0xFFFFFFFF, v6  }
0x185: {  	s4 =	sshra.s32 @!p1 s2, $0x2;
	s2 =	smov.u32 s1;
	v6 =	vadd.s32 @!p1 s3, v6;
	s3 =	smov.u32 s0  }
0x186: {  	v6 =	vadd.s32 @!p1 v7, v6;
	v7 =	vld @!p1 [tilespmem:s4+$0x1C100];
	_ =	sdelay $0x3  }
0x187: {  	s1 =	simm.s32 @!p1 $0x14000  }
0x188: {  	[tilespmem:v6+s1+$0x0] =	vst.idx.msk @!p1 vm9, v7  }
0x189: {  	v7 =	vld @!p1 [tilespmem:s4+$0x1C300];
	_ =	sdelay $0x3  }
0x18a: {  	s1 =	simm.s32 @!p1 $0x16800  }
0x18b: {  	[tilespmem:v6+s1+$0x0] =	vst.idx.msk @!p1 vm9, v7  }
.Ltmp4:
0x18c: {  	v7 =	vld @!p1 [tilespmem:s4+$0x1C500];
	(pc) =	sbr.rel @p0 .LBB2_12-.Ltmp4, $2  }
0x18d: {  	_ =	sdelay $0x2  }
0x18e: {  	s1 =	simm.s32 @!p1 $0x19000  }
0x18f: {  	_ =	sdelay $0x4  }
0x190: {  	s4 =	sshra.s32 s2, $0x2;
	[tilespmem:v6+s1+$0x0] =	vst.idx.msk @!p1 vm9, v7  }
0x191: {  	v6 =	vld [tilespmem:s4+$0x1BF00];
	_ =	sdelay $0x4  }
0x192: {  	vm9 =	veq.s32 v6, v5  }
0x193: {  	v7 =	vsel vm9, $0x1, v3  }
0x194: {  	(xrf0) =	vadd.scan.msk.s32 $0xffff, v7;
	_ =	sdelay $0x5  }
0x195: {  	v7, _, _ =	vpop (xrf0)  }
0x196: {  	(v2sf) =	vpush v7, $0xF;
	_ =	sdelay $0xe  }
0x197: {  	s31 =	spop (v2sf)  }
0x198: {  	p0 =	slt.s32 s31, $0x1  }
0x199: {  	vm9 =	veq.s32 @!p0 v6, v5;
	v5 =	vimm.s32 @!p0 $0x0  }
0x19a: {  	v5 =	vsel @!p0 vm9, $0xFFFFFFFF, v5  }
0x19b: {  	s2 =	sshra.s32 @!p0 s2, $0x2;
	v5 =	vadd.s32 @!p0 s3, v5  }
0x19c: {  	v6 =	vld @!p0 [tilespmem:s2+$0x1C100];
	v5 =	vadd.s32 @!p0 v7, v5;
	_ =	sdelay $0x3  }
0x19d: {  	s3 =	simm.s32 @!p0 $0x14000  }
0x19e: {  	[tilespmem:v5+s3+$0x0] =	vst.idx.msk @!p0 vm9, v6  }
0x19f: {  	v6 =	vld @!p0 [tilespmem:s2+$0x1C300];
	_ =	sdelay $0x3  }
0x1a0: {  	s0 =	sadd.s32 s0, s31;
	s3 =	simm.s32 @!p0 $0x16800  }
0x1a1: {  	[smem:s5] =	sst s0;
	s5 =	sadd.s32 $0x1, s5;
	[tilespmem:v5+s3+$0x0] =	vst.idx.msk @!p0 vm9, v6  }
0x1a2: {  	p1 =	sne.s32 s5, $0x20;
	v6 =	vld @!p0 [tilespmem:s2+$0x1C500]  }
.Ltmp5:
0x1a3: {  	_ = 	snop;
	(pc) =	sbr.rel @p1 .LBB2_11-.Ltmp5, $3  }
0x1a4: {  	_ =	sdelay $0x1  }
0x1a5: {  	s0 =	simm.s32 @!p0 $0x19000  }
0x1a6: {  	[tilespmem:v5+s0+$0x0] =	vst.idx.msk @!p0 vm9, v6  }
0x1a7: {  	s8 =	sadd.s32 $0x1, s8  }
0x1a8: {  	v5 =	vld [tilespmem:$0x1FFF0];
	p0 =	sne.s32 s8, $0x19  }
.Ltmp6:
0x1a9: {  	vm9 =	vcmask $0x704;
	vm12 =	vcmask $0x1714;
	(pc) =	sbr.rel @p0 .LBB2_8-.Ltmp6, $4  }
0x1aa: {  	vm13 =	vcmask $0x1F1C;
	vm14 =	vcmask $0x2724;
	vm15 =	vcmask $0x2F2C  }
0x1ab: {  	vm3 =	vcmask $0x300;
	vm4 =	vcmask $0x2320;
	vm5 =	vcmask $0x2B28  }
0x1ac: {  	vm6 =	vcmask $0x3330;
	vm7 =	vcmask $0x3B38;
	vm10 =	vcmask $0x3734  }
0x1ad: {  	s15 =	rddreg [dreg:$0xa];
	vm0 =	vcmask $0xB08;
	vm1 =	vcmask $0x1310;
	vm8 =	vnez.u8 v5  }
0x1ae: {  	s5 =	simm.s32 $0x0  }
0x1af: {  	s0 =	rddreg [dreg:$0xe];
	s1 =	simm.s32 $0x14000;
	s2 =	simm.s32 $0x2  }
0x1b0: {  	[hbm4b:s0+s5] =	stream.linear.scatter [tilespmem:s1], [sflag:$0x2], $0x2800, $0x38;
	[tilespmem:$0x1C700] =	vst v63  }
0x1b1: {  	_ =	swait.ge [sflag:s2], $0x2800  }
0x1b2: {  	[sflag:s2] =	ssyncset.done $0x0  }
0x1b3: {  	s26 =	simm.s32 $0x16800;
	s25 =	rddreg [dreg:$0xf];
	[sflag:s2] =	ssyncadd.s32 $0xFFFFD800  }
0x1b4: {  	[hbm4b:s25+s5] =	stream.linear.scatter [tilespmem:s26], [sflag:$0x2], $0x2800, $0x38;
	[tilespmem:$0x1C700] =	vst v63  }
0x1b5: {  	_ =	swait.ge [sflag:s2], $0x2800  }
0x1b6: {  	[sflag:s2] =	ssyncset.done $0x0  }
0x1b7: {  	s29 =	simm.s32 $0x19000;
	s28 =	rddreg [dreg:$0x10];
	[sflag:s2] =	ssyncadd.s32 $0xFFFFD800  }
0x1b8: {  	[hbm4b:s28+s5] =	stream.linear.scatter [tilespmem:s29], [sflag:$0x2], $0x2800, $0x38;
	[tilespmem:$0x1C700] =	vst v63  }
0x1b9: {  	_ =	swait.ge [sflag:s2], $0x2800  }
0x1ba: {  	s30 =	rddreg [dreg:$0x12]  }
0x1bb: {  	s31 =	rddreg [dreg:$0x11];
	s1 =	sadd.s32 $0x1, s30  }
0x1bc: {  	p0 =	sne.s32 s1, s31  }
.Ltmp7:
0x1bd: {  	_ = 	snop;
	(pc) =	sbr.rel @p0 .LBB2_1-.Ltmp7, $3  }
0x1be: {  	_ =	sdelay $0x1  }
0x1bf: {  	[sflag:s2] =	ssyncset.done $0x0  }
0x1c0: {  	[sflag:s2] =	ssyncadd.s32 $0xFFFFD800  }
0x1c1: {  	_ =	sfence.sel $0x180000  }
0x1c2: {  	[bflag:$0x0] =	sbarrier.arrive $0xFFFF  }
0x1c3: {  	_ =	strace $0x9000004A  }
0x1c4: {  	s0 =	stileid.u32;
	[bflag:$0x2] =	sbarrier.arrive $0xFFFF  }
0x1c5: {  	p0 =	sne.s32 s0, $0x0;
	s0 =	rddreg [dreg:$0x3]  }
0x1c6: {  	s0 =	sadd.s32 @!p0 $0x100000, s0  }
0x1c7: {  	[sflag:s0] =	ssyncadd.tile.s32 @!p0 $0x1;
	_ =	shalt  }
.Lfunc_end2:
_tile_overlayer_lowered:
.L_overlay_start_2:
0x1c8: {  	(tag) =	ssettag $0x2  }
0x1c9: {  	s0 =	rddreg [dreg:$0x0];
	s2 =	stileid.u32  }
0x1ca: {  	s1 =	rddreg [dreg:$0x1];
	p0 =	sne.s32 s2, $0x0  }
0x1cb: {  	s3 =	rddreg [dreg:$0x2];
	[bflag:$0x3] =	sbarrier.arrive $0xFFFF;
	s2 =	simm.s32 @!p0 $0x1C02  }
0x1cc: {  	[timem:s3], [sflag:s2] =	dma.local @!p0 [hbm:s0], s1  }
0x1cd: {  	s0 =	simm.s32 @!p0 $0x2  }
0x1ce: {  	_ =	swait.ge @!p0 [sflag:s0], s1  }
0x1cf: {  	s1 =	ssub.s32 @!p0 $0x0, s1;
	[sflag:s0] =	ssyncset.done @!p0 $0x0  }
0x1d0: {  	[sflag:s0] =	ssyncadd.s32 @!p0 s1  }
0x1d1: {  	[bflag:$0x3] =	sbarrier.arrive $0xFFFF  }
0x1d2: {  	_ =	shalt  }

// kernel: kernel.19.cloned.1.call-start
scs
__scs_entry_jumppad:
0x0: {  	(pc) =	sbr.rel $0x88, $3  }
0x1: {  	(tag) =	ssettag $0x0;
	lr =	simm.s32 $0x1  }
0x2: {  	[smem:$0x3F95] =	sst lr;
	_ =	strace $0xD0000000  }
0x3: {  	_ = 	snop  }
0x4: {  	_ = 	snop  }
0x5: {  	_ = 	snop  }
0x6: {  	_ = 	snop  }
0x7: {  	_ = 	snop  }
__scs_overlays_trampoline_lowered:
0x8: {  	[smem:$0x3FA4] =	sst s0  }
0x9: {  	[smem:$0x3FA5] =	sst s1  }
0xa: {  	[smem:$0x3FA6] =	sst s2  }
0xb: {  	[smem:$0x3FA7] =	sst s3  }
0xc: {  	[smem:$0x3FA8] =	sst s4  }
0xd: {  	[smem:$0x3FA9] =	sst s5  }
0xe: {  	[smem:$0x3FAA] =	sst s6  }
0xf: {  	[smem:$0x3FAB] =	sst s7  }
0x10: {  	[smem:$0x3FAC] =	sst s8  }
0x11: {  	[smem:$0x3FAD] =	sst s9;
	s0 =	simm.s32 @!p0 $0x0  }
0x12: {  	s1 =	sld [smem:$0x3F93];
	s0 =	simm.s32 @p0 $0x1  }
0x13: {  	[smem:$0x3FAE] =	sst s0;
	s0 =	simm.s32 @!p1 $0x0  }
0x14: {  	s2 =	sld [smem:$0x3F92];
	s0 =	simm.s32 @p1 $0x1  }
0x15: {  	[smem:$0x3FAF] =	sst s0;
	s0 =	simm.s32 @!p2 $0x0  }
0x16: {  	s3 =	sld [smem:$0x3FDB];
	s0 =	simm.s32 @p2 $0x1  }
0x17: {  	s4 =	simm.s32 $0x1BF5;
	[smem:$0x3FB1] =	sst s0  }
0x18: {  	s0 =	sld [smem:$0x3F94];
	_ =	swait.ge [sflag:s4], $0x0  }
0x19: {  	s7 =	sld [smem:$0x3F95]  }
0x1a: {  	s8 =	sadd.s32 $0xFFFFE003, lr  }
0x1b: {  	s9 =	sadd.s32 $0xFFFFFEF7, lr;
	s5 =	simm.s32 $0xFFFFFFFF;
	p2 =	slt.u32 s8, $0xFFFFF086  }
0x1c: {  	p1 =	slt.u32 s9, $0xF7A;
	s5 =	simm.s32 @!p2 $0x0  }
0x1d: {  	s5 =	simm.s32 @p1 $0x1;
	p0 =	seq.s32 s7, s2  }
0x1e: {  	s7 =	smul.u32 @!p0 $0xF7A, s2;
	p2 =	seq.s32 @!p0 s5, $0x0  }
0x1f: {  	s9 =	smul.u32 $0xF7A, s1;
	s8 =	simm.s32 @!p0 $0x1BF5;
	p2 =	por !p2, p0  }
0x20: {  	[sflag:s8] =	ssyncset.s32 @!p0 $0xFFFFF086;
	s6 =	sadd.s32 @!p0 s3, s7;
	s7 =	simm.s32 @!p0 $0x108  }
0x21: {  	s3 =	sadd.s32 s3, s9;
	s6 =	sadd.s32 @!p0 $0x88, s6;
	s7 =	simm.s32 @p2 $0x1082  }
0x22: {  	[simem:s7], [sflag:s8] =	dma.local @!p0 [hbm:s6], $0xF7A  }
0x23: {  	s9 =	sor.u32 $0xD0000000, s2;
	s6 =	simm.s32 $0x108;
	_ =	swait.ge @!p0 [sflag:s8], $0x0  }
0x24: {  	s3 =	sadd.s32 $0x88, s3;
	s6 =	simm.s32 @!p1 $0x1082;
	[sflag:s4] =	ssyncset.s32 $0xFFFFF086  }
0x25: {  	[simem:s6], [sflag:s4] =	dma.local [hbm:s3], $0xF7A  }
0x26: {  	[smem:$0x3F95] =	sst s1;
	(tag) =	ssettag s2;
	_ =	strace s9  }
0x27: {  	s1 =	sld [smem:$0x3FA5]  }
0x28: {  	s2 =	sld [smem:$0x3FA6]  }
0x29: {  	s4 =	sld [smem:$0x3FA8]  }
0x2a: {  	p0 =	seq.s32 s5, $0x0;
	s5 =	sld [smem:$0x3FA9]  }
0x2b: {  	s6 =	sld [smem:$0x3FAA]  }
0x2c: {  	s7 =	sld [smem:$0x3FAB]  }
0x2d: {  	s3 =	simm.s32 $0x108;
	s8 =	sld [smem:$0x3FAC]  }
0x2e: {  	s3 =	simm.s32 @!p0 $0x1082;
	s9 =	sld [smem:$0x3FAD]  }
0x2f: {  	lr =	sadd.s32 s0, s3;
	s0 =	sld [smem:$0x3FA4]  }
0x30: {  	s3 =	sld [smem:$0x3FA7]  }
0x31: {  	[smem:$0x3FB0] =	sst s10  }
0x32: {  	s10 =	sld [smem:$0x3FAE];
	_ =	sdelay $0x3  }
0x33: {  	p0 =	seq.s32 s10, $0x1;
	s10 =	sld [smem:$0x3FB0];
	_ =	sdelay $0x3  }
0x34: {  	[smem:$0x3FB0] =	sst s10  }
0x35: {  	s10 =	sld [smem:$0x3FAF];
	_ =	sdelay $0x3  }
0x36: {  	p1 =	seq.s32 s10, $0x1;
	s10 =	sld [smem:$0x3FB0];
	_ =	sdelay $0x3  }
0x37: {  	[smem:$0x3FB0] =	sst s10  }
0x38: {  	s10 =	sld [smem:$0x3FB1]  }
0x39: {  	_ = 	snop;
	(pc) =	sbr.ind lr, $3  }
0x3a: {  	_ = 	snop  }
0x3b: {  	_ = 	snop  }
0x3c: {  	p2 =	seq.s32 s10, $0x1;
	s10 =	sld [smem:$0x3FB0]  }
0x3d: {  	_ =	shalt  }
0x3e: {  	_ =	shalt  }
0x3f: {  	_ =	shalt  }
0x40: {  	_ =	shalt  }
0x41: {  	_ =	shalt  }
0x42: {  	_ =	shalt  }
0x43: {  	_ =	shalt  }
0x44: {  	_ =	shalt  }
0x45: {  	_ =	shalt  }
0x46: {  	_ =	shalt  }
0x47: {  	_ =	shalt  }
0x48: {  	_ =	shalt  }
0x49: {  	_ =	shalt  }
0x4a: {  	_ =	shalt  }
0x4b: {  	_ =	shalt  }
0x4c: {  	_ =	shalt  }
0x4d: {  	_ =	shalt  }
0x4e: {  	_ =	shalt  }
0x4f: {  	_ =	shalt  }
0x50: {  	_ =	shalt  }
0x51: {  	_ =	shalt  }
0x52: {  	_ =	shalt  }
0x53: {  	_ =	shalt  }
0x54: {  	_ =	shalt  }
0x55: {  	_ =	shalt  }
0x56: {  	_ =	shalt  }
0x57: {  	_ =	shalt  }
0x58: {  	_ =	shalt  }
0x59: {  	_ =	shalt  }
0x5a: {  	_ =	shalt  }
0x5b: {  	_ =	shalt  }
0x5c: {  	_ =	shalt  }
0x5d: {  	_ =	shalt  }
0x5e: {  	_ =	shalt  }
0x5f: {  	_ =	shalt  }
0x60: {  	_ =	shalt  }
0x61: {  	_ =	shalt  }
0x62: {  	_ =	shalt  }
0x63: {  	_ =	shalt  }
0x64: {  	_ =	shalt  }
0x65: {  	_ =	shalt  }
0x66: {  	_ =	shalt  }
0x67: {  	_ =	shalt  }
0x68: {  	_ =	shalt  }
0x69: {  	_ =	shalt  }
0x6a: {  	_ =	shalt  }
0x6b: {  	_ =	shalt  }
0x6c: {  	_ =	shalt  }
0x6d: {  	_ =	shalt  }
0x6e: {  	_ =	shalt  }
0x6f: {  	_ =	shalt  }
0x70: {  	_ =	shalt  }
0x71: {  	_ =	shalt  }
0x72: {  	_ =	shalt  }
0x73: {  	_ =	shalt  }
0x74: {  	_ =	shalt  }
0x75: {  	_ =	shalt  }
0x76: {  	_ =	shalt  }
0x77: {  	_ =	shalt  }
0x78: {  	_ =	shalt  }
0x79: {  	_ =	shalt  }
0x7a: {  	_ =	shalt  }
0x7b: {  	_ =	shalt  }
0x7c: {  	_ =	shalt  }
0x7d: {  	_ =	shalt  }
0x7e: {  	_ =	shalt  }
0x7f: {  	_ =	shalt  }
0x80: {  	_ =	shalt  }
0x81: {  	_ =	shalt  }
0x82: {  	_ =	shalt  }
0x83: {  	_ =	shalt  }
0x84: {  	_ =	shalt  }
0x85: {  	_ =	shalt  }
0x86: {  	_ =	shalt  }
0x87: {  	_ =	shalt  }
.Lfunc_end0:
.L_simem_size_0:
called_computation.2_lowered:
.L_overlay_start_0:
0x88: {  	s2 =	sld [smem:$0x3FD9]  }
0x89: {  	s3 =	sld [smem:$0x3FFE];
	_ =	sdelay $0x1  }
0x8a: {  	s1 =	srdreg.scid  }
0x8b: {  	s0 =	sand.u32 $0x1, s1  }
0x8c: {  	s17 =	sshll.u32 s0, $0xA;
	s2 =	sadd.s32 s3, s2  }
0x8d: {  	s2 =	sadd.s32 s2, s17  }
0x8e: {  	[smem:$0x3FBC] =	sst s2  }
0x8f: {  	_ = 	snop  }
0x90: {  	s2 =	sld [smem:$0x3FD0];
	(tm) =	ssettm $0x1  }
0x91: {  	s18 =	sld [smem:$0x3FFB];
	_ =	sdelay $0x3  }
0x92: {  	_ =	strace s18  }
0x93: {  	s3 =	sld [smem:$0x3FFC];
	_ =	sdelay $0x3  }
0x94: {  	_ =	strace s3  }
0x95: {  	s3 =	sld [smem:$0x3FFD];
	_ =	sdelay $0x3  }
0x96: {  	_ =	strace s3  }
0x97: {  	_ =	strace $0x8FFFFFFF  }
0x98: {  	s19 =	sld [smem:$0x3FDB];
	_ =	sdelay $0x1  }
0x99: {  	s4 =	simm.s32 $_scs_section_size  }
0x9a: {  	s5 =	simm.s32 $_size__tile_overlayer_lowered;
	s6 =	simm.s32 $_tile_overlayer_lowered  }
0x9b: {  	s22 =	simm.s32 $0x1BFF;
	s21 =	sshll.u32 s6, $0x1;
	s3 =	sadd.s32 s4, s19  }
0x9c: {  	s7 =	simm.s32 $0x0;
	s20 =	sshll.u32 s5, $0x1;
	s5 =	sadd.s32 s21, s3  }
0x9d: {  	[timem:s7], [sflag:s22] =	dma.local [hbm:s5], s20  }
0x9e: {  	_ =	swait.ge [sflag:s22], s20  }
0x9f: {  	s4 =	ssub.s32 $0x0, s20;
	[sflag:s22] =	ssyncset.done $0x0  }
0xa0: {  	[sflag:s22] =	ssyncadd.s32 s4;
	_ =	sdelay $0x1  }
0xa1: {  	s23 =	simm.s32 $0x1B8B  }
0xa2: {  	_ =	swait.ge [sflag:s23], $0x1  }
0xa3: {  	[sflag:s23] =	ssyncset.done $0x0  }
0xa4: {  	s25 =	simm.s32 $0x1B8E;
	s24 =	sld [smem:$0x3FFE];
	[sflag:s23] =	ssyncadd.s32 $0xFFFFFFFF  }
0xa5: {  	s26 =	simm.s32 $execute0_lowered;
	[smem:$0x3FD2] =	sst s25  }
0xa6: {  	s5 =	sshll.u32 s26, $0x1;
	_ =	strace $0x8000004C;
	[dreg:$0x1] =	wrdreg $0xFFFFFFFF  }
0xa7: {  	s28 =	simm.s32 $_size_execute0_lowered;
	s3 =	sadd.s32 s3, s5;
	[dreg:$0x0] =	wrdreg $0x0  }
0xa8: {  	s5 =	sshll.u32 s28, $0x1;
	[dreg:$0x2] =	wrdreg s3  }
0xa9: {  	[dreg:$0x3] =	wrdreg s5  }
0xaa: {  	[dreg:$0x4] =	wrdreg $0xC0  }
0xab: {  	_ =	task [dreg:s7], $0x5FFFF  }
0xac: {  	[dreg:$0x1] =	wrdreg $0xFFFFFFFF  }
0xad: {  	[dreg:$0x0] =	wrdreg $0x60  }
0xae: {  	[dreg:$0x2] =	wrdreg s24  }
0xaf: {  	[dreg:$0x3] =	wrdreg s2  }
0xb0: {  	[dreg:$0x4] =	wrdreg $0x9  }
0xb1: {  	_ =	task.clear_ibuf [dreg:s7], $0x5FFFF;
	_ =	strace $0x9000004C  }
0xb2: {  	s29 =	simm.s32 $0x9;
	_ =	strace $0x8000004E  }
0xb3: {  	_ =	swait.ge [sflag:s29], $0x1  }
0xb4: {  	[sflag:s29] =	ssyncadd.s32 $0xFFFFFFFF  }
0xb5: {  	_ =	strace $0x9000004E  }
0xb6: {  	_ =	sfence  }
0xb7: {  	s30 =	sld [smem:$0x0];
	_ =	sdelay $0x2  }
0xb8: {  	s31 =	sshll.u32 s1, $0xD;
	s1 =	sshrl.u32 s1, $0x2  }
0xb9: {  	s3 =	sand.u32 $0x4000, s31;
	s1 =	sadd.s32 s1, s30  }
0xba: {  	s0 =	sor.u32 s3, s0;
	s1 =	sshll.u32 s1, $0x11  }
0xbb: {  	s0 =	sor.u32 s1, s0  }
0xbc: {  	s0 =	sadd.s32 $0x8F2B, s0  }
0xbd: {  	[sflag:s0] =	ssyncadd.remote.s32 $0x1  }
0xbe: {  	_ =	sfence.sel $0xFFFF  }
0xbf: {  	[dreg:$0x0] =	wrdreg $0xFFFFFFFF;
	(pc) =	sbr.abs _section_cstart, $3  }
0xc0: {  	[dreg:$0x1] =	wrdreg $0xFFFFFFFF  }
0xc1: {  	_ =	task.clear_ibuf [dreg:s7], $0x2FFFF;
	_ =	strace $0x9FFFFFFF  }
0xc2: {  	(tm) =	ssettm $0x7FFFFFFF  }
0xc3: {  	_ =	shalt  }
tec
execute0_lowered:
.L_overlay_start_1:
0x0: {  	(tag) =	ssettag $0x1  }
0x1: {  	s0 =	rddreg [dreg:$0x0];
	s3 =	simm.s32 $0x0;
	s1 =	srdreg.scid  }
0x2: {  	s2 =	stileid.u32;
	s11 =	simm.s32 $0xA000;
	s13 =	simm.s32 $0x1  }
0x3: {  	s14 =	simm.s32 $0xA480;
	s15 =	simm.s32 $0xA500;
	s17 =	simm.s32 $0x2  }
0x4: {  	s18 =	simm.s32 $0x10;
	s22 =	simm.s32 $0xA4A0;
	s23 =	simm.s32 $0xB680  }
0x5: {  	s24 =	simm.s32 $0xA4B0;
	s25 =	simm.s32 $0xBE80;
	s26 =	simm.s32 $0xA4C0  }
0x6: {  	s28 =	simm.s32 $0xC680;
	s1 =	sand.u32 $0x1, s1;
	s2 =	sshll.u32 s2, $0x1  }
0x7: {  	[smem:$0x7FF] =	sst s3;
	s5 =	sadd.s32 $0x2D200, s0;
	s4 =	sor.u32 s1, s2  }
0x8: {  	s6 =	sadd.s32 $0x18C00, s0;
	s1 =	ssub.s32 $0x2, s1;
	s2 =	smul.u32 $0x1400, s4  }
.Ltmp0:
0x9: {  	s7 =	sadd.s32 $0x22E00, s0;
	s8 =	sshrl.u32 s1, $0x1;
	(pc) =	sbr.rel .LBB2_1-.Ltmp0, $4  }
0xa: {  	v0 =	vlaneseq.u32;
	s9 =	sadd.s32 $0x2D000, s0;
	_ =	strace $0x8000004D;
	s1 =	ssub.s32 s1, s8  }
0xb: {  	v1 =	vimm.f32 $0.0e+00;
	v2 =	vor.u32 $0x10, v0;
	[dreg:$0x3] =	wrdreg s9;
	s0 =	sadd.s32 s2, s0;
	s31 =	smax.u32 s1, $0x1  }
0xc: {  	s29 =	simm.s32 $0xA600;
	v3 =	vor.u32 $0x20, v0;
	v4 =	vor.u32 $0x30, v0;
	v5 =	vor.u32 $0x40, v0;
	s0 =	sadd.s32 $0x165A00, s0;
	[dreg:$0x5] =	wrdreg s31  }
0xd: {  	v6 =	vor.u32 $0x50, v0;
	v7 =	vor.u32 $0x60, v0;
	v8 =	vor.u32 $0x70, v0;
	s2 =	simm.s32 $0x3;
	s1 =	simm.s32 $0x0;
	[dreg:$0x4] =	wrdreg s0  }
.LBB2_14:
0xe: {  	s0 =	rddreg [dreg:$0x4];
	s2 =	simm.s32 $0x3  }
0xf: {  	[hbm4b:s0+s3] =	stream.linear.scatter [tilespmem:s3], [sflag:$0x3], $0xA000, $0x38;
	[tilespmem:$0xCE80] =	vst v63  }
0x10: {  	_ =	swait.ge [sflag:s2], $0xA000  }
0x11: {  	s1 =	rddreg [dreg:$0x6]  }
0x12: {  	s31 =	rddreg [dreg:$0x5];
	s1 =	sadd.s32 $0x1, s1  }
0x13: {  	p0 =	sne.s32 s1, s31  }
.Ltmp1:
0x14: {  	_ = 	snop;
	(pc) =	sbr.rel @!p0 .LBB2_15-.Ltmp1, $3  }
0x15: {  	_ =	sdelay $0x1  }
0x16: {  	[sflag:s2] =	ssyncset.done $0x0  }
0x17: {  	[sflag:s2] =	ssyncadd.s32 $0xFFFF6000  }
.LBB2_1:
0x18: {  	[dreg:$0x6] =	wrdreg s1;
	s0 =	simm.s32 $0x40;
	s1 =	simm.s32 $0x0  }
.LBB2_2:
0x19: {  	p0 =	sne.s32 s0, $0x27FC0;
	[tilespmem:s1+$0x0] =	vst v1;
	s1 =	smov.u32 s0;
	s0 =	sadd.s32 $0x40, s0  }
.Ltmp2:
0x1a: {  	(pc) =	sbr.rel @p0 .LBB2_2-.Ltmp2, $2  }
0x1b: {  	_ =	sdelay $0x2  }
0x1c: {  	s1 =	sshra.s32 s1, $0x2  }
0x1d: {  	[tilespmem:s1+$0x0] =	vst v1;
	s0 =	simm.s32 $0x0;
	s31 =	rddreg [dreg:$0x3]  }
0x1e: {  	[tilespmem:s11], [sflag:$0x3] =	stream.linear.gather [hbm4b:s31+s0], $0x400, $0x38;
	[tilespmem:$0xCE80] =	vst v63  }
0x1f: {  	_ =	swait.ge [sflag:s2], $0x400  }
0x20: {  	[sflag:s2] =	ssyncset.done $0x0  }
0x21: {  	s1 =	simm.s32 $0x0;
	[sflag:s2] =	ssyncadd.s32 $0xFFFFFC00  }
.LBB2_4:
0x22: {  	s2 =	sadd.s32 $0x0, s0  }
0x23: {  	v9 =	vmov s2;
	_ =	sdelay $0x4  }
0x24: {  	v9 =	vld.idx.msk [tilespmem:v9+s11+$0x0], $0xffff;
	_ =	sdelay $0x4  }
0x25: {  	(v2sf) =	vpush v9, $0x0;
	_ =	sdelay $0x3  }
0x26: {  	s20 =	sadd.s32 $0x1, s0  }
0x27: {  	v9 =	vmov s20;
	_ =	sdelay $0x3  }
0x28: {  	s21 =	sadd.s32 $0x2, s0  }
0x29: {  	v10 =	vmov s21;
	v9 =	vld.idx.msk [tilespmem:v9+s11+$0x0], $0xffff;
	_ =	sdelay $0x4  }
0x2a: {  	v10 =	vld.idx.msk [tilespmem:v10+s11+$0x0], $0xffff;
	s12 =	spop (v2sf);
	(v2sf) =	vpush v9, $0x0;
	_ =	sdelay $0x3  }
0x2b: {  	s8 =	sadd.s32 $0x3, s0  }
0x2c: {  	s10 =	simm.s32 $0x2;
	s9 =	simm.s32 $0x3;
	v11 =	vmov s8;
	(v2sf) =	vpush v10, $0x0  }
0x2d: {  	s31 =	simm.s32 $0x5;
	s30 =	simm.s32 $0x0;
	s12 =	sadd.s32 $0x7, s12  }
0x2e: {  	s2 =	simm.s32 $0x1;
	s8 =	simm.s32 $0x4;
	s16 =	sand.u32 $0x7, s12  }
0x2f: {  	s19 =	sshra.s32 s12, $0x1F;
	p0 =	slt.s32 s12, $0x1;
	p1 =	sne.s32 s16, $0x0  }
0x30: {  	s16 =	sadd.s32 $0x4, s0;
	s19 =	sshrl.u32 s19, $0x1D;
	p0 =	por !p0, !p1  }
0x31: {  	v9 =	vld.idx.msk [tilespmem:v11+s11+$0x0], $0xffff;
	s19 =	sadd.s32 s19, s12;
	s12 =	simm.s32 $0x0;
	p1 =	por !p0, !p0  }
.LBB2_5:
0x32: {  	p0 =	sne.s32 s31, $0x1F  }
0x33: {  	v10 =	vmov s16;
	s16 =	sshrl.u32 s19, $0x3;
	s19 =	simm.s32 $0x1;
	s20 =	smov.u32 s2  }
0x34: {  	s2 =	smov.u32 s10;
	s10 =	smov.u32 s9;
	s19 =	simm.s32 @!p1 $0x0  }
0x35: {  	s9 =	smov.u32 s8;
	s8 =	smov.u32 s31;
	s16 =	ssub.s32 s16, s19  }
0x36: {  	p1 =	slt.u32 s30, s4;
	s19 =	spop (v2sf);
	s16 =	sshll.u32 s16, $0x3  }
.Ltmp3:
0x37: {  	(v2sf) =	vpush v9, $0x0;
	s19 =	sadd.s32 $0x7, s19;
	s16 =	simm.s32 @!p1 $0x0;
	(pc) =	sbr.rel @p0 .LBB2_5-.Ltmp3, $4  }
0x38: {  	s30 =	smov.u32 s20;
	s21 =	sand.u32 $0x7, s19;
	s12 =	sadd.s32 s12, s16  }
0x39: {  	s20 =	sshra.s32 s19, $0x1F;
	p1 =	slt.s32 s19, $0x1;
	v9 =	vld.idx.msk [tilespmem:v10+s11+$0x0], $0xffff;
	p2 =	sne.s32 s21, $0x0  }
0x3a: {  	s16 =	sadd.s32 s31, s0;
	s20 =	sshrl.u32 s20, $0x1D;
	p1 =	por !p1, !p2  }
0x3b: {  	s31 =	sadd.s32 $0x1, s31;
	s19 =	sadd.s32 s20, s19;
	p1 =	por !p1, !p1  }
0x3c: {  	v10 =	vmov s16;
	_ =	sdelay $0x4  }
0x3d: {  	v10 =	vld.idx.msk [tilespmem:v10+s11+$0x0], $0xffff  }
0x3e: {  	(v2sf) =	vpush v9, $0x0;
	_ =	sdelay $0x1  }
0x3f: {  	s21 =	spop (v2sf);
	s20 =	simm.s32 $0x1  }
0x40: {  	s19 =	sshrl.u32 s19, $0x3;
	s16 =	sadd.s32 $0x7, s21;
	s20 =	simm.s32 @!p1 $0x0  }
0x41: {  	p1 =	slt.u32 s30, s4;
	s21 =	sand.u32 $0x7, s16;
	p6 =	slt.s32 s16, $0x1;
	(v2sf) =	vpush v10, $0x0  }
0x42: {  	s19 =	ssub.s32 s19, s20;
	p0 =	sne.s32 s21, $0x0;
	s21 =	sshra.s32 s16, $0x1F  }
0x43: {  	s20 =	simm.s32 $0x1;
	s21 =	sshrl.u32 s21, $0x1D;
	p0 =	por !p6, !p0  }
0x44: {  	s19 =	sshll.u32 s19, $0x3;
	s16 =	sadd.s32 s21, s16;
	p0 =	por !p0, !p0  }
0x45: {  	s16 =	sshrl.u32 s16, $0x3;
	s20 =	simm.s32 @!p0 $0x0;
	s21 =	spop (v2sf)  }
0x46: {  	s19 =	simm.s32 @!p1 $0x0;
	s16 =	ssub.s32 s16, s20;
	s20 =	sadd.s32 $0x7, s21  }
0x47: {  	s12 =	sadd.s32 s12, s19;
	p0 =	slt.u32 s2, s4;
	s30 =	sand.u32 $0x7, s20  }
0x48: {  	s21 =	sshra.s32 s20, $0x1F;
	p3 =	slt.s32 s20, $0x1;
	p2 =	sne.s32 s30, $0x0  }
0x49: {  	s16 =	sshll.u32 s16, $0x3;
	s2 =	sshrl.u32 s21, $0x1D;
	p2 =	por !p3, !p2  }
0x4a: {  	s2 =	sadd.s32 s2, s20;
	s20 =	simm.s32 $0x1;
	p1 =	por !p2, !p2  }
0x4b: {  	s16 =	simm.s32 @!p0 $0x0;
	s2 =	sshrl.u32 s2, $0x3;
	s20 =	simm.s32 @!p1 $0x0  }
0x4c: {  	p0 =	slt.u32 s10, s4;
	s2 =	ssub.s32 s2, s20;
	s30 =	spop (v2sf)  }
0x4d: {  	s20 =	sadd.s32 s12, s16;
	s2 =	sshll.u32 s2, $0x3;
	s21 =	sadd.s32 $0x7, s30  }
0x4e: {  	s2 =	simm.s32 @!p0 $0x0;
	s30 =	sand.u32 $0x7, s21;
	s19 =	sshra.s32 s21, $0x1F  }
0x4f: {  	p3 =	slt.s32 s21, $0x1;
	s2 =	sadd.s32 s20, s2;
	p4 =	sne.s32 s30, $0x0  }
0x50: {  	s10 =	sshrl.u32 s19, $0x1D;
	s19 =	simm.s32 $0x1;
	s20 =	spop (v2sf)  }
0x51: {  	p0 =	por !p3, !p4;
	s10 =	sadd.s32 s10, s21;
	s16 =	sadd.s32 $0x7, s20  }
0x52: {  	p0 =	por !p0, !p0;
	s10 =	sshrl.u32 s10, $0x3;
	s21 =	sand.u32 $0x7, s16  }
0x53: {  	s30 =	sshra.s32 s16, $0x1F;
	p5 =	slt.s32 s16, $0x1;
	p6 =	sne.s32 s21, $0x0  }
0x54: {  	s19 =	simm.s32 @!p0 $0x0;
	s21 =	sshrl.u32 s30, $0x1D;
	p0 =	por !p5, !p6  }
0x55: {  	s12 =	sadd.s32 s21, s16;
	s16 =	simm.s32 $0x1;
	p0 =	por !p0, !p0  }
0x56: {  	s10 =	ssub.s32 s10, s19;
	s12 =	sshrl.u32 s12, $0x3;
	s16 =	simm.s32 @!p0 $0x0  }
0x57: {  	s10 =	sshll.u32 s10, $0x3;
	p0 =	slt.u32 s9, s4;
	s30 =	ssub.s32 s12, s16  }
0x58: {  	s10 =	simm.s32 @!p0 $0x0;
	p0 =	slt.u32 s8, s4;
	s9 =	sshll.u32 s30, $0x3  }
0x59: {  	s2 =	sadd.s32 s2, s10;
	s9 =	simm.s32 @!p0 $0x0  }
0x5a: {  	s2 =	sadd.s32 s2, s9  }
0x5b: {  	[smem:s1] =	sst s2;
	s1 =	sadd.s32 $0x1, s1  }
0x5c: {  	p0 =	sne.s32 s1, $0x20  }
.Ltmp4:
0x5d: {  	_ = 	snop;
	(pc) =	sbr.rel @p0 .LBB2_4-.Ltmp4, $2  }
0x5e: {  	_ =	sdelay $0x2  }
0x5f: {  	s0 =	sadd.s32 $0x20, s0;
	s31 =	simm.s32 $0x0  }
.Ltmp5:
0x60: {  	(pc) =	sbr.rel .LBB2_8-.Ltmp5, $2  }
0x61: {  	_ =	sdelay $0x2  }
0x62: {  	s19 =	rddreg [dreg:$0x1];
	s20 =	simm.s32 $0xA580;
	s21 =	simm.s32 $0xA680  }
.LBB2_13:
0x63: {  	s31 =	sadd.s32 $0x1, s31  }
0x64: {  	p0 =	sne.s32 s31, $0x20  }
.Ltmp6:
0x65: {  	_ = 	snop;
	(pc) =	sbr.rel @!p0 .LBB2_14-.Ltmp6, $1  }
0x66: {  	_ =	sdelay $0x3  }
.LBB2_8:
0x67: {  	s0 =	sshll.u32 s31, $0x5  }
0x68: {  	s0 =	sor.u32 s4, s0  }
0x69: {  	v9 =	vmov s0;
	_ =	sdelay $0x4  }
0x6a: {  	v9 =	vld.idx.msk [tilespmem:v9+s11+$0x0], $0xffff;
	_ =	sdelay $0x4  }
0x6b: {  	(v2sf) =	vpush v9, $0x0;
	_ =	sdelay $0xe  }
0x6c: {  	s0 =	spop (v2sf)  }
0x6d: {  	s1 =	sadd.s32 $0x4F, s0  }
0x6e: {  	s2 =	smulhi.u32 $0x66666667, s1;
	s8 =	sshra.s32 s1, $0x1F  }
0x6f: {  	s8 =	smul.u32 $0x66666667, s8;
	_ =	sdelay $0x1  }
0x70: {  	s2 =	sadd.s32 s8, s2  }
0x71: {  	s8 =	sshrl.u32 s2, $0x1F;
	s2 =	sshra.s32 s2, $0x5  }
0x72: {  	s2 =	sadd.s32 s8, s2  }
0x73: {  	s8 =	smul.u32 $0xFFFFFFB0, s2  }
0x74: {  	s9 =	ssub.s32 $0xFFFFFFB1, s0  }
0x75: {  	p0 =	slt.s32 s1, $0x1;
	p1 =	sne.s32 s8, s9  }
0x76: {  	p0 =	por !p0, !p1  }
0x77: {  	s1 =	simm.s32 $0x1;
	p0 =	por !p0, !p0  }
0x78: {  	s1 =	simm.s32 @!p0 $0x0  }
0x79: {  	s1 =	ssub.s32 s2, s1  }
0x7a: {  	p0 =	slt.s32 s1, $0x1  }
.Ltmp7:
0x7b: {  	_ = 	snop;
	(pc) =	sbr.rel @p0 .LBB2_13-.Ltmp7, $1  }
0x7c: {  	_ =	sdelay $0x3  }
0x7d: {  	s2 =	sld [smem:s31+$0x0]  }
0x7e: {  	s8 =	smul.u32 $0x2800, s31;
	_ =	sdelay $0x1  }
0x7f: {  	s9 =	simm.s32 $0x0;
	s8 =	sadd.s32 s8, s2  }
.LBB2_10:
0x80: {  	s10 =	smul.u32 $0x50, s9;
	_ =	sdelay $0x1  }
0x81: {  	s2 =	sadd.s32 s10, s8  }
0x82: {  	s12 =	sshrl.u32 s2, $0x3  }
0x83: {  	s2 =	simm.s32 $0x0;
	s16 =	sadd.s32 s19, s12  }
0x84: {  	[tilespmem:s14], [sflag:$0x2] =	stream.linear.gather [hbm4b:s16+s2], $0x50, $0x38;
	[tilespmem:$0xCE80] =	vst v63  }
0x85: {  	s16 =	sadd.s32 s6, s12  }
0x86: {  	[tilespmem:s15], [sflag:$0x2] =	stream.linear.gather [hbm4b:s16+s2], $0x50, $0x38;
	[tilespmem:$0xCE80] =	vst v63  }
0x87: {  	s12 =	sadd.s32 s7, s12  }
0x88: {  	[tilespmem:s20], [sflag:$0x2] =	stream.linear.gather [hbm4b:s12+s2], $0x50, $0x38;
	[tilespmem:$0xCE80] =	vst v63  }
0x89: {  	_ =	swait.ge [sflag:s17], $0x50  }
0x8a: {  	[sflag:s17] =	ssyncset.done $0x0  }
0x8b: {  	[sflag:s17] =	ssyncadd.s32 $0xFFFFFFB0  }
0x8c: {  	_ =	swait.ge [sflag:s17], $0x50  }
0x8d: {  	[sflag:s17] =	ssyncset.done $0x0  }
0x8e: {  	[sflag:s17] =	ssyncadd.s32 $0xFFFFFFB0  }
0x8f: {  	_ =	swait.ge [sflag:s17], $0x50  }
0x90: {  	[sflag:s17] =	ssyncset.done $0x0  }
0x91: {  	[sflag:s17] =	ssyncadd.s32 $0xFFFFFFB0  }
0x92: {  	v9 =	vld [tilespmem:$0xA480]  }
0x93: {  	v10 =	vld [tilespmem:$0xA500]  }
0x94: {  	s10 =	ssub.s32 s0, s10;
	v11 =	vld [tilespmem:$0xA580]  }
0x95: {  	v12 =	vmov s10;
	v13 =	vld [tilespmem:$0xA490]  }
0x96: {  	vm0 =	vgt.s32 v12, v0;
	v14 =	vld [tilespmem:$0xA510]  }
0x97: {  	v15 =	vld [tilespmem:$0xA590];
	v9 =	vnsel vm0, $0x0, v9  }
0x98: {  	[tilespmem:$0xA480] =	vst v9;
	v9 =	vnsel vm0, $0x0, v10;
	v10 =	vld [tilespmem:$0xA4A0]  }
0x99: {  	vm12 =	vgt.s32 v12, v2;
	[tilespmem:$0xA500] =	vst v9;
	v9 =	vnsel vm0, $0x0, v11;
	v11 =	vld [tilespmem:$0xA520]  }
0x9a: {  	v49 =	vld [tilespmem:$0xA5A0];
	[tilespmem:$0xA600] =	vst v9;
	v9 =	vnsel vm12, $0x0, v13  }
0x9b: {  	v50 =	vld [tilespmem:$0xA4B0];
	[tilespmem:$0xA490] =	vst v9;
	v9 =	vnsel vm12, $0x0, v14  }
0x9c: {  	vm13 =	vgt.s32 v12, v3;
	v51 =	vld [tilespmem:$0xA530];
	[tilespmem:$0xA510] =	vst v9;
	v9 =	vnsel vm12, $0x0, v15  }
0x9d: {  	[tilespmem:$0xA610] =	vst v9;
	v9 =	vnsel vm13, $0x0, v10;
	v10 =	vld [tilespmem:$0xA5B0]  }
0x9e: {  	[tilespmem:$0xA4A0] =	vst v9;
	v9 =	vnsel vm13, $0x0, v11;
	v11 =	vld [tilespmem:$0xA4C0]  }
0x9f: {  	vm14 =	vgt.s32 v12, v4;
	v52 =	vld [tilespmem:$0xA540];
	[tilespmem:$0xA520] =	vst v9;
	v9 =	vnsel vm13, $0x0, v49  }
0xa0: {  	v53 =	vld [tilespmem:$0xA5C0];
	[tilespmem:$0xA620] =	vst v9;
	v9 =	vnsel vm14, $0x0, v50  }
0xa1: {  	[tilespmem:$0xA4B0] =	vst v9;
	v9 =	vnsel vm14, $0x0, v51  }
0xa2: {  	vm15 =	vgt.s32 v12, v5;
	[tilespmem:$0xA530] =	vst v9;
	v9 =	vnsel vm14, $0x0, v10  }
0xa3: {  	[tilespmem:$0xA630] =	vst v9;
	v9 =	vnsel vm15, $0x0, v11  }
0xa4: {  	[tilespmem:$0xA4C0] =	vst v9;
	v9 =	vnsel vm15, $0x0, v52  }
0xa5: {  	[tilespmem:$0xA540] =	vst v9;
	v9 =	vnsel vm15, $0x0, v53  }
0xa6: {  	[tilespmem:$0xA640] =	vst v9  }
0xa7: {  	[tilespmem:s21], [sflag:$0x1] =	stream.indirect.gather [hbm4b:s5+s18], $0x80, s14, s18, $0xb8;
	[tilespmem:$0xCE80] =	vst v63  }
0xa8: {  	s16 =	simm.s32 $0xAE80;
	s12 =	simm.s32 $0xA490  }
0xa9: {  	[tilespmem:s16], [sflag:$0x1] =	stream.indirect.gather [hbm4b:s5+s18], $0x80, s12, s18, $0xb8;
	[tilespmem:$0xCE80] =	vst v63  }
0xaa: {  	_ = 	snop  }
0xab: {  	[tilespmem:s23], [sflag:$0x1] =	stream.indirect.gather [hbm4b:s5+s18], $0x80, s22, s18, $0xb8;
	[tilespmem:$0xCE80] =	vst v63  }
0xac: {  	_ = 	snop  }
0xad: {  	[tilespmem:s25], [sflag:$0x1] =	stream.indirect.gather [hbm4b:s5+s18], $0x80, s24, s18, $0xb8;
	[tilespmem:$0xCE80] =	vst v63  }
0xae: {  	_ = 	snop  }
0xaf: {  	[tilespmem:s28], [sflag:$0x1] =	stream.indirect.gather [hbm4b:s5+s18], $0x80, s26, s18, $0xb8;
	[tilespmem:$0xCE80] =	vst v63  }
0xb0: {  	_ =	swait.ge [sflag:s13], $0x800  }
0xb1: {  	[sflag:s13] =	ssyncset.done $0x0  }
0xb2: {  	[sflag:s13] =	ssyncadd.s32 $0xFFFFF800  }
0xb3: {  	_ =	swait.ge [sflag:s13], $0x800  }
0xb4: {  	[sflag:s13] =	ssyncset.done $0x0  }
0xb5: {  	[sflag:s13] =	ssyncadd.s32 $0xFFFFF800  }
0xb6: {  	_ =	swait.ge [sflag:s13], $0x800  }
0xb7: {  	v9 =	vmov s2;
	[sflag:s13] =	ssyncset.done $0x0  }
0xb8: {  	v9 =	vand.u32 $0xFFFFFFFE, v9;
	[sflag:s13] =	ssyncadd.s32 $0xFFFFF800  }
0xb9: {  	v9 =	vbroadcast v9, $0x0;
	_ =	swait.ge [sflag:s13], $0x800  }
0xba: {  	[sflag:s13] =	ssyncset.done $0x0  }
0xbb: {  	[sflag:s13] =	ssyncadd.s32 $0xFFFFF800  }
0xbc: {  	_ =	swait.ge [sflag:s13], $0x800  }
0xbd: {  	[sflag:s13] =	ssyncset.done $0x0  }
0xbe: {  	[sflag:s13] =	ssyncadd.s32 $0xFFFFF800  }
0xbf: {  	v10 =	vld.idx.msk [tilespmem:v9+s15+$0x0], $0xffff;
	_ =	sdelay $0x2  }
0xc0: {  	s10 =	simm.s32 $0xA700;
	v9 =	vld.idx.msk [tilespmem:v9+s29+$0x0], $0xffff  }
0xc1: {  	v11 =	vld [tilespmem:s10+$0xFFFFFF80]  }
0xc2: {  	v10 =	vshll.u32 v10, $0x7  }
0xc3: {  	v54 =	vor.u32 v0, v10;
	_ =	sdelay $0x2  }
0xc4: {  	v11 =	vmul.f32 v11, v9;
	_ =	sdelay $0x1  }
0xc5: {  	[tilespmem:v54+s3+$0x0] =	vst.idx.add.f32.msk $0xffff, v11  }
0xc6: {  	v11 =	vld [tilespmem:s10+$0xFFFFFF90];
	_ =	sdelay $0x1  }
0xc7: {  	v55 =	vor.u32 v2, v10;
	_ =	sdelay $0x2  }
0xc8: {  	v11 =	vmul.f32 v11, v9;
	_ =	sdelay $0x1  }
0xc9: {  	[tilespmem:v55+s3+$0x0] =	vst.idx.add.f32.msk $0xffff, v11  }
0xca: {  	v11 =	vld [tilespmem:s10+$0xFFFFFFA0];
	_ =	sdelay $0x1  }
0xcb: {  	v56 =	vor.u32 v3, v10;
	_ =	sdelay $0x2  }
0xcc: {  	v11 =	vmul.f32 v11, v9;
	_ =	sdelay $0x1  }
0xcd: {  	[tilespmem:v56+s3+$0x0] =	vst.idx.add.f32.msk $0xffff, v11  }
0xce: {  	v11 =	vld [tilespmem:s10+$0xFFFFFFB0];
	_ =	sdelay $0x1  }
0xcf: {  	v57 =	vor.u32 v4, v10;
	_ =	sdelay $0x2  }
0xd0: {  	v11 =	vmul.f32 v11, v9;
	_ =	sdelay $0x1  }
0xd1: {  	[tilespmem:v57+s3+$0x0] =	vst.idx.add.f32.msk $0xffff, v11  }
0xd2: {  	v11 =	vld [tilespmem:s10+$0xFFFFFFC0];
	_ =	sdelay $0x1  }
0xd3: {  	v58 =	vor.u32 v5, v10;
	_ =	sdelay $0x2  }
0xd4: {  	v11 =	vmul.f32 v11, v9;
	_ =	sdelay $0x1  }
0xd5: {  	[tilespmem:v58+s3+$0x0] =	vst.idx.add.f32.msk $0xffff, v11  }
0xd6: {  	v11 =	vld [tilespmem:s10+$0xFFFFFFD0];
	_ =	sdelay $0x1  }
0xd7: {  	v59 =	vor.u32 v6, v10;
	_ =	sdelay $0x2  }
0xd8: {  	v11 =	vmul.f32 v11, v9;
	_ =	sdelay $0x1  }
0xd9: {  	[tilespmem:v59+s3+$0x0] =	vst.idx.add.f32.msk $0xffff, v11  }
0xda: {  	v11 =	vld [tilespmem:s10+$0xFFFFFFE0];
	_ =	sdelay $0x1  }
0xdb: {  	v60 =	vor.u32 v7, v10;
	_ =	sdelay $0x2  }
0xdc: {  	v11 =	vmul.f32 v11, v9;
	_ =	sdelay $0x1  }
0xdd: {  	[tilespmem:v60+s3+$0x0] =	vst.idx.add.f32.msk $0xffff, v11  }
0xde: {  	v11 =	vld [tilespmem:s10+$0xFFFFFFF0];
	_ =	sdelay $0x1  }
0xdf: {  	s16 =	simm.s32 $0x1;
	v10 =	vor.u32 v8, v10  }
0xe0: {  	v61 =	vmov s16;
	_ =	sdelay $0x1  }
0xe1: {  	v9 =	vmul.f32 v11, v9;
	_ =	sdelay $0x1  }
0xe2: {  	[tilespmem:v10+s3+$0x0] =	vst.idx.add.f32.msk $0xffff, v9  }
0xe3: {  	v9 =	vld.idx.msk [tilespmem:v61+s15+$0x0], $0xffff;
	_ =	sdelay $0x2  }
0xe4: {  	v11 =	vld.idx.msk [tilespmem:v61+s29+$0x0], $0xffff  }
0xe5: {  	v10 =	vld [tilespmem:s10+$0x0]  }
0xe6: {  	v62 =	vshll.u32 v9, $0x7  }
0xe7: {  	v9 =	vor.u32 v0, v62;
	_ =	sdelay $0x2  }
0xe8: {  	v10 =	vmul.f32 v10, v11;
	_ =	sdelay $0x1  }
0xe9: {  	[tilespmem:v9+s3+$0x0] =	vst.idx.add.f32.msk $0xffff, v10  }
0xea: {  	v9 =	vld [tilespmem:s10+$0x10];
	_ =	sdelay $0x1  }
0xeb: {  	v10 =	vor.u32 v2, v62;
	_ =	sdelay $0x2  }
0xec: {  	v9 =	vmul.f32 v9, v11;
	_ =	sdelay $0x1  }
0xed: {  	[tilespmem:v10+s3+$0x0] =	vst.idx.add.f32.msk $0xffff, v9  }
0xee: {  	v9 =	vld [tilespmem:s10+$0x20];
	_ =	sdelay $0x1  }
0xef: {  	v10 =	vor.u32 v3, v62;
	_ =	sdelay $0x2  }
0xf0: {  	v9 =	vmul.f32 v9, v11;
	_ =	sdelay $0x1  }
0xf1: {  	[tilespmem:v10+s3+$0x0] =	vst.idx.add.f32.msk $0xffff, v9  }
0xf2: {  	v9 =	vld [tilespmem:s10+$0x30];
	_ =	sdelay $0x1  }
0xf3: {  	v10 =	vor.u32 v4, v62;
	_ =	sdelay $0x2  }
0xf4: {  	v9 =	vmul.f32 v9, v11;
	_ =	sdelay $0x1  }
0xf5: {  	[tilespmem:v10+s3+$0x0] =	vst.idx.add.f32.msk $0xffff, v9  }
0xf6: {  	v9 =	vld [tilespmem:s10+$0x40];
	_ =	sdelay $0x1  }
0xf7: {  	v10 =	vor.u32 v5, v62;
	_ =	sdelay $0x2  }
0xf8: {  	v9 =	vmul.f32 v9, v11;
	_ =	sdelay $0x1  }
0xf9: {  	[tilespmem:v10+s3+$0x0] =	vst.idx.add.f32.msk $0xffff, v9  }
0xfa: {  	v9 =	vld [tilespmem:s10+$0x50];
	_ =	sdelay $0x1  }
0xfb: {  	v10 =	vor.u32 v6, v62;
	_ =	sdelay $0x2  }
0xfc: {  	v9 =	vmul.f32 v9, v11;
	_ =	sdelay $0x1  }
0xfd: {  	[tilespmem:v10+s3+$0x0] =	vst.idx.add.f32.msk $0xffff, v9  }
0xfe: {  	v9 =	vld [tilespmem:s10+$0x60];
	_ =	sdelay $0x1  }
0xff: {  	v10 =	vor.u32 v7, v62;
	_ =	sdelay $0x2  }
0x100: {  	v9 =	vmul.f32 v9, v11;
	_ =	sdelay $0x1  }
0x101: {  	s12 =	simm.s32 $0x2;
	[tilespmem:v10+s3+$0x0] =	vst.idx.add.f32.msk $0xffff, v9  }
0x102: {  	v9 =	vmov s12;
	v63 =	vld [tilespmem:s10+$0x70]  }
0x103: {  	v9 =	vand.u32 $0xFFFFFFFE, v9  }
0x104: {  	v10 =	vor.u32 v8, v62;
	v9 =	vbroadcast v9, $0x0;
	_ =	sdelay $0x2  }
0x105: {  	s30 =	simm.s32 $0x4;
	v11 =	vmul.f32 v63, v11  }
.LBB2_11:
0x106: {  	p0 =	slt.u32 s30, $0x4E  }
0x107: {  	s10 =	sadd.s32 $0x100, s10;
	s2 =	smov.u32 s30;
	s30 =	sadd.s32 $0x2, s30;
	[tilespmem:v10+s3+$0x0] =	vst.idx.add.f32.msk $0xffff, v11  }
0x108: {  	v10 =	vld.idx.msk [tilespmem:v9+s15+$0x0], $0xffff;
	_ =	sdelay $0x3  }
0x109: {  	v9 =	vld.idx.msk [tilespmem:v9+s29+$0x0], $0xffff  }
0x10a: {  	v11 =	vld [tilespmem:s10+$0xFFFFFF80]  }
0x10b: {  	v10 =	vshll.u32 v10, $0x7  }
0x10c: {  	v12 =	vor.u32 v0, v10;
	_ =	sdelay $0x2  }
0x10d: {  	v11 =	vmul.f32 v11, v9;
	_ =	sdelay $0x1  }
0x10e: {  	[tilespmem:v12+s3+$0x0] =	vst.idx.add.f32.msk $0xffff, v11  }
0x10f: {  	v11 =	vld [tilespmem:s10+$0xFFFFFF90];
	_ =	sdelay $0x1  }
0x110: {  	v12 =	vor.u32 v2, v10;
	_ =	sdelay $0x2  }
0x111: {  	v11 =	vmul.f32 v11, v9;
	_ =	sdelay $0x1  }
0x112: {  	[tilespmem:v12+s3+$0x0] =	vst.idx.add.f32.msk $0xffff, v11  }
0x113: {  	v11 =	vld [tilespmem:s10+$0xFFFFFFA0];
	_ =	sdelay $0x1  }
0x114: {  	v12 =	vor.u32 v3, v10;
	_ =	sdelay $0x2  }
0x115: {  	v11 =	vmul.f32 v11, v9;
	_ =	sdelay $0x1  }
0x116: {  	[tilespmem:v12+s3+$0x0] =	vst.idx.add.f32.msk $0xffff, v11  }
0x117: {  	v11 =	vld [tilespmem:s10+$0xFFFFFFB0];
	_ =	sdelay $0x1  }
0x118: {  	v12 =	vor.u32 v4, v10;
	_ =	sdelay $0x2  }
0x119: {  	v11 =	vmul.f32 v11, v9;
	_ =	sdelay $0x1  }
0x11a: {  	[tilespmem:v12+s3+$0x0] =	vst.idx.add.f32.msk $0xffff, v11  }
0x11b: {  	v11 =	vld [tilespmem:s10+$0xFFFFFFC0];
	_ =	sdelay $0x1  }
0x11c: {  	v12 =	vor.u32 v5, v10;
	_ =	sdelay $0x2  }
0x11d: {  	v11 =	vmul.f32 v11, v9;
	_ =	sdelay $0x1  }
0x11e: {  	[tilespmem:v12+s3+$0x0] =	vst.idx.add.f32.msk $0xffff, v11  }
0x11f: {  	v11 =	vld [tilespmem:s10+$0xFFFFFFD0];
	_ =	sdelay $0x1  }
0x120: {  	v12 =	vor.u32 v6, v10;
	_ =	sdelay $0x2  }
0x121: {  	v11 =	vmul.f32 v11, v9;
	_ =	sdelay $0x1  }
0x122: {  	[tilespmem:v12+s3+$0x0] =	vst.idx.add.f32.msk $0xffff, v11  }
0x123: {  	v11 =	vld [tilespmem:s10+$0xFFFFFFE0];
	_ =	sdelay $0x1  }
0x124: {  	v12 =	vor.u32 v7, v10;
	_ =	sdelay $0x2  }
0x125: {  	v11 =	vmul.f32 v11, v9;
	_ =	sdelay $0x1  }
0x126: {  	[tilespmem:v12+s3+$0x0] =	vst.idx.add.f32.msk $0xffff, v11  }
0x127: {  	v11 =	vld [tilespmem:s10+$0xFFFFFFF0];
	_ =	sdelay $0x1  }
0x128: {  	s16 =	sadd.s32 $0x1, s12;
	s12 =	smov.u32 s2;
	v10 =	vor.u32 v8, v10  }
0x129: {  	v12 =	vmov s16;
	_ =	sdelay $0x1  }
0x12a: {  	v9 =	vmul.f32 v11, v9;
	_ =	sdelay $0x1  }
0x12b: {  	[tilespmem:v10+s3+$0x0] =	vst.idx.add.f32.msk $0xffff, v9  }
0x12c: {  	v9 =	vld.idx.msk [tilespmem:v12+s15+$0x0], $0xffff;
	_ =	sdelay $0x3  }
0x12d: {  	v11 =	vld.idx.msk [tilespmem:v12+s29+$0x0], $0xffff  }
0x12e: {  	v10 =	vld [tilespmem:s10+$0x0]  }
0x12f: {  	v12 =	vshll.u32 v9, $0x7  }
0x130: {  	v9 =	vor.u32 v0, v12;
	_ =	sdelay $0x2  }
0x131: {  	v10 =	vmul.f32 v10, v11;
	_ =	sdelay $0x1  }
0x132: {  	[tilespmem:v9+s3+$0x0] =	vst.idx.add.f32.msk $0xffff, v10  }
0x133: {  	v9 =	vld [tilespmem:s10+$0x10];
	_ =	sdelay $0x1  }
0x134: {  	v10 =	vor.u32 v2, v12;
	_ =	sdelay $0x2  }
0x135: {  	v9 =	vmul.f32 v9, v11;
	_ =	sdelay $0x1  }
0x136: {  	[tilespmem:v10+s3+$0x0] =	vst.idx.add.f32.msk $0xffff, v9  }
0x137: {  	v9 =	vld [tilespmem:s10+$0x20];
	_ =	sdelay $0x1  }
0x138: {  	v10 =	vor.u32 v3, v12;
	_ =	sdelay $0x2  }
0x139: {  	v9 =	vmul.f32 v9, v11;
	_ =	sdelay $0x1  }
0x13a: {  	[tilespmem:v10+s3+$0x0] =	vst.idx.add.f32.msk $0xffff, v9  }
0x13b: {  	v9 =	vld [tilespmem:s10+$0x30];
	_ =	sdelay $0x1  }
0x13c: {  	v10 =	vor.u32 v4, v12;
	_ =	sdelay $0x2  }
0x13d: {  	v9 =	vmul.f32 v9, v11;
	_ =	sdelay $0x1  }
0x13e: {  	[tilespmem:v10+s3+$0x0] =	vst.idx.add.f32.msk $0xffff, v9  }
0x13f: {  	v9 =	vld [tilespmem:s10+$0x40];
	_ =	sdelay $0x1  }
0x140: {  	v10 =	vor.u32 v5, v12;
	_ =	sdelay $0x2  }
0x141: {  	v9 =	vmul.f32 v9, v11;
	_ =	sdelay $0x1  }
0x142: {  	[tilespmem:v10+s3+$0x0] =	vst.idx.add.f32.msk $0xffff, v9  }
0x143: {  	v9 =	vld [tilespmem:s10+$0x50];
	_ =	sdelay $0x1  }
0x144: {  	v10 =	vor.u32 v6, v12;
	_ =	sdelay $0x2  }
0x145: {  	v9 =	vmul.f32 v9, v11;
	_ =	sdelay $0x1  }
0x146: {  	[tilespmem:v10+s3+$0x0] =	vst.idx.add.f32.msk $0xffff, v9  }
0x147: {  	v9 =	vld [tilespmem:s10+$0x60];
	_ =	sdelay $0x1  }
0x148: {  	v10 =	vor.u32 v7, v12;
	_ =	sdelay $0x2  }
0x149: {  	v9 =	vmul.f32 v9, v11;
	_ =	sdelay $0x1  }
0x14a: {  	[tilespmem:v10+s3+$0x0] =	vst.idx.add.f32.msk $0xffff, v9  }
0x14b: {  	v9 =	vmov s12;
	v13 =	vld [tilespmem:s10+$0x70]  }
.Ltmp8:
0x14c: {  	v9 =	vand.u32 $0xFFFFFFFE, v9;
	(pc) =	sbr.rel @p0 .LBB2_11-.Ltmp8, $2  }
0x14d: {  	v10 =	vor.u32 v8, v12;
	v9 =	vbroadcast v9, $0x0;
	_ =	sdelay $0x2  }
0x14e: {  	v11 =	vmul.f32 v13, v11  }
0x14f: {  	_ =	sdelay $0x3  }
0x150: {  	[tilespmem:v10+s3+$0x0] =	vst.idx.add.f32.msk $0xffff, v11  }
0x151: {  	v10 =	vld.idx.msk [tilespmem:v9+s15+$0x0], $0xffff;
	_ =	sdelay $0x2  }
0x152: {  	s2 =	sadd.s32 $0x100, s10;
	v9 =	vld.idx.msk [tilespmem:v9+s29+$0x0], $0xffff  }
0x153: {  	v11 =	vld [tilespmem:s2+$0xFFFFFF80]  }
0x154: {  	v10 =	vshll.u32 v10, $0x7  }
0x155: {  	v12 =	vor.u32 v0, v10;
	_ =	sdelay $0x2  }
0x156: {  	v11 =	vmul.f32 v11, v9;
	_ =	sdelay $0x1  }
0x157: {  	[tilespmem:v12+s3+$0x0] =	vst.idx.add.f32.msk $0xffff, v11  }
0x158: {  	v11 =	vld [tilespmem:s2+$0xFFFFFF90];
	_ =	sdelay $0x1  }
0x159: {  	v50 =	vor.u32 v2, v10;
	_ =	sdelay $0x2  }
0x15a: {  	v11 =	vmul.f32 v11, v9;
	_ =	sdelay $0x1  }
0x15b: {  	[tilespmem:v50+s3+$0x0] =	vst.idx.add.f32.msk $0xffff, v11  }
0x15c: {  	v11 =	vld [tilespmem:s2+$0xFFFFFFA0];
	_ =	sdelay $0x1  }
0x15d: {  	v51 =	vor.u32 v3, v10;
	_ =	sdelay $0x2  }
0x15e: {  	v11 =	vmul.f32 v11, v9;
	_ =	sdelay $0x1  }
0x15f: {  	[tilespmem:v51+s3+$0x0] =	vst.idx.add.f32.msk $0xffff, v11  }
0x160: {  	v11 =	vld [tilespmem:s2+$0xFFFFFFB0];
	_ =	sdelay $0x1  }
0x161: {  	v52 =	vor.u32 v4, v10;
	_ =	sdelay $0x2  }
0x162: {  	v11 =	vmul.f32 v11, v9;
	_ =	sdelay $0x1  }
0x163: {  	[tilespmem:v52+s3+$0x0] =	vst.idx.add.f32.msk $0xffff, v11  }
0x164: {  	v11 =	vld [tilespmem:s2+$0xFFFFFFC0];
	_ =	sdelay $0x1  }
0x165: {  	v53 =	vor.u32 v5, v10;
	_ =	sdelay $0x2  }
0x166: {  	v11 =	vmul.f32 v11, v9;
	_ =	sdelay $0x1  }
0x167: {  	[tilespmem:v53+s3+$0x0] =	vst.idx.add.f32.msk $0xffff, v11  }
0x168: {  	v11 =	vld [tilespmem:s2+$0xFFFFFFD0];
	_ =	sdelay $0x1  }
0x169: {  	v54 =	vor.u32 v6, v10;
	_ =	sdelay $0x2  }
0x16a: {  	v11 =	vmul.f32 v11, v9;
	_ =	sdelay $0x1  }
0x16b: {  	[tilespmem:v54+s3+$0x0] =	vst.idx.add.f32.msk $0xffff, v11  }
0x16c: {  	v11 =	vld [tilespmem:s2+$0xFFFFFFE0];
	_ =	sdelay $0x1  }
0x16d: {  	v55 =	vor.u32 v7, v10;
	_ =	sdelay $0x2  }
0x16e: {  	v11 =	vmul.f32 v11, v9;
	_ =	sdelay $0x1  }
0x16f: {  	[tilespmem:v55+s3+$0x0] =	vst.idx.add.f32.msk $0xffff, v11  }
0x170: {  	v11 =	vld [tilespmem:s2+$0xFFFFFFF0];
	_ =	sdelay $0x1  }
0x171: {  	s30 =	sadd.s32 $0x1, s12;
	v10 =	vor.u32 v8, v10  }
0x172: {  	v56 =	vmov s30;
	_ =	sdelay $0x1  }
0x173: {  	v9 =	vmul.f32 v11, v9;
	_ =	sdelay $0x1  }
0x174: {  	[tilespmem:v10+s3+$0x0] =	vst.idx.add.f32.msk $0xffff, v9  }
0x175: {  	v9 =	vld.idx.msk [tilespmem:v56+s15+$0x0], $0xffff;
	_ =	sdelay $0x2  }
0x176: {  	v10 =	vld.idx.msk [tilespmem:v56+s29+$0x0], $0xffff  }
0x177: {  	v11 =	vld [tilespmem:s2+$0x0]  }
0x178: {  	v9 =	vshll.u32 v9, $0x7  }
0x179: {  	v57 =	vor.u32 v0, v9;
	_ =	sdelay $0x2  }
0x17a: {  	v11 =	vmul.f32 v11, v10;
	_ =	sdelay $0x1  }
0x17b: {  	[tilespmem:v57+s3+$0x0] =	vst.idx.add.f32.msk $0xffff, v11  }
0x17c: {  	v11 =	vld [tilespmem:s2+$0x10];
	_ =	sdelay $0x1  }
0x17d: {  	v58 =	vor.u32 v2, v9;
	_ =	sdelay $0x2  }
0x17e: {  	v11 =	vmul.f32 v11, v10;
	_ =	sdelay $0x1  }
0x17f: {  	[tilespmem:v58+s3+$0x0] =	vst.idx.add.f32.msk $0xffff, v11  }
0x180: {  	v11 =	vld [tilespmem:s2+$0x20];
	_ =	sdelay $0x1  }
0x181: {  	v59 =	vor.u32 v3, v9;
	_ =	sdelay $0x2  }
0x182: {  	v11 =	vmul.f32 v11, v10;
	_ =	sdelay $0x1  }
0x183: {  	[tilespmem:v59+s3+$0x0] =	vst.idx.add.f32.msk $0xffff, v11  }
0x184: {  	v11 =	vld [tilespmem:s2+$0x30];
	_ =	sdelay $0x1  }
0x185: {  	v60 =	vor.u32 v4, v9;
	_ =	sdelay $0x2  }
0x186: {  	v11 =	vmul.f32 v11, v10;
	_ =	sdelay $0x1  }
0x187: {  	[tilespmem:v60+s3+$0x0] =	vst.idx.add.f32.msk $0xffff, v11  }
0x188: {  	v11 =	vld [tilespmem:s2+$0x40];
	_ =	sdelay $0x1  }
0x189: {  	v61 =	vor.u32 v5, v9;
	_ =	sdelay $0x2  }
0x18a: {  	v11 =	vmul.f32 v11, v10;
	_ =	sdelay $0x1  }
0x18b: {  	[tilespmem:v61+s3+$0x0] =	vst.idx.add.f32.msk $0xffff, v11  }
0x18c: {  	v11 =	vld [tilespmem:s2+$0x50];
	_ =	sdelay $0x1  }
0x18d: {  	v62 =	vor.u32 v6, v9;
	_ =	sdelay $0x2  }
0x18e: {  	v11 =	vmul.f32 v11, v10;
	_ =	sdelay $0x1  }
0x18f: {  	[tilespmem:v62+s3+$0x0] =	vst.idx.add.f32.msk $0xffff, v11  }
0x190: {  	v11 =	vld [tilespmem:s2+$0x60];
	_ =	sdelay $0x1  }
0x191: {  	v63 =	vor.u32 v7, v9;
	_ =	sdelay $0x2  }
0x192: {  	v11 =	vmul.f32 v11, v10;
	_ =	sdelay $0x1  }
0x193: {  	[tilespmem:v63+s3+$0x0] =	vst.idx.add.f32.msk $0xffff, v11  }
0x194: {  	v11 =	vld [tilespmem:s2+$0x70]  }
0x195: {  	s9 =	sadd.s32 $0x1, s9  }
0x196: {  	p0 =	sne.s32 s9, s1;
	v9 =	vor.u32 v8, v9  }
.Ltmp9:
0x197: {  	_ = 	snop;
	(pc) =	sbr.rel @p0 .LBB2_10-.Ltmp9, $4  }
.Ltmp10:
0x198: {  	_ = 	snop;
	(pc) =	sbr.rel @!p0 .LBB2_13-.Ltmp10, $4  }
0x199: {  	v10 =	vmul.f32 v11, v10  }
0x19a: {  	_ = 	snop  }
0x19b: {  	[tilespmem:v9+s3+$0x0] =	vst.idx.add.f32.msk $0xffff, v10  }
0x19c: {  	_ = 	snop  }
.LBB2_15:
0x19d: {  	_ =	sfence.sel $0x180000  }
0x19e: {  	[bflag:$0x0] =	sbarrier.arrive $0xFFFF  }
0x19f: {  	_ =	strace $0x9000004D  }
0x1a0: {  	s0 =	stileid.u32;
	[bflag:$0x2] =	sbarrier.arrive $0xFFFF  }
0x1a1: {  	p0 =	sne.s32 s0, $0x0;
	s0 =	rddreg [dreg:$0x2]  }
0x1a2: {  	s0 =	sadd.s32 @!p0 $0x100000, s0  }
0x1a3: {  	[sflag:s0] =	ssyncadd.tile.s32 @!p0 $0x1;
	_ =	shalt  }
.Lfunc_end2:
_tile_overlayer_lowered:
.L_overlay_start_2:
0x1a4: {  	(tag) =	ssettag $0x2  }
0x1a5: {  	s0 =	rddreg [dreg:$0x0];
	s2 =	stileid.u32  }
0x1a6: {  	s1 =	rddreg [dreg:$0x1];
	p0 =	sne.s32 s2, $0x0  }
0x1a7: {  	s3 =	rddreg [dreg:$0x2];
	[bflag:$0x3] =	sbarrier.arrive $0xFFFF;
	s2 =	simm.s32 @!p0 $0x1C03  }
0x1a8: {  	[timem:s3], [sflag:s2] =	dma.local @!p0 [hbm:s0], s1  }
0x1a9: {  	s0 =	simm.s32 @!p0 $0x3  }
0x1aa: {  	_ =	swait.ge @!p0 [sflag:s0], s1  }
0x1ab: {  	s1 =	ssub.s32 @!p0 $0x0, s1;
	[sflag:s0] =	ssyncset.done @!p0 $0x0  }
0x1ac: {  	[sflag:s0] =	ssyncadd.s32 @!p0 s1  }
0x1ad: {  	[bflag:$0x3] =	sbarrier.arrive $0xFFFF  }
0x1ae: {  	_ =	shalt  }

// kernel: kernel.22.cloned.1.call-start
scs
__scs_entry_jumppad:
0x0: {  	(pc) =	sbr.rel $0x88, $3  }
0x1: {  	(tag) =	ssettag $0x0;
	lr =	simm.s32 $0x1  }
0x2: {  	[smem:$0x3F95] =	sst lr;
	_ =	strace $0xD0000000  }
0x3: {  	_ = 	snop  }
0x4: {  	_ = 	snop  }
0x5: {  	_ = 	snop  }
0x6: {  	_ = 	snop  }
0x7: {  	_ = 	snop  }
__scs_overlays_trampoline_lowered:
0x8: {  	[smem:$0x3FA4] =	sst s0  }
0x9: {  	[smem:$0x3FA5] =	sst s1  }
0xa: {  	[smem:$0x3FA6] =	sst s2  }
0xb: {  	[smem:$0x3FA7] =	sst s3  }
0xc: {  	[smem:$0x3FA8] =	sst s4  }
0xd: {  	[smem:$0x3FA9] =	sst s5  }
0xe: {  	[smem:$0x3FAA] =	sst s6  }
0xf: {  	[smem:$0x3FAB] =	sst s7  }
0x10: {  	[smem:$0x3FAC] =	sst s8  }
0x11: {  	[smem:$0x3FAD] =	sst s9;
	s0 =	simm.s32 @!p0 $0x0  }
0x12: {  	s1 =	sld [smem:$0x3F93];
	s0 =	simm.s32 @p0 $0x1  }
0x13: {  	[smem:$0x3FAE] =	sst s0;
	s0 =	simm.s32 @!p1 $0x0  }
0x14: {  	s2 =	sld [smem:$0x3F92];
	s0 =	simm.s32 @p1 $0x1  }
0x15: {  	[smem:$0x3FAF] =	sst s0;
	s0 =	simm.s32 @!p2 $0x0  }
0x16: {  	s3 =	sld [smem:$0x3FDB];
	s0 =	simm.s32 @p2 $0x1  }
0x17: {  	s4 =	simm.s32 $0x1BF5;
	[smem:$0x3FB1] =	sst s0  }
0x18: {  	s0 =	sld [smem:$0x3F94];
	_ =	swait.ge [sflag:s4], $0x0  }
0x19: {  	s7 =	sld [smem:$0x3F95]  }
0x1a: {  	s8 =	sadd.s32 $0xFFFFE003, lr  }
0x1b: {  	s9 =	sadd.s32 $0xFFFFFEF7, lr;
	s5 =	simm.s32 $0xFFFFFFFF;
	p2 =	slt.u32 s8, $0xFFFFF086  }
0x1c: {  	p1 =	slt.u32 s9, $0xF7A;
	s5 =	simm.s32 @!p2 $0x0  }
0x1d: {  	s5 =	simm.s32 @p1 $0x1;
	p0 =	seq.s32 s7, s2  }
0x1e: {  	s7 =	smul.u32 @!p0 $0xF7A, s2;
	p2 =	seq.s32 @!p0 s5, $0x0  }
0x1f: {  	s9 =	smul.u32 $0xF7A, s1;
	s8 =	simm.s32 @!p0 $0x1BF5;
	p2 =	por !p2, p0  }
0x20: {  	[sflag:s8] =	ssyncset.s32 @!p0 $0xFFFFF086;
	s6 =	sadd.s32 @!p0 s3, s7;
	s7 =	simm.s32 @!p0 $0x108  }
0x21: {  	s3 =	sadd.s32 s3, s9;
	s6 =	sadd.s32 @!p0 $0x88, s6;
	s7 =	simm.s32 @p2 $0x1082  }
0x22: {  	[simem:s7], [sflag:s8] =	dma.local @!p0 [hbm:s6], $0xF7A  }
0x23: {  	s9 =	sor.u32 $0xD0000000, s2;
	s6 =	simm.s32 $0x108;
	_ =	swait.ge @!p0 [sflag:s8], $0x0  }
0x24: {  	s3 =	sadd.s32 $0x88, s3;
	s6 =	simm.s32 @!p1 $0x1082;
	[sflag:s4] =	ssyncset.s32 $0xFFFFF086  }
0x25: {  	[simem:s6], [sflag:s4] =	dma.local [hbm:s3], $0xF7A  }
0x26: {  	[smem:$0x3F95] =	sst s1;
	(tag) =	ssettag s2;
	_ =	strace s9  }
0x27: {  	s1 =	sld [smem:$0x3FA5]  }
0x28: {  	s2 =	sld [smem:$0x3FA6]  }
0x29: {  	s4 =	sld [smem:$0x3FA8]  }
0x2a: {  	p0 =	seq.s32 s5, $0x0;
	s5 =	sld [smem:$0x3FA9]  }
0x2b: {  	s6 =	sld [smem:$0x3FAA]  }
0x2c: {  	s7 =	sld [smem:$0x3FAB]  }
0x2d: {  	s3 =	simm.s32 $0x108;
	s8 =	sld [smem:$0x3FAC]  }
0x2e: {  	s3 =	simm.s32 @!p0 $0x1082;
	s9 =	sld [smem:$0x3FAD]  }
0x2f: {  	lr =	sadd.s32 s0, s3;
	s0 =	sld [smem:$0x3FA4]  }
0x30: {  	s3 =	sld [smem:$0x3FA7]  }
0x31: {  	[smem:$0x3FB0] =	sst s10  }
0x32: {  	s10 =	sld [smem:$0x3FAE];
	_ =	sdelay $0x3  }
0x33: {  	p0 =	seq.s32 s10, $0x1;
	s10 =	sld [smem:$0x3FB0];
	_ =	sdelay $0x3  }
0x34: {  	[smem:$0x3FB0] =	sst s10  }
0x35: {  	s10 =	sld [smem:$0x3FAF];
	_ =	sdelay $0x3  }
0x36: {  	p1 =	seq.s32 s10, $0x1;
	s10 =	sld [smem:$0x3FB0];
	_ =	sdelay $0x3  }
0x37: {  	[smem:$0x3FB0] =	sst s10  }
0x38: {  	s10 =	sld [smem:$0x3FB1]  }
0x39: {  	_ = 	snop;
	(pc) =	sbr.ind lr, $3  }
0x3a: {  	_ = 	snop  }
0x3b: {  	_ = 	snop  }
0x3c: {  	p2 =	seq.s32 s10, $0x1;
	s10 =	sld [smem:$0x3FB0]  }
0x3d: {  	_ =	shalt  }
0x3e: {  	_ =	shalt  }
0x3f: {  	_ =	shalt  }
0x40: {  	_ =	shalt  }
0x41: {  	_ =	shalt  }
0x42: {  	_ =	shalt  }
0x43: {  	_ =	shalt  }
0x44: {  	_ =	shalt  }
0x45: {  	_ =	shalt  }
0x46: {  	_ =	shalt  }
0x47: {  	_ =	shalt  }
0x48: {  	_ =	shalt  }
0x49: {  	_ =	shalt  }
0x4a: {  	_ =	shalt  }
0x4b: {  	_ =	shalt  }
0x4c: {  	_ =	shalt  }
0x4d: {  	_ =	shalt  }
0x4e: {  	_ =	shalt  }
0x4f: {  	_ =	shalt  }
0x50: {  	_ =	shalt  }
0x51: {  	_ =	shalt  }
0x52: {  	_ =	shalt  }
0x53: {  	_ =	shalt  }
0x54: {  	_ =	shalt  }
0x55: {  	_ =	shalt  }
0x56: {  	_ =	shalt  }
0x57: {  	_ =	shalt  }
0x58: {  	_ =	shalt  }
0x59: {  	_ =	shalt  }
0x5a: {  	_ =	shalt  }
0x5b: {  	_ =	shalt  }
0x5c: {  	_ =	shalt  }
0x5d: {  	_ =	shalt  }
0x5e: {  	_ =	shalt  }
0x5f: {  	_ =	shalt  }
0x60: {  	_ =	shalt  }
0x61: {  	_ =	shalt  }
0x62: {  	_ =	shalt  }
0x63: {  	_ =	shalt  }
0x64: {  	_ =	shalt  }
0x65: {  	_ =	shalt  }
0x66: {  	_ =	shalt  }
0x67: {  	_ =	shalt  }
0x68: {  	_ =	shalt  }
0x69: {  	_ =	shalt  }
0x6a: {  	_ =	shalt  }
0x6b: {  	_ =	shalt  }
0x6c: {  	_ =	shalt  }
0x6d: {  	_ =	shalt  }
0x6e: {  	_ =	shalt  }
0x6f: {  	_ =	shalt  }
0x70: {  	_ =	shalt  }
0x71: {  	_ =	shalt  }
0x72: {  	_ =	shalt  }
0x73: {  	_ =	shalt  }
0x74: {  	_ =	shalt  }
0x75: {  	_ =	shalt  }
0x76: {  	_ =	shalt  }
0x77: {  	_ =	shalt  }
0x78: {  	_ =	shalt  }
0x79: {  	_ =	shalt  }
0x7a: {  	_ =	shalt  }
0x7b: {  	_ =	shalt  }
0x7c: {  	_ =	shalt  }
0x7d: {  	_ =	shalt  }
0x7e: {  	_ =	shalt  }
0x7f: {  	_ =	shalt  }
0x80: {  	_ =	shalt  }
0x81: {  	_ =	shalt  }
0x82: {  	_ =	shalt  }
0x83: {  	_ =	shalt  }
0x84: {  	_ =	shalt  }
0x85: {  	_ =	shalt  }
0x86: {  	_ =	shalt  }
0x87: {  	_ =	shalt  }
.Lfunc_end0:
.L_simem_size_0:
called_computation.3_lowered:
.L_overlay_start_0:
0x88: {  	s2 =	sld [smem:$0x3FD9]  }
0x89: {  	s3 =	sld [smem:$0x3FFE];
	_ =	sdelay $0x1  }
0x8a: {  	s1 =	srdreg.scid  }
0x8b: {  	s0 =	sand.u32 $0x1, s1  }
0x8c: {  	s17 =	sshll.u32 s0, $0xA;
	s2 =	sadd.s32 s3, s2  }
0x8d: {  	s2 =	sadd.s32 s2, s17  }
0x8e: {  	[smem:$0x3FBC] =	sst s2  }
0x8f: {  	_ = 	snop  }
0x90: {  	s2 =	sld [smem:$0x3FD0];
	(tm) =	ssettm $0x1  }
0x91: {  	s18 =	sld [smem:$0x3FFB];
	_ =	sdelay $0x3  }
0x92: {  	_ =	strace s18  }
0x93: {  	s3 =	sld [smem:$0x3FFC];
	_ =	sdelay $0x3  }
0x94: {  	_ =	strace s3  }
0x95: {  	s3 =	sld [smem:$0x3FFD];
	_ =	sdelay $0x3  }
0x96: {  	_ =	strace s3  }
0x97: {  	_ =	strace $0x8FFFFFFF  }
0x98: {  	s19 =	sld [smem:$0x3FDB];
	_ =	sdelay $0x1  }
0x99: {  	s4 =	simm.s32 $_scs_section_size  }
0x9a: {  	s5 =	simm.s32 $_size__tile_overlayer_lowered;
	s6 =	simm.s32 $_tile_overlayer_lowered  }
0x9b: {  	s22 =	simm.s32 $0x1BFF;
	s21 =	sshll.u32 s6, $0x1;
	s3 =	sadd.s32 s4, s19  }
0x9c: {  	s7 =	simm.s32 $0x0;
	s20 =	sshll.u32 s5, $0x1;
	s5 =	sadd.s32 s21, s3  }
0x9d: {  	[timem:s7], [sflag:s22] =	dma.local [hbm:s5], s20  }
0x9e: {  	_ =	swait.ge [sflag:s22], s20  }
0x9f: {  	s4 =	ssub.s32 $0x0, s20;
	[sflag:s22] =	ssyncset.done $0x0  }
0xa0: {  	[sflag:s22] =	ssyncadd.s32 s4;
	_ =	sdelay $0x1  }
0xa1: {  	s23 =	simm.s32 $0x1B8B  }
0xa2: {  	_ =	swait.ge [sflag:s23], $0x1  }
0xa3: {  	[sflag:s23] =	ssyncset.done $0x0  }
0xa4: {  	s25 =	simm.s32 $0x1B8E;
	s24 =	sld [smem:$0x3FFE];
	[sflag:s23] =	ssyncadd.s32 $0xFFFFFFFF  }
0xa5: {  	s26 =	simm.s32 $execute0_lowered;
	[smem:$0x3FD2] =	sst s25  }
0xa6: {  	s5 =	sshll.u32 s26, $0x1;
	_ =	strace $0x8000004F;
	[dreg:$0x1] =	wrdreg $0xFFFFFFFF  }
0xa7: {  	s28 =	simm.s32 $_size_execute0_lowered;
	s3 =	sadd.s32 s3, s5;
	[dreg:$0x0] =	wrdreg $0x0  }
0xa8: {  	s5 =	sshll.u32 s28, $0x1;
	[dreg:$0x2] =	wrdreg s3  }
0xa9: {  	[dreg:$0x3] =	wrdreg s5  }
0xaa: {  	[dreg:$0x4] =	wrdreg $0xC0  }
0xab: {  	_ =	task [dreg:s7], $0x5FFFF  }
0xac: {  	[dreg:$0x1] =	wrdreg $0xFFFFFFFF  }
0xad: {  	[dreg:$0x0] =	wrdreg $0x60  }
0xae: {  	[dreg:$0x2] =	wrdreg s24  }
0xaf: {  	[dreg:$0x3] =	wrdreg s2  }
0xb0: {  	[dreg:$0x4] =	wrdreg $0x9  }
0xb1: {  	_ =	task.clear_ibuf [dreg:s7], $0x5FFFF;
	_ =	strace $0x9000004F  }
0xb2: {  	s29 =	simm.s32 $0x9;
	_ =	strace $0x80000051  }
0xb3: {  	_ =	swait.ge [sflag:s29], $0x1  }
0xb4: {  	[sflag:s29] =	ssyncadd.s32 $0xFFFFFFFF  }
0xb5: {  	_ =	strace $0x90000051  }
0xb6: {  	_ =	sfence  }
0xb7: {  	s30 =	sld [smem:$0x0];
	_ =	sdelay $0x2  }
0xb8: {  	s31 =	sshll.u32 s1, $0xD;
	s1 =	sshrl.u32 s1, $0x2  }
0xb9: {  	s3 =	sand.u32 $0x4000, s31;
	s1 =	sadd.s32 s1, s30  }
0xba: {  	s0 =	sor.u32 s3, s0;
	s1 =	sshll.u32 s1, $0x11  }
0xbb: {  	s0 =	sor.u32 s1, s0  }
0xbc: {  	s0 =	sadd.s32 $0x8F2B, s0  }
0xbd: {  	[sflag:s0] =	ssyncadd.remote.s32 $0x1  }
0xbe: {  	_ =	sfence.sel $0xFFFF  }
0xbf: {  	[dreg:$0x0] =	wrdreg $0xFFFFFFFF;
	(pc) =	sbr.abs _section_cstart, $3  }
0xc0: {  	[dreg:$0x1] =	wrdreg $0xFFFFFFFF  }
0xc1: {  	_ =	task.clear_ibuf [dreg:s7], $0x2FFFF;
	_ =	strace $0x9FFFFFFF  }
0xc2: {  	(tm) =	ssettm $0x7FFFFFFF  }
0xc3: {  	_ =	shalt  }
tec
execute0_lowered:
.L_overlay_start_1:
0x0: {  	(tag) =	ssettag $0x1  }
0x1: {  	s0 =	rddreg [dreg:$0x0];
	s3 =	simm.s32 $0x0;
	s1 =	srdreg.scid  }
0x2: {  	s2 =	stileid.u32;
	s11 =	simm.s32 $0xA000;
	s13 =	simm.s32 $0x1  }
0x3: {  	s14 =	simm.s32 $0xA480;
	s15 =	simm.s32 $0xA500;
	s17 =	simm.s32 $0x2  }
0x4: {  	s18 =	simm.s32 $0x10;
	s22 =	simm.s32 $0xA4A0;
	s23 =	simm.s32 $0xB680  }
0x5: {  	s24 =	simm.s32 $0xA4B0;
	s25 =	simm.s32 $0xBE80;
	s26 =	simm.s32 $0xA4C0  }
0x6: {  	s28 =	simm.s32 $0xC680;
	s1 =	sand.u32 $0x1, s1;
	s2 =	sshll.u32 s2, $0x1  }
0x7: {  	[smem:$0x7FF] =	sst s3;
	s5 =	sadd.s32 $0x2D200, s0;
	s4 =	sor.u32 s1, s2  }
0x8: {  	s6 =	sadd.s32 $0x18C00, s0;
	s1 =	ssub.s32 $0x2, s1;
	s2 =	smul.u32 $0x1400, s4  }
.Ltmp0:
0x9: {  	s7 =	sadd.s32 $0x22E00, s0;
	s8 =	sshrl.u32 s1, $0x1;
	(pc) =	sbr.rel .LBB2_1-.Ltmp0, $4  }
0xa: {  	v0 =	vlaneseq.u32;
	s9 =	sadd.s32 $0x2D000, s0;
	_ =	strace $0x80000050;
	s1 =	ssub.s32 s1, s8  }
0xb: {  	v1 =	vimm.f32 $0.0e+00;
	v2 =	vor.u32 $0x10, v0;
	[dreg:$0x3] =	wrdreg s9;
	s0 =	sadd.s32 s2, s0;
	s31 =	smax.u32 s1, $0x1  }
0xc: {  	s29 =	simm.s32 $0xA600;
	v3 =	vor.u32 $0x20, v0;
	v4 =	vor.u32 $0x30, v0;
	v5 =	vor.u32 $0x40, v0;
	s0 =	sadd.s32 $0x165A00, s0;
	[dreg:$0x5] =	wrdreg s31  }
0xd: {  	v6 =	vor.u32 $0x50, v0;
	v7 =	vor.u32 $0x60, v0;
	v8 =	vor.u32 $0x70, v0;
	s2 =	simm.s32 $0x3;
	s1 =	simm.s32 $0x0;
	[dreg:$0x4] =	wrdreg s0  }
.LBB2_14:
0xe: {  	s0 =	rddreg [dreg:$0x4];
	s2 =	simm.s32 $0x3  }
0xf: {  	[hbm4b:s0+s3] =	stream.linear.scatter [tilespmem:s3], [sflag:$0x3], $0xA000, $0x38;
	[tilespmem:$0xCE80] =	vst v63  }
0x10: {  	_ =	swait.ge [sflag:s2], $0xA000  }
0x11: {  	s1 =	rddreg [dreg:$0x6]  }
0x12: {  	s31 =	rddreg [dreg:$0x5];
	s1 =	sadd.s32 $0x1, s1  }
0x13: {  	p0 =	sne.s32 s1, s31  }
.Ltmp1:
0x14: {  	_ = 	snop;
	(pc) =	sbr.rel @!p0 .LBB2_15-.Ltmp1, $3  }
0x15: {  	_ =	sdelay $0x1  }
0x16: {  	[sflag:s2] =	ssyncset.done $0x0  }
0x17: {  	[sflag:s2] =	ssyncadd.s32 $0xFFFF6000  }
.LBB2_1:
0x18: {  	[dreg:$0x6] =	wrdreg s1;
	s0 =	simm.s32 $0x40;
	s1 =	simm.s32 $0x0  }
.LBB2_2:
0x19: {  	p0 =	sne.s32 s0, $0x27FC0;
	[tilespmem:s1+$0x0] =	vst v1;
	s1 =	smov.u32 s0;
	s0 =	sadd.s32 $0x40, s0  }
.Ltmp2:
0x1a: {  	(pc) =	sbr.rel @p0 .LBB2_2-.Ltmp2, $2  }
0x1b: {  	_ =	sdelay $0x2  }
0x1c: {  	s1 =	sshra.s32 s1, $0x2  }
0x1d: {  	[tilespmem:s1+$0x0] =	vst v1;
	s0 =	simm.s32 $0x0;
	s31 =	rddreg [dreg:$0x3]  }
0x1e: {  	[tilespmem:s11], [sflag:$0x3] =	stream.linear.gather [hbm4b:s31+s0], $0x400, $0x38;
	[tilespmem:$0xCE80] =	vst v63  }
0x1f: {  	_ =	swait.ge [sflag:s2], $0x400  }
0x20: {  	[sflag:s2] =	ssyncset.done $0x0  }
0x21: {  	s1 =	simm.s32 $0x0;
	[sflag:s2] =	ssyncadd.s32 $0xFFFFFC00  }
.LBB2_4:
0x22: {  	s2 =	sadd.s32 $0x0, s0  }
0x23: {  	v9 =	vmov s2;
	_ =	sdelay $0x4  }
0x24: {  	v9 =	vld.idx.msk [tilespmem:v9+s11+$0x0], $0xffff;
	_ =	sdelay $0x4  }
0x25: {  	(v2sf) =	vpush v9, $0x0;
	_ =	sdelay $0x3  }
0x26: {  	s20 =	sadd.s32 $0x1, s0  }
0x27: {  	v9 =	vmov s20;
	_ =	sdelay $0x3  }
0x28: {  	s21 =	sadd.s32 $0x2, s0  }
0x29: {  	v10 =	vmov s21;
	v9 =	vld.idx.msk [tilespmem:v9+s11+$0x0], $0xffff;
	_ =	sdelay $0x4  }
0x2a: {  	v10 =	vld.idx.msk [tilespmem:v10+s11+$0x0], $0xffff;
	s12 =	spop (v2sf);
	(v2sf) =	vpush v9, $0x0;
	_ =	sdelay $0x3  }
0x2b: {  	s8 =	sadd.s32 $0x3, s0  }
0x2c: {  	s10 =	simm.s32 $0x2;
	s9 =	simm.s32 $0x3;
	v11 =	vmov s8;
	(v2sf) =	vpush v10, $0x0  }
0x2d: {  	s31 =	simm.s32 $0x5;
	s30 =	simm.s32 $0x0;
	s12 =	sadd.s32 $0x7, s12  }
0x2e: {  	s2 =	simm.s32 $0x1;
	s8 =	simm.s32 $0x4;
	s16 =	sand.u32 $0x7, s12  }
0x2f: {  	s19 =	sshra.s32 s12, $0x1F;
	p0 =	slt.s32 s12, $0x1;
	p1 =	sne.s32 s16, $0x0  }
0x30: {  	s16 =	sadd.s32 $0x4, s0;
	s19 =	sshrl.u32 s19, $0x1D;
	p0 =	por !p0, !p1  }
0x31: {  	v9 =	vld.idx.msk [tilespmem:v11+s11+$0x0], $0xffff;
	s19 =	sadd.s32 s19, s12;
	s12 =	simm.s32 $0x0;
	p1 =	por !p0, !p0  }
.LBB2_5:
0x32: {  	p0 =	sne.s32 s31, $0x1F  }
0x33: {  	v10 =	vmov s16;
	s16 =	sshrl.u32 s19, $0x3;
	s19 =	simm.s32 $0x1;
	s20 =	smov.u32 s2  }
0x34: {  	s2 =	smov.u32 s10;
	s10 =	smov.u32 s9;
	s19 =	simm.s32 @!p1 $0x0  }
0x35: {  	s9 =	smov.u32 s8;
	s8 =	smov.u32 s31;
	s16 =	ssub.s32 s16, s19  }
0x36: {  	p1 =	slt.u32 s30, s4;
	s19 =	spop (v2sf);
	s16 =	sshll.u32 s16, $0x3  }
.Ltmp3:
0x37: {  	(v2sf) =	vpush v9, $0x0;
	s19 =	sadd.s32 $0x7, s19;
	s16 =	simm.s32 @!p1 $0x0;
	(pc) =	sbr.rel @p0 .LBB2_5-.Ltmp3, $4  }
0x38: {  	s30 =	smov.u32 s20;
	s21 =	sand.u32 $0x7, s19;
	s12 =	sadd.s32 s12, s16  }
0x39: {  	s20 =	sshra.s32 s19, $0x1F;
	p1 =	slt.s32 s19, $0x1;
	v9 =	vld.idx.msk [tilespmem:v10+s11+$0x0], $0xffff;
	p2 =	sne.s32 s21, $0x0  }
0x3a: {  	s16 =	sadd.s32 s31, s0;
	s20 =	sshrl.u32 s20, $0x1D;
	p1 =	por !p1, !p2  }
0x3b: {  	s31 =	sadd.s32 $0x1, s31;
	s19 =	sadd.s32 s20, s19;
	p1 =	por !p1, !p1  }
0x3c: {  	v10 =	vmov s16;
	_ =	sdelay $0x4  }
0x3d: {  	v10 =	vld.idx.msk [tilespmem:v10+s11+$0x0], $0xffff  }
0x3e: {  	(v2sf) =	vpush v9, $0x0;
	_ =	sdelay $0x1  }
0x3f: {  	s21 =	spop (v2sf);
	s20 =	simm.s32 $0x1  }
0x40: {  	s19 =	sshrl.u32 s19, $0x3;
	s16 =	sadd.s32 $0x7, s21;
	s20 =	simm.s32 @!p1 $0x0  }
0x41: {  	p1 =	slt.u32 s30, s4;
	s21 =	sand.u32 $0x7, s16;
	p6 =	slt.s32 s16, $0x1;
	(v2sf) =	vpush v10, $0x0  }
0x42: {  	s19 =	ssub.s32 s19, s20;
	p0 =	sne.s32 s21, $0x0;
	s21 =	sshra.s32 s16, $0x1F  }
0x43: {  	s20 =	simm.s32 $0x1;
	s21 =	sshrl.u32 s21, $0x1D;
	p0 =	por !p6, !p0  }
0x44: {  	s19 =	sshll.u32 s19, $0x3;
	s16 =	sadd.s32 s21, s16;
	p0 =	por !p0, !p0  }
0x45: {  	s16 =	sshrl.u32 s16, $0x3;
	s20 =	simm.s32 @!p0 $0x0;
	s21 =	spop (v2sf)  }
0x46: {  	s19 =	simm.s32 @!p1 $0x0;
	s16 =	ssub.s32 s16, s20;
	s20 =	sadd.s32 $0x7, s21  }
0x47: {  	s12 =	sadd.s32 s12, s19;
	p0 =	slt.u32 s2, s4;
	s30 =	sand.u32 $0x7, s20  }
0x48: {  	s21 =	sshra.s32 s20, $0x1F;
	p3 =	slt.s32 s20, $0x1;
	p2 =	sne.s32 s30, $0x0  }
0x49: {  	s16 =	sshll.u32 s16, $0x3;
	s2 =	sshrl.u32 s21, $0x1D;
	p2 =	por !p3, !p2  }
0x4a: {  	s2 =	sadd.s32 s2, s20;
	s20 =	simm.s32 $0x1;
	p1 =	por !p2, !p2  }
0x4b: {  	s16 =	simm.s32 @!p0 $0x0;
	s2 =	sshrl.u32 s2, $0x3;
	s20 =	simm.s32 @!p1 $0x0  }
0x4c: {  	p0 =	slt.u32 s10, s4;
	s2 =	ssub.s32 s2, s20;
	s30 =	spop (v2sf)  }
0x4d: {  	s20 =	sadd.s32 s12, s16;
	s2 =	sshll.u32 s2, $0x3;
	s21 =	sadd.s32 $0x7, s30  }
0x4e: {  	s2 =	simm.s32 @!p0 $0x0;
	s30 =	sand.u32 $0x7, s21;
	s19 =	sshra.s32 s21, $0x1F  }
0x4f: {  	p3 =	slt.s32 s21, $0x1;
	s2 =	sadd.s32 s20, s2;
	p4 =	sne.s32 s30, $0x0  }
0x50: {  	s10 =	sshrl.u32 s19, $0x1D;
	s19 =	simm.s32 $0x1;
	s20 =	spop (v2sf)  }
0x51: {  	p0 =	por !p3, !p4;
	s10 =	sadd.s32 s10, s21;
	s16 =	sadd.s32 $0x7, s20  }
0x52: {  	p0 =	por !p0, !p0;
	s10 =	sshrl.u32 s10, $0x3;
	s21 =	sand.u32 $0x7, s16  }
0x53: {  	s30 =	sshra.s32 s16, $0x1F;
	p5 =	slt.s32 s16, $0x1;
	p6 =	sne.s32 s21, $0x0  }
0x54: {  	s19 =	simm.s32 @!p0 $0x0;
	s21 =	sshrl.u32 s30, $0x1D;
	p0 =	por !p5, !p6  }
0x55: {  	s12 =	sadd.s32 s21, s16;
	s16 =	simm.s32 $0x1;
	p0 =	por !p0, !p0  }
0x56: {  	s10 =	ssub.s32 s10, s19;
	s12 =	sshrl.u32 s12, $0x3;
	s16 =	simm.s32 @!p0 $0x0  }
0x57: {  	s10 =	sshll.u32 s10, $0x3;
	p0 =	slt.u32 s9, s4;
	s30 =	ssub.s32 s12, s16  }
0x58: {  	s10 =	simm.s32 @!p0 $0x0;
	p0 =	slt.u32 s8, s4;
	s9 =	sshll.u32 s30, $0x3  }
0x59: {  	s2 =	sadd.s32 s2, s10;
	s9 =	simm.s32 @!p0 $0x0  }
0x5a: {  	s2 =	sadd.s32 s2, s9  }
0x5b: {  	[smem:s1] =	sst s2;
	s1 =	sadd.s32 $0x1, s1  }
0x5c: {  	p0 =	sne.s32 s1, $0x20  }
.Ltmp4:
0x5d: {  	_ = 	snop;
	(pc) =	sbr.rel @p0 .LBB2_4-.Ltmp4, $2  }
0x5e: {  	_ =	sdelay $0x2  }
0x5f: {  	s0 =	sadd.s32 $0x20, s0;
	s31 =	simm.s32 $0x0  }
.Ltmp5:
0x60: {  	(pc) =	sbr.rel .LBB2_8-.Ltmp5, $2  }
0x61: {  	_ =	sdelay $0x2  }
0x62: {  	s19 =	rddreg [dreg:$0x1];
	s20 =	simm.s32 $0xA580;
	s21 =	simm.s32 $0xA680  }
.LBB2_13:
0x63: {  	s31 =	sadd.s32 $0x1, s31  }
0x64: {  	p0 =	sne.s32 s31, $0x20  }
.Ltmp6:
0x65: {  	_ = 	snop;
	(pc) =	sbr.rel @!p0 .LBB2_14-.Ltmp6, $1  }
0x66: {  	_ =	sdelay $0x3  }
.LBB2_8:
0x67: {  	s0 =	sshll.u32 s31, $0x5  }
0x68: {  	s0 =	sor.u32 s4, s0  }
0x69: {  	v9 =	vmov s0;
	_ =	sdelay $0x4  }
0x6a: {  	v9 =	vld.idx.msk [tilespmem:v9+s11+$0x0], $0xffff;
	_ =	sdelay $0x4  }
0x6b: {  	(v2sf) =	vpush v9, $0x0;
	_ =	sdelay $0xe  }
0x6c: {  	s0 =	spop (v2sf)  }
0x6d: {  	s1 =	sadd.s32 $0x4F, s0  }
0x6e: {  	s2 =	smulhi.u32 $0x66666667, s1;
	s8 =	sshra.s32 s1, $0x1F  }
0x6f: {  	s8 =	smul.u32 $0x66666667, s8;
	_ =	sdelay $0x1  }
0x70: {  	s2 =	sadd.s32 s8, s2  }
0x71: {  	s8 =	sshrl.u32 s2, $0x1F;
	s2 =	sshra.s32 s2, $0x5  }
0x72: {  	s2 =	sadd.s32 s8, s2  }
0x73: {  	s8 =	smul.u32 $0xFFFFFFB0, s2  }
0x74: {  	s9 =	ssub.s32 $0xFFFFFFB1, s0  }
0x75: {  	p0 =	slt.s32 s1, $0x1;
	p1 =	sne.s32 s8, s9  }
0x76: {  	p0 =	por !p0, !p1  }
0x77: {  	s1 =	simm.s32 $0x1;
	p0 =	por !p0, !p0  }
0x78: {  	s1 =	simm.s32 @!p0 $0x0  }
0x79: {  	s1 =	ssub.s32 s2, s1  }
0x7a: {  	p0 =	slt.s32 s1, $0x1  }
.Ltmp7:
0x7b: {  	_ = 	snop;
	(pc) =	sbr.rel @p0 .LBB2_13-.Ltmp7, $1  }
0x7c: {  	_ =	sdelay $0x3  }
0x7d: {  	s2 =	sld [smem:s31+$0x0]  }
0x7e: {  	s8 =	smul.u32 $0x2800, s31;
	_ =	sdelay $0x1  }
0x7f: {  	s9 =	simm.s32 $0x0;
	s8 =	sadd.s32 s8, s2  }
.LBB2_10:
0x80: {  	s10 =	smul.u32 $0x50, s9;
	_ =	sdelay $0x1  }
0x81: {  	s2 =	sadd.s32 s10, s8  }
0x82: {  	s12 =	sshrl.u32 s2, $0x3  }
0x83: {  	s2 =	simm.s32 $0x0;
	s16 =	sadd.s32 s19, s12  }
0x84: {  	[tilespmem:s14], [sflag:$0x2] =	stream.linear.gather [hbm4b:s16+s2], $0x50, $0x38;
	[tilespmem:$0xCE80] =	vst v63  }
0x85: {  	s16 =	sadd.s32 s6, s12  }
0x86: {  	[tilespmem:s15], [sflag:$0x2] =	stream.linear.gather [hbm4b:s16+s2], $0x50, $0x38;
	[tilespmem:$0xCE80] =	vst v63  }
0x87: {  	s12 =	sadd.s32 s7, s12  }
0x88: {  	[tilespmem:s20], [sflag:$0x2] =	stream.linear.gather [hbm4b:s12+s2], $0x50, $0x38;
	[tilespmem:$0xCE80] =	vst v63  }
0x89: {  	_ =	swait.ge [sflag:s17], $0x50  }
0x8a: {  	[sflag:s17] =	ssyncset.done $0x0  }
0x8b: {  	[sflag:s17] =	ssyncadd.s32 $0xFFFFFFB0  }
0x8c: {  	_ =	swait.ge [sflag:s17], $0x50  }
0x8d: {  	[sflag:s17] =	ssyncset.done $0x0  }
0x8e: {  	[sflag:s17] =	ssyncadd.s32 $0xFFFFFFB0  }
0x8f: {  	_ =	swait.ge [sflag:s17], $0x50  }
0x90: {  	[sflag:s17] =	ssyncset.done $0x0  }
0x91: {  	[sflag:s17] =	ssyncadd.s32 $0xFFFFFFB0  }
0x92: {  	v9 =	vld [tilespmem:$0xA480]  }
0x93: {  	v10 =	vld [tilespmem:$0xA500]  }
0x94: {  	s10 =	ssub.s32 s0, s10;
	v11 =	vld [tilespmem:$0xA580]  }
0x95: {  	v12 =	vmov s10;
	v13 =	vld [tilespmem:$0xA490]  }
0x96: {  	vm0 =	vgt.s32 v12, v0;
	v14 =	vld [tilespmem:$0xA510]  }
0x97: {  	v15 =	vld [tilespmem:$0xA590];
	v9 =	vnsel vm0, $0x0, v9  }
0x98: {  	[tilespmem:$0xA480] =	vst v9;
	v9 =	vnsel vm0, $0x0, v10;
	v10 =	vld [tilespmem:$0xA4A0]  }
0x99: {  	vm12 =	vgt.s32 v12, v2;
	[tilespmem:$0xA500] =	vst v9;
	v9 =	vnsel vm0, $0x0, v11;
	v11 =	vld [tilespmem:$0xA520]  }
0x9a: {  	v49 =	vld [tilespmem:$0xA5A0];
	[tilespmem:$0xA600] =	vst v9;
	v9 =	vnsel vm12, $0x0, v13  }
0x9b: {  	v50 =	vld [tilespmem:$0xA4B0];
	[tilespmem:$0xA490] =	vst v9;
	v9 =	vnsel vm12, $0x0, v14  }
0x9c: {  	vm13 =	vgt.s32 v12, v3;
	v51 =	vld [tilespmem:$0xA530];
	[tilespmem:$0xA510] =	vst v9;
	v9 =	vnsel vm12, $0x0, v15  }
0x9d: {  	[tilespmem:$0xA610] =	vst v9;
	v9 =	vnsel vm13, $0x0, v10;
	v10 =	vld [tilespmem:$0xA5B0]  }
0x9e: {  	[tilespmem:$0xA4A0] =	vst v9;
	v9 =	vnsel vm13, $0x0, v11;
	v11 =	vld [tilespmem:$0xA4C0]  }
0x9f: {  	vm14 =	vgt.s32 v12, v4;
	v52 =	vld [tilespmem:$0xA540];
	[tilespmem:$0xA520] =	vst v9;
	v9 =	vnsel vm13, $0x0, v49  }
0xa0: {  	v53 =	vld [tilespmem:$0xA5C0];
	[tilespmem:$0xA620] =	vst v9;
	v9 =	vnsel vm14, $0x0, v50  }
0xa1: {  	[tilespmem:$0xA4B0] =	vst v9;
	v9 =	vnsel vm14, $0x0, v51  }
0xa2: {  	vm15 =	vgt.s32 v12, v5;
	[tilespmem:$0xA530] =	vst v9;
	v9 =	vnsel vm14, $0x0, v10  }
0xa3: {  	[tilespmem:$0xA630] =	vst v9;
	v9 =	vnsel vm15, $0x0, v11  }
0xa4: {  	[tilespmem:$0xA4C0] =	vst v9;
	v9 =	vnsel vm15, $0x0, v52  }
0xa5: {  	[tilespmem:$0xA540] =	vst v9;
	v9 =	vnsel vm15, $0x0, v53  }
0xa6: {  	[tilespmem:$0xA640] =	vst v9  }
0xa7: {  	[tilespmem:s21], [sflag:$0x1] =	stream.indirect.gather [hbm4b:s5+s18], $0x80, s14, s18, $0xb8;
	[tilespmem:$0xCE80] =	vst v63  }
0xa8: {  	s16 =	simm.s32 $0xAE80;
	s12 =	simm.s32 $0xA490  }
0xa9: {  	[tilespmem:s16], [sflag:$0x1] =	stream.indirect.gather [hbm4b:s5+s18], $0x80, s12, s18, $0xb8;
	[tilespmem:$0xCE80] =	vst v63  }
0xaa: {  	_ = 	snop  }
0xab: {  	[tilespmem:s23], [sflag:$0x1] =	stream.indirect.gather [hbm4b:s5+s18], $0x80, s22, s18, $0xb8;
	[tilespmem:$0xCE80] =	vst v63  }
0xac: {  	_ = 	snop  }
0xad: {  	[tilespmem:s25], [sflag:$0x1] =	stream.indirect.gather [hbm4b:s5+s18], $0x80, s24, s18, $0xb8;
	[tilespmem:$0xCE80] =	vst v63  }
0xae: {  	_ = 	snop  }
0xaf: {  	[tilespmem:s28], [sflag:$0x1] =	stream.indirect.gather [hbm4b:s5+s18], $0x80, s26, s18, $0xb8;
	[tilespmem:$0xCE80] =	vst v63  }
0xb0: {  	_ =	swait.ge [sflag:s13], $0x800  }
0xb1: {  	[sflag:s13] =	ssyncset.done $0x0  }
0xb2: {  	[sflag:s13] =	ssyncadd.s32 $0xFFFFF800  }
0xb3: {  	_ =	swait.ge [sflag:s13], $0x800  }
0xb4: {  	[sflag:s13] =	ssyncset.done $0x0  }
0xb5: {  	[sflag:s13] =	ssyncadd.s32 $0xFFFFF800  }
0xb6: {  	_ =	swait.ge [sflag:s13], $0x800  }
0xb7: {  	v9 =	vmov s2;
	[sflag:s13] =	ssyncset.done $0x0  }
0xb8: {  	v9 =	vand.u32 $0xFFFFFFFE, v9;
	[sflag:s13] =	ssyncadd.s32 $0xFFFFF800  }
0xb9: {  	v9 =	vbroadcast v9, $0x0;
	_ =	swait.ge [sflag:s13], $0x800  }
0xba: {  	[sflag:s13] =	ssyncset.done $0x0  }
0xbb: {  	[sflag:s13] =	ssyncadd.s32 $0xFFFFF800  }
0xbc: {  	_ =	swait.ge [sflag:s13], $0x800  }
0xbd: {  	[sflag:s13] =	ssyncset.done $0x0  }
0xbe: {  	[sflag:s13] =	ssyncadd.s32 $0xFFFFF800  }
0xbf: {  	v10 =	vld.idx.msk [tilespmem:v9+s15+$0x0], $0xffff;
	_ =	sdelay $0x2  }
0xc0: {  	s10 =	simm.s32 $0xA700;
	v9 =	vld.idx.msk [tilespmem:v9+s29+$0x0], $0xffff  }
0xc1: {  	v11 =	vld [tilespmem:s10+$0xFFFFFF80]  }
0xc2: {  	v10 =	vshll.u32 v10, $0x7  }
0xc3: {  	v54 =	vor.u32 v0, v10;
	_ =	sdelay $0x2  }
0xc4: {  	v11 =	vmul.f32 v11, v9;
	_ =	sdelay $0x1  }
0xc5: {  	[tilespmem:v54+s3+$0x0] =	vst.idx.add.f32.msk $0xffff, v11  }
0xc6: {  	v11 =	vld [tilespmem:s10+$0xFFFFFF90];
	_ =	sdelay $0x1  }
0xc7: {  	v55 =	vor.u32 v2, v10;
	_ =	sdelay $0x2  }
0xc8: {  	v11 =	vmul.f32 v11, v9;
	_ =	sdelay $0x1  }
0xc9: {  	[tilespmem:v55+s3+$0x0] =	vst.idx.add.f32.msk $0xffff, v11  }
0xca: {  	v11 =	vld [tilespmem:s10+$0xFFFFFFA0];
	_ =	sdelay $0x1  }
0xcb: {  	v56 =	vor.u32 v3, v10;
	_ =	sdelay $0x2  }
0xcc: {  	v11 =	vmul.f32 v11, v9;
	_ =	sdelay $0x1  }
0xcd: {  	[tilespmem:v56+s3+$0x0] =	vst.idx.add.f32.msk $0xffff, v11  }
0xce: {  	v11 =	vld [tilespmem:s10+$0xFFFFFFB0];
	_ =	sdelay $0x1  }
0xcf: {  	v57 =	vor.u32 v4, v10;
	_ =	sdelay $0x2  }
0xd0: {  	v11 =	vmul.f32 v11, v9;
	_ =	sdelay $0x1  }
0xd1: {  	[tilespmem:v57+s3+$0x0] =	vst.idx.add.f32.msk $0xffff, v11  }
0xd2: {  	v11 =	vld [tilespmem:s10+$0xFFFFFFC0];
	_ =	sdelay $0x1  }
0xd3: {  	v58 =	vor.u32 v5, v10;
	_ =	sdelay $0x2  }
0xd4: {  	v11 =	vmul.f32 v11, v9;
	_ =	sdelay $0x1  }
0xd5: {  	[tilespmem:v58+s3+$0x0] =	vst.idx.add.f32.msk $0xffff, v11  }
0xd6: {  	v11 =	vld [tilespmem:s10+$0xFFFFFFD0];
	_ =	sdelay $0x1  }
0xd7: {  	v59 =	vor.u32 v6, v10;
	_ =	sdelay $0x2  }
0xd8: {  	v11 =	vmul.f32 v11, v9;
	_ =	sdelay $0x1  }
0xd9: {  	[tilespmem:v59+s3+$0x0] =	vst.idx.add.f32.msk $0xffff, v11  }
0xda: {  	v11 =	vld [tilespmem:s10+$0xFFFFFFE0];
	_ =	sdelay $0x1  }
0xdb: {  	v60 =	vor.u32 v7, v10;
	_ =	sdelay $0x2  }
0xdc: {  	v11 =	vmul.f32 v11, v9;
	_ =	sdelay $0x1  }
0xdd: {  	[tilespmem:v60+s3+$0x0] =	vst.idx.add.f32.msk $0xffff, v11  }
0xde: {  	v11 =	vld [tilespmem:s10+$0xFFFFFFF0];
	_ =	sdelay $0x1  }
0xdf: {  	s16 =	simm.s32 $0x1;
	v10 =	vor.u32 v8, v10  }
0xe0: {  	v61 =	vmov s16;
	_ =	sdelay $0x1  }
0xe1: {  	v9 =	vmul.f32 v11, v9;
	_ =	sdelay $0x1  }
0xe2: {  	[tilespmem:v10+s3+$0x0] =	vst.idx.add.f32.msk $0xffff, v9  }
0xe3: {  	v9 =	vld.idx.msk [tilespmem:v61+s15+$0x0], $0xffff;
	_ =	sdelay $0x2  }
0xe4: {  	v11 =	vld.idx.msk [tilespmem:v61+s29+$0x0], $0xffff  }
0xe5: {  	v10 =	vld [tilespmem:s10+$0x0]  }
0xe6: {  	v62 =	vshll.u32 v9, $0x7  }
0xe7: {  	v9 =	vor.u32 v0, v62;
	_ =	sdelay $0x2  }
0xe8: {  	v10 =	vmul.f32 v10, v11;
	_ =	sdelay $0x1  }
0xe9: {  	[tilespmem:v9+s3+$0x0] =	vst.idx.add.f32.msk $0xffff, v10  }
0xea: {  	v9 =	vld [tilespmem:s10+$0x10];
	_ =	sdelay $0x1  }
0xeb: {  	v10 =	vor.u32 v2, v62;
	_ =	sdelay $0x2  }
0xec: {  	v9 =	vmul.f32 v9, v11;
	_ =	sdelay $0x1  }
0xed: {  	[tilespmem:v10+s3+$0x0] =	vst.idx.add.f32.msk $0xffff, v9  }
0xee: {  	v9 =	vld [tilespmem:s10+$0x20];
	_ =	sdelay $0x1  }
0xef: {  	v10 =	vor.u32 v3, v62;
	_ =	sdelay $0x2  }
0xf0: {  	v9 =	vmul.f32 v9, v11;
	_ =	sdelay $0x1  }
0xf1: {  	[tilespmem:v10+s3+$0x0] =	vst.idx.add.f32.msk $0xffff, v9  }
0xf2: {  	v9 =	vld [tilespmem:s10+$0x30];
	_ =	sdelay $0x1  }
0xf3: {  	v10 =	vor.u32 v4, v62;
	_ =	sdelay $0x2  }
0xf4: {  	v9 =	vmul.f32 v9, v11;
	_ =	sdelay $0x1  }
0xf5: {  	[tilespmem:v10+s3+$0x0] =	vst.idx.add.f32.msk $0xffff, v9  }
0xf6: {  	v9 =	vld [tilespmem:s10+$0x40];
	_ =	sdelay $0x1  }
0xf7: {  	v10 =	vor.u32 v5, v62;
	_ =	sdelay $0x2  }
0xf8: {  	v9 =	vmul.f32 v9, v11;
	_ =	sdelay $0x1  }
0xf9: {  	[tilespmem:v10+s3+$0x0] =	vst.idx.add.f32.msk $0xffff, v9  }
0xfa: {  	v9 =	vld [tilespmem:s10+$0x50];
	_ =	sdelay $0x1  }
0xfb: {  	v10 =	vor.u32 v6, v62;
	_ =	sdelay $0x2  }
0xfc: {  	v9 =	vmul.f32 v9, v11;
	_ =	sdelay $0x1  }
0xfd: {  	[tilespmem:v10+s3+$0x0] =	vst.idx.add.f32.msk $0xffff, v9  }
0xfe: {  	v9 =	vld [tilespmem:s10+$0x60];
	_ =	sdelay $0x1  }
0xff: {  	v10 =	vor.u32 v7, v62;
	_ =	sdelay $0x2  }
0x100: {  	v9 =	vmul.f32 v9, v11;
	_ =	sdelay $0x1  }
0x101: {  	s12 =	simm.s32 $0x2;
	[tilespmem:v10+s3+$0x0] =	vst.idx.add.f32.msk $0xffff, v9  }
0x102: {  	v9 =	vmov s12;
	v63 =	vld [tilespmem:s10+$0x70]  }
0x103: {  	v9 =	vand.u32 $0xFFFFFFFE, v9  }
0x104: {  	v10 =	vor.u32 v8, v62;
	v9 =	vbroadcast v9, $0x0;
	_ =	sdelay $0x2  }
0x105: {  	s30 =	simm.s32 $0x4;
	v11 =	vmul.f32 v63, v11  }
.LBB2_11:
0x106: {  	p0 =	slt.u32 s30, $0x4E  }
0x107: {  	s10 =	sadd.s32 $0x100, s10;
	s2 =	smov.u32 s30;
	s30 =	sadd.s32 $0x2, s30;
	[tilespmem:v10+s3+$0x0] =	vst.idx.add.f32.msk $0xffff, v11  }
0x108: {  	v10 =	vld.idx.msk [tilespmem:v9+s15+$0x0], $0xffff;
	_ =	sdelay $0x3  }
0x109: {  	v9 =	vld.idx.msk [tilespmem:v9+s29+$0x0], $0xffff  }
0x10a: {  	v11 =	vld [tilespmem:s10+$0xFFFFFF80]  }
0x10b: {  	v10 =	vshll.u32 v10, $0x7  }
0x10c: {  	v12 =	vor.u32 v0, v10;
	_ =	sdelay $0x2  }
0x10d: {  	v11 =	vmul.f32 v11, v9;
	_ =	sdelay $0x1  }
0x10e: {  	[tilespmem:v12+s3+$0x0] =	vst.idx.add.f32.msk $0xffff, v11  }
0x10f: {  	v11 =	vld [tilespmem:s10+$0xFFFFFF90];
	_ =	sdelay $0x1  }
0x110: {  	v12 =	vor.u32 v2, v10;
	_ =	sdelay $0x2  }
0x111: {  	v11 =	vmul.f32 v11, v9;
	_ =	sdelay $0x1  }
0x112: {  	[tilespmem:v12+s3+$0x0] =	vst.idx.add.f32.msk $0xffff, v11  }
0x113: {  	v11 =	vld [tilespmem:s10+$0xFFFFFFA0];
	_ =	sdelay $0x1  }
0x114: {  	v12 =	vor.u32 v3, v10;
	_ =	sdelay $0x2  }
0x115: {  	v11 =	vmul.f32 v11, v9;
	_ =	sdelay $0x1  }
0x116: {  	[tilespmem:v12+s3+$0x0] =	vst.idx.add.f32.msk $0xffff, v11  }
0x117: {  	v11 =	vld [tilespmem:s10+$0xFFFFFFB0];
	_ =	sdelay $0x1  }
0x118: {  	v12 =	vor.u32 v4, v10;
	_ =	sdelay $0x2  }
0x119: {  	v11 =	vmul.f32 v11, v9;
	_ =	sdelay $0x1  }
0x11a: {  	[tilespmem:v12+s3+$0x0] =	vst.idx.add.f32.msk $0xffff, v11  }
0x11b: {  	v11 =	vld [tilespmem:s10+$0xFFFFFFC0];
	_ =	sdelay $0x1  }
0x11c: {  	v12 =	vor.u32 v5, v10;
	_ =	sdelay $0x2  }
0x11d: {  	v11 =	vmul.f32 v11, v9;
	_ =	sdelay $0x1  }
0x11e: {  	[tilespmem:v12+s3+$0x0] =	vst.idx.add.f32.msk $0xffff, v11  }
0x11f: {  	v11 =	vld [tilespmem:s10+$0xFFFFFFD0];
	_ =	sdelay $0x1  }
0x120: {  	v12 =	vor.u32 v6, v10;
	_ =	sdelay $0x2  }
0x121: {  	v11 =	vmul.f32 v11, v9;
	_ =	sdelay $0x1  }
0x122: {  	[tilespmem:v12+s3+$0x0] =	vst.idx.add.f32.msk $0xffff, v11  }
0x123: {  	v11 =	vld [tilespmem:s10+$0xFFFFFFE0];
	_ =	sdelay $0x1  }
0x124: {  	v12 =	vor.u32 v7, v10;
	_ =	sdelay $0x2  }
0x125: {  	v11 =	vmul.f32 v11, v9;
	_ =	sdelay $0x1  }
0x126: {  	[tilespmem:v12+s3+$0x0] =	vst.idx.add.f32.msk $0xffff, v11  }
0x127: {  	v11 =	vld [tilespmem:s10+$0xFFFFFFF0];
	_ =	sdelay $0x1  }
0x128: {  	s16 =	sadd.s32 $0x1, s12;
	s12 =	smov.u32 s2;
	v10 =	vor.u32 v8, v10  }
0x129: {  	v12 =	vmov s16;
	_ =	sdelay $0x1  }
0x12a: {  	v9 =	vmul.f32 v11, v9;
	_ =	sdelay $0x1  }
0x12b: {  	[tilespmem:v10+s3+$0x0] =	vst.idx.add.f32.msk $0xffff, v9  }
0x12c: {  	v9 =	vld.idx.msk [tilespmem:v12+s15+$0x0], $0xffff;
	_ =	sdelay $0x3  }
0x12d: {  	v11 =	vld.idx.msk [tilespmem:v12+s29+$0x0], $0xffff  }
0x12e: {  	v10 =	vld [tilespmem:s10+$0x0]  }
0x12f: {  	v12 =	vshll.u32 v9, $0x7  }
0x130: {  	v9 =	vor.u32 v0, v12;
	_ =	sdelay $0x2  }
0x131: {  	v10 =	vmul.f32 v10, v11;
	_ =	sdelay $0x1  }
0x132: {  	[tilespmem:v9+s3+$0x0] =	vst.idx.add.f32.msk $0xffff, v10  }
0x133: {  	v9 =	vld [tilespmem:s10+$0x10];
	_ =	sdelay $0x1  }
0x134: {  	v10 =	vor.u32 v2, v12;
	_ =	sdelay $0x2  }
0x135: {  	v9 =	vmul.f32 v9, v11;
	_ =	sdelay $0x1  }
0x136: {  	[tilespmem:v10+s3+$0x0] =	vst.idx.add.f32.msk $0xffff, v9  }
0x137: {  	v9 =	vld [tilespmem:s10+$0x20];
	_ =	sdelay $0x1  }
0x138: {  	v10 =	vor.u32 v3, v12;
	_ =	sdelay $0x2  }
0x139: {  	v9 =	vmul.f32 v9, v11;
	_ =	sdelay $0x1  }
0x13a: {  	[tilespmem:v10+s3+$0x0] =	vst.idx.add.f32.msk $0xffff, v9  }
0x13b: {  	v9 =	vld [tilespmem:s10+$0x30];
	_ =	sdelay $0x1  }
0x13c: {  	v10 =	vor.u32 v4, v12;
	_ =	sdelay $0x2  }
0x13d: {  	v9 =	vmul.f32 v9, v11;
	_ =	sdelay $0x1  }
0x13e: {  	[tilespmem:v10+s3+$0x0] =	vst.idx.add.f32.msk $0xffff, v9  }
0x13f: {  	v9 =	vld [tilespmem:s10+$0x40];
	_ =	sdelay $0x1  }
0x140: {  	v10 =	vor.u32 v5, v12;
	_ =	sdelay $0x2  }
0x141: {  	v9 =	vmul.f32 v9, v11;
	_ =	sdelay $0x1  }
0x142: {  	[tilespmem:v10+s3+$0x0] =	vst.idx.add.f32.msk $0xffff, v9  }
0x143: {  	v9 =	vld [tilespmem:s10+$0x50];
	_ =	sdelay $0x1  }
0x144: {  	v10 =	vor.u32 v6, v12;
	_ =	sdelay $0x2  }
0x145: {  	v9 =	vmul.f32 v9, v11;
	_ =	sdelay $0x1  }
0x146: {  	[tilespmem:v10+s3+$0x0] =	vst.idx.add.f32.msk $0xffff, v9  }
0x147: {  	v9 =	vld [tilespmem:s10+$0x60];
	_ =	sdelay $0x1  }
0x148: {  	v10 =	vor.u32 v7, v12;
	_ =	sdelay $0x2  }
0x149: {  	v9 =	vmul.f32 v9, v11;
	_ =	sdelay $0x1  }
0x14a: {  	[tilespmem:v10+s3+$0x0] =	vst.idx.add.f32.msk $0xffff, v9  }
0x14b: {  	v9 =	vmov s12;
	v13 =	vld [tilespmem:s10+$0x70]  }
.Ltmp8:
0x14c: {  	v9 =	vand.u32 $0xFFFFFFFE, v9;
	(pc) =	sbr.rel @p0 .LBB2_11-.Ltmp8, $2  }
0x14d: {  	v10 =	vor.u32 v8, v12;
	v9 =	vbroadcast v9, $0x0;
	_ =	sdelay $0x2  }
0x14e: {  	v11 =	vmul.f32 v13, v11  }
0x14f: {  	_ =	sdelay $0x3  }
0x150: {  	[tilespmem:v10+s3+$0x0] =	vst.idx.add.f32.msk $0xffff, v11  }
0x151: {  	v10 =	vld.idx.msk [tilespmem:v9+s15+$0x0], $0xffff;
	_ =	sdelay $0x2  }
0x152: {  	s2 =	sadd.s32 $0x100, s10;
	v9 =	vld.idx.msk [tilespmem:v9+s29+$0x0], $0xffff  }
0x153: {  	v11 =	vld [tilespmem:s2+$0xFFFFFF80]  }
0x154: {  	v10 =	vshll.u32 v10, $0x7  }
0x155: {  	v12 =	vor.u32 v0, v10;
	_ =	sdelay $0x2  }
0x156: {  	v11 =	vmul.f32 v11, v9;
	_ =	sdelay $0x1  }
0x157: {  	[tilespmem:v12+s3+$0x0] =	vst.idx.add.f32.msk $0xffff, v11  }
0x158: {  	v11 =	vld [tilespmem:s2+$0xFFFFFF90];
	_ =	sdelay $0x1  }
0x159: {  	v50 =	vor.u32 v2, v10;
	_ =	sdelay $0x2  }
0x15a: {  	v11 =	vmul.f32 v11, v9;
	_ =	sdelay $0x1  }
0x15b: {  	[tilespmem:v50+s3+$0x0] =	vst.idx.add.f32.msk $0xffff, v11  }
0x15c: {  	v11 =	vld [tilespmem:s2+$0xFFFFFFA0];
	_ =	sdelay $0x1  }
0x15d: {  	v51 =	vor.u32 v3, v10;
	_ =	sdelay $0x2  }
0x15e: {  	v11 =	vmul.f32 v11, v9;
	_ =	sdelay $0x1  }
0x15f: {  	[tilespmem:v51+s3+$0x0] =	vst.idx.add.f32.msk $0xffff, v11  }
0x160: {  	v11 =	vld [tilespmem:s2+$0xFFFFFFB0];
	_ =	sdelay $0x1  }
0x161: {  	v52 =	vor.u32 v4, v10;
	_ =	sdelay $0x2  }
0x162: {  	v11 =	vmul.f32 v11, v9;
	_ =	sdelay $0x1  }
0x163: {  	[tilespmem:v52+s3+$0x0] =	vst.idx.add.f32.msk $0xffff, v11  }
0x164: {  	v11 =	vld [tilespmem:s2+$0xFFFFFFC0];
	_ =	sdelay $0x1  }
0x165: {  	v53 =	vor.u32 v5, v10;
	_ =	sdelay $0x2  }
0x166: {  	v11 =	vmul.f32 v11, v9;
	_ =	sdelay $0x1  }
0x167: {  	[tilespmem:v53+s3+$0x0] =	vst.idx.add.f32.msk $0xffff, v11  }
0x168: {  	v11 =	vld [tilespmem:s2+$0xFFFFFFD0];
	_ =	sdelay $0x1  }
0x169: {  	v54 =	vor.u32 v6, v10;
	_ =	sdelay $0x2  }
0x16a: {  	v11 =	vmul.f32 v11, v9;
	_ =	sdelay $0x1  }
0x16b: {  	[tilespmem:v54+s3+$0x0] =	vst.idx.add.f32.msk $0xffff, v11  }
0x16c: {  	v11 =	vld [tilespmem:s2+$0xFFFFFFE0];
	_ =	sdelay $0x1  }
0x16d: {  	v55 =	vor.u32 v7, v10;
	_ =	sdelay $0x2  }
0x16e: {  	v11 =	vmul.f32 v11, v9;
	_ =	sdelay $0x1  }
0x16f: {  	[tilespmem:v55+s3+$0x0] =	vst.idx.add.f32.msk $0xffff, v11  }
0x170: {  	v11 =	vld [tilespmem:s2+$0xFFFFFFF0];
	_ =	sdelay $0x1  }
0x171: {  	s30 =	sadd.s32 $0x1, s12;
	v10 =	vor.u32 v8, v10  }
0x172: {  	v56 =	vmov s30;
	_ =	sdelay $0x1  }
0x173: {  	v9 =	vmul.f32 v11, v9;
	_ =	sdelay $0x1  }
0x174: {  	[tilespmem:v10+s3+$0x0] =	vst.idx.add.f32.msk $0xffff, v9  }
0x175: {  	v9 =	vld.idx.msk [tilespmem:v56+s15+$0x0], $0xffff;
	_ =	sdelay $0x2  }
0x176: {  	v10 =	vld.idx.msk [tilespmem:v56+s29+$0x0], $0xffff  }
0x177: {  	v11 =	vld [tilespmem:s2+$0x0]  }
0x178: {  	v9 =	vshll.u32 v9, $0x7  }
0x179: {  	v57 =	vor.u32 v0, v9;
	_ =	sdelay $0x2  }
0x17a: {  	v11 =	vmul.f32 v11, v10;
	_ =	sdelay $0x1  }
0x17b: {  	[tilespmem:v57+s3+$0x0] =	vst.idx.add.f32.msk $0xffff, v11  }
0x17c: {  	v11 =	vld [tilespmem:s2+$0x10];
	_ =	sdelay $0x1  }
0x17d: {  	v58 =	vor.u32 v2, v9;
	_ =	sdelay $0x2  }
0x17e: {  	v11 =	vmul.f32 v11, v10;
	_ =	sdelay $0x1  }
0x17f: {  	[tilespmem:v58+s3+$0x0] =	vst.idx.add.f32.msk $0xffff, v11  }
0x180: {  	v11 =	vld [tilespmem:s2+$0x20];
	_ =	sdelay $0x1  }
0x181: {  	v59 =	vor.u32 v3, v9;
	_ =	sdelay $0x2  }
0x182: {  	v11 =	vmul.f32 v11, v10;
	_ =	sdelay $0x1  }
0x183: {  	[tilespmem:v59+s3+$0x0] =	vst.idx.add.f32.msk $0xffff, v11  }
0x184: {  	v11 =	vld [tilespmem:s2+$0x30];
	_ =	sdelay $0x1  }
0x185: {  	v60 =	vor.u32 v4, v9;
	_ =	sdelay $0x2  }
0x186: {  	v11 =	vmul.f32 v11, v10;
	_ =	sdelay $0x1  }
0x187: {  	[tilespmem:v60+s3+$0x0] =	vst.idx.add.f32.msk $0xffff, v11  }
0x188: {  	v11 =	vld [tilespmem:s2+$0x40];
	_ =	sdelay $0x1  }
0x189: {  	v61 =	vor.u32 v5, v9;
	_ =	sdelay $0x2  }
0x18a: {  	v11 =	vmul.f32 v11, v10;
	_ =	sdelay $0x1  }
0x18b: {  	[tilespmem:v61+s3+$0x0] =	vst.idx.add.f32.msk $0xffff, v11  }
0x18c: {  	v11 =	vld [tilespmem:s2+$0x50];
	_ =	sdelay $0x1  }
0x18d: {  	v62 =	vor.u32 v6, v9;
	_ =	sdelay $0x2  }
0x18e: {  	v11 =	vmul.f32 v11, v10;
	_ =	sdelay $0x1  }
0x18f: {  	[tilespmem:v62+s3+$0x0] =	vst.idx.add.f32.msk $0xffff, v11  }
0x190: {  	v11 =	vld [tilespmem:s2+$0x60];
	_ =	sdelay $0x1  }
0x191: {  	v63 =	vor.u32 v7, v9;
	_ =	sdelay $0x2  }
0x192: {  	v11 =	vmul.f32 v11, v10;
	_ =	sdelay $0x1  }
0x193: {  	[tilespmem:v63+s3+$0x0] =	vst.idx.add.f32.msk $0xffff, v11  }
0x194: {  	v11 =	vld [tilespmem:s2+$0x70]  }
0x195: {  	s9 =	sadd.s32 $0x1, s9  }
0x196: {  	p0 =	sne.s32 s9, s1;
	v9 =	vor.u32 v8, v9  }
.Ltmp9:
0x197: {  	_ = 	snop;
	(pc) =	sbr.rel @p0 .LBB2_10-.Ltmp9, $4  }
.Ltmp10:
0x198: {  	_ = 	snop;
	(pc) =	sbr.rel @!p0 .LBB2_13-.Ltmp10, $4  }
0x199: {  	v10 =	vmul.f32 v11, v10  }
0x19a: {  	_ = 	snop  }
0x19b: {  	[tilespmem:v9+s3+$0x0] =	vst.idx.add.f32.msk $0xffff, v10  }
0x19c: {  	_ = 	snop  }
.LBB2_15:
0x19d: {  	_ =	sfence.sel $0x180000  }
0x19e: {  	[bflag:$0x0] =	sbarrier.arrive $0xFFFF  }
0x19f: {  	_ =	strace $0x90000050  }
0x1a0: {  	s0 =	stileid.u32;
	[bflag:$0x2] =	sbarrier.arrive $0xFFFF  }
0x1a1: {  	p0 =	sne.s32 s0, $0x0;
	s0 =	rddreg [dreg:$0x2]  }
0x1a2: {  	s0 =	sadd.s32 @!p0 $0x100000, s0  }
0x1a3: {  	[sflag:s0] =	ssyncadd.tile.s32 @!p0 $0x1;
	_ =	shalt  }
.Lfunc_end2:
_tile_overlayer_lowered:
.L_overlay_start_2:
0x1a4: {  	(tag) =	ssettag $0x2  }
0x1a5: {  	s0 =	rddreg [dreg:$0x0];
	s2 =	stileid.u32  }
0x1a6: {  	s1 =	rddreg [dreg:$0x1];
	p0 =	sne.s32 s2, $0x0  }
0x1a7: {  	s3 =	rddreg [dreg:$0x2];
	[bflag:$0x3] =	sbarrier.arrive $0xFFFF;
	s2 =	simm.s32 @!p0 $0x1C03  }
0x1a8: {  	[timem:s3], [sflag:s2] =	dma.local @!p0 [hbm:s0], s1  }
0x1a9: {  	s0 =	simm.s32 @!p0 $0x3  }
0x1aa: {  	_ =	swait.ge @!p0 [sflag:s0], s1  }
0x1ab: {  	s1 =	ssub.s32 @!p0 $0x0, s1;
	[sflag:s0] =	ssyncset.done @!p0 $0x0  }
0x1ac: {  	[sflag:s0] =	ssyncadd.s32 @!p0 s1  }
0x1ad: {  	[bflag:$0x3] =	sbarrier.arrive $0xFFFF  }
0x1ae: {  	_ =	shalt  }

// kernel: kernel.25.cloned.1.call-start
scs
__scs_entry_jumppad:
0x0: {  	(pc) =	sbr.rel $0x88, $3  }
0x1: {  	(tag) =	ssettag $0x0;
	lr =	simm.s32 $0x1  }
0x2: {  	[smem:$0x3F95] =	sst lr;
	_ =	strace $0xD0000000  }
0x3: {  	_ = 	snop  }
0x4: {  	_ = 	snop  }
0x5: {  	_ = 	snop  }
0x6: {  	_ = 	snop  }
0x7: {  	_ = 	snop  }
__scs_overlays_trampoline_lowered:
0x8: {  	[smem:$0x3FA4] =	sst s0  }
0x9: {  	[smem:$0x3FA5] =	sst s1  }
0xa: {  	[smem:$0x3FA6] =	sst s2  }
0xb: {  	[smem:$0x3FA7] =	sst s3  }
0xc: {  	[smem:$0x3FA8] =	sst s4  }
0xd: {  	[smem:$0x3FA9] =	sst s5  }
0xe: {  	[smem:$0x3FAA] =	sst s6  }
0xf: {  	[smem:$0x3FAB] =	sst s7  }
0x10: {  	[smem:$0x3FAC] =	sst s8  }
0x11: {  	[smem:$0x3FAD] =	sst s9;
	s0 =	simm.s32 @!p0 $0x0  }
0x12: {  	s1 =	sld [smem:$0x3F93];
	s0 =	simm.s32 @p0 $0x1  }
0x13: {  	[smem:$0x3FAE] =	sst s0;
	s0 =	simm.s32 @!p1 $0x0  }
0x14: {  	s2 =	sld [smem:$0x3F92];
	s0 =	simm.s32 @p1 $0x1  }
0x15: {  	[smem:$0x3FAF] =	sst s0;
	s0 =	simm.s32 @!p2 $0x0  }
0x16: {  	s3 =	sld [smem:$0x3FDB];
	s0 =	simm.s32 @p2 $0x1  }
0x17: {  	s4 =	simm.s32 $0x1BF5;
	[smem:$0x3FB1] =	sst s0  }
0x18: {  	s0 =	sld [smem:$0x3F94];
	_ =	swait.ge [sflag:s4], $0x0  }
0x19: {  	s7 =	sld [smem:$0x3F95]  }
0x1a: {  	s8 =	sadd.s32 $0xFFFFE003, lr  }
0x1b: {  	s9 =	sadd.s32 $0xFFFFFEF7, lr;
	s5 =	simm.s32 $0xFFFFFFFF;
	p2 =	slt.u32 s8, $0xFFFFF086  }
0x1c: {  	p1 =	slt.u32 s9, $0xF7A;
	s5 =	simm.s32 @!p2 $0x0  }
0x1d: {  	s5 =	simm.s32 @p1 $0x1;
	p0 =	seq.s32 s7, s2  }
0x1e: {  	s7 =	smul.u32 @!p0 $0xF7A, s2;
	p2 =	seq.s32 @!p0 s5, $0x0  }
0x1f: {  	s9 =	smul.u32 $0xF7A, s1;
	s8 =	simm.s32 @!p0 $0x1BF5;
	p2 =	por !p2, p0  }
0x20: {  	[sflag:s8] =	ssyncset.s32 @!p0 $0xFFFFF086;
	s6 =	sadd.s32 @!p0 s3, s7;
	s7 =	simm.s32 @!p0 $0x108  }
0x21: {  	s3 =	sadd.s32 s3, s9;
	s6 =	sadd.s32 @!p0 $0x88, s6;
	s7 =	simm.s32 @p2 $0x1082  }
0x22: {  	[simem:s7], [sflag:s8] =	dma.local @!p0 [hbm:s6], $0xF7A  }
0x23: {  	s9 =	sor.u32 $0xD0000000, s2;
	s6 =	simm.s32 $0x108;
	_ =	swait.ge @!p0 [sflag:s8], $0x0  }
0x24: {  	s3 =	sadd.s32 $0x88, s3;
	s6 =	simm.s32 @!p1 $0x1082;
	[sflag:s4] =	ssyncset.s32 $0xFFFFF086  }
0x25: {  	[simem:s6], [sflag:s4] =	dma.local [hbm:s3], $0xF7A  }
0x26: {  	[smem:$0x3F95] =	sst s1;
	(tag) =	ssettag s2;
	_ =	strace s9  }
0x27: {  	s1 =	sld [smem:$0x3FA5]  }
0x28: {  	s2 =	sld [smem:$0x3FA6]  }
0x29: {  	s4 =	sld [smem:$0x3FA8]  }
0x2a: {  	p0 =	seq.s32 s5, $0x0;
	s5 =	sld [smem:$0x3FA9]  }
0x2b: {  	s6 =	sld [smem:$0x3FAA]  }
0x2c: {  	s7 =	sld [smem:$0x3FAB]  }
0x2d: {  	s3 =	simm.s32 $0x108;
	s8 =	sld [smem:$0x3FAC]  }
0x2e: {  	s3 =	simm.s32 @!p0 $0x1082;
	s9 =	sld [smem:$0x3FAD]  }
0x2f: {  	lr =	sadd.s32 s0, s3;
	s0 =	sld [smem:$0x3FA4]  }
0x30: {  	s3 =	sld [smem:$0x3FA7]  }
0x31: {  	[smem:$0x3FB0] =	sst s10  }
0x32: {  	s10 =	sld [smem:$0x3FAE];
	_ =	sdelay $0x3  }
0x33: {  	p0 =	seq.s32 s10, $0x1;
	s10 =	sld [smem:$0x3FB0];
	_ =	sdelay $0x3  }
0x34: {  	[smem:$0x3FB0] =	sst s10  }
0x35: {  	s10 =	sld [smem:$0x3FAF];
	_ =	sdelay $0x3  }
0x36: {  	p1 =	seq.s32 s10, $0x1;
	s10 =	sld [smem:$0x3FB0];
	_ =	sdelay $0x3  }
0x37: {  	[smem:$0x3FB0] =	sst s10  }
0x38: {  	s10 =	sld [smem:$0x3FB1]  }
0x39: {  	_ = 	snop;
	(pc) =	sbr.ind lr, $3  }
0x3a: {  	_ = 	snop  }
0x3b: {  	_ = 	snop  }
0x3c: {  	p2 =	seq.s32 s10, $0x1;
	s10 =	sld [smem:$0x3FB0]  }
0x3d: {  	_ =	shalt  }
0x3e: {  	_ =	shalt  }
0x3f: {  	_ =	shalt  }
0x40: {  	_ =	shalt  }
0x41: {  	_ =	shalt  }
0x42: {  	_ =	shalt  }
0x43: {  	_ =	shalt  }
0x44: {  	_ =	shalt  }
0x45: {  	_ =	shalt  }
0x46: {  	_ =	shalt  }
0x47: {  	_ =	shalt  }
0x48: {  	_ =	shalt  }
0x49: {  	_ =	shalt  }
0x4a: {  	_ =	shalt  }
0x4b: {  	_ =	shalt  }
0x4c: {  	_ =	shalt  }
0x4d: {  	_ =	shalt  }
0x4e: {  	_ =	shalt  }
0x4f: {  	_ =	shalt  }
0x50: {  	_ =	shalt  }
0x51: {  	_ =	shalt  }
0x52: {  	_ =	shalt  }
0x53: {  	_ =	shalt  }
0x54: {  	_ =	shalt  }
0x55: {  	_ =	shalt  }
0x56: {  	_ =	shalt  }
0x57: {  	_ =	shalt  }
0x58: {  	_ =	shalt  }
0x59: {  	_ =	shalt  }
0x5a: {  	_ =	shalt  }
0x5b: {  	_ =	shalt  }
0x5c: {  	_ =	shalt  }
0x5d: {  	_ =	shalt  }
0x5e: {  	_ =	shalt  }
0x5f: {  	_ =	shalt  }
0x60: {  	_ =	shalt  }
0x61: {  	_ =	shalt  }
0x62: {  	_ =	shalt  }
0x63: {  	_ =	shalt  }
0x64: {  	_ =	shalt  }
0x65: {  	_ =	shalt  }
0x66: {  	_ =	shalt  }
0x67: {  	_ =	shalt  }
0x68: {  	_ =	shalt  }
0x69: {  	_ =	shalt  }
0x6a: {  	_ =	shalt  }
0x6b: {  	_ =	shalt  }
0x6c: {  	_ =	shalt  }
0x6d: {  	_ =	shalt  }
0x6e: {  	_ =	shalt  }
0x6f: {  	_ =	shalt  }
0x70: {  	_ =	shalt  }
0x71: {  	_ =	shalt  }
0x72: {  	_ =	shalt  }
0x73: {  	_ =	shalt  }
0x74: {  	_ =	shalt  }
0x75: {  	_ =	shalt  }
0x76: {  	_ =	shalt  }
0x77: {  	_ =	shalt  }
0x78: {  	_ =	shalt  }
0x79: {  	_ =	shalt  }
0x7a: {  	_ =	shalt  }
0x7b: {  	_ =	shalt  }
0x7c: {  	_ =	shalt  }
0x7d: {  	_ =	shalt  }
0x7e: {  	_ =	shalt  }
0x7f: {  	_ =	shalt  }
0x80: {  	_ =	shalt  }
0x81: {  	_ =	shalt  }
0x82: {  	_ =	shalt  }
0x83: {  	_ =	shalt  }
0x84: {  	_ =	shalt  }
0x85: {  	_ =	shalt  }
0x86: {  	_ =	shalt  }
0x87: {  	_ =	shalt  }
.Lfunc_end0:
.L_simem_size_0:
called_computation.4_lowered:
.L_overlay_start_0:
0x88: {  	s2 =	sld [smem:$0x3FD9]  }
0x89: {  	s3 =	sld [smem:$0x3FFE];
	_ =	sdelay $0x1  }
0x8a: {  	s1 =	srdreg.scid  }
0x8b: {  	s0 =	sand.u32 $0x1, s1  }
0x8c: {  	s17 =	sshll.u32 s0, $0xA;
	s2 =	sadd.s32 s3, s2  }
0x8d: {  	s2 =	sadd.s32 s2, s17  }
0x8e: {  	[smem:$0x3FBC] =	sst s2  }
0x8f: {  	_ = 	snop  }
0x90: {  	s2 =	sld [smem:$0x3FD0];
	(tm) =	ssettm $0x1  }
0x91: {  	s18 =	sld [smem:$0x3FFB];
	_ =	sdelay $0x3  }
0x92: {  	_ =	strace s18  }
0x93: {  	s3 =	sld [smem:$0x3FFC];
	_ =	sdelay $0x3  }
0x94: {  	_ =	strace s3  }
0x95: {  	s3 =	sld [smem:$0x3FFD];
	_ =	sdelay $0x3  }
0x96: {  	_ =	strace s3  }
0x97: {  	_ =	strace $0x8FFFFFFF  }
0x98: {  	s19 =	sld [smem:$0x3FDB];
	_ =	sdelay $0x1  }
0x99: {  	s4 =	simm.s32 $_scs_section_size  }
0x9a: {  	s5 =	simm.s32 $_size__tile_overlayer_lowered;
	s6 =	simm.s32 $_tile_overlayer_lowered  }
0x9b: {  	s22 =	simm.s32 $0x1BFF;
	s21 =	sshll.u32 s6, $0x1;
	s3 =	sadd.s32 s4, s19  }
0x9c: {  	s7 =	simm.s32 $0x0;
	s20 =	sshll.u32 s5, $0x1;
	s5 =	sadd.s32 s21, s3  }
0x9d: {  	[timem:s7], [sflag:s22] =	dma.local [hbm:s5], s20  }
0x9e: {  	_ =	swait.ge [sflag:s22], s20  }
0x9f: {  	s4 =	ssub.s32 $0x0, s20;
	[sflag:s22] =	ssyncset.done $0x0  }
0xa0: {  	[sflag:s22] =	ssyncadd.s32 s4;
	_ =	sdelay $0x1  }
0xa1: {  	s23 =	simm.s32 $0x1B8B  }
0xa2: {  	_ =	swait.ge [sflag:s23], $0x1  }
0xa3: {  	[sflag:s23] =	ssyncset.done $0x0  }
0xa4: {  	s25 =	simm.s32 $0x1B8E;
	s24 =	sld [smem:$0x3FFE];
	[sflag:s23] =	ssyncadd.s32 $0xFFFFFFFF  }
0xa5: {  	s26 =	simm.s32 $execute0_lowered;
	[smem:$0x3FD2] =	sst s25  }
0xa6: {  	s5 =	sshll.u32 s26, $0x1;
	_ =	strace $0x80000052;
	[dreg:$0x1] =	wrdreg $0xFFFFFFFF  }
0xa7: {  	s28 =	simm.s32 $_size_execute0_lowered;
	s3 =	sadd.s32 s3, s5;
	[dreg:$0x0] =	wrdreg $0x0  }
0xa8: {  	s5 =	sshll.u32 s28, $0x1;
	[dreg:$0x2] =	wrdreg s3  }
0xa9: {  	[dreg:$0x3] =	wrdreg s5  }
0xaa: {  	[dreg:$0x4] =	wrdreg $0xC0  }
0xab: {  	_ =	task [dreg:s7], $0x5FFFF  }
0xac: {  	[dreg:$0x1] =	wrdreg $0xFFFFFFFF  }
0xad: {  	[dreg:$0x0] =	wrdreg $0x60  }
0xae: {  	[dreg:$0x2] =	wrdreg s24  }
0xaf: {  	[dreg:$0x3] =	wrdreg s2  }
0xb0: {  	[dreg:$0x4] =	wrdreg $0x9  }
0xb1: {  	_ =	task.clear_ibuf [dreg:s7], $0x5FFFF;
	_ =	strace $0x90000052  }
0xb2: {  	s29 =	simm.s32 $0x9;
	_ =	strace $0x80000054  }
0xb3: {  	_ =	swait.ge [sflag:s29], $0x1  }
0xb4: {  	[sflag:s29] =	ssyncadd.s32 $0xFFFFFFFF  }
0xb5: {  	_ =	strace $0x90000054  }
0xb6: {  	_ =	sfence  }
0xb7: {  	s30 =	sld [smem:$0x0];
	_ =	sdelay $0x2  }
0xb8: {  	s31 =	sshll.u32 s1, $0xD;
	s1 =	sshrl.u32 s1, $0x2  }
0xb9: {  	s3 =	sand.u32 $0x4000, s31;
	s1 =	sadd.s32 s1, s30  }
0xba: {  	s0 =	sor.u32 s3, s0;
	s1 =	sshll.u32 s1, $0x11  }
0xbb: {  	s0 =	sor.u32 s1, s0  }
0xbc: {  	s0 =	sadd.s32 $0x8F2B, s0  }
0xbd: {  	[sflag:s0] =	ssyncadd.remote.s32 $0x1  }
0xbe: {  	_ =	sfence.sel $0xFFFF  }
0xbf: {  	[dreg:$0x0] =	wrdreg $0xFFFFFFFF;
	(pc) =	sbr.abs _section_cstart, $3  }
0xc0: {  	[dreg:$0x1] =	wrdreg $0xFFFFFFFF  }
0xc1: {  	_ =	task.clear_ibuf [dreg:s7], $0x2FFFF;
	_ =	strace $0x9FFFFFFF  }
0xc2: {  	(tm) =	ssettm $0x7FFFFFFF  }
0xc3: {  	_ =	shalt  }
tec
execute0_lowered:
.L_overlay_start_1:
0x0: {  	(tag) =	ssettag $0x1  }
0x1: {  	s10 =	rddreg [dreg:$0x0]  }
0x2: {  	s1 =	rddreg [dreg:$0x1]  }
0x3: {  	s0 =	rddreg [dreg:$0x2];
	s2 =	simm.s32 $0x0;
	s4 =	srdreg.scid  }
0x4: {  	s5 =	stileid.u32;
	s12 =	simm.s32 $0x1;
	s13 =	simm.s32 $0x9C80  }
0x5: {  	s14 =	simm.s32 $0x13D80;
	s15 =	simm.s32 $0x13900;
	s16 =	simm.s32 $0x2  }
0x6: {  	s17 =	simm.s32 $0x13A00;
	s18 =	simm.s32 $0x13B00;
	s19 =	simm.s32 $0x0  }
.Ltmp0:
0x7: {  	s24 =	simm.s32 $0x0;
	s4 =	sand.u32 $0x1, s4;
	(pc) =	sbr.rel .LBB2_1-.Ltmp0, $4  }
0x8: {  	[smem:$0x7FF] =	sst s2;
	s3 =	sadd.s32 $0x8E00, s10;
	s9 =	ssub.s32 $0x2, s4  }
0x9: {  	s6 =	sadd.s32 $0x5C00, s10;
	s7 =	sadd.s32 $0x2A00, s10;
	s11 =	sshrl.u32 s9, $0x1  }
0xa: {  	v1 =	vlaneseq.u32;
	s8 =	sadd.s32 $0x2800, s10;
	s10 =	sadd.s32 $0xA188, s10;
	s11 =	ssub.s32 s9, s11  }
0xb: {  	v0 =	vshrl.u32 v1, $0x2;
	v1 =	vand.u32 $0x3, v1;
	_ =	strace $0x80000053;
	s9 =	sshll.u32 s5, $0x1;
	s11 =	smax.u32 s11, $0x1  }
.LBB2_7:
0xc: {  	s19 =	sadd.s32 $0x1, s19  }
0xd: {  	p0 =	sne.s32 s19, s11  }
.Ltmp1:
0xe: {  	_ = 	snop;
	(pc) =	sbr.rel @!p0 .LBB2_8-.Ltmp1, $1  }
0xf: {  	_ =	sdelay $0x3  }
.LBB2_1:
0x10: {  	[tilespmem:s2], [sflag:$0x1] =	stream.linear.gather [hbm4b:s3+s2], $0x9C40, $0x38;
	[tilespmem:$0x13E00] =	vst v63  }
0x11: {  	_ =	swait.ge [sflag:s12], $0x9C40  }
0x12: {  	[sflag:s12] =	ssyncset.done $0x0  }
0x13: {  	[sflag:s12] =	ssyncadd.s32 $0xFFFF63C0  }
0x14: {  	[tilespmem:s13], [sflag:$0x1] =	stream.linear.gather [hbm4b:s10+s2], $0x9C40, $0x38;
	[tilespmem:$0x13E00] =	vst v63  }
0x15: {  	_ =	swait.ge [sflag:s12], $0x9C40  }
0x16: {  	[sflag:s12] =	ssyncset.done $0x0  }
0x17: {  	[sflag:s12] =	ssyncadd.s32 $0xFFFF63C0  }
0x18: {  	[tilespmem:s14], [sflag:$0x1] =	stream.linear.gather [hbm4b:s8+s2], $0x80, $0x38;
	[tilespmem:$0x13E00] =	vst v63  }
0x19: {  	_ =	swait.ge [sflag:s12], $0x80  }
0x1a: {  	[sflag:s12] =	ssyncset.done $0x0  }
0x1b: {  	[sflag:s12] =	ssyncadd.s32 $0xFFFFFF80  }
.Ltmp2:
0x1c: {  	v2 =	vld [tilespmem:$0x13D80];
	(pc) =	sbr.rel .LBB2_2-.Ltmp2, $2  }
0x1d: {  	_ =	sdelay $0x2  }
0x1e: {  	s20 =	simm.s32 $0x0  }
.LBB2_6:
0x1f: {  	s20 =	sadd.s32 $0x1, s20  }
0x20: {  	p0 =	sne.s32 s20, $0x14  }
.Ltmp3:
0x21: {  	_ = 	snop;
	(pc) =	sbr.rel @!p0 .LBB2_7-.Ltmp3, $1  }
0x22: {  	_ =	sdelay $0x3  }
.LBB2_2:
0x23: {  	s21 =	sshll.u32 s20, $0x5  }
0x24: {  	s21 =	sor.u32 s21, s9  }
0x25: {  	s21 =	sor.u32 s4, s21  }
0x26: {  	p0 =	sgt.u32 s21, $0x270  }
.Ltmp4:
0x27: {  	_ = 	snop;
	(pc) =	sbr.rel @p0 .LBB2_6-.Ltmp4, $1  }
0x28: {  	_ =	sdelay $0x3  }
0x29: {  	s22 =	smul.u32 $0x14, s21;
	_ =	sdelay $0x1  }
0x2a: {  	s23 =	sadd.s32 s6, s22  }
0x2b: {  	[tilespmem:s15], [sflag:$0x2] =	stream.linear.gather [hbm4b:s23+s24], $0xA0, $0x38;
	[tilespmem:$0x13E00] =	vst v63  }
0x2c: {  	_ =	swait.ge [sflag:s16], $0xA0  }
0x2d: {  	[sflag:s16] =	ssyncset.done $0x0  }
0x2e: {  	v3 =	vor.u32 s24, v0;
	s22 =	sadd.s32 s7, s22;
	[sflag:s16] =	ssyncadd.s32 $0xFFFFFF60  }
0x2f: {  	[tilespmem:s17], [sflag:$0x2] =	stream.linear.gather [hbm4b:s22+s24], $0xA0, $0x38;
	[tilespmem:$0x13E00] =	vst v63  }
0x30: {  	_ =	swait.ge [sflag:s16], $0xA0  }
0x31: {  	[sflag:s16] =	ssyncset.done $0x0  }
0x32: {  	[sflag:s16] =	ssyncadd.s32 $0xFFFFFF60  }
0x33: {  	v4 =	vld.idx.msk [tilespmem:v3+s15+$0x0], $0xffff  }
0x34: {  	v3 =	vld.idx.msk [tilespmem:v3+s17+$0x0], $0xffff;
	_ =	sdelay $0x3  }
0x35: {  	v4 =	vshll.u32 v4, $0x2  }
0x36: {  	v3 =	vshll.u32 v3, $0x2;
	v4 =	vor.u32 v1, v4  }
0x37: {  	v3 =	vor.u32 v1, v3;
	_ =	sdelay $0x3  }
0x38: {  	v4 =	vld.idx.msk [tilespmem:v4+s2+$0x0], $0xffff  }
0x39: {  	v3 =	vld.idx.msk [tilespmem:v3+s13+$0x0], $0xffff;
	_ =	sdelay $0x3  }
0x3a: {  	s30 =	simm.s32 $0x4  }
0x3b: {  	v5 =	vor.u32 s30, v0;
	v3 =	vadd.f32 v3, v4;
	_ =	sdelay $0x1  }
0x3c: {  	v3 =	vadd.f32 v3, v2  }
0x3d: {  	s22 =	simm.s32 $0x13B00  }
0x3e: {  	[tilespmem:s22+$0x0] =	vst v3  }
0x3f: {  	v3 =	vld.idx.msk [tilespmem:v5+s15+$0x0], $0xffff  }
0x40: {  	v4 =	vld.idx.msk [tilespmem:v5+s17+$0x0], $0xffff;
	_ =	sdelay $0x3  }
0x41: {  	v3 =	vshll.u32 v3, $0x2  }
0x42: {  	v4 =	vshll.u32 v4, $0x2;
	v3 =	vor.u32 v1, v3  }
0x43: {  	v4 =	vor.u32 v1, v4;
	_ =	sdelay $0x3  }
0x44: {  	v5 =	vld.idx.msk [tilespmem:v3+s2+$0x0], $0xffff  }
0x45: {  	v4 =	vld.idx.msk [tilespmem:v4+s13+$0x0], $0xffff;
	_ =	sdelay $0x3  }
0x46: {  	s31 =	simm.s32 $0x8  }
0x47: {  	v3 =	vor.u32 s31, v0;
	v4 =	vadd.f32 v4, v5  }
0x48: {  	s23 =	simm.s32 $0xC  }
.LBB2_4:
0x49: {  	p0 =	sne.s32 s23, $0x9C;
	v4 =	vadd.f32 v4, v2  }
0x4a: {  	s22 =	sadd.s32 $0x10, s22  }
0x4b: {  	[tilespmem:s22+$0x0] =	vst v4  }
0x4c: {  	v4 =	vld.idx.msk [tilespmem:v3+s15+$0x0], $0xffff  }
0x4d: {  	v3 =	vld.idx.msk [tilespmem:v3+s17+$0x0], $0xffff;
	_ =	sdelay $0x4  }
0x4e: {  	v4 =	vshll.u32 v4, $0x2  }
0x4f: {  	v4 =	vor.u32 v1, v4;
	v3 =	vshll.u32 v3, $0x2  }
0x50: {  	v3 =	vor.u32 v1, v3;
	_ =	sdelay $0x3  }
0x51: {  	v4 =	vld.idx.msk [tilespmem:v4+s2+$0x0], $0xffff  }
0x52: {  	v5 =	vld.idx.msk [tilespmem:v3+s13+$0x0], $0xffff;
	_ =	sdelay $0x2  }
.Ltmp5:
0x53: {  	(pc) =	sbr.rel @p0 .LBB2_4-.Ltmp5, $3  }
0x54: {  	_ =	sdelay $0x1  }
0x55: {  	v3 =	vor.u32 s23, v0;
	v4 =	vadd.f32 v5, v4  }
0x56: {  	s23 =	sadd.s32 $0x4, s23  }
0x57: {  	_ = 	snop  }
0x58: {  	v4 =	vadd.f32 v4, v2  }
0x59: {  	s22 =	sadd.s32 $0x10, s22  }
0x5a: {  	[tilespmem:s22+$0x0] =	vst v4  }
0x5b: {  	v4 =	vld.idx.msk [tilespmem:v3+s15+$0x0], $0xffff  }
0x5c: {  	v3 =	vld.idx.msk [tilespmem:v3+s17+$0x0], $0xffff;
	_ =	sdelay $0x3  }
0x5d: {  	v4 =	vshll.u32 v4, $0x2  }
0x5e: {  	v3 =	vshll.u32 v3, $0x2;
	v4 =	vor.u32 v1, v4  }
0x5f: {  	v3 =	vor.u32 v1, v3;
	_ =	sdelay $0x3  }
0x60: {  	v4 =	vld.idx.msk [tilespmem:v4+s2+$0x0], $0xffff  }
0x61: {  	v3 =	vld.idx.msk [tilespmem:v3+s13+$0x0], $0xffff;
	_ =	sdelay $0x4  }
0x62: {  	v3 =	vadd.f32 v3, v4;
	_ =	sdelay $0x1  }
0x63: {  	s21 =	smul.u32 $0x50, s21;
	v3 =	vadd.f32 v3, v2  }
0x64: {  	s22 =	sadd.s32 $0x10, s22  }
.Ltmp6:
0x65: {  	s21 =	sadd.s32 s1, s21;
	[tilespmem:s22+$0x0] =	vst v3;
	(pc) =	sbr.rel .LBB2_6-.Ltmp6, $4  }
0x66: {  	[hbm4b:s21+s2] =	stream.linear.scatter [tilespmem:s18], [sflag:$0x1], $0x280, $0x38;
	[tilespmem:$0x13E00] =	vst v63  }
0x67: {  	_ =	swait.ge [sflag:s12], $0x280  }
0x68: {  	[sflag:s12] =	ssyncset.done $0x0  }
0x69: {  	[sflag:s12] =	ssyncadd.s32 $0xFFFFFD80  }
.LBB2_8:
0x6a: {  	_ =	sfence.sel $0x180000  }
0x6b: {  	[bflag:$0x0] =	sbarrier.arrive $0xFFFF  }
0x6c: {  	p0 =	sne.s32 s5, $0x0;
	_ =	strace $0x90000053  }
0x6d: {  	s0 =	sadd.s32 @!p0 $0x100000, s0;
	[bflag:$0x2] =	sbarrier.arrive $0xFFFF  }
0x6e: {  	[sflag:s0] =	ssyncadd.tile.s32 @!p0 $0x1;
	_ =	shalt  }
.Lfunc_end2:
_tile_overlayer_lowered:
.L_overlay_start_2:
0x6f: {  	(tag) =	ssettag $0x2  }
0x70: {  	s0 =	rddreg [dreg:$0x0];
	s2 =	stileid.u32  }
0x71: {  	s1 =	rddreg [dreg:$0x1];
	p0 =	sne.s32 s2, $0x0  }
0x72: {  	s3 =	rddreg [dreg:$0x2];
	[bflag:$0x3] =	sbarrier.arrive $0xFFFF;
	s2 =	simm.s32 @!p0 $0x1C01  }
0x73: {  	[timem:s3], [sflag:s2] =	dma.local @!p0 [hbm:s0], s1  }
0x74: {  	s0 =	simm.s32 @!p0 $0x1  }
0x75: {  	_ =	swait.ge @!p0 [sflag:s0], s1  }
0x76: {  	s1 =	ssub.s32 @!p0 $0x0, s1;
	[sflag:s0] =	ssyncset.done @!p0 $0x0  }
0x77: {  	[sflag:s0] =	ssyncadd.s32 @!p0 s1  }
0x78: {  	[bflag:$0x3] =	sbarrier.arrive $0xFFFF  }
0x79: {  	_ =	shalt  }

</sc_bundles>
